<compile_context>
chip_gen: v7x
topology: tpu7x:2x2x1
jax: 0.10.2.dev20260603
libtpu: 0.0.44.dev20260713+nightly
codegen_flags: <defaults>
</compile_context>

<pallas_src>
import jax
import jax.numpy as jnp
from jax import lax
from jax.experimental import pallas as pl
from jax.experimental.pallas import tpu as pltpu
from jax.experimental.pallas import tpu_sc as plsc

D_MODEL = 64
MAX_LEN = 49
BATCH = 16384

_INFO = plsc.get_sparse_core_info()
_NC, _NS, _L = _INFO.num_cores, _INFO.num_subcores, _INFO.num_lanes
_NW = _NC * _NS
_EPW = BATCH // _NW
_NBT = _EPW // 128
_SLAB = 8 * _NBT * 8 * 128
_WPE = MAX_LEN * D_MODEL


def _sc_body(len_hbm, tab_hbm, emb_hbm, pos_hbm,
             len_v, f_v, pos_v, slab_x, slab_y, sem_x, sem_y, sem_p):
    wid = lax.axis_index("s") * _NC + lax.axis_index("c")
    base_elem = wid * _EPW
    bt0 = wid * _NBT

    pltpu.sync_copy(len_hbm.at[pl.ds(base_elem, _EPW)], len_v)
    pltpu.sync_copy(tab_hbm.at[pl.ds(D_MODEL, _WPE)], f_v)

    lane = lax.iota(jnp.int32, _L)

    def pos_gb(gb, cc):
        for gi in range(8):
            lnv = len_v[pl.ds((gb * 8 + gi) * _L, _L)]

            def pos_j(j8, c2):
                for jl in range(8):
                    jv = jnp.full((_L,), j8 * 8 + jl, jnp.int32)
                    val = jnp.where(jv < lnv, jv + 1, 0)
                    pos_v[pl.ds(j8 * (_NBT * 1024) + gb * 1024
                                + jl * 128 + gi * _L, _L)] = val
                return c2

            lax.fori_loop(0, 7, pos_j, 0)
        return cc

    lax.fori_loop(0, _NBT, pos_gb, 0)
    for j8 in range(7):
        pltpu.async_copy(
            pos_v.at[pl.ds(j8 * (_NBT * 1024), _NBT * 1024)],
            pos_hbm.at[pl.ds((j8 * 128 + bt0) * 1024, _NBT * 1024)], sem_p)

    def build_slab(r, slab):
        rvec = jnp.full((_L,), r, jnp.int32)

        def gb_body(gb, cc):
            ms = []
            for gi in range(8):
                lnv = len_v[pl.ds((gb * 8 + gi) * _L, _L)]
                ms.append(jnp.where(rvec < lnv, 1.0, 0.0))

            def c8_body(c8, c2):
                src = f_v[pl.ds(r * D_MODEL + (c8 // 2) * _L, _L)]
                half = (c8 % 2) * 8
                for cl in range(8):
                    fb = src.at[jnp.full((_L,), half + cl, jnp.int32)].get(
                        mode="promise_in_bounds")
                    base = c8 * (_NBT * 1024) + gb * 1024 + cl * 128
                    for gi in range(8):
                        slab[pl.ds(base + gi * _L, _L)] = fb * ms[gi]
                return c2

            lax.fori_loop(0, 8, c8_body, 0)
            return cc

        lax.fori_loop(0, _NBT, gb_body, 0)

    def wb_start(r, slab, sem):
        for c8 in range(8):
            dst = ((r * 8 + c8) * 128 + bt0) * 1024
            pltpu.async_copy(slab.at[pl.ds(c8 * (_NBT * 1024), _NBT * 1024)],
                             emb_hbm.at[pl.ds(dst, _NBT * 1024)], sem)

    def wb_wait(slab, sem):
        pltpu.make_async_copy(slab, emb_hbm.at[pl.ds(0, _SLAB)], sem).wait()

    bufs = ((slab_x, sem_x), (slab_y, sem_y))

    def pair_body(p, carry):
        for q in (0, 1):
            r = p * 2 + q
            slab, sem = bufs[q]

            @pl.when(p > 0)
            def _():
                wb_wait(slab, sem)

            build_slab(r, slab)
            wb_start(r, slab, sem)
        return carry

    lax.fori_loop(0, MAX_LEN // 2, pair_body, 0)

    wb_wait(slab_x, sem_x)
    build_slab(MAX_LEN - 1, slab_x)
    wb_start(MAX_LEN - 1, slab_x, sem_x)

    wb_wait(slab_x, sem_x)
    wb_wait(slab_y, sem_y)
    pltpu.make_async_copy(pos_v.at[pl.ds(0, 7 * _NBT * 1024)],
                          pos_hbm.at[pl.ds(0, 7 * _NBT * 1024)], sem_p).wait()


def kernel(input_len, table):
    input_len = input_len.astype(jnp.int32)
    tab_flat = table.reshape(-1)

    mesh = plsc.VectorSubcoreMesh(core_axis_name="c", subcore_axis_name="s")
    sc_call = pl.kernel(
        _sc_body,
        mesh=mesh,
        out_type=(
            jax.ShapeDtypeStruct((BATCH * MAX_LEN * D_MODEL,), jnp.float32),
            jax.ShapeDtypeStruct((BATCH * 56,), jnp.int32),
        ),
        scratch_types=[
            pltpu.VMEM((_EPW,), jnp.int32),
            pltpu.VMEM((MAX_LEN * D_MODEL,), jnp.float32),
            pltpu.VMEM((7 * _NBT * 1024,), jnp.int32),
            pltpu.VMEM((_SLAB,), jnp.float32),
            pltpu.VMEM((_SLAB,), jnp.float32),
            pltpu.SemaphoreType.DMA,
            pltpu.SemaphoreType.DMA,
            pltpu.SemaphoreType.DMA,
        ],
    )
    emb_flat, pos_flat = sc_call(input_len, tab_flat)
    emb = (emb_flat.reshape(MAX_LEN, 8, 128, 8, 128)
           .transpose(2, 4, 0, 1, 3)
           .reshape(BATCH, MAX_LEN, D_MODEL))
    pos = (pos_flat.reshape(7, 128, 8, 128)
           .transpose(1, 3, 0, 2)
           .reshape(BATCH, 56)[:, :MAX_LEN])
    return (emb, pos)

# --- scband reference (transcript-rebuilt; emitter-appended) ---
"""Pipeline reference for scband-positional-encoding-47175920779490 (READ-ONLY COPY).

The authoritative reference and input builder live on the scoring server;
editing this copy changes nothing except your own understanding.
"""

import jax, jax.numpy as jnp
import numpy as np

D_MODEL = 64
MAX_SEQ_LEN = 200
MAX_LEN = 49
BATCH = 16384


def _build_table():
    pe = np.array([[pos / np.power(10000, 2.0 * (j // 2) / D_MODEL) for j in range(D_MODEL)]
                   for pos in range(MAX_SEQ_LEN)])
    pe[:, 0::2] = np.sin(pe[:, 0::2])
    pe[:, 1::2] = np.cos(pe[:, 1::2])
    pe = np.concatenate([np.zeros((1, D_MODEL))], 0)
    pe_full = np.concatenate([np.zeros((1, D_MODEL)),
                              np.array([[pos / np.power(10000, 2.0 * (j // 2) / D_MODEL) for j in range(D_MODEL)]
                                        for pos in range(MAX_SEQ_LEN)])], 0)
    pe_full[1:, 0::2] = np.sin(pe_full[1:, 0::2])
    pe_full[1:, 1::2] = np.cos(pe_full[1:, 1::2])
    return jnp.asarray(pe_full.astype(np.float32))


def setup_inputs(seed: int = 0) -> dict:
    key = jax.random.key(seed)
    input_len = jax.random.randint(key, (BATCH,), 0, 50, dtype=jnp.int64 if jax.config.jax_enable_x64 else jnp.int32)
    return {"input_len": input_len, "table": _build_table()}


def reference(input_len, table):
    # pos[i, j] = j+1 if (j+1) <= input_len[i] else 0  (pad index 0)
    idx = jnp.arange(1, MAX_LEN + 1, dtype=jnp.int32)
    input_pos = jnp.where(idx[None, :] <= input_len[:, None].astype(jnp.int32),
                          idx[None, :], 0)
    emb = jnp.take(table, input_pos, axis=0)
    return (emb, input_pos)

if __name__ == "__main__":
    import jax
    _d = setup_inputs()
    print(jax.jit(kernel)(*tuple(_d.values())))

</pallas_src>

<mosaic_0001>
#map = affine_map<(d0, d1) -> (0)>
module attributes {stable_mosaic.version = 14 : i64} {
  func.func @_sc_body(%arg0: i32, %arg1: i32, %arg2: memref<16384xi32, #tpu.memory_space<hbm>>, %arg3: memref<12864xf32, #tpu.memory_space<hbm>>, %arg4: memref<51380224xf32, #tpu.memory_space<hbm>>, %arg5: memref<917504xi32, #tpu.memory_space<hbm>>, %arg6: memref<512xi32, #tpu.memory_space<vmem>>, %arg7: memref<3136xf32, #tpu.memory_space<vmem>>, %arg8: memref<28672xi32, #tpu.memory_space<vmem>>, %arg9: memref<32768xf32, #tpu.memory_space<vmem>>, %arg10: memref<32768xf32, #tpu.memory_space<vmem>>, %arg11: memref<!tpu.dma_semaphore, #tpu.memory_space<semaphore_mem>>, %arg12: memref<!tpu.dma_semaphore, #tpu.memory_space<semaphore_mem>>, %arg13: memref<!tpu.dma_semaphore, #tpu.memory_space<semaphore_mem>>) attributes {dimension_semantics = [#tpu.dimension_semantics<core_parallel>, #tpu.dimension_semantics<subcore_parallel>], iteration_bounds = array<i64: 2, 16>, scalar_prefetch = 0 : i64, scratch_operands = 8 : i64, tpu.core_type = #tpu.core_type<sc_vector_subcore>, window_params = [{transform_indices = #map}, {transform_indices = #map}, {transform_indices = #map}, {transform_indices = #map}]} {
    %mul3A = arith.constant 2 : i32
    %mul3A_0 = arith.muli %arg1, %mul3A : i32
    %add3A = arith.addi %mul3A_0, %arg0 : i32
    %mul3A_1 = arith.constant 512 : i32
    %mul3A_2 = arith.muli %add3A, %mul3A_1 : i32
    %mul3A_3 = arith.constant 4 : i32
    %mul3A_4 = arith.muli %add3A, %mul3A_3 : i32
    "tpu.region"() ({
      %run_scoped3A = tpu.sem_alloc : memref<!tpu.dma_semaphore, #tpu.memory_space<semaphore_mem>>
      %dma_start3A_191 = tpu.memref_slice %arg2[%mul3A_2] : memref<16384xi32, #tpu.memory_space<hbm>> -> memref<512xi32, #tpu.memory_space<hbm>>
      %dma_start3A_192 = tpu.memref_slice %arg2[%mul3A_2] : memref<16384xi32, #tpu.memory_space<hbm>> -> memref<512xi32, #tpu.memory_space<hbm>>
      tpu.enqueue_dma source(%dma_start3A_192 : memref<512xi32, #tpu.memory_space<hbm>>) target(%arg6 : memref<512xi32, #tpu.memory_space<vmem>>) target_semaphore(%run_scoped3A : memref<!tpu.dma_semaphore, #tpu.memory_space<semaphore_mem>>)
      %dma_wait3A_193 = tpu.memref_slice %arg2[%mul3A_2] : memref<16384xi32, #tpu.memory_space<hbm>> -> memref<512xi32, #tpu.memory_space<hbm>>
      %dma_wait3A_194 = tpu.memref_slice %arg2[%mul3A_2] : memref<16384xi32, #tpu.memory_space<hbm>> -> memref<512xi32, #tpu.memory_space<hbm>>
      tpu.wait_dma2 semaphore(%run_scoped3A : memref<!tpu.dma_semaphore, #tpu.memory_space<semaphore_mem>>) src(%dma_wait3A_194 : memref<512xi32, #tpu.memory_space<hbm>>) dst(%arg6 : memref<512xi32, #tpu.memory_space<vmem>>)
      tpu.yield
    }) : () -> ()
    "tpu.region"() ({
      %run_scoped3A = tpu.sem_alloc : memref<!tpu.dma_semaphore, #tpu.memory_space<semaphore_mem>>
      %dma_start3A_191 = arith.constant 64 : i32
      %dma_start3A_192 = tpu.memref_slice %arg3[%dma_start3A_191] : memref<12864xf32, #tpu.memory_space<hbm>> -> memref<3136xf32, #tpu.memory_space<hbm>>
      %dma_start3A_193 = arith.constant 64 : i32
      %dma_start3A_194 = tpu.memref_slice %arg3[%dma_start3A_193] : memref<12864xf32, #tpu.memory_space<hbm>> -> memref<3136xf32, #tpu.memory_space<hbm>>
      tpu.enqueue_dma source(%dma_start3A_194 : memref<3136xf32, #tpu.memory_space<hbm>>) target(%arg7 : memref<3136xf32, #tpu.memory_space<vmem>>) target_semaphore(%run_scoped3A : memref<!tpu.dma_semaphore, #tpu.memory_space<semaphore_mem>>)
      %dma_wait3A_195 = arith.constant 64 : i32
      %dma_wait3A_196 = tpu.memref_slice %arg3[%dma_wait3A_195] : memref<12864xf32, #tpu.memory_space<hbm>> -> memref<3136xf32, #tpu.memory_space<hbm>>
      %dma_wait3A_197 = arith.constant 64 : i32
      %dma_wait3A_198 = tpu.memref_slice %arg3[%dma_wait3A_197] : memref<12864xf32, #tpu.memory_space<hbm>> -> memref<3136xf32, #tpu.memory_space<hbm>>
      tpu.wait_dma2 semaphore(%run_scoped3A : memref<!tpu.dma_semaphore, #tpu.memory_space<semaphore_mem>>) src(%dma_wait3A_198 : memref<3136xf32, #tpu.memory_space<hbm>>) dst(%arg7 : memref<3136xf32, #tpu.memory_space<vmem>>)
      tpu.yield
    }) : () -> ()
    %iota3A = tpu.iota {dimensions = array<i32: 0>} : vector<16xi32>
    %scan3A = arith.constant 0 : i32
    %scan3A_5 = arith.constant 0 : i32
    %scan3A_6 = arith.constant 4 : i32
    %scan3A_7 = arith.addi %scan3A_5, %scan3A_6 : i32
    %scan3A_8 = arith.constant 1 : i32
    scf.for %scan3A_191 = %scan3A_5 to %scan3A_7 step %scan3A_8  : i32 {
      %mul3A_192 = arith.constant 8 : i32
      %mul3A_193 = arith.muli %scan3A_191, %mul3A_192 : i32
      %add3A_194 = arith.constant 0 : i32
      %add3A_195 = arith.addi %mul3A_193, %add3A_194 : i32
      %mul3A_196 = arith.constant 16 : i32
      %mul3A_197 = arith.muli %add3A_195, %mul3A_196 : i32
      %get3A = arith.index_cast %mul3A_197 : i32 to index
      %get3A_198 = tpu.vector_load %arg6[%get3A] {strides = array<i32>} : memref<512xi32, #tpu.memory_space<vmem>>, vector<16xi32>,
      %get3A_199 = vector.shape_cast %get3A_198 : vector<16xi32> to vector<16xi32>
      %scan3A_200 = arith.constant 0 : i32
      %scan3A_201 = arith.constant 0 : i32
      %scan3A_202 = arith.constant 7 : i32
      %scan3A_203 = arith.addi %scan3A_201, %scan3A_202 : i32
      %scan3A_204 = arith.constant 1 : i32
      scf.for %scan3A_311 = %scan3A_201 to %scan3A_203 step %scan3A_204  : i32 {
        %mul3A_312 = arith.constant 8 : i32
        %mul3A_313 = arith.muli %scan3A_311, %mul3A_312 : i32
        %add3A_314 = arith.constant 0 : i32
        %add3A_315 = arith.addi %mul3A_313, %add3A_314 : i32
        %broadcast_in_dim3A_316 = vector.broadcast %add3A_315 : i32 to vector<16xi32>
        %lt3A = arith.cmpi slt, %broadcast_in_dim3A_316, %get3A_199 : vector<16xi32>
        %add3A_317 = arith.constant 1 : i32
        %add3A_318 = vector.broadcast %add3A_317 : i32 to vector<16xi32>
        %add3A_319 = arith.addi %broadcast_in_dim3A_316, %add3A_318 : vector<16xi32>
        %jit3A = arith.constant 0 : i32
        %broadcast_in_dim3A_320 = vector.broadcast %jit3A : i32 to vector<16xi32>
        %select_n3A = arith.select %lt3A, %add3A_319, %broadcast_in_dim3A_320 : vector<16xi1>, vector<16xi32>
        %mul3A_321 = arith.constant 4096 : i32
        %mul3A_322 = arith.muli %scan3A_311, %mul3A_321 : i32
        %mul3A_323 = arith.constant 1024 : i32
        %mul3A_324 = arith.muli %scan3A_191, %mul3A_323 : i32
        %add3A_325 = arith.addi %mul3A_322, %mul3A_324 : i32
        %add3A_326 = arith.constant 0 : i32
        %add3A_327 = arith.addi %add3A_325, %add3A_326 : i32
        %add3A_328 = arith.constant 0 : i32
        %add3A_329 = arith.addi %add3A_327, %add3A_328 : i32
        %swap3A = arith.index_cast %add3A_329 : i32 to index
        %swap3A_330 = tpu.vector_load %arg8[%swap3A] {strides = array<i32>} : memref<28672xi32, #tpu.memory_space<vmem>>, vector<16xi32>,
        %swap3A_331 = vector.shape_cast %swap3A_330 : vector<16xi32> to vector<16xi32>
        %swap3A_332 = vector.shape_cast %select_n3A : vector<16xi32> to vector<16xi32>
        tpu.vector_store %arg8[%swap3A], %swap3A_332 {strides = array<i32>} : memref<28672xi32, #tpu.memory_space<vmem>>, vector<16xi32>,
        %mul3A_333 = arith.constant 8 : i32
        %mul3A_334 = arith.muli %scan3A_311, %mul3A_333 : i32
        %add3A_335 = arith.constant 1 : i32
        %add3A_336 = arith.addi %mul3A_334, %add3A_335 : i32
        %broadcast_in_dim3A_337 = vector.broadcast %add3A_336 : i32 to vector<16xi32>
        %lt3A_338 = arith.cmpi slt, %broadcast_in_dim3A_337, %get3A_199 : vector<16xi32>
        %add3A_339 = arith.constant 1 : i32
        %add3A_340 = vector.broadcast %add3A_339 : i32 to vector<16xi32>
        %add3A_341 = arith.addi %broadcast_in_dim3A_337, %add3A_340 : vector<16xi32>
        %jit3A_342 = arith.constant 0 : i32
        %broadcast_in_dim3A_343 = vector.broadcast %jit3A_342 : i32 to vector<16xi32>
        %select_n3A_344 = arith.select %lt3A_338, %add3A_341, %broadcast_in_dim3A_343 : vector<16xi1>, vector<16xi32>
        %mul3A_345 = arith.constant 4096 : i32
        %mul3A_346 = arith.muli %scan3A_311, %mul3A_345 : i32
        %mul3A_347 = arith.constant 1024 : i32
        %mul3A_348 = arith.muli %scan3A_191, %mul3A_347 : i32
        %add3A_349 = arith.addi %mul3A_346, %mul3A_348 : i32
        %add3A_350 = arith.constant 128 : i32
        %add3A_351 = arith.addi %add3A_349, %add3A_350 : i32
        %add3A_352 = arith.constant 0 : i32
        %add3A_353 = arith.addi %add3A_351, %add3A_352 : i32
        %swap3A_354 = arith.index_cast %add3A_353 : i32 to index
        %swap3A_355 = tpu.vector_load %arg8[%swap3A_354] {strides = array<i32>} : memref<28672xi32, #tpu.memory_space<vmem>>, vector<16xi32>,
        %swap3A_356 = vector.shape_cast %swap3A_355 : vector<16xi32> to vector<16xi32>
        %swap3A_357 = vector.shape_cast %select_n3A_344 : vector<16xi32> to vector<16xi32>
        tpu.vector_store %arg8[%swap3A_354], %swap3A_357 {strides = array<i32>} : memref<28672xi32, #tpu.memory_space<vmem>>, vector<16xi32>,
        %mul3A_358 = arith.constant 8 : i32
        %mul3A_359 = arith.muli %scan3A_311, %mul3A_358 : i32
        %add3A_360 = arith.constant 2 : i32
        %add3A_361 = arith.addi %mul3A_359, %add3A_360 : i32
        %broadcast_in_dim3A_362 = vector.broadcast %add3A_361 : i32 to vector<16xi32>
        %lt3A_363 = arith.cmpi slt, %broadcast_in_dim3A_362, %get3A_199 : vector<16xi32>
        %add3A_364 = arith.constant 1 : i32
        %add3A_365 = vector.broadcast %add3A_364 : i32 to vector<16xi32>
        %add3A_366 = arith.addi %broadcast_in_dim3A_362, %add3A_365 : vector<16xi32>
        %jit3A_367 = arith.constant 0 : i32
        %broadcast_in_dim3A_368 = vector.broadcast %jit3A_367 : i32 to vector<16xi32>
        %select_n3A_369 = arith.select %lt3A_363, %add3A_366, %broadcast_in_dim3A_368 : vector<16xi1>, vector<16xi32>
        %mul3A_370 = arith.constant 4096 : i32
        %mul3A_371 = arith.muli %scan3A_311, %mul3A_370 : i32
        %mul3A_372 = arith.constant 1024 : i32
        %mul3A_373 = arith.muli %scan3A_191, %mul3A_372 : i32
        %add3A_374 = arith.addi %mul3A_371, %mul3A_373 : i32
        %add3A_375 = arith.constant 256 : i32
        %add3A_376 = arith.addi %add3A_374, %add3A_375 : i32
        %add3A_377 = arith.constant 0 : i32
        %add3A_378 = arith.addi %add3A_376, %add3A_377 : i32
        %swap3A_379 = arith.index_cast %add3A_378 : i32 to index
        %swap3A_380 = tpu.vector_load %arg8[%swap3A_379] {strides = array<i32>} : memref<28672xi32, #tpu.memory_space<vmem>>, vector<16xi32>,
        %swap3A_381 = vector.shape_cast %swap3A_380 : vector<16xi32> to vector<16xi32>
        %swap3A_382 = vector.shape_cast %select_n3A_369 : vector<16xi32> to vector<16xi32>
        tpu.vector_store %arg8[%swap3A_379], %swap3A_382 {strides = array<i32>} : memref<28672xi32, #tpu.memory_space<vmem>>, vector<16xi32>,
        %mul3A_383 = arith.constant 8 : i32
        %mul3A_384 = arith.muli %scan3A_311, %mul3A_383 : i32
        %add3A_385 = arith.constant 3 : i32
        %add3A_386 = arith.addi %mul3A_384, %add3A_385 : i32
        %broadcast_in_dim3A_387 = vector.broadcast %add3A_386 : i32 to vector<16xi32>
        %lt3A_388 = arith.cmpi slt, %broadcast_in_dim3A_387, %get3A_199 : vector<16xi32>
        %add3A_389 = arith.constant 1 : i32
        %add3A_390 = vector.broadcast %add3A_389 : i32 to vector<16xi32>
        %add3A_391 = arith.addi %broadcast_in_dim3A_387, %add3A_390 : vector<16xi32>
        %jit3A_392 = arith.constant 0 : i32
        %broadcast_in_dim3A_393 = vector.broadcast %jit3A_392 : i32 to vector<16xi32>
        %select_n3A_394 = arith.select %lt3A_388, %add3A_391, %broadcast_in_dim3A_393 : vector<16xi1>, vector<16xi32>
        %mul3A_395 = arith.constant 4096 : i32
        %mul3A_396 = arith.muli %scan3A_311, %mul3A_395 : i32
        %mul3A_397 = arith.constant 1024 : i32
        %mul3A_398 = arith.muli %scan3A_191, %mul3A_397 : i32
        %add3A_399 = arith.addi %mul3A_396, %mul3A_398 : i32
        %add3A_400 = arith.constant 384 : i32
        %add3A_401 = arith.addi %add3A_399, %add3A_400 : i32
        %add3A_402 = arith.constant 0 : i32
        %add3A_403 = arith.addi %add3A_401, %add3A_402 : i32
        %swap3A_404 = arith.index_cast %add3A_403 : i32 to index
        %swap3A_405 = tpu.vector_load %arg8[%swap3A_404] {strides = array<i32>} : memref<28672xi32, #tpu.memory_space<vmem>>, vector<16xi32>,
        %swap3A_406 = vector.shape_cast %swap3A_405 : vector<16xi32> to vector<16xi32>
        %swap3A_407 = vector.shape_cast %select_n3A_394 : vector<16xi32> to vector<16xi32>
        tpu.vector_store %arg8[%swap3A_404], %swap3A_407 {strides = array<i32>} : memref<28672xi32, #tpu.memory_space<vmem>>, vector<16xi32>,
        %mul3A_408 = arith.constant 8 : i32
        %mul3A_409 = arith.muli %scan3A_311, %mul3A_408 : i32
        %add3A_410 = arith.constant 4 : i32
        %add3A_411 = arith.addi %mul3A_409, %add3A_410 : i32
        %broadcast_in_dim3A_412 = vector.broadcast %add3A_411 : i32 to vector<16xi32>
        %lt3A_413 = arith.cmpi slt, %broadcast_in_dim3A_412, %get3A_199 : vector<16xi32>
        %add3A_414 = arith.constant 1 : i32
        %add3A_415 = vector.broadcast %add3A_414 : i32 to vector<16xi32>
        %add3A_416 = arith.addi %broadcast_in_dim3A_412, %add3A_415 : vector<16xi32>
        %jit3A_417 = arith.constant 0 : i32
        %broadcast_in_dim3A_418 = vector.broadcast %jit3A_417 : i32 to vector<16xi32>
        %select_n3A_419 = arith.select %lt3A_413, %add3A_416, %broadcast_in_dim3A_418 : vector<16xi1>, vector<16xi32>
        %mul3A_420 = arith.constant 4096 : i32
        %mul3A_421 = arith.muli %scan3A_311, %mul3A_420 : i32
        %mul3A_422 = arith.constant 1024 : i32
        %mul3A_423 = arith.muli %scan3A_191, %mul3A_422 : i32
        %add3A_424 = arith.addi %mul3A_421, %mul3A_423 : i32
        %add3A_425 = arith.constant 512 : i32
        %add3A_426 = arith.addi %add3A_424, %add3A_425 : i32
        %add3A_427 = arith.constant 0 : i32
        %add3A_428 = arith.addi %add3A_426, %add3A_427 : i32
        %swap3A_429 = arith.index_cast %add3A_428 : i32 to index
        %swap3A_430 = tpu.vector_load %arg8[%swap3A_429] {strides = array<i32>} : memref<28672xi32, #tpu.memory_space<vmem>>, vector<16xi32>,
        %swap3A_431 = vector.shape_cast %swap3A_430 : vector<16xi32> to vector<16xi32>
        %swap3A_432 = vector.shape_cast %select_n3A_419 : vector<16xi32> to vector<16xi32>
        tpu.vector_store %arg8[%swap3A_429], %swap3A_432 {strides = array<i32>} : memref<28672xi32, #tpu.memory_space<vmem>>, vector<16xi32>,
        %mul3A_433 = arith.constant 8 : i32
        %mul3A_434 = arith.muli %scan3A_311, %mul3A_433 : i32
        %add3A_435 = arith.constant 5 : i32
        %add3A_436 = arith.addi %mul3A_434, %add3A_435 : i32
        %broadcast_in_dim3A_437 = vector.broadcast %add3A_436 : i32 to vector<16xi32>
        %lt3A_438 = arith.cmpi slt, %broadcast_in_dim3A_437, %get3A_199 : vector<16xi32>
        %add3A_439 = arith.constant 1 : i32
        %add3A_440 = vector.broadcast %add3A_439 : i32 to vector<16xi32>
        %add3A_441 = arith.addi %broadcast_in_dim3A_437, %add3A_440 : vector<16xi32>
        %jit3A_442 = arith.constant 0 : i32
        %broadcast_in_dim3A_443 = vector.broadcast %jit3A_442 : i32 to vector<16xi32>
        %select_n3A_444 = arith.select %lt3A_438, %add3A_441, %broadcast_in_dim3A_443 : vector<16xi1>, vector<16xi32>
        %mul3A_445 = arith.constant 4096 : i32
        %mul3A_446 = arith.muli %scan3A_311, %mul3A_445 : i32
        %mul3A_447 = arith.constant 1024 : i32
        %mul3A_448 = arith.muli %scan3A_191, %mul3A_447 : i32
        %add3A_449 = arith.addi %mul3A_446, %mul3A_448 : i32
        %add3A_450 = arith.constant 640 : i32
        %add3A_451 = arith.addi %add3A_449, %add3A_450 : i32
        %add3A_452 = arith.constant 0 : i32
        %add3A_453 = arith.addi %add3A_451, %add3A_452 : i32
        %swap3A_454 = arith.index_cast %add3A_453 : i32 to index
        %swap3A_455 = tpu.vector_load %arg8[%swap3A_454] {strides = array<i32>} : memref<28672xi32, #tpu.memory_space<vmem>>, vector<16xi32>,
        %swap3A_456 = vector.shape_cast %swap3A_455 : vector<16xi32> to vector<16xi32>
        %swap3A_457 = vector.shape_cast %select_n3A_444 : vector<16xi32> to vector<16xi32>
        tpu.vector_store %arg8[%swap3A_454], %swap3A_457 {strides = array<i32>} : memref<28672xi32, #tpu.memory_space<vmem>>, vector<16xi32>,
        %mul3A_458 = arith.constant 8 : i32
        %mul3A_459 = arith.muli %scan3A_311, %mul3A_458 : i32
        %add3A_460 = arith.constant 6 : i32
        %add3A_461 = arith.addi %mul3A_459, %add3A_460 : i32
        %broadcast_in_dim3A_462 = vector.broadcast %add3A_461 : i32 to vector<16xi32>
        %lt3A_463 = arith.cmpi slt, %broadcast_in_dim3A_462, %get3A_199 : vector<16xi32>
        %add3A_464 = arith.constant 1 : i32
        %add3A_465 = vector.broadcast %add3A_464 : i32 to vector<16xi32>
        %add3A_466 = arith.addi %broadcast_in_dim3A_462, %add3A_465 : vector<16xi32>
        %jit3A_467 = arith.constant 0 : i32
        %broadcast_in_dim3A_468 = vector.broadcast %jit3A_467 : i32 to vector<16xi32>
        %select_n3A_469 = arith.select %lt3A_463, %add3A_466, %broadcast_in_dim3A_468 : vector<16xi1>, vector<16xi32>
        %mul3A_470 = arith.constant 4096 : i32
        %mul3A_471 = arith.muli %scan3A_311, %mul3A_470 : i32
        %mul3A_472 = arith.constant 1024 : i32
        %mul3A_473 = arith.muli %scan3A_191, %mul3A_472 : i32
        %add3A_474 = arith.addi %mul3A_471, %mul3A_473 : i32
        %add3A_475 = arith.constant 768 : i32
        %add3A_476 = arith.addi %add3A_474, %add3A_475 : i32
        %add3A_477 = arith.constant 0 : i32
        %add3A_478 = arith.addi %add3A_476, %add3A_477 : i32
        %swap3A_479 = arith.index_cast %add3A_478 : i32 to index
        %swap3A_480 = tpu.vector_load %arg8[%swap3A_479] {strides = array<i32>} : memref<28672xi32, #tpu.memory_space<vmem>>, vector<16xi32>,
        %swap3A_481 = vector.shape_cast %swap3A_480 : vector<16xi32> to vector<16xi32>
        %swap3A_482 = vector.shape_cast %select_n3A_469 : vector<16xi32> to vector<16xi32>
        tpu.vector_store %arg8[%swap3A_479], %swap3A_482 {strides = array<i32>} : memref<28672xi32, #tpu.memory_space<vmem>>, vector<16xi32>,
        %mul3A_483 = arith.constant 8 : i32
        %mul3A_484 = arith.muli %scan3A_311, %mul3A_483 : i32
        %add3A_485 = arith.constant 7 : i32
        %add3A_486 = arith.addi %mul3A_484, %add3A_485 : i32
        %broadcast_in_dim3A_487 = vector.broadcast %add3A_486 : i32 to vector<16xi32>
        %lt3A_488 = arith.cmpi slt, %broadcast_in_dim3A_487, %get3A_199 : vector<16xi32>
        %add3A_489 = arith.constant 1 : i32
        %add3A_490 = vector.broadcast %add3A_489 : i32 to vector<16xi32>
        %add3A_491 = arith.addi %broadcast_in_dim3A_487, %add3A_490 : vector<16xi32>
        %jit3A_492 = arith.constant 0 : i32
        %broadcast_in_dim3A_493 = vector.broadcast %jit3A_492 : i32 to vector<16xi32>
        %select_n3A_494 = arith.select %lt3A_488, %add3A_491, %broadcast_in_dim3A_493 : vector<16xi1>, vector<16xi32>
        %mul3A_495 = arith.constant 4096 : i32
        %mul3A_496 = arith.muli %scan3A_311, %mul3A_495 : i32
        %mul3A_497 = arith.constant 1024 : i32
        %mul3A_498 = arith.muli %scan3A_191, %mul3A_497 : i32
        %add3A_499 = arith.addi %mul3A_496, %mul3A_498 : i32
        %add3A_500 = arith.constant 896 : i32
        %add3A_501 = arith.addi %add3A_499, %add3A_500 : i32
        %add3A_502 = arith.constant 0 : i32
        %add3A_503 = arith.addi %add3A_501, %add3A_502 : i32
        %swap3A_504 = arith.index_cast %add3A_503 : i32 to index
        %swap3A_505 = tpu.vector_load %arg8[%swap3A_504] {strides = array<i32>} : memref<28672xi32, #tpu.memory_space<vmem>>, vector<16xi32>,
        %swap3A_506 = vector.shape_cast %swap3A_505 : vector<16xi32> to vector<16xi32>
        %swap3A_507 = vector.shape_cast %select_n3A_494 : vector<16xi32> to vector<16xi32>
        tpu.vector_store %arg8[%swap3A_504], %swap3A_507 {strides = array<i32>} : memref<28672xi32, #tpu.memory_space<vmem>>, vector<16xi32>,
      }
      %scan3A_205 = arith.constant 7 : i32
      %mul3A_206 = arith.constant 8 : i32
      %mul3A_207 = arith.muli %scan3A_191, %mul3A_206 : i32
      %add3A_208 = arith.constant 1 : i32
      %add3A_209 = arith.addi %mul3A_207, %add3A_208 : i32
      %mul3A_210 = arith.constant 16 : i32
      %mul3A_211 = arith.muli %add3A_209, %mul3A_210 : i32
      %get3A_212 = arith.index_cast %mul3A_211 : i32 to index
      %get3A_213 = tpu.vector_load %arg6[%get3A_212] {strides = array<i32>} : memref<512xi32, #tpu.memory_space<vmem>>, vector<16xi32>,
      %get3A_214 = vector.shape_cast %get3A_213 : vector<16xi32> to vector<16xi32>
      %scan3A_215 = arith.constant 0 : i32
      %scan3A_216 = arith.constant 0 : i32
      %scan3A_217 = arith.constant 7 : i32
      %scan3A_218 = arith.addi %scan3A_216, %scan3A_217 : i32
      %scan3A_219 = arith.constant 1 : i32
      scf.for %scan3A_311 = %scan3A_216 to %scan3A_218 step %scan3A_219  : i32 {
        %mul3A_312 = arith.constant 8 : i32
        %mul3A_313 = arith.muli %scan3A_311, %mul3A_312 : i32
        %add3A_314 = arith.constant 0 : i32
        %add3A_315 = arith.addi %mul3A_313, %add3A_314 : i32
        %broadcast_in_dim3A_316 = vector.broadcast %add3A_315 : i32 to vector<16xi32>
        %lt3A = arith.cmpi slt, %broadcast_in_dim3A_316, %get3A_214 : vector<16xi32>
        %add3A_317 = arith.constant 1 : i32
        %add3A_318 = vector.broadcast %add3A_317 : i32 to vector<16xi32>
        %add3A_319 = arith.addi %broadcast_in_dim3A_316, %add3A_318 : vector<16xi32>
        %jit3A = arith.constant 0 : i32
        %broadcast_in_dim3A_320 = vector.broadcast %jit3A : i32 to vector<16xi32>
        %select_n3A = arith.select %lt3A, %add3A_319, %broadcast_in_dim3A_320 : vector<16xi1>, vector<16xi32>
        %mul3A_321 = arith.constant 4096 : i32
        %mul3A_322 = arith.muli %scan3A_311, %mul3A_321 : i32
        %mul3A_323 = arith.constant 1024 : i32
        %mul3A_324 = arith.muli %scan3A_191, %mul3A_323 : i32
        %add3A_325 = arith.addi %mul3A_322, %mul3A_324 : i32
        %add3A_326 = arith.constant 0 : i32
        %add3A_327 = arith.addi %add3A_325, %add3A_326 : i32
        %add3A_328 = arith.constant 16 : i32
        %add3A_329 = arith.addi %add3A_327, %add3A_328 : i32
        %swap3A = arith.index_cast %add3A_329 : i32 to index
        %swap3A_330 = tpu.vector_load %arg8[%swap3A] {strides = array<i32>} : memref<28672xi32, #tpu.memory_space<vmem>>, vector<16xi32>,
        %swap3A_331 = vector.shape_cast %swap3A_330 : vector<16xi32> to vector<16xi32>
        %swap3A_332 = vector.shape_cast %select_n3A : vector<16xi32> to vector<16xi32>
        tpu.vector_store %arg8[%swap3A], %swap3A_332 {strides = array<i32>} : memref<28672xi32, #tpu.memory_space<vmem>>, vector<16xi32>,
        %mul3A_333 = arith.constant 8 : i32
        %mul3A_334 = arith.muli %scan3A_311, %mul3A_333 : i32
        %add3A_335 = arith.constant 1 : i32
        %add3A_336 = arith.addi %mul3A_334, %add3A_335 : i32
        %broadcast_in_dim3A_337 = vector.broadcast %add3A_336 : i32 to vector<16xi32>
        %lt3A_338 = arith.cmpi slt, %broadcast_in_dim3A_337, %get3A_214 : vector<16xi32>
        %add3A_339 = arith.constant 1 : i32
        %add3A_340 = vector.broadcast %add3A_339 : i32 to vector<16xi32>
        %add3A_341 = arith.addi %broadcast_in_dim3A_337, %add3A_340 : vector<16xi32>
        %jit3A_342 = arith.constant 0 : i32
        %broadcast_in_dim3A_343 = vector.broadcast %jit3A_342 : i32 to vector<16xi32>
        %select_n3A_344 = arith.select %lt3A_338, %add3A_341, %broadcast_in_dim3A_343 : vector<16xi1>, vector<16xi32>
        %mul3A_345 = arith.constant 4096 : i32
        %mul3A_346 = arith.muli %scan3A_311, %mul3A_345 : i32
        %mul3A_347 = arith.constant 1024 : i32
        %mul3A_348 = arith.muli %scan3A_191, %mul3A_347 : i32
        %add3A_349 = arith.addi %mul3A_346, %mul3A_348 : i32
        %add3A_350 = arith.constant 128 : i32
        %add3A_351 = arith.addi %add3A_349, %add3A_350 : i32
        %add3A_352 = arith.constant 16 : i32
        %add3A_353 = arith.addi %add3A_351, %add3A_352 : i32
        %swap3A_354 = arith.index_cast %add3A_353 : i32 to index
        %swap3A_355 = tpu.vector_load %arg8[%swap3A_354] {strides = array<i32>} : memref<28672xi32, #tpu.memory_space<vmem>>, vector<16xi32>,
        %swap3A_356 = vector.shape_cast %swap3A_355 : vector<16xi32> to vector<16xi32>
        %swap3A_357 = vector.shape_cast %select_n3A_344 : vector<16xi32> to vector<16xi32>
        tpu.vector_store %arg8[%swap3A_354], %swap3A_357 {strides = array<i32>} : memref<28672xi32, #tpu.memory_space<vmem>>, vector<16xi32>,
        %mul3A_358 = arith.constant 8 : i32
        %mul3A_359 = arith.muli %scan3A_311, %mul3A_358 : i32
        %add3A_360 = arith.constant 2 : i32
        %add3A_361 = arith.addi %mul3A_359, %add3A_360 : i32
        %broadcast_in_dim3A_362 = vector.broadcast %add3A_361 : i32 to vector<16xi32>
        %lt3A_363 = arith.cmpi slt, %broadcast_in_dim3A_362, %get3A_214 : vector<16xi32>
        %add3A_364 = arith.constant 1 : i32
        %add3A_365 = vector.broadcast %add3A_364 : i32 to vector<16xi32>
        %add3A_366 = arith.addi %broadcast_in_dim3A_362, %add3A_365 : vector<16xi32>
        %jit3A_367 = arith.constant 0 : i32
        %broadcast_in_dim3A_368 = vector.broadcast %jit3A_367 : i32 to vector<16xi32>
        %select_n3A_369 = arith.select %lt3A_363, %add3A_366, %broadcast_in_dim3A_368 : vector<16xi1>, vector<16xi32>
        %mul3A_370 = arith.constant 4096 : i32
        %mul3A_371 = arith.muli %scan3A_311, %mul3A_370 : i32
        %mul3A_372 = arith.constant 1024 : i32
        %mul3A_373 = arith.muli %scan3A_191, %mul3A_372 : i32
        %add3A_374 = arith.addi %mul3A_371, %mul3A_373 : i32
        %add3A_375 = arith.constant 256 : i32
        %add3A_376 = arith.addi %add3A_374, %add3A_375 : i32
        %add3A_377 = arith.constant 16 : i32
        %add3A_378 = arith.addi %add3A_376, %add3A_377 : i32
        %swap3A_379 = arith.index_cast %add3A_378 : i32 to index
        %swap3A_380 = tpu.vector_load %arg8[%swap3A_379] {strides = array<i32>} : memref<28672xi32, #tpu.memory_space<vmem>>, vector<16xi32>,
        %swap3A_381 = vector.shape_cast %swap3A_380 : vector<16xi32> to vector<16xi32>
        %swap3A_382 = vector.shape_cast %select_n3A_369 : vector<16xi32> to vector<16xi32>
        tpu.vector_store %arg8[%swap3A_379], %swap3A_382 {strides = array<i32>} : memref<28672xi32, #tpu.memory_space<vmem>>, vector<16xi32>,
        %mul3A_383 = arith.constant 8 : i32
        %mul3A_384 = arith.muli %scan3A_311, %mul3A_383 : i32
        %add3A_385 = arith.constant 3 : i32
        %add3A_386 = arith.addi %mul3A_384, %add3A_385 : i32
        %broadcast_in_dim3A_387 = vector.broadcast %add3A_386 : i32 to vector<16xi32>
        %lt3A_388 = arith.cmpi slt, %broadcast_in_dim3A_387, %get3A_214 : vector<16xi32>
        %add3A_389 = arith.constant 1 : i32
        %add3A_390 = vector.broadcast %add3A_389 : i32 to vector<16xi32>
        %add3A_391 = arith.addi %broadcast_in_dim3A_387, %add3A_390 : vector<16xi32>
        %jit3A_392 = arith.constant 0 : i32
        %broadcast_in_dim3A_393 = vector.broadcast %jit3A_392 : i32 to vector<16xi32>
        %select_n3A_394 = arith.select %lt3A_388, %add3A_391, %broadcast_in_dim3A_393 : vector<16xi1>, vector<16xi32>
        %mul3A_395 = arith.constant 4096 : i32
        %mul3A_396 = arith.muli %scan3A_311, %mul3A_395 : i32
        %mul3A_397 = arith.constant 1024 : i32
        %mul3A_398 = arith.muli %scan3A_191, %mul3A_397 : i32
        %add3A_399 = arith.addi %mul3A_396, %mul3A_398 : i32
        %add3A_400 = arith.constant 384 : i32
        %add3A_401 = arith.addi %add3A_399, %add3A_400 : i32
        %add3A_402 = arith.constant 16 : i32
        %add3A_403 = arith.addi %add3A_401, %add3A_402 : i32
        %swap3A_404 = arith.index_cast %add3A_403 : i32 to index
        %swap3A_405 = tpu.vector_load %arg8[%swap3A_404] {strides = array<i32>} : memref<28672xi32, #tpu.memory_space<vmem>>, vector<16xi32>,
        %swap3A_406 = vector.shape_cast %swap3A_405 : vector<16xi32> to vector<16xi32>
        %swap3A_407 = vector.shape_cast %select_n3A_394 : vector<16xi32> to vector<16xi32>
        tpu.vector_store %arg8[%swap3A_404], %swap3A_407 {strides = array<i32>} : memref<28672xi32, #tpu.memory_space<vmem>>, vector<16xi32>,
        %mul3A_408 = arith.constant 8 : i32
        %mul3A_409 = arith.muli %scan3A_311, %mul3A_408 : i32
        %add3A_410 = arith.constant 4 : i32
        %add3A_411 = arith.addi %mul3A_409, %add3A_410 : i32
        %broadcast_in_dim3A_412 = vector.broadcast %add3A_411 : i32 to vector<16xi32>
        %lt3A_413 = arith.cmpi slt, %broadcast_in_dim3A_412, %get3A_214 : vector<16xi32>
        %add3A_414 = arith.constant 1 : i32
        %add3A_415 = vector.broadcast %add3A_414 : i32 to vector<16xi32>
        %add3A_416 = arith.addi %broadcast_in_dim3A_412, %add3A_415 : vector<16xi32>
        %jit3A_417 = arith.constant 0 : i32
        %broadcast_in_dim3A_418 = vector.broadcast %jit3A_417 : i32 to vector<16xi32>
        %select_n3A_419 = arith.select %lt3A_413, %add3A_416, %broadcast_in_dim3A_418 : vector<16xi1>, vector<16xi32>
        %mul3A_420 = arith.constant 4096 : i32
        %mul3A_421 = arith.muli %scan3A_311, %mul3A_420 : i32
        %mul3A_422 = arith.constant 1024 : i32
        %mul3A_423 = arith.muli %scan3A_191, %mul3A_422 : i32
        %add3A_424 = arith.addi %mul3A_421, %mul3A_423 : i32
        %add3A_425 = arith.constant 512 : i32
        %add3A_426 = arith.addi %add3A_424, %add3A_425 : i32
        %add3A_427 = arith.constant 16 : i32
        %add3A_428 = arith.addi %add3A_426, %add3A_427 : i32
        %swap3A_429 = arith.index_cast %add3A_428 : i32 to index
        %swap3A_430 = tpu.vector_load %arg8[%swap3A_429] {strides = array<i32>} : memref<28672xi32, #tpu.memory_space<vmem>>, vector<16xi32>,
        %swap3A_431 = vector.shape_cast %swap3A_430 : vector<16xi32> to vector<16xi32>
        %swap3A_432 = vector.shape_cast %select_n3A_419 : vector<16xi32> to vector<16xi32>
        tpu.vector_store %arg8[%swap3A_429], %swap3A_432 {strides = array<i32>} : memref<28672xi32, #tpu.memory_space<vmem>>, vector<16xi32>,
        %mul3A_433 = arith.constant 8 : i32
        %mul3A_434 = arith.muli %scan3A_311, %mul3A_433 : i32
        %add3A_435 = arith.constant 5 : i32
        %add3A_436 = arith.addi %mul3A_434, %add3A_435 : i32
        %broadcast_in_dim3A_437 = vector.broadcast %add3A_436 : i32 to vector<16xi32>
        %lt3A_438 = arith.cmpi slt, %broadcast_in_dim3A_437, %get3A_214 : vector<16xi32>
        %add3A_439 = arith.constant 1 : i32
        %add3A_440 = vector.broadcast %add3A_439 : i32 to vector<16xi32>
        %add3A_441 = arith.addi %broadcast_in_dim3A_437, %add3A_440 : vector<16xi32>
        %jit3A_442 = arith.constant 0 : i32
        %broadcast_in_dim3A_443 = vector.broadcast %jit3A_442 : i32 to vector<16xi32>
        %select_n3A_444 = arith.select %lt3A_438, %add3A_441, %broadcast_in_dim3A_443 : vector<16xi1>, vector<16xi32>
        %mul3A_445 = arith.constant 4096 : i32
        %mul3A_446 = arith.muli %scan3A_311, %mul3A_445 : i32
        %mul3A_447 = arith.constant 1024 : i32
        %mul3A_448 = arith.muli %scan3A_191, %mul3A_447 : i32
        %add3A_449 = arith.addi %mul3A_446, %mul3A_448 : i32
        %add3A_450 = arith.constant 640 : i32
        %add3A_451 = arith.addi %add3A_449, %add3A_450 : i32
        %add3A_452 = arith.constant 16 : i32
        %add3A_453 = arith.addi %add3A_451, %add3A_452 : i32
        %swap3A_454 = arith.index_cast %add3A_453 : i32 to index
        %swap3A_455 = tpu.vector_load %arg8[%swap3A_454] {strides = array<i32>} : memref<28672xi32, #tpu.memory_space<vmem>>, vector<16xi32>,
        %swap3A_456 = vector.shape_cast %swap3A_455 : vector<16xi32> to vector<16xi32>
        %swap3A_457 = vector.shape_cast %select_n3A_444 : vector<16xi32> to vector<16xi32>
        tpu.vector_store %arg8[%swap3A_454], %swap3A_457 {strides = array<i32>} : memref<28672xi32, #tpu.memory_space<vmem>>, vector<16xi32>,
        %mul3A_458 = arith.constant 8 : i32
        %mul3A_459 = arith.muli %scan3A_311, %mul3A_458 : i32
        %add3A_460 = arith.constant 6 : i32
        %add3A_461 = arith.addi %mul3A_459, %add3A_460 : i32
        %broadcast_in_dim3A_462 = vector.broadcast %add3A_461 : i32 to vector<16xi32>
        %lt3A_463 = arith.cmpi slt, %broadcast_in_dim3A_462, %get3A_214 : vector<16xi32>
        %add3A_464 = arith.constant 1 : i32
        %add3A_465 = vector.broadcast %add3A_464 : i32 to vector<16xi32>
        %add3A_466 = arith.addi %broadcast_in_dim3A_462, %add3A_465 : vector<16xi32>
        %jit3A_467 = arith.constant 0 : i32
        %broadcast_in_dim3A_468 = vector.broadcast %jit3A_467 : i32 to vector<16xi32>
        %select_n3A_469 = arith.select %lt3A_463, %add3A_466, %broadcast_in_dim3A_468 : vector<16xi1>, vector<16xi32>
        %mul3A_470 = arith.constant 4096 : i32
        %mul3A_471 = arith.muli %scan3A_311, %mul3A_470 : i32
        %mul3A_472 = arith.constant 1024 : i32
        %mul3A_473 = arith.muli %scan3A_191, %mul3A_472 : i32
        %add3A_474 = arith.addi %mul3A_471, %mul3A_473 : i32
        %add3A_475 = arith.constant 768 : i32
        %add3A_476 = arith.addi %add3A_474, %add3A_475 : i32
        %add3A_477 = arith.constant 16 : i32
        %add3A_478 = arith.addi %add3A_476, %add3A_477 : i32
        %swap3A_479 = arith.index_cast %add3A_478 : i32 to index
        %swap3A_480 = tpu.vector_load %arg8[%swap3A_479] {strides = array<i32>} : memref<28672xi32, #tpu.memory_space<vmem>>, vector<16xi32>,
        %swap3A_481 = vector.shape_cast %swap3A_480 : vector<16xi32> to vector<16xi32>
        %swap3A_482 = vector.shape_cast %select_n3A_469 : vector<16xi32> to vector<16xi32>
        tpu.vector_store %arg8[%swap3A_479], %swap3A_482 {strides = array<i32>} : memref<28672xi32, #tpu.memory_space<vmem>>, vector<16xi32>,
        %mul3A_483 = arith.constant 8 : i32
        %mul3A_484 = arith.muli %scan3A_311, %mul3A_483 : i32
        %add3A_485 = arith.constant 7 : i32
        %add3A_486 = arith.addi %mul3A_484, %add3A_485 : i32
        %broadcast_in_dim3A_487 = vector.broadcast %add3A_486 : i32 to vector<16xi32>
        %lt3A_488 = arith.cmpi slt, %broadcast_in_dim3A_487, %get3A_214 : vector<16xi32>
        %add3A_489 = arith.constant 1 : i32
        %add3A_490 = vector.broadcast %add3A_489 : i32 to vector<16xi32>
        %add3A_491 = arith.addi %broadcast_in_dim3A_487, %add3A_490 : vector<16xi32>
        %jit3A_492 = arith.constant 0 : i32
        %broadcast_in_dim3A_493 = vector.broadcast %jit3A_492 : i32 to vector<16xi32>
        %select_n3A_494 = arith.select %lt3A_488, %add3A_491, %broadcast_in_dim3A_493 : vector<16xi1>, vector<16xi32>
        %mul3A_495 = arith.constant 4096 : i32
        %mul3A_496 = arith.muli %scan3A_311, %mul3A_495 : i32
        %mul3A_497 = arith.constant 1024 : i32
        %mul3A_498 = arith.muli %scan3A_191, %mul3A_497 : i32
        %add3A_499 = arith.addi %mul3A_496, %mul3A_498 : i32
        %add3A_500 = arith.constant 896 : i32
        %add3A_501 = arith.addi %add3A_499, %add3A_500 : i32
        %add3A_502 = arith.constant 16 : i32
        %add3A_503 = arith.addi %add3A_501, %add3A_502 : i32
        %swap3A_504 = arith.index_cast %add3A_503 : i32 to index
        %swap3A_505 = tpu.vector_load %arg8[%swap3A_504] {strides = array<i32>} : memref<28672xi32, #tpu.memory_space<vmem>>, vector<16xi32>,
        %swap3A_506 = vector.shape_cast %swap3A_505 : vector<16xi32> to vector<16xi32>
        %swap3A_507 = vector.shape_cast %select_n3A_494 : vector<16xi32> to vector<16xi32>
        tpu.vector_store %arg8[%swap3A_504], %swap3A_507 {strides = array<i32>} : memref<28672xi32, #tpu.memory_space<vmem>>, vector<16xi32>,
      }
      %scan3A_220 = arith.constant 7 : i32
      %mul3A_221 = arith.constant 8 : i32
      %mul3A_222 = arith.muli %scan3A_191, %mul3A_221 : i32
      %add3A_223 = arith.constant 2 : i32
      %add3A_224 = arith.addi %mul3A_222, %add3A_223 : i32
      %mul3A_225 = arith.constant 16 : i32
      %mul3A_226 = arith.muli %add3A_224, %mul3A_225 : i32
      %get3A_227 = arith.index_cast %mul3A_226 : i32 to index
      %get3A_228 = tpu.vector_load %arg6[%get3A_227] {strides = array<i32>} : memref<512xi32, #tpu.memory_space<vmem>>, vector<16xi32>,
      %get3A_229 = vector.shape_cast %get3A_228 : vector<16xi32> to vector<16xi32>
      %scan3A_230 = arith.constant 0 : i32
      %scan3A_231 = arith.constant 0 : i32
      %scan3A_232 = arith.constant 7 : i32
      %scan3A_233 = arith.addi %scan3A_231, %scan3A_232 : i32
      %scan3A_234 = arith.constant 1 : i32
      scf.for %scan3A_311 = %scan3A_231 to %scan3A_233 step %scan3A_234  : i32 {
        %mul3A_312 = arith.constant 8 : i32
        %mul3A_313 = arith.muli %scan3A_311, %mul3A_312 : i32
        %add3A_314 = arith.constant 0 : i32
        %add3A_315 = arith.addi %mul3A_313, %add3A_314 : i32
        %broadcast_in_dim3A_316 = vector.broadcast %add3A_315 : i32 to vector<16xi32>
        %lt3A = arith.cmpi slt, %broadcast_in_dim3A_316, %get3A_229 : vector<16xi32>
        %add3A_317 = arith.constant 1 : i32
        %add3A_318 = vector.broadcast %add3A_317 : i32 to vector<16xi32>
        %add3A_319 = arith.addi %broadcast_in_dim3A_316, %add3A_318 : vector<16xi32>
        %jit3A = arith.constant 0 : i32
        %broadcast_in_dim3A_320 = vector.broadcast %jit3A : i32 to vector<16xi32>
        %select_n3A = arith.select %lt3A, %add3A_319, %broadcast_in_dim3A_320 : vector<16xi1>, vector<16xi32>
        %mul3A_321 = arith.constant 4096 : i32
        %mul3A_322 = arith.muli %scan3A_311, %mul3A_321 : i32
        %mul3A_323 = arith.constant 1024 : i32
        %mul3A_324 = arith.muli %scan3A_191, %mul3A_323 : i32
        %add3A_325 = arith.addi %mul3A_322, %mul3A_324 : i32
        %add3A_326 = arith.constant 0 : i32
        %add3A_327 = arith.addi %add3A_325, %add3A_326 : i32
        %add3A_328 = arith.constant 32 : i32
        %add3A_329 = arith.addi %add3A_327, %add3A_328 : i32
        %swap3A = arith.index_cast %add3A_329 : i32 to index
        %swap3A_330 = tpu.vector_load %arg8[%swap3A] {strides = array<i32>} : memref<28672xi32, #tpu.memory_space<vmem>>, vector<16xi32>,
        %swap3A_331 = vector.shape_cast %swap3A_330 : vector<16xi32> to vector<16xi32>
        %swap3A_332 = vector.shape_cast %select_n3A : vector<16xi32> to vector<16xi32>
        tpu.vector_store %arg8[%swap3A], %swap3A_332 {strides = array<i32>} : memref<28672xi32, #tpu.memory_space<vmem>>, vector<16xi32>,
        %mul3A_333 = arith.constant 8 : i32
        %mul3A_334 = arith.muli %scan3A_311, %mul3A_333 : i32
        %add3A_335 = arith.constant 1 : i32
        %add3A_336 = arith.addi %mul3A_334, %add3A_335 : i32
        %broadcast_in_dim3A_337 = vector.broadcast %add3A_336 : i32 to vector<16xi32>
        %lt3A_338 = arith.cmpi slt, %broadcast_in_dim3A_337, %get3A_229 : vector<16xi32>
        %add3A_339 = arith.constant 1 : i32
        %add3A_340 = vector.broadcast %add3A_339 : i32 to vector<16xi32>
        %add3A_341 = arith.addi %broadcast_in_dim3A_337, %add3A_340 : vector<16xi32>
        %jit3A_342 = arith.constant 0 : i32
        %broadcast_in_dim3A_343 = vector.broadcast %jit3A_342 : i32 to vector<16xi32>
        %select_n3A_344 = arith.select %lt3A_338, %add3A_341, %broadcast_in_dim3A_343 : vector<16xi1>, vector<16xi32>
        %mul3A_345 = arith.constant 4096 : i32
        %mul3A_346 = arith.muli %scan3A_311, %mul3A_345 : i32
        %mul3A_347 = arith.constant 1024 : i32
        %mul3A_348 = arith.muli %scan3A_191, %mul3A_347 : i32
        %add3A_349 = arith.addi %mul3A_346, %mul3A_348 : i32
        %add3A_350 = arith.constant 128 : i32
        %add3A_351 = arith.addi %add3A_349, %add3A_350 : i32
        %add3A_352 = arith.constant 32 : i32
        %add3A_353 = arith.addi %add3A_351, %add3A_352 : i32
        %swap3A_354 = arith.index_cast %add3A_353 : i32 to index
        %swap3A_355 = tpu.vector_load %arg8[%swap3A_354] {strides = array<i32>} : memref<28672xi32, #tpu.memory_space<vmem>>, vector<16xi32>,
        %swap3A_356 = vector.shape_cast %swap3A_355 : vector<16xi32> to vector<16xi32>
        %swap3A_357 = vector.shape_cast %select_n3A_344 : vector<16xi32> to vector<16xi32>
        tpu.vector_store %arg8[%swap3A_354], %swap3A_357 {strides = array<i32>} : memref<28672xi32, #tpu.memory_space<vmem>>, vector<16xi32>,
        %mul3A_358 = arith.constant 8 : i32
        %mul3A_359 = arith.muli %scan3A_311, %mul3A_358 : i32
        %add3A_360 = arith.constant 2 : i32
        %add3A_361 = arith.addi %mul3A_359, %add3A_360 : i32
        %broadcast_in_dim3A_362 = vector.broadcast %add3A_361 : i32 to vector<16xi32>
        %lt3A_363 = arith.cmpi slt, %broadcast_in_dim3A_362, %get3A_229 : vector<16xi32>
        %add3A_364 = arith.constant 1 : i32
        %add3A_365 = vector.broadcast %add3A_364 : i32 to vector<16xi32>
        %add3A_366 = arith.addi %broadcast_in_dim3A_362, %add3A_365 : vector<16xi32>
        %jit3A_367 = arith.constant 0 : i32
        %broadcast_in_dim3A_368 = vector.broadcast %jit3A_367 : i32 to vector<16xi32>
        %select_n3A_369 = arith.select %lt3A_363, %add3A_366, %broadcast_in_dim3A_368 : vector<16xi1>, vector<16xi32>
        %mul3A_370 = arith.constant 4096 : i32
        %mul3A_371 = arith.muli %scan3A_311, %mul3A_370 : i32
        %mul3A_372 = arith.constant 1024 : i32
        %mul3A_373 = arith.muli %scan3A_191, %mul3A_372 : i32
        %add3A_374 = arith.addi %mul3A_371, %mul3A_373 : i32
        %add3A_375 = arith.constant 256 : i32
        %add3A_376 = arith.addi %add3A_374, %add3A_375 : i32
        %add3A_377 = arith.constant 32 : i32
        %add3A_378 = arith.addi %add3A_376, %add3A_377 : i32
        %swap3A_379 = arith.index_cast %add3A_378 : i32 to index
        %swap3A_380 = tpu.vector_load %arg8[%swap3A_379] {strides = array<i32>} : memref<28672xi32, #tpu.memory_space<vmem>>, vector<16xi32>,
        %swap3A_381 = vector.shape_cast %swap3A_380 : vector<16xi32> to vector<16xi32>
        %swap3A_382 = vector.shape_cast %select_n3A_369 : vector<16xi32> to vector<16xi32>
        tpu.vector_store %arg8[%swap3A_379], %swap3A_382 {strides = array<i32>} : memref<28672xi32, #tpu.memory_space<vmem>>, vector<16xi32>,
        %mul3A_383 = arith.constant 8 : i32
        %mul3A_384 = arith.muli %scan3A_311, %mul3A_383 : i32
        %add3A_385 = arith.constant 3 : i32
        %add3A_386 = arith.addi %mul3A_384, %add3A_385 : i32
        %broadcast_in_dim3A_387 = vector.broadcast %add3A_386 : i32 to vector<16xi32>
        %lt3A_388 = arith.cmpi slt, %broadcast_in_dim3A_387, %get3A_229 : vector<16xi32>
        %add3A_389 = arith.constant 1 : i32
        %add3A_390 = vector.broadcast %add3A_389 : i32 to vector<16xi32>
        %add3A_391 = arith.addi %broadcast_in_dim3A_387, %add3A_390 : vector<16xi32>
        %jit3A_392 = arith.constant 0 : i32
        %broadcast_in_dim3A_393 = vector.broadcast %jit3A_392 : i32 to vector<16xi32>
        %select_n3A_394 = arith.select %lt3A_388, %add3A_391, %broadcast_in_dim3A_393 : vector<16xi1>, vector<16xi32>
        %mul3A_395 = arith.constant 4096 : i32
        %mul3A_396 = arith.muli %scan3A_311, %mul3A_395 : i32
        %mul3A_397 = arith.constant 1024 : i32
        %mul3A_398 = arith.muli %scan3A_191, %mul3A_397 : i32
        %add3A_399 = arith.addi %mul3A_396, %mul3A_398 : i32
        %add3A_400 = arith.constant 384 : i32
        %add3A_401 = arith.addi %add3A_399, %add3A_400 : i32
        %add3A_402 = arith.constant 32 : i32
        %add3A_403 = arith.addi %add3A_401, %add3A_402 : i32
        %swap3A_404 = arith.index_cast %add3A_403 : i32 to index
        %swap3A_405 = tpu.vector_load %arg8[%swap3A_404] {strides = array<i32>} : memref<28672xi32, #tpu.memory_space<vmem>>, vector<16xi32>,
        %swap3A_406 = vector.shape_cast %swap3A_405 : vector<16xi32> to vector<16xi32>
        %swap3A_407 = vector.shape_cast %select_n3A_394 : vector<16xi32> to vector<16xi32>
        tpu.vector_store %arg8[%swap3A_404], %swap3A_407 {strides = array<i32>} : memref<28672xi32, #tpu.memory_space<vmem>>, vector<16xi32>,
        %mul3A_408 = arith.constant 8 : i32
        %mul3A_409 = arith.muli %scan3A_311, %mul3A_408 : i32
        %add3A_410 = arith.constant 4 : i32
        %add3A_411 = arith.addi %mul3A_409, %add3A_410 : i32
        %broadcast_in_dim3A_412 = vector.broadcast %add3A_411 : i32 to vector<16xi32>
        %lt3A_413 = arith.cmpi slt, %broadcast_in_dim3A_412, %get3A_229 : vector<16xi32>
        %add3A_414 = arith.constant 1 : i32
        %add3A_415 = vector.broadcast %add3A_414 : i32 to vector<16xi32>
        %add3A_416 = arith.addi %broadcast_in_dim3A_412, %add3A_415 : vector<16xi32>
        %jit3A_417 = arith.constant 0 : i32
        %broadcast_in_dim3A_418 = vector.broadcast %jit3A_417 : i32 to vector<16xi32>
        %select_n3A_419 = arith.select %lt3A_413, %add3A_416, %broadcast_in_dim3A_418 : vector<16xi1>, vector<16xi32>
        %mul3A_420 = arith.constant 4096 : i32
        %mul3A_421 = arith.muli %scan3A_311, %mul3A_420 : i32
        %mul3A_422 = arith.constant 1024 : i32
        %mul3A_423 = arith.muli %scan3A_191, %mul3A_422 : i32
        %add3A_424 = arith.addi %mul3A_421, %mul3A_423 : i32
        %add3A_425 = arith.constant 512 : i32
        %add3A_426 = arith.addi %add3A_424, %add3A_425 : i32
        %add3A_427 = arith.constant 32 : i32
        %add3A_428 = arith.addi %add3A_426, %add3A_427 : i32
        %swap3A_429 = arith.index_cast %add3A_428 : i32 to index
        %swap3A_430 = tpu.vector_load %arg8[%swap3A_429] {strides = array<i32>} : memref<28672xi32, #tpu.memory_space<vmem>>, vector<16xi32>,
        %swap3A_431 = vector.shape_cast %swap3A_430 : vector<16xi32> to vector<16xi32>
        %swap3A_432 = vector.shape_cast %select_n3A_419 : vector<16xi32> to vector<16xi32>
        tpu.vector_store %arg8[%swap3A_429], %swap3A_432 {strides = array<i32>} : memref<28672xi32, #tpu.memory_space<vmem>>, vector<16xi32>,
        %mul3A_433 = arith.constant 8 : i32
        %mul3A_434 = arith.muli %scan3A_311, %mul3A_433 : i32
        %add3A_435 = arith.constant 5 : i32
        %add3A_436 = arith.addi %mul3A_434, %add3A_435 : i32
        %broadcast_in_dim3A_437 = vector.broadcast %add3A_436 : i32 to vector<16xi32>
        %lt3A_438 = arith.cmpi slt, %broadcast_in_dim3A_437, %get3A_229 : vector<16xi32>
        %add3A_439 = arith.constant 1 : i32
        %add3A_440 = vector.broadcast %add3A_439 : i32 to vector<16xi32>
        %add3A_441 = arith.addi %broadcast_in_dim3A_437, %add3A_440 : vector<16xi32>
        %jit3A_442 = arith.constant 0 : i32
        %broadcast_in_dim3A_443 = vector.broadcast %jit3A_442 : i32 to vector<16xi32>
        %select_n3A_444 = arith.select %lt3A_438, %add3A_441, %broadcast_in_dim3A_443 : vector<16xi1>, vector<16xi32>
        %mul3A_445 = arith.constant 4096 : i32
        %mul3A_446 = arith.muli %scan3A_311, %mul3A_445 : i32
        %mul3A_447 = arith.constant 1024 : i32
        %mul3A_448 = arith.muli %scan3A_191, %mul3A_447 : i32
        %add3A_449 = arith.addi %mul3A_446, %mul3A_448 : i32
        %add3A_450 = arith.constant 640 : i32
        %add3A_451 = arith.addi %add3A_449, %add3A_450 : i32
        %add3A_452 = arith.constant 32 : i32
        %add3A_453 = arith.addi %add3A_451, %add3A_452 : i32
        %swap3A_454 = arith.index_cast %add3A_453 : i32 to index
        %swap3A_455 = tpu.vector_load %arg8[%swap3A_454] {strides = array<i32>} : memref<28672xi32, #tpu.memory_space<vmem>>, vector<16xi32>,
        %swap3A_456 = vector.shape_cast %swap3A_455 : vector<16xi32> to vector<16xi32>
        %swap3A_457 = vector.shape_cast %select_n3A_444 : vector<16xi32> to vector<16xi32>
        tpu.vector_store %arg8[%swap3A_454], %swap3A_457 {strides = array<i32>} : memref<28672xi32, #tpu.memory_space<vmem>>, vector<16xi32>,
        %mul3A_458 = arith.constant 8 : i32
        %mul3A_459 = arith.muli %scan3A_311, %mul3A_458 : i32
        %add3A_460 = arith.constant 6 : i32
        %add3A_461 = arith.addi %mul3A_459, %add3A_460 : i32
        %broadcast_in_dim3A_462 = vector.broadcast %add3A_461 : i32 to vector<16xi32>
        %lt3A_463 = arith.cmpi slt, %broadcast_in_dim3A_462, %get3A_229 : vector<16xi32>
        %add3A_464 = arith.constant 1 : i32
        %add3A_465 = vector.broadcast %add3A_464 : i32 to vector<16xi32>
        %add3A_466 = arith.addi %broadcast_in_dim3A_462, %add3A_465 : vector<16xi32>
        %jit3A_467 = arith.constant 0 : i32
        %broadcast_in_dim3A_468 = vector.broadcast %jit3A_467 : i32 to vector<16xi32>
        %select_n3A_469 = arith.select %lt3A_463, %add3A_466, %broadcast_in_dim3A_468 : vector<16xi1>, vector<16xi32>
        %mul3A_470 = arith.constant 4096 : i32
        %mul3A_471 = arith.muli %scan3A_311, %mul3A_470 : i32
        %mul3A_472 = arith.constant 1024 : i32
        %mul3A_473 = arith.muli %scan3A_191, %mul3A_472 : i32
        %add3A_474 = arith.addi %mul3A_471, %mul3A_473 : i32
        %add3A_475 = arith.constant 768 : i32
        %add3A_476 = arith.addi %add3A_474, %add3A_475 : i32
        %add3A_477 = arith.constant 32 : i32
        %add3A_478 = arith.addi %add3A_476, %add3A_477 : i32
        %swap3A_479 = arith.index_cast %add3A_478 : i32 to index
        %swap3A_480 = tpu.vector_load %arg8[%swap3A_479] {strides = array<i32>} : memref<28672xi32, #tpu.memory_space<vmem>>, vector<16xi32>,
        %swap3A_481 = vector.shape_cast %swap3A_480 : vector<16xi32> to vector<16xi32>
        %swap3A_482 = vector.shape_cast %select_n3A_469 : vector<16xi32> to vector<16xi32>
        tpu.vector_store %arg8[%swap3A_479], %swap3A_482 {strides = array<i32>} : memref<28672xi32, #tpu.memory_space<vmem>>, vector<16xi32>,
        %mul3A_483 = arith.constant 8 : i32
        %mul3A_484 = arith.muli %scan3A_311, %mul3A_483 : i32
        %add3A_485 = arith.constant 7 : i32
        %add3A_486 = arith.addi %mul3A_484, %add3A_485 : i32
        %broadcast_in_dim3A_487 = vector.broadcast %add3A_486 : i32 to vector<16xi32>
        %lt3A_488 = arith.cmpi slt, %broadcast_in_dim3A_487, %get3A_229 : vector<16xi32>
        %add3A_489 = arith.constant 1 : i32
        %add3A_490 = vector.broadcast %add3A_489 : i32 to vector<16xi32>
        %add3A_491 = arith.addi %broadcast_in_dim3A_487, %add3A_490 : vector<16xi32>
        %jit3A_492 = arith.constant 0 : i32
        %broadcast_in_dim3A_493 = vector.broadcast %jit3A_492 : i32 to vector<16xi32>
        %select_n3A_494 = arith.select %lt3A_488, %add3A_491, %broadcast_in_dim3A_493 : vector<16xi1>, vector<16xi32>
        %mul3A_495 = arith.constant 4096 : i32
        %mul3A_496 = arith.muli %scan3A_311, %mul3A_495 : i32
        %mul3A_497 = arith.constant 1024 : i32
        %mul3A_498 = arith.muli %scan3A_191, %mul3A_497 : i32
        %add3A_499 = arith.addi %mul3A_496, %mul3A_498 : i32
        %add3A_500 = arith.constant 896 : i32
        %add3A_501 = arith.addi %add3A_499, %add3A_500 : i32
        %add3A_502 = arith.constant 32 : i32
        %add3A_503 = arith.addi %add3A_501, %add3A_502 : i32
        %swap3A_504 = arith.index_cast %add3A_503 : i32 to index
        %swap3A_505 = tpu.vector_load %arg8[%swap3A_504] {strides = array<i32>} : memref<28672xi32, #tpu.memory_space<vmem>>, vector<16xi32>,
        %swap3A_506 = vector.shape_cast %swap3A_505 : vector<16xi32> to vector<16xi32>
        %swap3A_507 = vector.shape_cast %select_n3A_494 : vector<16xi32> to vector<16xi32>
        tpu.vector_store %arg8[%swap3A_504], %swap3A_507 {strides = array<i32>} : memref<28672xi32, #tpu.memory_space<vmem>>, vector<16xi32>,
      }
      %scan3A_235 = arith.constant 7 : i32
      %mul3A_236 = arith.constant 8 : i32
      %mul3A_237 = arith.muli %scan3A_191, %mul3A_236 : i32
      %add3A_238 = arith.constant 3 : i32
      %add3A_239 = arith.addi %mul3A_237, %add3A_238 : i32
      %mul3A_240 = arith.constant 16 : i32
      %mul3A_241 = arith.muli %add3A_239, %mul3A_240 : i32
      %get3A_242 = arith.index_cast %mul3A_241 : i32 to index
      %get3A_243 = tpu.vector_load %arg6[%get3A_242] {strides = array<i32>} : memref<512xi32, #tpu.memory_space<vmem>>, vector<16xi32>,
      %get3A_244 = vector.shape_cast %get3A_243 : vector<16xi32> to vector<16xi32>
      %scan3A_245 = arith.constant 0 : i32
      %scan3A_246 = arith.constant 0 : i32
      %scan3A_247 = arith.constant 7 : i32
      %scan3A_248 = arith.addi %scan3A_246, %scan3A_247 : i32
      %scan3A_249 = arith.constant 1 : i32
      scf.for %scan3A_311 = %scan3A_246 to %scan3A_248 step %scan3A_249  : i32 {
        %mul3A_312 = arith.constant 8 : i32
        %mul3A_313 = arith.muli %scan3A_311, %mul3A_312 : i32
        %add3A_314 = arith.constant 0 : i32
        %add3A_315 = arith.addi %mul3A_313, %add3A_314 : i32
        %broadcast_in_dim3A_316 = vector.broadcast %add3A_315 : i32 to vector<16xi32>
        %lt3A = arith.cmpi slt, %broadcast_in_dim3A_316, %get3A_244 : vector<16xi32>
        %add3A_317 = arith.constant 1 : i32
        %add3A_318 = vector.broadcast %add3A_317 : i32 to vector<16xi32>
        %add3A_319 = arith.addi %broadcast_in_dim3A_316, %add3A_318 : vector<16xi32>
        %jit3A = arith.constant 0 : i32
        %broadcast_in_dim3A_320 = vector.broadcast %jit3A : i32 to vector<16xi32>
        %select_n3A = arith.select %lt3A, %add3A_319, %broadcast_in_dim3A_320 : vector<16xi1>, vector<16xi32>
        %mul3A_321 = arith.constant 4096 : i32
        %mul3A_322 = arith.muli %scan3A_311, %mul3A_321 : i32
        %mul3A_323 = arith.constant 1024 : i32
        %mul3A_324 = arith.muli %scan3A_191, %mul3A_323 : i32
        %add3A_325 = arith.addi %mul3A_322, %mul3A_324 : i32
        %add3A_326 = arith.constant 0 : i32
        %add3A_327 = arith.addi %add3A_325, %add3A_326 : i32
        %add3A_328 = arith.constant 48 : i32
        %add3A_329 = arith.addi %add3A_327, %add3A_328 : i32
        %swap3A = arith.index_cast %add3A_329 : i32 to index
        %swap3A_330 = tpu.vector_load %arg8[%swap3A] {strides = array<i32>} : memref<28672xi32, #tpu.memory_space<vmem>>, vector<16xi32>,
        %swap3A_331 = vector.shape_cast %swap3A_330 : vector<16xi32> to vector<16xi32>
        %swap3A_332 = vector.shape_cast %select_n3A : vector<16xi32> to vector<16xi32>
        tpu.vector_store %arg8[%swap3A], %swap3A_332 {strides = array<i32>} : memref<28672xi32, #tpu.memory_space<vmem>>, vector<16xi32>,
        %mul3A_333 = arith.constant 8 : i32
        %mul3A_334 = arith.muli %scan3A_311, %mul3A_333 : i32
        %add3A_335 = arith.constant 1 : i32
        %add3A_336 = arith.addi %mul3A_334, %add3A_335 : i32
        %broadcast_in_dim3A_337 = vector.broadcast %add3A_336 : i32 to vector<16xi32>
        %lt3A_338 = arith.cmpi slt, %broadcast_in_dim3A_337, %get3A_244 : vector<16xi32>
        %add3A_339 = arith.constant 1 : i32
        %add3A_340 = vector.broadcast %add3A_339 : i32 to vector<16xi32>
        %add3A_341 = arith.addi %broadcast_in_dim3A_337, %add3A_340 : vector<16xi32>
        %jit3A_342 = arith.constant 0 : i32
        %broadcast_in_dim3A_343 = vector.broadcast %jit3A_342 : i32 to vector<16xi32>
        %select_n3A_344 = arith.select %lt3A_338, %add3A_341, %broadcast_in_dim3A_343 : vector<16xi1>, vector<16xi32>
        %mul3A_345 = arith.constant 4096 : i32
        %mul3A_346 = arith.muli %scan3A_311, %mul3A_345 : i32
        %mul3A_347 = arith.constant 1024 : i32
        %mul3A_348 = arith.muli %scan3A_191, %mul3A_347 : i32
        %add3A_349 = arith.addi %mul3A_346, %mul3A_348 : i32
        %add3A_350 = arith.constant 128 : i32
        %add3A_351 = arith.addi %add3A_349, %add3A_350 : i32
        %add3A_352 = arith.constant 48 : i32
        %add3A_353 = arith.addi %add3A_351, %add3A_352 : i32
        %swap3A_354 = arith.index_cast %add3A_353 : i32 to index
        %swap3A_355 = tpu.vector_load %arg8[%swap3A_354] {strides = array<i32>} : memref<28672xi32, #tpu.memory_space<vmem>>, vector<16xi32>,
        %swap3A_356 = vector.shape_cast %swap3A_355 : vector<16xi32> to vector<16xi32>
        %swap3A_357 = vector.shape_cast %select_n3A_344 : vector<16xi32> to vector<16xi32>
        tpu.vector_store %arg8[%swap3A_354], %swap3A_357 {strides = array<i32>} : memref<28672xi32, #tpu.memory_space<vmem>>, vector<16xi32>,
        %mul3A_358 = arith.constant 8 : i32
        %mul3A_359 = arith.muli %scan3A_311, %mul3A_358 : i32
        %add3A_360 = arith.constant 2 : i32
        %add3A_361 = arith.addi %mul3A_359, %add3A_360 : i32
        %broadcast_in_dim3A_362 = vector.broadcast %add3A_361 : i32 to vector<16xi32>
        %lt3A_363 = arith.cmpi slt, %broadcast_in_dim3A_362, %get3A_244 : vector<16xi32>
        %add3A_364 = arith.constant 1 : i32
        %add3A_365 = vector.broadcast %add3A_364 : i32 to vector<16xi32>
        %add3A_366 = arith.addi %broadcast_in_dim3A_362, %add3A_365 : vector<16xi32>
        %jit3A_367 = arith.constant 0 : i32
        %broadcast_in_dim3A_368 = vector.broadcast %jit3A_367 : i32 to vector<16xi32>
        %select_n3A_369 = arith.select %lt3A_363, %add3A_366, %broadcast_in_dim3A_368 : vector<16xi1>, vector<16xi32>
        %mul3A_370 = arith.constant 4096 : i32
        %mul3A_371 = arith.muli %scan3A_311, %mul3A_370 : i32
        %mul3A_372 = arith.constant 1024 : i32
        %mul3A_373 = arith.muli %scan3A_191, %mul3A_372 : i32
        %add3A_374 = arith.addi %mul3A_371, %mul3A_373 : i32
        %add3A_375 = arith.constant 256 : i32
        %add3A_376 = arith.addi %add3A_374, %add3A_375 : i32
        %add3A_377 = arith.constant 48 : i32
        %add3A_378 = arith.addi %add3A_376, %add3A_377 : i32
        %swap3A_379 = arith.index_cast %add3A_378 : i32 to index
        %swap3A_380 = tpu.vector_load %arg8[%swap3A_379] {strides = array<i32>} : memref<28672xi32, #tpu.memory_space<vmem>>, vector<16xi32>,
        %swap3A_381 = vector.shape_cast %swap3A_380 : vector<16xi32> to vector<16xi32>
        %swap3A_382 = vector.shape_cast %select_n3A_369 : vector<16xi32> to vector<16xi32>
        tpu.vector_store %arg8[%swap3A_379], %swap3A_382 {strides = array<i32>} : memref<28672xi32, #tpu.memory_space<vmem>>, vector<16xi32>,
        %mul3A_383 = arith.constant 8 : i32
        %mul3A_384 = arith.muli %scan3A_311, %mul3A_383 : i32
        %add3A_385 = arith.constant 3 : i32
        %add3A_386 = arith.addi %mul3A_384, %add3A_385 : i32
        %broadcast_in_dim3A_387 = vector.broadcast %add3A_386 : i32 to vector<16xi32>
        %lt3A_388 = arith.cmpi slt, %broadcast_in_dim3A_387, %get3A_244 : vector<16xi32>
        %add3A_389 = arith.constant 1 : i32
        %add3A_390 = vector.broadcast %add3A_389 : i32 to vector<16xi32>
        %add3A_391 = arith.addi %broadcast_in_dim3A_387, %add3A_390 : vector<16xi32>
        %jit3A_392 = arith.constant 0 : i32
        %broadcast_in_dim3A_393 = vector.broadcast %jit3A_392 : i32 to vector<16xi32>
        %select_n3A_394 = arith.select %lt3A_388, %add3A_391, %broadcast_in_dim3A_393 : vector<16xi1>, vector<16xi32>
        %mul3A_395 = arith.constant 4096 : i32
        %mul3A_396 = arith.muli %scan3A_311, %mul3A_395 : i32
        %mul3A_397 = arith.constant 1024 : i32
        %mul3A_398 = arith.muli %scan3A_191, %mul3A_397 : i32
        %add3A_399 = arith.addi %mul3A_396, %mul3A_398 : i32
        %add3A_400 = arith.constant 384 : i32
        %add3A_401 = arith.addi %add3A_399, %add3A_400 : i32
        %add3A_402 = arith.constant 48 : i32
        %add3A_403 = arith.addi %add3A_401, %add3A_402 : i32
        %swap3A_404 = arith.index_cast %add3A_403 : i32 to index
        %swap3A_405 = tpu.vector_load %arg8[%swap3A_404] {strides = array<i32>} : memref<28672xi32, #tpu.memory_space<vmem>>, vector<16xi32>,
        %swap3A_406 = vector.shape_cast %swap3A_405 : vector<16xi32> to vector<16xi32>
        %swap3A_407 = vector.shape_cast %select_n3A_394 : vector<16xi32> to vector<16xi32>
        tpu.vector_store %arg8[%swap3A_404], %swap3A_407 {strides = array<i32>} : memref<28672xi32, #tpu.memory_space<vmem>>, vector<16xi32>,
        %mul3A_408 = arith.constant 8 : i32
        %mul3A_409 = arith.muli %scan3A_311, %mul3A_408 : i32
        %add3A_410 = arith.constant 4 : i32
        %add3A_411 = arith.addi %mul3A_409, %add3A_410 : i32
        %broadcast_in_dim3A_412 = vector.broadcast %add3A_411 : i32 to vector<16xi32>
        %lt3A_413 = arith.cmpi slt, %broadcast_in_dim3A_412, %get3A_244 : vector<16xi32>
        %add3A_414 = arith.constant 1 : i32
        %add3A_415 = vector.broadcast %add3A_414 : i32 to vector<16xi32>
        %add3A_416 = arith.addi %broadcast_in_dim3A_412, %add3A_415 : vector<16xi32>
        %jit3A_417 = arith.constant 0 : i32
        %broadcast_in_dim3A_418 = vector.broadcast %jit3A_417 : i32 to vector<16xi32>
        %select_n3A_419 = arith.select %lt3A_413, %add3A_416, %broadcast_in_dim3A_418 : vector<16xi1>, vector<16xi32>
        %mul3A_420 = arith.constant 4096 : i32
        %mul3A_421 = arith.muli %scan3A_311, %mul3A_420 : i32
        %mul3A_422 = arith.constant 1024 : i32
        %mul3A_423 = arith.muli %scan3A_191, %mul3A_422 : i32
        %add3A_424 = arith.addi %mul3A_421, %mul3A_423 : i32
        %add3A_425 = arith.constant 512 : i32
        %add3A_426 = arith.addi %add3A_424, %add3A_425 : i32
        %add3A_427 = arith.constant 48 : i32
        %add3A_428 = arith.addi %add3A_426, %add3A_427 : i32
        %swap3A_429 = arith.index_cast %add3A_428 : i32 to index
        %swap3A_430 = tpu.vector_load %arg8[%swap3A_429] {strides = array<i32>} : memref<28672xi32, #tpu.memory_space<vmem>>, vector<16xi32>,
        %swap3A_431 = vector.shape_cast %swap3A_430 : vector<16xi32> to vector<16xi32>
        %swap3A_432 = vector.shape_cast %select_n3A_419 : vector<16xi32> to vector<16xi32>
        tpu.vector_store %arg8[%swap3A_429], %swap3A_432 {strides = array<i32>} : memref<28672xi32, #tpu.memory_space<vmem>>, vector<16xi32>,
        %mul3A_433 = arith.constant 8 : i32
        %mul3A_434 = arith.muli %scan3A_311, %mul3A_433 : i32
        %add3A_435 = arith.constant 5 : i32
        %add3A_436 = arith.addi %mul3A_434, %add3A_435 : i32
        %broadcast_in_dim3A_437 = vector.broadcast %add3A_436 : i32 to vector<16xi32>
        %lt3A_438 = arith.cmpi slt, %broadcast_in_dim3A_437, %get3A_244 : vector<16xi32>
        %add3A_439 = arith.constant 1 : i32
        %add3A_440 = vector.broadcast %add3A_439 : i32 to vector<16xi32>
        %add3A_441 = arith.addi %broadcast_in_dim3A_437, %add3A_440 : vector<16xi32>
        %jit3A_442 = arith.constant 0 : i32
        %broadcast_in_dim3A_443 = vector.broadcast %jit3A_442 : i32 to vector<16xi32>
        %select_n3A_444 = arith.select %lt3A_438, %add3A_441, %broadcast_in_dim3A_443 : vector<16xi1>, vector<16xi32>
        %mul3A_445 = arith.constant 4096 : i32
        %mul3A_446 = arith.muli %scan3A_311, %mul3A_445 : i32
        %mul3A_447 = arith.constant 1024 : i32
        %mul3A_448 = arith.muli %scan3A_191, %mul3A_447 : i32
        %add3A_449 = arith.addi %mul3A_446, %mul3A_448 : i32
        %add3A_450 = arith.constant 640 : i32
        %add3A_451 = arith.addi %add3A_449, %add3A_450 : i32
        %add3A_452 = arith.constant 48 : i32
        %add3A_453 = arith.addi %add3A_451, %add3A_452 : i32
        %swap3A_454 = arith.index_cast %add3A_453 : i32 to index
        %swap3A_455 = tpu.vector_load %arg8[%swap3A_454] {strides = array<i32>} : memref<28672xi32, #tpu.memory_space<vmem>>, vector<16xi32>,
        %swap3A_456 = vector.shape_cast %swap3A_455 : vector<16xi32> to vector<16xi32>
        %swap3A_457 = vector.shape_cast %select_n3A_444 : vector<16xi32> to vector<16xi32>
        tpu.vector_store %arg8[%swap3A_454], %swap3A_457 {strides = array<i32>} : memref<28672xi32, #tpu.memory_space<vmem>>, vector<16xi32>,
        %mul3A_458 = arith.constant 8 : i32
        %mul3A_459 = arith.muli %scan3A_311, %mul3A_458 : i32
        %add3A_460 = arith.constant 6 : i32
        %add3A_461 = arith.addi %mul3A_459, %add3A_460 : i32
        %broadcast_in_dim3A_462 = vector.broadcast %add3A_461 : i32 to vector<16xi32>
        %lt3A_463 = arith.cmpi slt, %broadcast_in_dim3A_462, %get3A_244 : vector<16xi32>
        %add3A_464 = arith.constant 1 : i32
        %add3A_465 = vector.broadcast %add3A_464 : i32 to vector<16xi32>
        %add3A_466 = arith.addi %broadcast_in_dim3A_462, %add3A_465 : vector<16xi32>
        %jit3A_467 = arith.constant 0 : i32
        %broadcast_in_dim3A_468 = vector.broadcast %jit3A_467 : i32 to vector<16xi32>
        %select_n3A_469 = arith.select %lt3A_463, %add3A_466, %broadcast_in_dim3A_468 : vector<16xi1>, vector<16xi32>
        %mul3A_470 = arith.constant 4096 : i32
        %mul3A_471 = arith.muli %scan3A_311, %mul3A_470 : i32
        %mul3A_472 = arith.constant 1024 : i32
        %mul3A_473 = arith.muli %scan3A_191, %mul3A_472 : i32
        %add3A_474 = arith.addi %mul3A_471, %mul3A_473 : i32
        %add3A_475 = arith.constant 768 : i32
        %add3A_476 = arith.addi %add3A_474, %add3A_475 : i32
        %add3A_477 = arith.constant 48 : i32
        %add3A_478 = arith.addi %add3A_476, %add3A_477 : i32
        %swap3A_479 = arith.index_cast %add3A_478 : i32 to index
        %swap3A_480 = tpu.vector_load %arg8[%swap3A_479] {strides = array<i32>} : memref<28672xi32, #tpu.memory_space<vmem>>, vector<16xi32>,
        %swap3A_481 = vector.shape_cast %swap3A_480 : vector<16xi32> to vector<16xi32>
        %swap3A_482 = vector.shape_cast %select_n3A_469 : vector<16xi32> to vector<16xi32>
        tpu.vector_store %arg8[%swap3A_479], %swap3A_482 {strides = array<i32>} : memref<28672xi32, #tpu.memory_space<vmem>>, vector<16xi32>,
        %mul3A_483 = arith.constant 8 : i32
        %mul3A_484 = arith.muli %scan3A_311, %mul3A_483 : i32
        %add3A_485 = arith.constant 7 : i32
        %add3A_486 = arith.addi %mul3A_484, %add3A_485 : i32
        %broadcast_in_dim3A_487 = vector.broadcast %add3A_486 : i32 to vector<16xi32>
        %lt3A_488 = arith.cmpi slt, %broadcast_in_dim3A_487, %get3A_244 : vector<16xi32>
        %add3A_489 = arith.constant 1 : i32
        %add3A_490 = vector.broadcast %add3A_489 : i32 to vector<16xi32>
        %add3A_491 = arith.addi %broadcast_in_dim3A_487, %add3A_490 : vector<16xi32>
        %jit3A_492 = arith.constant 0 : i32
        %broadcast_in_dim3A_493 = vector.broadcast %jit3A_492 : i32 to vector<16xi32>
        %select_n3A_494 = arith.select %lt3A_488, %add3A_491, %broadcast_in_dim3A_493 : vector<16xi1>, vector<16xi32>
        %mul3A_495 = arith.constant 4096 : i32
        %mul3A_496 = arith.muli %scan3A_311, %mul3A_495 : i32
        %mul3A_497 = arith.constant 1024 : i32
        %mul3A_498 = arith.muli %scan3A_191, %mul3A_497 : i32
        %add3A_499 = arith.addi %mul3A_496, %mul3A_498 : i32
        %add3A_500 = arith.constant 896 : i32
        %add3A_501 = arith.addi %add3A_499, %add3A_500 : i32
        %add3A_502 = arith.constant 48 : i32
        %add3A_503 = arith.addi %add3A_501, %add3A_502 : i32
        %swap3A_504 = arith.index_cast %add3A_503 : i32 to index
        %swap3A_505 = tpu.vector_load %arg8[%swap3A_504] {strides = array<i32>} : memref<28672xi32, #tpu.memory_space<vmem>>, vector<16xi32>,
        %swap3A_506 = vector.shape_cast %swap3A_505 : vector<16xi32> to vector<16xi32>
        %swap3A_507 = vector.shape_cast %select_n3A_494 : vector<16xi32> to vector<16xi32>
        tpu.vector_store %arg8[%swap3A_504], %swap3A_507 {strides = array<i32>} : memref<28672xi32, #tpu.memory_space<vmem>>, vector<16xi32>,
      }
      %scan3A_250 = arith.constant 7 : i32
      %mul3A_251 = arith.constant 8 : i32
      %mul3A_252 = arith.muli %scan3A_191, %mul3A_251 : i32
      %add3A_253 = arith.constant 4 : i32
      %add3A_254 = arith.addi %mul3A_252, %add3A_253 : i32
      %mul3A_255 = arith.constant 16 : i32
      %mul3A_256 = arith.muli %add3A_254, %mul3A_255 : i32
      %get3A_257 = arith.index_cast %mul3A_256 : i32 to index
      %get3A_258 = tpu.vector_load %arg6[%get3A_257] {strides = array<i32>} : memref<512xi32, #tpu.memory_space<vmem>>, vector<16xi32>,
      %get3A_259 = vector.shape_cast %get3A_258 : vector<16xi32> to vector<16xi32>
      %scan3A_260 = arith.constant 0 : i32
      %scan3A_261 = arith.constant 0 : i32
      %scan3A_262 = arith.constant 7 : i32
      %scan3A_263 = arith.addi %scan3A_261, %scan3A_262 : i32
      %scan3A_264 = arith.constant 1 : i32
      scf.for %scan3A_311 = %scan3A_261 to %scan3A_263 step %scan3A_264  : i32 {
        %mul3A_312 = arith.constant 8 : i32
        %mul3A_313 = arith.muli %scan3A_311, %mul3A_312 : i32
        %add3A_314 = arith.constant 0 : i32
        %add3A_315 = arith.addi %mul3A_313, %add3A_314 : i32
        %broadcast_in_dim3A_316 = vector.broadcast %add3A_315 : i32 to vector<16xi32>
        %lt3A = arith.cmpi slt, %broadcast_in_dim3A_316, %get3A_259 : vector<16xi32>
        %add3A_317 = arith.constant 1 : i32
        %add3A_318 = vector.broadcast %add3A_317 : i32 to vector<16xi32>
        %add3A_319 = arith.addi %broadcast_in_dim3A_316, %add3A_318 : vector<16xi32>
        %jit3A = arith.constant 0 : i32
        %broadcast_in_dim3A_320 = vector.broadcast %jit3A : i32 to vector<16xi32>
        %select_n3A = arith.select %lt3A, %add3A_319, %broadcast_in_dim3A_320 : vector<16xi1>, vector<16xi32>
        %mul3A_321 = arith.constant 4096 : i32
        %mul3A_322 = arith.muli %scan3A_311, %mul3A_321 : i32
        %mul3A_323 = arith.constant 1024 : i32
        %mul3A_324 = arith.muli %scan3A_191, %mul3A_323 : i32
        %add3A_325 = arith.addi %mul3A_322, %mul3A_324 : i32
        %add3A_326 = arith.constant 0 : i32
        %add3A_327 = arith.addi %add3A_325, %add3A_326 : i32
        %add3A_328 = arith.constant 64 : i32
        %add3A_329 = arith.addi %add3A_327, %add3A_328 : i32
        %swap3A = arith.index_cast %add3A_329 : i32 to index
        %swap3A_330 = tpu.vector_load %arg8[%swap3A] {strides = array<i32>} : memref<28672xi32, #tpu.memory_space<vmem>>, vector<16xi32>,
        %swap3A_331 = vector.shape_cast %swap3A_330 : vector<16xi32> to vector<16xi32>
        %swap3A_332 = vector.shape_cast %select_n3A : vector<16xi32> to vector<16xi32>
        tpu.vector_store %arg8[%swap3A], %swap3A_332 {strides = array<i32>} : memref<28672xi32, #tpu.memory_space<vmem>>, vector<16xi32>,
        %mul3A_333 = arith.constant 8 : i32
        %mul3A_334 = arith.muli %scan3A_311, %mul3A_333 : i32
        %add3A_335 = arith.constant 1 : i32
        %add3A_336 = arith.addi %mul3A_334, %add3A_335 : i32
        %broadcast_in_dim3A_337 = vector.broadcast %add3A_336 : i32 to vector<16xi32>
        %lt3A_338 = arith.cmpi slt, %broadcast_in_dim3A_337, %get3A_259 : vector<16xi32>
        %add3A_339 = arith.constant 1 : i32
        %add3A_340 = vector.broadcast %add3A_339 : i32 to vector<16xi32>
        %add3A_341 = arith.addi %broadcast_in_dim3A_337, %add3A_340 : vector<16xi32>
        %jit3A_342 = arith.constant 0 : i32
        %broadcast_in_dim3A_343 = vector.broadcast %jit3A_342 : i32 to vector<16xi32>
        %select_n3A_344 = arith.select %lt3A_338, %add3A_341, %broadcast_in_dim3A_343 : vector<16xi1>, vector<16xi32>
        %mul3A_345 = arith.constant 4096 : i32
        %mul3A_346 = arith.muli %scan3A_311, %mul3A_345 : i32
        %mul3A_347 = arith.constant 1024 : i32
        %mul3A_348 = arith.muli %scan3A_191, %mul3A_347 : i32
        %add3A_349 = arith.addi %mul3A_346, %mul3A_348 : i32
        %add3A_350 = arith.constant 128 : i32
        %add3A_351 = arith.addi %add3A_349, %add3A_350 : i32
        %add3A_352 = arith.constant 64 : i32
        %add3A_353 = arith.addi %add3A_351, %add3A_352 : i32
        %swap3A_354 = arith.index_cast %add3A_353 : i32 to index
        %swap3A_355 = tpu.vector_load %arg8[%swap3A_354] {strides = array<i32>} : memref<28672xi32, #tpu.memory_space<vmem>>, vector<16xi32>,
        %swap3A_356 = vector.shape_cast %swap3A_355 : vector<16xi32> to vector<16xi32>
        %swap3A_357 = vector.shape_cast %select_n3A_344 : vector<16xi32> to vector<16xi32>
        tpu.vector_store %arg8[%swap3A_354], %swap3A_357 {strides = array<i32>} : memref<28672xi32, #tpu.memory_space<vmem>>, vector<16xi32>,
        %mul3A_358 = arith.constant 8 : i32
        %mul3A_359 = arith.muli %scan3A_311, %mul3A_358 : i32
        %add3A_360 = arith.constant 2 : i32
        %add3A_361 = arith.addi %mul3A_359, %add3A_360 : i32
        %broadcast_in_dim3A_362 = vector.broadcast %add3A_361 : i32 to vector<16xi32>
        %lt3A_363 = arith.cmpi slt, %broadcast_in_dim3A_362, %get3A_259 : vector<16xi32>
        %add3A_364 = arith.constant 1 : i32
        %add3A_365 = vector.broadcast %add3A_364 : i32 to vector<16xi32>
        %add3A_366 = arith.addi %broadcast_in_dim3A_362, %add3A_365 : vector<16xi32>
        %jit3A_367 = arith.constant 0 : i32
        %broadcast_in_dim3A_368 = vector.broadcast %jit3A_367 : i32 to vector<16xi32>
        %select_n3A_369 = arith.select %lt3A_363, %add3A_366, %broadcast_in_dim3A_368 : vector<16xi1>, vector<16xi32>
        %mul3A_370 = arith.constant 4096 : i32
        %mul3A_371 = arith.muli %scan3A_311, %mul3A_370 : i32
        %mul3A_372 = arith.constant 1024 : i32
        %mul3A_373 = arith.muli %scan3A_191, %mul3A_372 : i32
        %add3A_374 = arith.addi %mul3A_371, %mul3A_373 : i32
        %add3A_375 = arith.constant 256 : i32
        %add3A_376 = arith.addi %add3A_374, %add3A_375 : i32
        %add3A_377 = arith.constant 64 : i32
        %add3A_378 = arith.addi %add3A_376, %add3A_377 : i32
        %swap3A_379 = arith.index_cast %add3A_378 : i32 to index
        %swap3A_380 = tpu.vector_load %arg8[%swap3A_379] {strides = array<i32>} : memref<28672xi32, #tpu.memory_space<vmem>>, vector<16xi32>,
        %swap3A_381 = vector.shape_cast %swap3A_380 : vector<16xi32> to vector<16xi32>
        %swap3A_382 = vector.shape_cast %select_n3A_369 : vector<16xi32> to vector<16xi32>
        tpu.vector_store %arg8[%swap3A_379], %swap3A_382 {strides = array<i32>} : memref<28672xi32, #tpu.memory_space<vmem>>, vector<16xi32>,
        %mul3A_383 = arith.constant 8 : i32
        %mul3A_384 = arith.muli %scan3A_311, %mul3A_383 : i32
        %add3A_385 = arith.constant 3 : i32
        %add3A_386 = arith.addi %mul3A_384, %add3A_385 : i32
        %broadcast_in_dim3A_387 = vector.broadcast %add3A_386 : i32 to vector<16xi32>
        %lt3A_388 = arith.cmpi slt, %broadcast_in_dim3A_387, %get3A_259 : vector<16xi32>
        %add3A_389 = arith.constant 1 : i32
        %add3A_390 = vector.broadcast %add3A_389 : i32 to vector<16xi32>
        %add3A_391 = arith.addi %broadcast_in_dim3A_387, %add3A_390 : vector<16xi32>
        %jit3A_392 = arith.constant 0 : i32
        %broadcast_in_dim3A_393 = vector.broadcast %jit3A_392 : i32 to vector<16xi32>
        %select_n3A_394 = arith.select %lt3A_388, %add3A_391, %broadcast_in_dim3A_393 : vector<16xi1>, vector<16xi32>
        %mul3A_395 = arith.constant 4096 : i32
        %mul3A_396 = arith.muli %scan3A_311, %mul3A_395 : i32
        %mul3A_397 = arith.constant 1024 : i32
        %mul3A_398 = arith.muli %scan3A_191, %mul3A_397 : i32
        %add3A_399 = arith.addi %mul3A_396, %mul3A_398 : i32
        %add3A_400 = arith.constant 384 : i32
        %add3A_401 = arith.addi %add3A_399, %add3A_400 : i32
        %add3A_402 = arith.constant 64 : i32
        %add3A_403 = arith.addi %add3A_401, %add3A_402 : i32
        %swap3A_404 = arith.index_cast %add3A_403 : i32 to index
        %swap3A_405 = tpu.vector_load %arg8[%swap3A_404] {strides = array<i32>} : memref<28672xi32, #tpu.memory_space<vmem>>, vector<16xi32>,
        %swap3A_406 = vector.shape_cast %swap3A_405 : vector<16xi32> to vector<16xi32>
        %swap3A_407 = vector.shape_cast %select_n3A_394 : vector<16xi32> to vector<16xi32>
        tpu.vector_store %arg8[%swap3A_404], %swap3A_407 {strides = array<i32>} : memref<28672xi32, #tpu.memory_space<vmem>>, vector<16xi32>,
        %mul3A_408 = arith.constant 8 : i32
        %mul3A_409 = arith.muli %scan3A_311, %mul3A_408 : i32
        %add3A_410 = arith.constant 4 : i32
        %add3A_411 = arith.addi %mul3A_409, %add3A_410 : i32
        %broadcast_in_dim3A_412 = vector.broadcast %add3A_411 : i32 to vector<16xi32>
        %lt3A_413 = arith.cmpi slt, %broadcast_in_dim3A_412, %get3A_259 : vector<16xi32>
        %add3A_414 = arith.constant 1 : i32
        %add3A_415 = vector.broadcast %add3A_414 : i32 to vector<16xi32>
        %add3A_416 = arith.addi %broadcast_in_dim3A_412, %add3A_415 : vector<16xi32>
        %jit3A_417 = arith.constant 0 : i32
        %broadcast_in_dim3A_418 = vector.broadcast %jit3A_417 : i32 to vector<16xi32>
        %select_n3A_419 = arith.select %lt3A_413, %add3A_416, %broadcast_in_dim3A_418 : vector<16xi1>, vector<16xi32>
        %mul3A_420 = arith.constant 4096 : i32
        %mul3A_421 = arith.muli %scan3A_311, %mul3A_420 : i32
        %mul3A_422 = arith.constant 1024 : i32
        %mul3A_423 = arith.muli %scan3A_191, %mul3A_422 : i32
        %add3A_424 = arith.addi %mul3A_421, %mul3A_423 : i32
        %add3A_425 = arith.constant 512 : i32
        %add3A_426 = arith.addi %add3A_424, %add3A_425 : i32
        %add3A_427 = arith.constant 64 : i32
        %add3A_428 = arith.addi %add3A_426, %add3A_427 : i32
        %swap3A_429 = arith.index_cast %add3A_428 : i32 to index
        %swap3A_430 = tpu.vector_load %arg8[%swap3A_429] {strides = array<i32>} : memref<28672xi32, #tpu.memory_space<vmem>>, vector<16xi32>,
        %swap3A_431 = vector.shape_cast %swap3A_430 : vector<16xi32> to vector<16xi32>
        %swap3A_432 = vector.shape_cast %select_n3A_419 : vector<16xi32> to vector<16xi32>
        tpu.vector_store %arg8[%swap3A_429], %swap3A_432 {strides = array<i32>} : memref<28672xi32, #tpu.memory_space<vmem>>, vector<16xi32>,
        %mul3A_433 = arith.constant 8 : i32
        %mul3A_434 = arith.muli %scan3A_311, %mul3A_433 : i32
        %add3A_435 = arith.constant 5 : i32
        %add3A_436 = arith.addi %mul3A_434, %add3A_435 : i32
        %broadcast_in_dim3A_437 = vector.broadcast %add3A_436 : i32 to vector<16xi32>
        %lt3A_438 = arith.cmpi slt, %broadcast_in_dim3A_437, %get3A_259 : vector<16xi32>
        %add3A_439 = arith.constant 1 : i32
        %add3A_440 = vector.broadcast %add3A_439 : i32 to vector<16xi32>
        %add3A_441 = arith.addi %broadcast_in_dim3A_437, %add3A_440 : vector<16xi32>
        %jit3A_442 = arith.constant 0 : i32
        %broadcast_in_dim3A_443 = vector.broadcast %jit3A_442 : i32 to vector<16xi32>
        %select_n3A_444 = arith.select %lt3A_438, %add3A_441, %broadcast_in_dim3A_443 : vector<16xi1>, vector<16xi32>
        %mul3A_445 = arith.constant 4096 : i32
        %mul3A_446 = arith.muli %scan3A_311, %mul3A_445 : i32
        %mul3A_447 = arith.constant 1024 : i32
        %mul3A_448 = arith.muli %scan3A_191, %mul3A_447 : i32
        %add3A_449 = arith.addi %mul3A_446, %mul3A_448 : i32
        %add3A_450 = arith.constant 640 : i32
        %add3A_451 = arith.addi %add3A_449, %add3A_450 : i32
        %add3A_452 = arith.constant 64 : i32
        %add3A_453 = arith.addi %add3A_451, %add3A_452 : i32
        %swap3A_454 = arith.index_cast %add3A_453 : i32 to index
        %swap3A_455 = tpu.vector_load %arg8[%swap3A_454] {strides = array<i32>} : memref<28672xi32, #tpu.memory_space<vmem>>, vector<16xi32>,
        %swap3A_456 = vector.shape_cast %swap3A_455 : vector<16xi32> to vector<16xi32>
        %swap3A_457 = vector.shape_cast %select_n3A_444 : vector<16xi32> to vector<16xi32>
        tpu.vector_store %arg8[%swap3A_454], %swap3A_457 {strides = array<i32>} : memref<28672xi32, #tpu.memory_space<vmem>>, vector<16xi32>,
        %mul3A_458 = arith.constant 8 : i32
        %mul3A_459 = arith.muli %scan3A_311, %mul3A_458 : i32
        %add3A_460 = arith.constant 6 : i32
        %add3A_461 = arith.addi %mul3A_459, %add3A_460 : i32
        %broadcast_in_dim3A_462 = vector.broadcast %add3A_461 : i32 to vector<16xi32>
        %lt3A_463 = arith.cmpi slt, %broadcast_in_dim3A_462, %get3A_259 : vector<16xi32>
        %add3A_464 = arith.constant 1 : i32
        %add3A_465 = vector.broadcast %add3A_464 : i32 to vector<16xi32>
        %add3A_466 = arith.addi %broadcast_in_dim3A_462, %add3A_465 : vector<16xi32>
        %jit3A_467 = arith.constant 0 : i32
        %broadcast_in_dim3A_468 = vector.broadcast %jit3A_467 : i32 to vector<16xi32>
        %select_n3A_469 = arith.select %lt3A_463, %add3A_466, %broadcast_in_dim3A_468 : vector<16xi1>, vector<16xi32>
        %mul3A_470 = arith.constant 4096 : i32
        %mul3A_471 = arith.muli %scan3A_311, %mul3A_470 : i32
        %mul3A_472 = arith.constant 1024 : i32
        %mul3A_473 = arith.muli %scan3A_191, %mul3A_472 : i32
        %add3A_474 = arith.addi %mul3A_471, %mul3A_473 : i32
        %add3A_475 = arith.constant 768 : i32
        %add3A_476 = arith.addi %add3A_474, %add3A_475 : i32
        %add3A_477 = arith.constant 64 : i32
        %add3A_478 = arith.addi %add3A_476, %add3A_477 : i32
        %swap3A_479 = arith.index_cast %add3A_478 : i32 to index
        %swap3A_480 = tpu.vector_load %arg8[%swap3A_479] {strides = array<i32>} : memref<28672xi32, #tpu.memory_space<vmem>>, vector<16xi32>,
        %swap3A_481 = vector.shape_cast %swap3A_480 : vector<16xi32> to vector<16xi32>
        %swap3A_482 = vector.shape_cast %select_n3A_469 : vector<16xi32> to vector<16xi32>
        tpu.vector_store %arg8[%swap3A_479], %swap3A_482 {strides = array<i32>} : memref<28672xi32, #tpu.memory_space<vmem>>, vector<16xi32>,
        %mul3A_483 = arith.constant 8 : i32
        %mul3A_484 = arith.muli %scan3A_311, %mul3A_483 : i32
        %add3A_485 = arith.constant 7 : i32
        %add3A_486 = arith.addi %mul3A_484, %add3A_485 : i32
        %broadcast_in_dim3A_487 = vector.broadcast %add3A_486 : i32 to vector<16xi32>
        %lt3A_488 = arith.cmpi slt, %broadcast_in_dim3A_487, %get3A_259 : vector<16xi32>
        %add3A_489 = arith.constant 1 : i32
        %add3A_490 = vector.broadcast %add3A_489 : i32 to vector<16xi32>
        %add3A_491 = arith.addi %broadcast_in_dim3A_487, %add3A_490 : vector<16xi32>
        %jit3A_492 = arith.constant 0 : i32
        %broadcast_in_dim3A_493 = vector.broadcast %jit3A_492 : i32 to vector<16xi32>
        %select_n3A_494 = arith.select %lt3A_488, %add3A_491, %broadcast_in_dim3A_493 : vector<16xi1>, vector<16xi32>
        %mul3A_495 = arith.constant 4096 : i32
        %mul3A_496 = arith.muli %scan3A_311, %mul3A_495 : i32
        %mul3A_497 = arith.constant 1024 : i32
        %mul3A_498 = arith.muli %scan3A_191, %mul3A_497 : i32
        %add3A_499 = arith.addi %mul3A_496, %mul3A_498 : i32
        %add3A_500 = arith.constant 896 : i32
        %add3A_501 = arith.addi %add3A_499, %add3A_500 : i32
        %add3A_502 = arith.constant 64 : i32
        %add3A_503 = arith.addi %add3A_501, %add3A_502 : i32
        %swap3A_504 = arith.index_cast %add3A_503 : i32 to index
        %swap3A_505 = tpu.vector_load %arg8[%swap3A_504] {strides = array<i32>} : memref<28672xi32, #tpu.memory_space<vmem>>, vector<16xi32>,
        %swap3A_506 = vector.shape_cast %swap3A_505 : vector<16xi32> to vector<16xi32>
        %swap3A_507 = vector.shape_cast %select_n3A_494 : vector<16xi32> to vector<16xi32>
        tpu.vector_store %arg8[%swap3A_504], %swap3A_507 {strides = array<i32>} : memref<28672xi32, #tpu.memory_space<vmem>>, vector<16xi32>,
      }
      %scan3A_265 = arith.constant 7 : i32
      %mul3A_266 = arith.constant 8 : i32
      %mul3A_267 = arith.muli %scan3A_191, %mul3A_266 : i32
      %add3A_268 = arith.constant 5 : i32
      %add3A_269 = arith.addi %mul3A_267, %add3A_268 : i32
      %mul3A_270 = arith.constant 16 : i32
      %mul3A_271 = arith.muli %add3A_269, %mul3A_270 : i32
      %get3A_272 = arith.index_cast %mul3A_271 : i32 to index
      %get3A_273 = tpu.vector_load %arg6[%get3A_272] {strides = array<i32>} : memref<512xi32, #tpu.memory_space<vmem>>, vector<16xi32>,
      %get3A_274 = vector.shape_cast %get3A_273 : vector<16xi32> to vector<16xi32>
      %scan3A_275 = arith.constant 0 : i32
      %scan3A_276 = arith.constant 0 : i32
      %scan3A_277 = arith.constant 7 : i32
      %scan3A_278 = arith.addi %scan3A_276, %scan3A_277 : i32
      %scan3A_279 = arith.constant 1 : i32
      scf.for %scan3A_311 = %scan3A_276 to %scan3A_278 step %scan3A_279  : i32 {
        %mul3A_312 = arith.constant 8 : i32
        %mul3A_313 = arith.muli %scan3A_311, %mul3A_312 : i32
        %add3A_314 = arith.constant 0 : i32
        %add3A_315 = arith.addi %mul3A_313, %add3A_314 : i32
        %broadcast_in_dim3A_316 = vector.broadcast %add3A_315 : i32 to vector<16xi32>
        %lt3A = arith.cmpi slt, %broadcast_in_dim3A_316, %get3A_274 : vector<16xi32>
        %add3A_317 = arith.constant 1 : i32
        %add3A_318 = vector.broadcast %add3A_317 : i32 to vector<16xi32>
        %add3A_319 = arith.addi %broadcast_in_dim3A_316, %add3A_318 : vector<16xi32>
        %jit3A = arith.constant 0 : i32
        %broadcast_in_dim3A_320 = vector.broadcast %jit3A : i32 to vector<16xi32>
        %select_n3A = arith.select %lt3A, %add3A_319, %broadcast_in_dim3A_320 : vector<16xi1>, vector<16xi32>
        %mul3A_321 = arith.constant 4096 : i32
        %mul3A_322 = arith.muli %scan3A_311, %mul3A_321 : i32
        %mul3A_323 = arith.constant 1024 : i32
        %mul3A_324 = arith.muli %scan3A_191, %mul3A_323 : i32
        %add3A_325 = arith.addi %mul3A_322, %mul3A_324 : i32
        %add3A_326 = arith.constant 0 : i32
        %add3A_327 = arith.addi %add3A_325, %add3A_326 : i32
        %add3A_328 = arith.constant 80 : i32
        %add3A_329 = arith.addi %add3A_327, %add3A_328 : i32
        %swap3A = arith.index_cast %add3A_329 : i32 to index
        %swap3A_330 = tpu.vector_load %arg8[%swap3A] {strides = array<i32>} : memref<28672xi32, #tpu.memory_space<vmem>>, vector<16xi32>,
        %swap3A_331 = vector.shape_cast %swap3A_330 : vector<16xi32> to vector<16xi32>
        %swap3A_332 = vector.shape_cast %select_n3A : vector<16xi32> to vector<16xi32>
        tpu.vector_store %arg8[%swap3A], %swap3A_332 {strides = array<i32>} : memref<28672xi32, #tpu.memory_space<vmem>>, vector<16xi32>,
        %mul3A_333 = arith.constant 8 : i32
        %mul3A_334 = arith.muli %scan3A_311, %mul3A_333 : i32
        %add3A_335 = arith.constant 1 : i32
        %add3A_336 = arith.addi %mul3A_334, %add3A_335 : i32
        %broadcast_in_dim3A_337 = vector.broadcast %add3A_336 : i32 to vector<16xi32>
        %lt3A_338 = arith.cmpi slt, %broadcast_in_dim3A_337, %get3A_274 : vector<16xi32>
        %add3A_339 = arith.constant 1 : i32
        %add3A_340 = vector.broadcast %add3A_339 : i32 to vector<16xi32>
        %add3A_341 = arith.addi %broadcast_in_dim3A_337, %add3A_340 : vector<16xi32>
        %jit3A_342 = arith.constant 0 : i32
        %broadcast_in_dim3A_343 = vector.broadcast %jit3A_342 : i32 to vector<16xi32>
        %select_n3A_344 = arith.select %lt3A_338, %add3A_341, %broadcast_in_dim3A_343 : vector<16xi1>, vector<16xi32>
        %mul3A_345 = arith.constant 4096 : i32
        %mul3A_346 = arith.muli %scan3A_311, %mul3A_345 : i32
        %mul3A_347 = arith.constant 1024 : i32
        %mul3A_348 = arith.muli %scan3A_191, %mul3A_347 : i32
        %add3A_349 = arith.addi %mul3A_346, %mul3A_348 : i32
        %add3A_350 = arith.constant 128 : i32
        %add3A_351 = arith.addi %add3A_349, %add3A_350 : i32
        %add3A_352 = arith.constant 80 : i32
        %add3A_353 = arith.addi %add3A_351, %add3A_352 : i32
        %swap3A_354 = arith.index_cast %add3A_353 : i32 to index
        %swap3A_355 = tpu.vector_load %arg8[%swap3A_354] {strides = array<i32>} : memref<28672xi32, #tpu.memory_space<vmem>>, vector<16xi32>,
        %swap3A_356 = vector.shape_cast %swap3A_355 : vector<16xi32> to vector<16xi32>
        %swap3A_357 = vector.shape_cast %select_n3A_344 : vector<16xi32> to vector<16xi32>
        tpu.vector_store %arg8[%swap3A_354], %swap3A_357 {strides = array<i32>} : memref<28672xi32, #tpu.memory_space<vmem>>, vector<16xi32>,
        %mul3A_358 = arith.constant 8 : i32
        %mul3A_359 = arith.muli %scan3A_311, %mul3A_358 : i32
        %add3A_360 = arith.constant 2 : i32
        %add3A_361 = arith.addi %mul3A_359, %add3A_360 : i32
        %broadcast_in_dim3A_362 = vector.broadcast %add3A_361 : i32 to vector<16xi32>
        %lt3A_363 = arith.cmpi slt, %broadcast_in_dim3A_362, %get3A_274 : vector<16xi32>
        %add3A_364 = arith.constant 1 : i32
        %add3A_365 = vector.broadcast %add3A_364 : i32 to vector<16xi32>
        %add3A_366 = arith.addi %broadcast_in_dim3A_362, %add3A_365 : vector<16xi32>
        %jit3A_367 = arith.constant 0 : i32
        %broadcast_in_dim3A_368 = vector.broadcast %jit3A_367 : i32 to vector<16xi32>
        %select_n3A_369 = arith.select %lt3A_363, %add3A_366, %broadcast_in_dim3A_368 : vector<16xi1>, vector<16xi32>
        %mul3A_370 = arith.constant 4096 : i32
        %mul3A_371 = arith.muli %scan3A_311, %mul3A_370 : i32
        %mul3A_372 = arith.constant 1024 : i32
        %mul3A_373 = arith.muli %scan3A_191, %mul3A_372 : i32
        %add3A_374 = arith.addi %mul3A_371, %mul3A_373 : i32
        %add3A_375 = arith.constant 256 : i32
        %add3A_376 = arith.addi %add3A_374, %add3A_375 : i32
        %add3A_377 = arith.constant 80 : i32
        %add3A_378 = arith.addi %add3A_376, %add3A_377 : i32
        %swap3A_379 = arith.index_cast %add3A_378 : i32 to index
        %swap3A_380 = tpu.vector_load %arg8[%swap3A_379] {strides = array<i32>} : memref<28672xi32, #tpu.memory_space<vmem>>, vector<16xi32>,
        %swap3A_381 = vector.shape_cast %swap3A_380 : vector<16xi32> to vector<16xi32>
        %swap3A_382 = vector.shape_cast %select_n3A_369 : vector<16xi32> to vector<16xi32>
        tpu.vector_store %arg8[%swap3A_379], %swap3A_382 {strides = array<i32>} : memref<28672xi32, #tpu.memory_space<vmem>>, vector<16xi32>,
        %mul3A_383 = arith.constant 8 : i32
        %mul3A_384 = arith.muli %scan3A_311, %mul3A_383 : i32
        %add3A_385 = arith.constant 3 : i32
        %add3A_386 = arith.addi %mul3A_384, %add3A_385 : i32
        %broadcast_in_dim3A_387 = vector.broadcast %add3A_386 : i32 to vector<16xi32>
        %lt3A_388 = arith.cmpi slt, %broadcast_in_dim3A_387, %get3A_274 : vector<16xi32>
        %add3A_389 = arith.constant 1 : i32
        %add3A_390 = vector.broadcast %add3A_389 : i32 to vector<16xi32>
        %add3A_391 = arith.addi %broadcast_in_dim3A_387, %add3A_390 : vector<16xi32>
        %jit3A_392 = arith.constant 0 : i32
        %broadcast_in_dim3A_393 = vector.broadcast %jit3A_392 : i32 to vector<16xi32>
        %select_n3A_394 = arith.select %lt3A_388, %add3A_391, %broadcast_in_dim3A_393 : vector<16xi1>, vector<16xi32>
        %mul3A_395 = arith.constant 4096 : i32
        %mul3A_396 = arith.muli %scan3A_311, %mul3A_395 : i32
        %mul3A_397 = arith.constant 1024 : i32
        %mul3A_398 = arith.muli %scan3A_191, %mul3A_397 : i32
        %add3A_399 = arith.addi %mul3A_396, %mul3A_398 : i32
        %add3A_400 = arith.constant 384 : i32
        %add3A_401 = arith.addi %add3A_399, %add3A_400 : i32
        %add3A_402 = arith.constant 80 : i32
        %add3A_403 = arith.addi %add3A_401, %add3A_402 : i32
        %swap3A_404 = arith.index_cast %add3A_403 : i32 to index
        %swap3A_405 = tpu.vector_load %arg8[%swap3A_404] {strides = array<i32>} : memref<28672xi32, #tpu.memory_space<vmem>>, vector<16xi32>,
        %swap3A_406 = vector.shape_cast %swap3A_405 : vector<16xi32> to vector<16xi32>
        %swap3A_407 = vector.shape_cast %select_n3A_394 : vector<16xi32> to vector<16xi32>
        tpu.vector_store %arg8[%swap3A_404], %swap3A_407 {strides = array<i32>} : memref<28672xi32, #tpu.memory_space<vmem>>, vector<16xi32>,
        %mul3A_408 = arith.constant 8 : i32
        %mul3A_409 = arith.muli %scan3A_311, %mul3A_408 : i32
        %add3A_410 = arith.constant 4 : i32
        %add3A_411 = arith.addi %mul3A_409, %add3A_410 : i32
        %broadcast_in_dim3A_412 = vector.broadcast %add3A_411 : i32 to vector<16xi32>
        %lt3A_413 = arith.cmpi slt, %broadcast_in_dim3A_412, %get3A_274 : vector<16xi32>
        %add3A_414 = arith.constant 1 : i32
        %add3A_415 = vector.broadcast %add3A_414 : i32 to vector<16xi32>
        %add3A_416 = arith.addi %broadcast_in_dim3A_412, %add3A_415 : vector<16xi32>
        %jit3A_417 = arith.constant 0 : i32
        %broadcast_in_dim3A_418 = vector.broadcast %jit3A_417 : i32 to vector<16xi32>
        %select_n3A_419 = arith.select %lt3A_413, %add3A_416, %broadcast_in_dim3A_418 : vector<16xi1>, vector<16xi32>
        %mul3A_420 = arith.constant 4096 : i32
        %mul3A_421 = arith.muli %scan3A_311, %mul3A_420 : i32
        %mul3A_422 = arith.constant 1024 : i32
        %mul3A_423 = arith.muli %scan3A_191, %mul3A_422 : i32
        %add3A_424 = arith.addi %mul3A_421, %mul3A_423 : i32
        %add3A_425 = arith.constant 512 : i32
        %add3A_426 = arith.addi %add3A_424, %add3A_425 : i32
        %add3A_427 = arith.constant 80 : i32
        %add3A_428 = arith.addi %add3A_426, %add3A_427 : i32
        %swap3A_429 = arith.index_cast %add3A_428 : i32 to index
        %swap3A_430 = tpu.vector_load %arg8[%swap3A_429] {strides = array<i32>} : memref<28672xi32, #tpu.memory_space<vmem>>, vector<16xi32>,
        %swap3A_431 = vector.shape_cast %swap3A_430 : vector<16xi32> to vector<16xi32>
        %swap3A_432 = vector.shape_cast %select_n3A_419 : vector<16xi32> to vector<16xi32>
        tpu.vector_store %arg8[%swap3A_429], %swap3A_432 {strides = array<i32>} : memref<28672xi32, #tpu.memory_space<vmem>>, vector<16xi32>,
        %mul3A_433 = arith.constant 8 : i32
        %mul3A_434 = arith.muli %scan3A_311, %mul3A_433 : i32
        %add3A_435 = arith.constant 5 : i32
        %add3A_436 = arith.addi %mul3A_434, %add3A_435 : i32
        %broadcast_in_dim3A_437 = vector.broadcast %add3A_436 : i32 to vector<16xi32>
        %lt3A_438 = arith.cmpi slt, %broadcast_in_dim3A_437, %get3A_274 : vector<16xi32>
        %add3A_439 = arith.constant 1 : i32
        %add3A_440 = vector.broadcast %add3A_439 : i32 to vector<16xi32>
        %add3A_441 = arith.addi %broadcast_in_dim3A_437, %add3A_440 : vector<16xi32>
        %jit3A_442 = arith.constant 0 : i32
        %broadcast_in_dim3A_443 = vector.broadcast %jit3A_442 : i32 to vector<16xi32>
        %select_n3A_444 = arith.select %lt3A_438, %add3A_441, %broadcast_in_dim3A_443 : vector<16xi1>, vector<16xi32>
        %mul3A_445 = arith.constant 4096 : i32
        %mul3A_446 = arith.muli %scan3A_311, %mul3A_445 : i32
        %mul3A_447 = arith.constant 1024 : i32
        %mul3A_448 = arith.muli %scan3A_191, %mul3A_447 : i32
        %add3A_449 = arith.addi %mul3A_446, %mul3A_448 : i32
        %add3A_450 = arith.constant 640 : i32
        %add3A_451 = arith.addi %add3A_449, %add3A_450 : i32
        %add3A_452 = arith.constant 80 : i32
        %add3A_453 = arith.addi %add3A_451, %add3A_452 : i32
        %swap3A_454 = arith.index_cast %add3A_453 : i32 to index
        %swap3A_455 = tpu.vector_load %arg8[%swap3A_454] {strides = array<i32>} : memref<28672xi32, #tpu.memory_space<vmem>>, vector<16xi32>,
        %swap3A_456 = vector.shape_cast %swap3A_455 : vector<16xi32> to vector<16xi32>
        %swap3A_457 = vector.shape_cast %select_n3A_444 : vector<16xi32> to vector<16xi32>
        tpu.vector_store %arg8[%swap3A_454], %swap3A_457 {strides = array<i32>} : memref<28672xi32, #tpu.memory_space<vmem>>, vector<16xi32>,
        %mul3A_458 = arith.constant 8 : i32
        %mul3A_459 = arith.muli %scan3A_311, %mul3A_458 : i32
        %add3A_460 = arith.constant 6 : i32
        %add3A_461 = arith.addi %mul3A_459, %add3A_460 : i32
        %broadcast_in_dim3A_462 = vector.broadcast %add3A_461 : i32 to vector<16xi32>
        %lt3A_463 = arith.cmpi slt, %broadcast_in_dim3A_462, %get3A_274 : vector<16xi32>
        %add3A_464 = arith.constant 1 : i32
        %add3A_465 = vector.broadcast %add3A_464 : i32 to vector<16xi32>
        %add3A_466 = arith.addi %broadcast_in_dim3A_462, %add3A_465 : vector<16xi32>
        %jit3A_467 = arith.constant 0 : i32
        %broadcast_in_dim3A_468 = vector.broadcast %jit3A_467 : i32 to vector<16xi32>
        %select_n3A_469 = arith.select %lt3A_463, %add3A_466, %broadcast_in_dim3A_468 : vector<16xi1>, vector<16xi32>
        %mul3A_470 = arith.constant 4096 : i32
        %mul3A_471 = arith.muli %scan3A_311, %mul3A_470 : i32
        %mul3A_472 = arith.constant 1024 : i32
        %mul3A_473 = arith.muli %scan3A_191, %mul3A_472 : i32
        %add3A_474 = arith.addi %mul3A_471, %mul3A_473 : i32
        %add3A_475 = arith.constant 768 : i32
        %add3A_476 = arith.addi %add3A_474, %add3A_475 : i32
        %add3A_477 = arith.constant 80 : i32
        %add3A_478 = arith.addi %add3A_476, %add3A_477 : i32
        %swap3A_479 = arith.index_cast %add3A_478 : i32 to index
        %swap3A_480 = tpu.vector_load %arg8[%swap3A_479] {strides = array<i32>} : memref<28672xi32, #tpu.memory_space<vmem>>, vector<16xi32>,
        %swap3A_481 = vector.shape_cast %swap3A_480 : vector<16xi32> to vector<16xi32>
        %swap3A_482 = vector.shape_cast %select_n3A_469 : vector<16xi32> to vector<16xi32>
        tpu.vector_store %arg8[%swap3A_479], %swap3A_482 {strides = array<i32>} : memref<28672xi32, #tpu.memory_space<vmem>>, vector<16xi32>,
        %mul3A_483 = arith.constant 8 : i32
        %mul3A_484 = arith.muli %scan3A_311, %mul3A_483 : i32
        %add3A_485 = arith.constant 7 : i32
        %add3A_486 = arith.addi %mul3A_484, %add3A_485 : i32
        %broadcast_in_dim3A_487 = vector.broadcast %add3A_486 : i32 to vector<16xi32>
        %lt3A_488 = arith.cmpi slt, %broadcast_in_dim3A_487, %get3A_274 : vector<16xi32>
        %add3A_489 = arith.constant 1 : i32
        %add3A_490 = vector.broadcast %add3A_489 : i32 to vector<16xi32>
        %add3A_491 = arith.addi %broadcast_in_dim3A_487, %add3A_490 : vector<16xi32>
        %jit3A_492 = arith.constant 0 : i32
        %broadcast_in_dim3A_493 = vector.broadcast %jit3A_492 : i32 to vector<16xi32>
        %select_n3A_494 = arith.select %lt3A_488, %add3A_491, %broadcast_in_dim3A_493 : vector<16xi1>, vector<16xi32>
        %mul3A_495 = arith.constant 4096 : i32
        %mul3A_496 = arith.muli %scan3A_311, %mul3A_495 : i32
        %mul3A_497 = arith.constant 1024 : i32
        %mul3A_498 = arith.muli %scan3A_191, %mul3A_497 : i32
        %add3A_499 = arith.addi %mul3A_496, %mul3A_498 : i32
        %add3A_500 = arith.constant 896 : i32
        %add3A_501 = arith.addi %add3A_499, %add3A_500 : i32
        %add3A_502 = arith.constant 80 : i32
        %add3A_503 = arith.addi %add3A_501, %add3A_502 : i32
        %swap3A_504 = arith.index_cast %add3A_503 : i32 to index
        %swap3A_505 = tpu.vector_load %arg8[%swap3A_504] {strides = array<i32>} : memref<28672xi32, #tpu.memory_space<vmem>>, vector<16xi32>,
        %swap3A_506 = vector.shape_cast %swap3A_505 : vector<16xi32> to vector<16xi32>
        %swap3A_507 = vector.shape_cast %select_n3A_494 : vector<16xi32> to vector<16xi32>
        tpu.vector_store %arg8[%swap3A_504], %swap3A_507 {strides = array<i32>} : memref<28672xi32, #tpu.memory_space<vmem>>, vector<16xi32>,
      }
      %scan3A_280 = arith.constant 7 : i32
      %mul3A_281 = arith.constant 8 : i32
      %mul3A_282 = arith.muli %scan3A_191, %mul3A_281 : i32
      %add3A_283 = arith.constant 6 : i32
      %add3A_284 = arith.addi %mul3A_282, %add3A_283 : i32
      %mul3A_285 = arith.constant 16 : i32
      %mul3A_286 = arith.muli %add3A_284, %mul3A_285 : i32
      %get3A_287 = arith.index_cast %mul3A_286 : i32 to index
      %get3A_288 = tpu.vector_load %arg6[%get3A_287] {strides = array<i32>} : memref<512xi32, #tpu.memory_space<vmem>>, vector<16xi32>,
      %get3A_289 = vector.shape_cast %get3A_288 : vector<16xi32> to vector<16xi32>
      %scan3A_290 = arith.constant 0 : i32
      %scan3A_291 = arith.constant 0 : i32
      %scan3A_292 = arith.constant 7 : i32
      %scan3A_293 = arith.addi %scan3A_291, %scan3A_292 : i32
      %scan3A_294 = arith.constant 1 : i32
      scf.for %scan3A_311 = %scan3A_291 to %scan3A_293 step %scan3A_294  : i32 {
        %mul3A_312 = arith.constant 8 : i32
        %mul3A_313 = arith.muli %scan3A_311, %mul3A_312 : i32
        %add3A_314 = arith.constant 0 : i32
        %add3A_315 = arith.addi %mul3A_313, %add3A_314 : i32
        %broadcast_in_dim3A_316 = vector.broadcast %add3A_315 : i32 to vector<16xi32>
        %lt3A = arith.cmpi slt, %broadcast_in_dim3A_316, %get3A_289 : vector<16xi32>
        %add3A_317 = arith.constant 1 : i32
        %add3A_318 = vector.broadcast %add3A_317 : i32 to vector<16xi32>
        %add3A_319 = arith.addi %broadcast_in_dim3A_316, %add3A_318 : vector<16xi32>
        %jit3A = arith.constant 0 : i32
        %broadcast_in_dim3A_320 = vector.broadcast %jit3A : i32 to vector<16xi32>
        %select_n3A = arith.select %lt3A, %add3A_319, %broadcast_in_dim3A_320 : vector<16xi1>, vector<16xi32>
        %mul3A_321 = arith.constant 4096 : i32
        %mul3A_322 = arith.muli %scan3A_311, %mul3A_321 : i32
        %mul3A_323 = arith.constant 1024 : i32
        %mul3A_324 = arith.muli %scan3A_191, %mul3A_323 : i32
        %add3A_325 = arith.addi %mul3A_322, %mul3A_324 : i32
        %add3A_326 = arith.constant 0 : i32
        %add3A_327 = arith.addi %add3A_325, %add3A_326 : i32
        %add3A_328 = arith.constant 96 : i32
        %add3A_329 = arith.addi %add3A_327, %add3A_328 : i32
        %swap3A = arith.index_cast %add3A_329 : i32 to index
        %swap3A_330 = tpu.vector_load %arg8[%swap3A] {strides = array<i32>} : memref<28672xi32, #tpu.memory_space<vmem>>, vector<16xi32>,
        %swap3A_331 = vector.shape_cast %swap3A_330 : vector<16xi32> to vector<16xi32>
        %swap3A_332 = vector.shape_cast %select_n3A : vector<16xi32> to vector<16xi32>
        tpu.vector_store %arg8[%swap3A], %swap3A_332 {strides = array<i32>} : memref<28672xi32, #tpu.memory_space<vmem>>, vector<16xi32>,
        %mul3A_333 = arith.constant 8 : i32
        %mul3A_334 = arith.muli %scan3A_311, %mul3A_333 : i32
        %add3A_335 = arith.constant 1 : i32
        %add3A_336 = arith.addi %mul3A_334, %add3A_335 : i32
        %broadcast_in_dim3A_337 = vector.broadcast %add3A_336 : i32 to vector<16xi32>
        %lt3A_338 = arith.cmpi slt, %broadcast_in_dim3A_337, %get3A_289 : vector<16xi32>
        %add3A_339 = arith.constant 1 : i32
        %add3A_340 = vector.broadcast %add3A_339 : i32 to vector<16xi32>
        %add3A_341 = arith.addi %broadcast_in_dim3A_337, %add3A_340 : vector<16xi32>
        %jit3A_342 = arith.constant 0 : i32
        %broadcast_in_dim3A_343 = vector.broadcast %jit3A_342 : i32 to vector<16xi32>
        %select_n3A_344 = arith.select %lt3A_338, %add3A_341, %broadcast_in_dim3A_343 : vector<16xi1>, vector<16xi32>
        %mul3A_345 = arith.constant 4096 : i32
        %mul3A_346 = arith.muli %scan3A_311, %mul3A_345 : i32
        %mul3A_347 = arith.constant 1024 : i32
        %mul3A_348 = arith.muli %scan3A_191, %mul3A_347 : i32
        %add3A_349 = arith.addi %mul3A_346, %mul3A_348 : i32
        %add3A_350 = arith.constant 128 : i32
        %add3A_351 = arith.addi %add3A_349, %add3A_350 : i32
        %add3A_352 = arith.constant 96 : i32
        %add3A_353 = arith.addi %add3A_351, %add3A_352 : i32
        %swap3A_354 = arith.index_cast %add3A_353 : i32 to index
        %swap3A_355 = tpu.vector_load %arg8[%swap3A_354] {strides = array<i32>} : memref<28672xi32, #tpu.memory_space<vmem>>, vector<16xi32>,
        %swap3A_356 = vector.shape_cast %swap3A_355 : vector<16xi32> to vector<16xi32>
        %swap3A_357 = vector.shape_cast %select_n3A_344 : vector<16xi32> to vector<16xi32>
        tpu.vector_store %arg8[%swap3A_354], %swap3A_357 {strides = array<i32>} : memref<28672xi32, #tpu.memory_space<vmem>>, vector<16xi32>,
        %mul3A_358 = arith.constant 8 : i32
        %mul3A_359 = arith.muli %scan3A_311, %mul3A_358 : i32
        %add3A_360 = arith.constant 2 : i32
        %add3A_361 = arith.addi %mul3A_359, %add3A_360 : i32
        %broadcast_in_dim3A_362 = vector.broadcast %add3A_361 : i32 to vector<16xi32>
        %lt3A_363 = arith.cmpi slt, %broadcast_in_dim3A_362, %get3A_289 : vector<16xi32>
        %add3A_364 = arith.constant 1 : i32
        %add3A_365 = vector.broadcast %add3A_364 : i32 to vector<16xi32>
        %add3A_366 = arith.addi %broadcast_in_dim3A_362, %add3A_365 : vector<16xi32>
        %jit3A_367 = arith.constant 0 : i32
        %broadcast_in_dim3A_368 = vector.broadcast %jit3A_367 : i32 to vector<16xi32>
        %select_n3A_369 = arith.select %lt3A_363, %add3A_366, %broadcast_in_dim3A_368 : vector<16xi1>, vector<16xi32>
        %mul3A_370 = arith.constant 4096 : i32
        %mul3A_371 = arith.muli %scan3A_311, %mul3A_370 : i32
        %mul3A_372 = arith.constant 1024 : i32
        %mul3A_373 = arith.muli %scan3A_191, %mul3A_372 : i32
        %add3A_374 = arith.addi %mul3A_371, %mul3A_373 : i32
        %add3A_375 = arith.constant 256 : i32
        %add3A_376 = arith.addi %add3A_374, %add3A_375 : i32
        %add3A_377 = arith.constant 96 : i32
        %add3A_378 = arith.addi %add3A_376, %add3A_377 : i32
        %swap3A_379 = arith.index_cast %add3A_378 : i32 to index
        %swap3A_380 = tpu.vector_load %arg8[%swap3A_379] {strides = array<i32>} : memref<28672xi32, #tpu.memory_space<vmem>>, vector<16xi32>,
        %swap3A_381 = vector.shape_cast %swap3A_380 : vector<16xi32> to vector<16xi32>
        %swap3A_382 = vector.shape_cast %select_n3A_369 : vector<16xi32> to vector<16xi32>
        tpu.vector_store %arg8[%swap3A_379], %swap3A_382 {strides = array<i32>} : memref<28672xi32, #tpu.memory_space<vmem>>, vector<16xi32>,
        %mul3A_383 = arith.constant 8 : i32
        %mul3A_384 = arith.muli %scan3A_311, %mul3A_383 : i32
        %add3A_385 = arith.constant 3 : i32
        %add3A_386 = arith.addi %mul3A_384, %add3A_385 : i32
        %broadcast_in_dim3A_387 = vector.broadcast %add3A_386 : i32 to vector<16xi32>
        %lt3A_388 = arith.cmpi slt, %broadcast_in_dim3A_387, %get3A_289 : vector<16xi32>
        %add3A_389 = arith.constant 1 : i32
        %add3A_390 = vector.broadcast %add3A_389 : i32 to vector<16xi32>
        %add3A_391 = arith.addi %broadcast_in_dim3A_387, %add3A_390 : vector<16xi32>
        %jit3A_392 = arith.constant 0 : i32
        %broadcast_in_dim3A_393 = vector.broadcast %jit3A_392 : i32 to vector<16xi32>
        %select_n3A_394 = arith.select %lt3A_388, %add3A_391, %broadcast_in_dim3A_393 : vector<16xi1>, vector<16xi32>
        %mul3A_395 = arith.constant 4096 : i32
        %mul3A_396 = arith.muli %scan3A_311, %mul3A_395 : i32
        %mul3A_397 = arith.constant 1024 : i32
        %mul3A_398 = arith.muli %scan3A_191, %mul3A_397 : i32
        %add3A_399 = arith.addi %mul3A_396, %mul3A_398 : i32
        %add3A_400 = arith.constant 384 : i32
        %add3A_401 = arith.addi %add3A_399, %add3A_400 : i32
        %add3A_402 = arith.constant 96 : i32
        %add3A_403 = arith.addi %add3A_401, %add3A_402 : i32
        %swap3A_404 = arith.index_cast %add3A_403 : i32 to index
        %swap3A_405 = tpu.vector_load %arg8[%swap3A_404] {strides = array<i32>} : memref<28672xi32, #tpu.memory_space<vmem>>, vector<16xi32>,
        %swap3A_406 = vector.shape_cast %swap3A_405 : vector<16xi32> to vector<16xi32>
        %swap3A_407 = vector.shape_cast %select_n3A_394 : vector<16xi32> to vector<16xi32>
        tpu.vector_store %arg8[%swap3A_404], %swap3A_407 {strides = array<i32>} : memref<28672xi32, #tpu.memory_space<vmem>>, vector<16xi32>,
        %mul3A_408 = arith.constant 8 : i32
        %mul3A_409 = arith.muli %scan3A_311, %mul3A_408 : i32
        %add3A_410 = arith.constant 4 : i32
        %add3A_411 = arith.addi %mul3A_409, %add3A_410 : i32
        %broadcast_in_dim3A_412 = vector.broadcast %add3A_411 : i32 to vector<16xi32>
        %lt3A_413 = arith.cmpi slt, %broadcast_in_dim3A_412, %get3A_289 : vector<16xi32>
        %add3A_414 = arith.constant 1 : i32
        %add3A_415 = vector.broadcast %add3A_414 : i32 to vector<16xi32>
        %add3A_416 = arith.addi %broadcast_in_dim3A_412, %add3A_415 : vector<16xi32>
        %jit3A_417 = arith.constant 0 : i32
        %broadcast_in_dim3A_418 = vector.broadcast %jit3A_417 : i32 to vector<16xi32>
        %select_n3A_419 = arith.select %lt3A_413, %add3A_416, %broadcast_in_dim3A_418 : vector<16xi1>, vector<16xi32>
        %mul3A_420 = arith.constant 4096 : i32
        %mul3A_421 = arith.muli %scan3A_311, %mul3A_420 : i32
        %mul3A_422 = arith.constant 1024 : i32
        %mul3A_423 = arith.muli %scan3A_191, %mul3A_422 : i32
        %add3A_424 = arith.addi %mul3A_421, %mul3A_423 : i32
        %add3A_425 = arith.constant 512 : i32
        %add3A_426 = arith.addi %add3A_424, %add3A_425 : i32
        %add3A_427 = arith.constant 96 : i32
        %add3A_428 = arith.addi %add3A_426, %add3A_427 : i32
        %swap3A_429 = arith.index_cast %add3A_428 : i32 to index
        %swap3A_430 = tpu.vector_load %arg8[%swap3A_429] {strides = array<i32>} : memref<28672xi32, #tpu.memory_space<vmem>>, vector<16xi32>,
        %swap3A_431 = vector.shape_cast %swap3A_430 : vector<16xi32> to vector<16xi32>
        %swap3A_432 = vector.shape_cast %select_n3A_419 : vector<16xi32> to vector<16xi32>
        tpu.vector_store %arg8[%swap3A_429], %swap3A_432 {strides = array<i32>} : memref<28672xi32, #tpu.memory_space<vmem>>, vector<16xi32>,
        %mul3A_433 = arith.constant 8 : i32
        %mul3A_434 = arith.muli %scan3A_311, %mul3A_433 : i32
        %add3A_435 = arith.constant 5 : i32
        %add3A_436 = arith.addi %mul3A_434, %add3A_435 : i32
        %broadcast_in_dim3A_437 = vector.broadcast %add3A_436 : i32 to vector<16xi32>
        %lt3A_438 = arith.cmpi slt, %broadcast_in_dim3A_437, %get3A_289 : vector<16xi32>
        %add3A_439 = arith.constant 1 : i32
        %add3A_440 = vector.broadcast %add3A_439 : i32 to vector<16xi32>
        %add3A_441 = arith.addi %broadcast_in_dim3A_437, %add3A_440 : vector<16xi32>
        %jit3A_442 = arith.constant 0 : i32
        %broadcast_in_dim3A_443 = vector.broadcast %jit3A_442 : i32 to vector<16xi32>
        %select_n3A_444 = arith.select %lt3A_438, %add3A_441, %broadcast_in_dim3A_443 : vector<16xi1>, vector<16xi32>
        %mul3A_445 = arith.constant 4096 : i32
        %mul3A_446 = arith.muli %scan3A_311, %mul3A_445 : i32
        %mul3A_447 = arith.constant 1024 : i32
        %mul3A_448 = arith.muli %scan3A_191, %mul3A_447 : i32
        %add3A_449 = arith.addi %mul3A_446, %mul3A_448 : i32
        %add3A_450 = arith.constant 640 : i32
        %add3A_451 = arith.addi %add3A_449, %add3A_450 : i32
        %add3A_452 = arith.constant 96 : i32
        %add3A_453 = arith.addi %add3A_451, %add3A_452 : i32
        %swap3A_454 = arith.index_cast %add3A_453 : i32 to index
        %swap3A_455 = tpu.vector_load %arg8[%swap3A_454] {strides = array<i32>} : memref<28672xi32, #tpu.memory_space<vmem>>, vector<16xi32>,
        %swap3A_456 = vector.shape_cast %swap3A_455 : vector<16xi32> to vector<16xi32>
        %swap3A_457 = vector.shape_cast %select_n3A_444 : vector<16xi32> to vector<16xi32>
        tpu.vector_store %arg8[%swap3A_454], %swap3A_457 {strides = array<i32>} : memref<28672xi32, #tpu.memory_space<vmem>>, vector<16xi32>,
        %mul3A_458 = arith.constant 8 : i32
        %mul3A_459 = arith.muli %scan3A_311, %mul3A_458 : i32
        %add3A_460 = arith.constant 6 : i32
        %add3A_461 = arith.addi %mul3A_459, %add3A_460 : i32
        %broadcast_in_dim3A_462 = vector.broadcast %add3A_461 : i32 to vector<16xi32>
        %lt3A_463 = arith.cmpi slt, %broadcast_in_dim3A_462, %get3A_289 : vector<16xi32>
        %add3A_464 = arith.constant 1 : i32
        %add3A_465 = vector.broadcast %add3A_464 : i32 to vector<16xi32>
        %add3A_466 = arith.addi %broadcast_in_dim3A_462, %add3A_465 : vector<16xi32>
        %jit3A_467 = arith.constant 0 : i32
        %broadcast_in_dim3A_468 = vector.broadcast %jit3A_467 : i32 to vector<16xi32>
        %select_n3A_469 = arith.select %lt3A_463, %add3A_466, %broadcast_in_dim3A_468 : vector<16xi1>, vector<16xi32>
        %mul3A_470 = arith.constant 4096 : i32
        %mul3A_471 = arith.muli %scan3A_311, %mul3A_470 : i32
        %mul3A_472 = arith.constant 1024 : i32
        %mul3A_473 = arith.muli %scan3A_191, %mul3A_472 : i32
        %add3A_474 = arith.addi %mul3A_471, %mul3A_473 : i32
        %add3A_475 = arith.constant 768 : i32
        %add3A_476 = arith.addi %add3A_474, %add3A_475 : i32
        %add3A_477 = arith.constant 96 : i32
        %add3A_478 = arith.addi %add3A_476, %add3A_477 : i32
        %swap3A_479 = arith.index_cast %add3A_478 : i32 to index
        %swap3A_480 = tpu.vector_load %arg8[%swap3A_479] {strides = array<i32>} : memref<28672xi32, #tpu.memory_space<vmem>>, vector<16xi32>,
        %swap3A_481 = vector.shape_cast %swap3A_480 : vector<16xi32> to vector<16xi32>
        %swap3A_482 = vector.shape_cast %select_n3A_469 : vector<16xi32> to vector<16xi32>
        tpu.vector_store %arg8[%swap3A_479], %swap3A_482 {strides = array<i32>} : memref<28672xi32, #tpu.memory_space<vmem>>, vector<16xi32>,
        %mul3A_483 = arith.constant 8 : i32
        %mul3A_484 = arith.muli %scan3A_311, %mul3A_483 : i32
        %add3A_485 = arith.constant 7 : i32
        %add3A_486 = arith.addi %mul3A_484, %add3A_485 : i32
        %broadcast_in_dim3A_487 = vector.broadcast %add3A_486 : i32 to vector<16xi32>
        %lt3A_488 = arith.cmpi slt, %broadcast_in_dim3A_487, %get3A_289 : vector<16xi32>
        %add3A_489 = arith.constant 1 : i32
        %add3A_490 = vector.broadcast %add3A_489 : i32 to vector<16xi32>
        %add3A_491 = arith.addi %broadcast_in_dim3A_487, %add3A_490 : vector<16xi32>
        %jit3A_492 = arith.constant 0 : i32
        %broadcast_in_dim3A_493 = vector.broadcast %jit3A_492 : i32 to vector<16xi32>
        %select_n3A_494 = arith.select %lt3A_488, %add3A_491, %broadcast_in_dim3A_493 : vector<16xi1>, vector<16xi32>
        %mul3A_495 = arith.constant 4096 : i32
        %mul3A_496 = arith.muli %scan3A_311, %mul3A_495 : i32
        %mul3A_497 = arith.constant 1024 : i32
        %mul3A_498 = arith.muli %scan3A_191, %mul3A_497 : i32
        %add3A_499 = arith.addi %mul3A_496, %mul3A_498 : i32
        %add3A_500 = arith.constant 896 : i32
        %add3A_501 = arith.addi %add3A_499, %add3A_500 : i32
        %add3A_502 = arith.constant 96 : i32
        %add3A_503 = arith.addi %add3A_501, %add3A_502 : i32
        %swap3A_504 = arith.index_cast %add3A_503 : i32 to index
        %swap3A_505 = tpu.vector_load %arg8[%swap3A_504] {strides = array<i32>} : memref<28672xi32, #tpu.memory_space<vmem>>, vector<16xi32>,
        %swap3A_506 = vector.shape_cast %swap3A_505 : vector<16xi32> to vector<16xi32>
        %swap3A_507 = vector.shape_cast %select_n3A_494 : vector<16xi32> to vector<16xi32>
        tpu.vector_store %arg8[%swap3A_504], %swap3A_507 {strides = array<i32>} : memref<28672xi32, #tpu.memory_space<vmem>>, vector<16xi32>,
      }
      %scan3A_295 = arith.constant 7 : i32
      %mul3A_296 = arith.constant 8 : i32
      %mul3A_297 = arith.muli %scan3A_191, %mul3A_296 : i32
      %add3A_298 = arith.constant 7 : i32
      %add3A_299 = arith.addi %mul3A_297, %add3A_298 : i32
      %mul3A_300 = arith.constant 16 : i32
      %mul3A_301 = arith.muli %add3A_299, %mul3A_300 : i32
      %get3A_302 = arith.index_cast %mul3A_301 : i32 to index
      %get3A_303 = tpu.vector_load %arg6[%get3A_302] {strides = array<i32>} : memref<512xi32, #tpu.memory_space<vmem>>, vector<16xi32>,
      %get3A_304 = vector.shape_cast %get3A_303 : vector<16xi32> to vector<16xi32>
      %scan3A_305 = arith.constant 0 : i32
      %scan3A_306 = arith.constant 0 : i32
      %scan3A_307 = arith.constant 7 : i32
      %scan3A_308 = arith.addi %scan3A_306, %scan3A_307 : i32
      %scan3A_309 = arith.constant 1 : i32
      scf.for %scan3A_311 = %scan3A_306 to %scan3A_308 step %scan3A_309  : i32 {
        %mul3A_312 = arith.constant 8 : i32
        %mul3A_313 = arith.muli %scan3A_311, %mul3A_312 : i32
        %add3A_314 = arith.constant 0 : i32
        %add3A_315 = arith.addi %mul3A_313, %add3A_314 : i32
        %broadcast_in_dim3A_316 = vector.broadcast %add3A_315 : i32 to vector<16xi32>
        %lt3A = arith.cmpi slt, %broadcast_in_dim3A_316, %get3A_304 : vector<16xi32>
        %add3A_317 = arith.constant 1 : i32
        %add3A_318 = vector.broadcast %add3A_317 : i32 to vector<16xi32>
        %add3A_319 = arith.addi %broadcast_in_dim3A_316, %add3A_318 : vector<16xi32>
        %jit3A = arith.constant 0 : i32
        %broadcast_in_dim3A_320 = vector.broadcast %jit3A : i32 to vector<16xi32>
        %select_n3A = arith.select %lt3A, %add3A_319, %broadcast_in_dim3A_320 : vector<16xi1>, vector<16xi32>
        %mul3A_321 = arith.constant 4096 : i32
        %mul3A_322 = arith.muli %scan3A_311, %mul3A_321 : i32
        %mul3A_323 = arith.constant 1024 : i32
        %mul3A_324 = arith.muli %scan3A_191, %mul3A_323 : i32
        %add3A_325 = arith.addi %mul3A_322, %mul3A_324 : i32
        %add3A_326 = arith.constant 0 : i32
        %add3A_327 = arith.addi %add3A_325, %add3A_326 : i32
        %add3A_328 = arith.constant 112 : i32
        %add3A_329 = arith.addi %add3A_327, %add3A_328 : i32
        %swap3A = arith.index_cast %add3A_329 : i32 to index
        %swap3A_330 = tpu.vector_load %arg8[%swap3A] {strides = array<i32>} : memref<28672xi32, #tpu.memory_space<vmem>>, vector<16xi32>,
        %swap3A_331 = vector.shape_cast %swap3A_330 : vector<16xi32> to vector<16xi32>
        %swap3A_332 = vector.shape_cast %select_n3A : vector<16xi32> to vector<16xi32>
        tpu.vector_store %arg8[%swap3A], %swap3A_332 {strides = array<i32>} : memref<28672xi32, #tpu.memory_space<vmem>>, vector<16xi32>,
        %mul3A_333 = arith.constant 8 : i32
        %mul3A_334 = arith.muli %scan3A_311, %mul3A_333 : i32
        %add3A_335 = arith.constant 1 : i32
        %add3A_336 = arith.addi %mul3A_334, %add3A_335 : i32
        %broadcast_in_dim3A_337 = vector.broadcast %add3A_336 : i32 to vector<16xi32>
        %lt3A_338 = arith.cmpi slt, %broadcast_in_dim3A_337, %get3A_304 : vector<16xi32>
        %add3A_339 = arith.constant 1 : i32
        %add3A_340 = vector.broadcast %add3A_339 : i32 to vector<16xi32>
        %add3A_341 = arith.addi %broadcast_in_dim3A_337, %add3A_340 : vector<16xi32>
        %jit3A_342 = arith.constant 0 : i32
        %broadcast_in_dim3A_343 = vector.broadcast %jit3A_342 : i32 to vector<16xi32>
        %select_n3A_344 = arith.select %lt3A_338, %add3A_341, %broadcast_in_dim3A_343 : vector<16xi1>, vector<16xi32>
        %mul3A_345 = arith.constant 4096 : i32
        %mul3A_346 = arith.muli %scan3A_311, %mul3A_345 : i32
        %mul3A_347 = arith.constant 1024 : i32
        %mul3A_348 = arith.muli %scan3A_191, %mul3A_347 : i32
        %add3A_349 = arith.addi %mul3A_346, %mul3A_348 : i32
        %add3A_350 = arith.constant 128 : i32
        %add3A_351 = arith.addi %add3A_349, %add3A_350 : i32
        %add3A_352 = arith.constant 112 : i32
        %add3A_353 = arith.addi %add3A_351, %add3A_352 : i32
        %swap3A_354 = arith.index_cast %add3A_353 : i32 to index
        %swap3A_355 = tpu.vector_load %arg8[%swap3A_354] {strides = array<i32>} : memref<28672xi32, #tpu.memory_space<vmem>>, vector<16xi32>,
        %swap3A_356 = vector.shape_cast %swap3A_355 : vector<16xi32> to vector<16xi32>
        %swap3A_357 = vector.shape_cast %select_n3A_344 : vector<16xi32> to vector<16xi32>
        tpu.vector_store %arg8[%swap3A_354], %swap3A_357 {strides = array<i32>} : memref<28672xi32, #tpu.memory_space<vmem>>, vector<16xi32>,
        %mul3A_358 = arith.constant 8 : i32
        %mul3A_359 = arith.muli %scan3A_311, %mul3A_358 : i32
        %add3A_360 = arith.constant 2 : i32
        %add3A_361 = arith.addi %mul3A_359, %add3A_360 : i32
        %broadcast_in_dim3A_362 = vector.broadcast %add3A_361 : i32 to vector<16xi32>
        %lt3A_363 = arith.cmpi slt, %broadcast_in_dim3A_362, %get3A_304 : vector<16xi32>
        %add3A_364 = arith.constant 1 : i32
        %add3A_365 = vector.broadcast %add3A_364 : i32 to vector<16xi32>
        %add3A_366 = arith.addi %broadcast_in_dim3A_362, %add3A_365 : vector<16xi32>
        %jit3A_367 = arith.constant 0 : i32
        %broadcast_in_dim3A_368 = vector.broadcast %jit3A_367 : i32 to vector<16xi32>
        %select_n3A_369 = arith.select %lt3A_363, %add3A_366, %broadcast_in_dim3A_368 : vector<16xi1>, vector<16xi32>
        %mul3A_370 = arith.constant 4096 : i32
        %mul3A_371 = arith.muli %scan3A_311, %mul3A_370 : i32
        %mul3A_372 = arith.constant 1024 : i32
        %mul3A_373 = arith.muli %scan3A_191, %mul3A_372 : i32
        %add3A_374 = arith.addi %mul3A_371, %mul3A_373 : i32
        %add3A_375 = arith.constant 256 : i32
        %add3A_376 = arith.addi %add3A_374, %add3A_375 : i32
        %add3A_377 = arith.constant 112 : i32
        %add3A_378 = arith.addi %add3A_376, %add3A_377 : i32
        %swap3A_379 = arith.index_cast %add3A_378 : i32 to index
        %swap3A_380 = tpu.vector_load %arg8[%swap3A_379] {strides = array<i32>} : memref<28672xi32, #tpu.memory_space<vmem>>, vector<16xi32>,
        %swap3A_381 = vector.shape_cast %swap3A_380 : vector<16xi32> to vector<16xi32>
        %swap3A_382 = vector.shape_cast %select_n3A_369 : vector<16xi32> to vector<16xi32>
        tpu.vector_store %arg8[%swap3A_379], %swap3A_382 {strides = array<i32>} : memref<28672xi32, #tpu.memory_space<vmem>>, vector<16xi32>,
        %mul3A_383 = arith.constant 8 : i32
        %mul3A_384 = arith.muli %scan3A_311, %mul3A_383 : i32
        %add3A_385 = arith.constant 3 : i32
        %add3A_386 = arith.addi %mul3A_384, %add3A_385 : i32
        %broadcast_in_dim3A_387 = vector.broadcast %add3A_386 : i32 to vector<16xi32>
        %lt3A_388 = arith.cmpi slt, %broadcast_in_dim3A_387, %get3A_304 : vector<16xi32>
        %add3A_389 = arith.constant 1 : i32
        %add3A_390 = vector.broadcast %add3A_389 : i32 to vector<16xi32>
        %add3A_391 = arith.addi %broadcast_in_dim3A_387, %add3A_390 : vector<16xi32>
        %jit3A_392 = arith.constant 0 : i32
        %broadcast_in_dim3A_393 = vector.broadcast %jit3A_392 : i32 to vector<16xi32>
        %select_n3A_394 = arith.select %lt3A_388, %add3A_391, %broadcast_in_dim3A_393 : vector<16xi1>, vector<16xi32>
        %mul3A_395 = arith.constant 4096 : i32
        %mul3A_396 = arith.muli %scan3A_311, %mul3A_395 : i32
        %mul3A_397 = arith.constant 1024 : i32
        %mul3A_398 = arith.muli %scan3A_191, %mul3A_397 : i32
        %add3A_399 = arith.addi %mul3A_396, %mul3A_398 : i32
        %add3A_400 = arith.constant 384 : i32
        %add3A_401 = arith.addi %add3A_399, %add3A_400 : i32
        %add3A_402 = arith.constant 112 : i32
        %add3A_403 = arith.addi %add3A_401, %add3A_402 : i32
        %swap3A_404 = arith.index_cast %add3A_403 : i32 to index
        %swap3A_405 = tpu.vector_load %arg8[%swap3A_404] {strides = array<i32>} : memref<28672xi32, #tpu.memory_space<vmem>>, vector<16xi32>,
        %swap3A_406 = vector.shape_cast %swap3A_405 : vector<16xi32> to vector<16xi32>
        %swap3A_407 = vector.shape_cast %select_n3A_394 : vector<16xi32> to vector<16xi32>
        tpu.vector_store %arg8[%swap3A_404], %swap3A_407 {strides = array<i32>} : memref<28672xi32, #tpu.memory_space<vmem>>, vector<16xi32>,
        %mul3A_408 = arith.constant 8 : i32
        %mul3A_409 = arith.muli %scan3A_311, %mul3A_408 : i32
        %add3A_410 = arith.constant 4 : i32
        %add3A_411 = arith.addi %mul3A_409, %add3A_410 : i32
        %broadcast_in_dim3A_412 = vector.broadcast %add3A_411 : i32 to vector<16xi32>
        %lt3A_413 = arith.cmpi slt, %broadcast_in_dim3A_412, %get3A_304 : vector<16xi32>
        %add3A_414 = arith.constant 1 : i32
        %add3A_415 = vector.broadcast %add3A_414 : i32 to vector<16xi32>
        %add3A_416 = arith.addi %broadcast_in_dim3A_412, %add3A_415 : vector<16xi32>
        %jit3A_417 = arith.constant 0 : i32
        %broadcast_in_dim3A_418 = vector.broadcast %jit3A_417 : i32 to vector<16xi32>
        %select_n3A_419 = arith.select %lt3A_413, %add3A_416, %broadcast_in_dim3A_418 : vector<16xi1>, vector<16xi32>
        %mul3A_420 = arith.constant 4096 : i32
        %mul3A_421 = arith.muli %scan3A_311, %mul3A_420 : i32
        %mul3A_422 = arith.constant 1024 : i32
        %mul3A_423 = arith.muli %scan3A_191, %mul3A_422 : i32
        %add3A_424 = arith.addi %mul3A_421, %mul3A_423 : i32
        %add3A_425 = arith.constant 512 : i32
        %add3A_426 = arith.addi %add3A_424, %add3A_425 : i32
        %add3A_427 = arith.constant 112 : i32
        %add3A_428 = arith.addi %add3A_426, %add3A_427 : i32
        %swap3A_429 = arith.index_cast %add3A_428 : i32 to index
        %swap3A_430 = tpu.vector_load %arg8[%swap3A_429] {strides = array<i32>} : memref<28672xi32, #tpu.memory_space<vmem>>, vector<16xi32>,
        %swap3A_431 = vector.shape_cast %swap3A_430 : vector<16xi32> to vector<16xi32>
        %swap3A_432 = vector.shape_cast %select_n3A_419 : vector<16xi32> to vector<16xi32>
        tpu.vector_store %arg8[%swap3A_429], %swap3A_432 {strides = array<i32>} : memref<28672xi32, #tpu.memory_space<vmem>>, vector<16xi32>,
        %mul3A_433 = arith.constant 8 : i32
        %mul3A_434 = arith.muli %scan3A_311, %mul3A_433 : i32
        %add3A_435 = arith.constant 5 : i32
        %add3A_436 = arith.addi %mul3A_434, %add3A_435 : i32
        %broadcast_in_dim3A_437 = vector.broadcast %add3A_436 : i32 to vector<16xi32>
        %lt3A_438 = arith.cmpi slt, %broadcast_in_dim3A_437, %get3A_304 : vector<16xi32>
        %add3A_439 = arith.constant 1 : i32
        %add3A_440 = vector.broadcast %add3A_439 : i32 to vector<16xi32>
        %add3A_441 = arith.addi %broadcast_in_dim3A_437, %add3A_440 : vector<16xi32>
        %jit3A_442 = arith.constant 0 : i32
        %broadcast_in_dim3A_443 = vector.broadcast %jit3A_442 : i32 to vector<16xi32>
        %select_n3A_444 = arith.select %lt3A_438, %add3A_441, %broadcast_in_dim3A_443 : vector<16xi1>, vector<16xi32>
        %mul3A_445 = arith.constant 4096 : i32
        %mul3A_446 = arith.muli %scan3A_311, %mul3A_445 : i32
        %mul3A_447 = arith.constant 1024 : i32
        %mul3A_448 = arith.muli %scan3A_191, %mul3A_447 : i32
        %add3A_449 = arith.addi %mul3A_446, %mul3A_448 : i32
        %add3A_450 = arith.constant 640 : i32
        %add3A_451 = arith.addi %add3A_449, %add3A_450 : i32
        %add3A_452 = arith.constant 112 : i32
        %add3A_453 = arith.addi %add3A_451, %add3A_452 : i32
        %swap3A_454 = arith.index_cast %add3A_453 : i32 to index
        %swap3A_455 = tpu.vector_load %arg8[%swap3A_454] {strides = array<i32>} : memref<28672xi32, #tpu.memory_space<vmem>>, vector<16xi32>,
        %swap3A_456 = vector.shape_cast %swap3A_455 : vector<16xi32> to vector<16xi32>
        %swap3A_457 = vector.shape_cast %select_n3A_444 : vector<16xi32> to vector<16xi32>
        tpu.vector_store %arg8[%swap3A_454], %swap3A_457 {strides = array<i32>} : memref<28672xi32, #tpu.memory_space<vmem>>, vector<16xi32>,
        %mul3A_458 = arith.constant 8 : i32
        %mul3A_459 = arith.muli %scan3A_311, %mul3A_458 : i32
        %add3A_460 = arith.constant 6 : i32
        %add3A_461 = arith.addi %mul3A_459, %add3A_460 : i32
        %broadcast_in_dim3A_462 = vector.broadcast %add3A_461 : i32 to vector<16xi32>
        %lt3A_463 = arith.cmpi slt, %broadcast_in_dim3A_462, %get3A_304 : vector<16xi32>
        %add3A_464 = arith.constant 1 : i32
        %add3A_465 = vector.broadcast %add3A_464 : i32 to vector<16xi32>
        %add3A_466 = arith.addi %broadcast_in_dim3A_462, %add3A_465 : vector<16xi32>
        %jit3A_467 = arith.constant 0 : i32
        %broadcast_in_dim3A_468 = vector.broadcast %jit3A_467 : i32 to vector<16xi32>
        %select_n3A_469 = arith.select %lt3A_463, %add3A_466, %broadcast_in_dim3A_468 : vector<16xi1>, vector<16xi32>
        %mul3A_470 = arith.constant 4096 : i32
        %mul3A_471 = arith.muli %scan3A_311, %mul3A_470 : i32
        %mul3A_472 = arith.constant 1024 : i32
        %mul3A_473 = arith.muli %scan3A_191, %mul3A_472 : i32
        %add3A_474 = arith.addi %mul3A_471, %mul3A_473 : i32
        %add3A_475 = arith.constant 768 : i32
        %add3A_476 = arith.addi %add3A_474, %add3A_475 : i32
        %add3A_477 = arith.constant 112 : i32
        %add3A_478 = arith.addi %add3A_476, %add3A_477 : i32
        %swap3A_479 = arith.index_cast %add3A_478 : i32 to index
        %swap3A_480 = tpu.vector_load %arg8[%swap3A_479] {strides = array<i32>} : memref<28672xi32, #tpu.memory_space<vmem>>, vector<16xi32>,
        %swap3A_481 = vector.shape_cast %swap3A_480 : vector<16xi32> to vector<16xi32>
        %swap3A_482 = vector.shape_cast %select_n3A_469 : vector<16xi32> to vector<16xi32>
        tpu.vector_store %arg8[%swap3A_479], %swap3A_482 {strides = array<i32>} : memref<28672xi32, #tpu.memory_space<vmem>>, vector<16xi32>,
        %mul3A_483 = arith.constant 8 : i32
        %mul3A_484 = arith.muli %scan3A_311, %mul3A_483 : i32
        %add3A_485 = arith.constant 7 : i32
        %add3A_486 = arith.addi %mul3A_484, %add3A_485 : i32
        %broadcast_in_dim3A_487 = vector.broadcast %add3A_486 : i32 to vector<16xi32>
        %lt3A_488 = arith.cmpi slt, %broadcast_in_dim3A_487, %get3A_304 : vector<16xi32>
        %add3A_489 = arith.constant 1 : i32
        %add3A_490 = vector.broadcast %add3A_489 : i32 to vector<16xi32>
        %add3A_491 = arith.addi %broadcast_in_dim3A_487, %add3A_490 : vector<16xi32>
        %jit3A_492 = arith.constant 0 : i32
        %broadcast_in_dim3A_493 = vector.broadcast %jit3A_492 : i32 to vector<16xi32>
        %select_n3A_494 = arith.select %lt3A_488, %add3A_491, %broadcast_in_dim3A_493 : vector<16xi1>, vector<16xi32>
        %mul3A_495 = arith.constant 4096 : i32
        %mul3A_496 = arith.muli %scan3A_311, %mul3A_495 : i32
        %mul3A_497 = arith.constant 1024 : i32
        %mul3A_498 = arith.muli %scan3A_191, %mul3A_497 : i32
        %add3A_499 = arith.addi %mul3A_496, %mul3A_498 : i32
        %add3A_500 = arith.constant 896 : i32
        %add3A_501 = arith.addi %add3A_499, %add3A_500 : i32
        %add3A_502 = arith.constant 112 : i32
        %add3A_503 = arith.addi %add3A_501, %add3A_502 : i32
        %swap3A_504 = arith.index_cast %add3A_503 : i32 to index
        %swap3A_505 = tpu.vector_load %arg8[%swap3A_504] {strides = array<i32>} : memref<28672xi32, #tpu.memory_space<vmem>>, vector<16xi32>,
        %swap3A_506 = vector.shape_cast %swap3A_505 : vector<16xi32> to vector<16xi32>
        %swap3A_507 = vector.shape_cast %select_n3A_494 : vector<16xi32> to vector<16xi32>
        tpu.vector_store %arg8[%swap3A_504], %swap3A_507 {strides = array<i32>} : memref<28672xi32, #tpu.memory_space<vmem>>, vector<16xi32>,
      }
      %scan3A_310 = arith.constant 7 : i32
    }
    %scan3A_9 = arith.constant 4 : i32
    %add3A_10 = arith.constant 0 : i32
    %add3A_11 = arith.addi %add3A_10, %mul3A_4 : i32
    %mul3A_12 = arith.constant 1024 : i32
    %mul3A_13 = arith.muli %add3A_11, %mul3A_12 : i32
    %dma_start3A = arith.constant 0 : i32
    %dma_start3A_14 = tpu.memref_slice %arg8[%dma_start3A] : memref<28672xi32, #tpu.memory_space<vmem>> -> memref<4096xi32, #tpu.memory_space<vmem>>
    %dma_start3A_15 = tpu.memref_slice %arg5[%mul3A_13] : memref<917504xi32, #tpu.memory_space<hbm>> -> memref<4096xi32, #tpu.memory_space<hbm>>
    %dma_start3A_16 = tpu.memref_slice %arg5[%mul3A_13] : memref<917504xi32, #tpu.memory_space<hbm>> -> memref<4096xi32, #tpu.memory_space<hbm>>
    %dma_start3A_17 = arith.constant 0 : i32
    %dma_start3A_18 = tpu.memref_slice %arg8[%dma_start3A_17] : memref<28672xi32, #tpu.memory_space<vmem>> -> memref<4096xi32, #tpu.memory_space<vmem>>
    tpu.enqueue_dma source(%dma_start3A_18 : memref<4096xi32, #tpu.memory_space<vmem>>) target(%dma_start3A_16 : memref<4096xi32, #tpu.memory_space<hbm>>) target_semaphore(%arg13 : memref<!tpu.dma_semaphore, #tpu.memory_space<semaphore_mem>>)
    %add3A_19 = arith.constant 128 : i32
    %add3A_20 = arith.addi %add3A_19, %mul3A_4 : i32
    %mul3A_21 = arith.constant 1024 : i32
    %mul3A_22 = arith.muli %add3A_20, %mul3A_21 : i32
    %dma_start3A_23 = arith.constant 4096 : i32
    %dma_start3A_24 = tpu.memref_slice %arg8[%dma_start3A_23] : memref<28672xi32, #tpu.memory_space<vmem>> -> memref<4096xi32, #tpu.memory_space<vmem>>
    %dma_start3A_25 = tpu.memref_slice %arg5[%mul3A_22] : memref<917504xi32, #tpu.memory_space<hbm>> -> memref<4096xi32, #tpu.memory_space<hbm>>
    %dma_start3A_26 = tpu.memref_slice %arg5[%mul3A_22] : memref<917504xi32, #tpu.memory_space<hbm>> -> memref<4096xi32, #tpu.memory_space<hbm>>
    %dma_start3A_27 = arith.constant 4096 : i32
    %dma_start3A_28 = tpu.memref_slice %arg8[%dma_start3A_27] : memref<28672xi32, #tpu.memory_space<vmem>> -> memref<4096xi32, #tpu.memory_space<vmem>>
    tpu.enqueue_dma source(%dma_start3A_28 : memref<4096xi32, #tpu.memory_space<vmem>>) target(%dma_start3A_26 : memref<4096xi32, #tpu.memory_space<hbm>>) target_semaphore(%arg13 : memref<!tpu.dma_semaphore, #tpu.memory_space<semaphore_mem>>)
    %add3A_29 = arith.constant 256 : i32
    %add3A_30 = arith.addi %add3A_29, %mul3A_4 : i32
    %mul3A_31 = arith.constant 1024 : i32
    %mul3A_32 = arith.muli %add3A_30, %mul3A_31 : i32
    %dma_start3A_33 = arith.constant 8192 : i32
    %dma_start3A_34 = tpu.memref_slice %arg8[%dma_start3A_33] : memref<28672xi32, #tpu.memory_space<vmem>> -> memref<4096xi32, #tpu.memory_space<vmem>>
    %dma_start3A_35 = tpu.memref_slice %arg5[%mul3A_32] : memref<917504xi32, #tpu.memory_space<hbm>> -> memref<4096xi32, #tpu.memory_space<hbm>>
    %dma_start3A_36 = tpu.memref_slice %arg5[%mul3A_32] : memref<917504xi32, #tpu.memory_space<hbm>> -> memref<4096xi32, #tpu.memory_space<hbm>>
    %dma_start3A_37 = arith.constant 8192 : i32
    %dma_start3A_38 = tpu.memref_slice %arg8[%dma_start3A_37] : memref<28672xi32, #tpu.memory_space<vmem>> -> memref<4096xi32, #tpu.memory_space<vmem>>
    tpu.enqueue_dma source(%dma_start3A_38 : memref<4096xi32, #tpu.memory_space<vmem>>) target(%dma_start3A_36 : memref<4096xi32, #tpu.memory_space<hbm>>) target_semaphore(%arg13 : memref<!tpu.dma_semaphore, #tpu.memory_space<semaphore_mem>>)
    %add3A_39 = arith.constant 384 : i32
    %add3A_40 = arith.addi %add3A_39, %mul3A_4 : i32
    %mul3A_41 = arith.constant 1024 : i32
    %mul3A_42 = arith.muli %add3A_40, %mul3A_41 : i32
    %dma_start3A_43 = arith.constant 12288 : i32
    %dma_start3A_44 = tpu.memref_slice %arg8[%dma_start3A_43] : memref<28672xi32, #tpu.memory_space<vmem>> -> memref<4096xi32, #tpu.memory_space<vmem>>
    %dma_start3A_45 = tpu.memref_slice %arg5[%mul3A_42] : memref<917504xi32, #tpu.memory_space<hbm>> -> memref<4096xi32, #tpu.memory_space<hbm>>
    %dma_start3A_46 = tpu.memref_slice %arg5[%mul3A_42] : memref<917504xi32, #tpu.memory_space<hbm>> -> memref<4096xi32, #tpu.memory_space<hbm>>
    %dma_start3A_47 = arith.constant 12288 : i32
    %dma_start3A_48 = tpu.memref_slice %arg8[%dma_start3A_47] : memref<28672xi32, #tpu.memory_space<vmem>> -> memref<4096xi32, #tpu.memory_space<vmem>>
    tpu.enqueue_dma source(%dma_start3A_48 : memref<4096xi32, #tpu.memory_space<vmem>>) target(%dma_start3A_46 : memref<4096xi32, #tpu.memory_space<hbm>>) target_semaphore(%arg13 : memref<!tpu.dma_semaphore, #tpu.memory_space<semaphore_mem>>)
    %add3A_49 = arith.constant 512 : i32
    %add3A_50 = arith.addi %add3A_49, %mul3A_4 : i32
    %mul3A_51 = arith.constant 1024 : i32
    %mul3A_52 = arith.muli %add3A_50, %mul3A_51 : i32
    %dma_start3A_53 = arith.constant 16384 : i32
    %dma_start3A_54 = tpu.memref_slice %arg8[%dma_start3A_53] : memref<28672xi32, #tpu.memory_space<vmem>> -> memref<4096xi32, #tpu.memory_space<vmem>>
    %dma_start3A_55 = tpu.memref_slice %arg5[%mul3A_52] : memref<917504xi32, #tpu.memory_space<hbm>> -> memref<4096xi32, #tpu.memory_space<hbm>>
    %dma_start3A_56 = tpu.memref_slice %arg5[%mul3A_52] : memref<917504xi32, #tpu.memory_space<hbm>> -> memref<4096xi32, #tpu.memory_space<hbm>>
    %dma_start3A_57 = arith.constant 16384 : i32
    %dma_start3A_58 = tpu.memref_slice %arg8[%dma_start3A_57] : memref<28672xi32, #tpu.memory_space<vmem>> -> memref<4096xi32, #tpu.memory_space<vmem>>
    tpu.enqueue_dma source(%dma_start3A_58 : memref<4096xi32, #tpu.memory_space<vmem>>) target(%dma_start3A_56 : memref<4096xi32, #tpu.memory_space<hbm>>) target_semaphore(%arg13 : memref<!tpu.dma_semaphore, #tpu.memory_space<semaphore_mem>>)
    %add3A_59 = arith.constant 640 : i32
    %add3A_60 = arith.addi %add3A_59, %mul3A_4 : i32
    %mul3A_61 = arith.constant 1024 : i32
    %mul3A_62 = arith.muli %add3A_60, %mul3A_61 : i32
    %dma_start3A_63 = arith.constant 20480 : i32
    %dma_start3A_64 = tpu.memref_slice %arg8[%dma_start3A_63] : memref<28672xi32, #tpu.memory_space<vmem>> -> memref<4096xi32, #tpu.memory_space<vmem>>
    %dma_start3A_65 = tpu.memref_slice %arg5[%mul3A_62] : memref<917504xi32, #tpu.memory_space<hbm>> -> memref<4096xi32, #tpu.memory_space<hbm>>
    %dma_start3A_66 = tpu.memref_slice %arg5[%mul3A_62] : memref<917504xi32, #tpu.memory_space<hbm>> -> memref<4096xi32, #tpu.memory_space<hbm>>
    %dma_start3A_67 = arith.constant 20480 : i32
    %dma_start3A_68 = tpu.memref_slice %arg8[%dma_start3A_67] : memref<28672xi32, #tpu.memory_space<vmem>> -> memref<4096xi32, #tpu.memory_space<vmem>>
    tpu.enqueue_dma source(%dma_start3A_68 : memref<4096xi32, #tpu.memory_space<vmem>>) target(%dma_start3A_66 : memref<4096xi32, #tpu.memory_space<hbm>>) target_semaphore(%arg13 : memref<!tpu.dma_semaphore, #tpu.memory_space<semaphore_mem>>)
    %add3A_69 = arith.constant 768 : i32
    %add3A_70 = arith.addi %add3A_69, %mul3A_4 : i32
    %mul3A_71 = arith.constant 1024 : i32
    %mul3A_72 = arith.muli %add3A_70, %mul3A_71 : i32
    %dma_start3A_73 = arith.constant 24576 : i32
    %dma_start3A_74 = tpu.memref_slice %arg8[%dma_start3A_73] : memref<28672xi32, #tpu.memory_space<vmem>> -> memref<4096xi32, #tpu.memory_space<vmem>>
    %dma_start3A_75 = tpu.memref_slice %arg5[%mul3A_72] : memref<917504xi32, #tpu.memory_space<hbm>> -> memref<4096xi32, #tpu.memory_space<hbm>>
    %dma_start3A_76 = tpu.memref_slice %arg5[%mul3A_72] : memref<917504xi32, #tpu.memory_space<hbm>> -> memref<4096xi32, #tpu.memory_space<hbm>>
    %dma_start3A_77 = arith.constant 24576 : i32
    %dma_start3A_78 = tpu.memref_slice %arg8[%dma_start3A_77] : memref<28672xi32, #tpu.memory_space<vmem>> -> memref<4096xi32, #tpu.memory_space<vmem>>
    tpu.enqueue_dma source(%dma_start3A_78 : memref<4096xi32, #tpu.memory_space<vmem>>) target(%dma_start3A_76 : memref<4096xi32, #tpu.memory_space<hbm>>) target_semaphore(%arg13 : memref<!tpu.dma_semaphore, #tpu.memory_space<semaphore_mem>>)
    %scan3A_79 = arith.constant 0 : i32
    %scan3A_80 = arith.constant 0 : i32
    %scan3A_81 = arith.constant 24 : i32
    %scan3A_82 = arith.addi %scan3A_80, %scan3A_81 : i32
    %scan3A_83 = arith.constant 1 : i32
    scf.for %scan3A_191 = %scan3A_80 to %scan3A_82 step %scan3A_83  : i32 {
      %mul3A_192 = arith.constant 2 : i32
      %mul3A_193 = arith.muli %scan3A_191, %mul3A_192 : i32
      %add3A_194 = arith.constant 0 : i32
      %add3A_195 = arith.addi %mul3A_193, %add3A_194 : i32
      %gt3A = arith.constant 0 : i32
      %gt3A_196 = arith.cmpi sgt, %scan3A_191, %gt3A : i32
      %convert_element_type3A = arith.extui %gt3A_196 : i1 to i32
      %cond3A = arith.constant 0 : i32
      %cond3A_197 = arith.cmpi ne, %convert_element_type3A, %cond3A : i32
      scf.if %cond3A_197 {
        %dma_wait3A_461 = arith.constant 0 : i32
        %dma_wait3A_462 = tpu.memref_slice %arg4[%dma_wait3A_461] : memref<51380224xf32, #tpu.memory_space<hbm>> -> memref<32768xf32, #tpu.memory_space<hbm>>
        %dma_wait3A_463 = arith.constant 0 : i32
        %dma_wait3A_464 = tpu.memref_slice %arg4[%dma_wait3A_463] : memref<51380224xf32, #tpu.memory_space<hbm>> -> memref<32768xf32, #tpu.memory_space<hbm>>
        tpu.wait_dma2 semaphore(%arg11 : memref<!tpu.dma_semaphore, #tpu.memory_space<semaphore_mem>>) src(%arg9 : memref<32768xf32, #tpu.memory_space<vmem>>) dst(%dma_wait3A_464 : memref<32768xf32, #tpu.memory_space<hbm>>)
      } else {
      }
      %broadcast_in_dim3A_198 = vector.broadcast %add3A_195 : i32 to vector<16xi32>
      %scan3A_199 = arith.constant 0 : i32
      %scan3A_200 = arith.constant 0 : i32
      %scan3A_201 = arith.constant 4 : i32
      %scan3A_202 = arith.addi %scan3A_200, %scan3A_201 : i32
      %scan3A_203 = arith.constant 1 : i32
      scf.for %scan3A_461 = %scan3A_200 to %scan3A_202 step %scan3A_203  : i32 {
        %mul3A_462 = arith.constant 8 : i32
        %mul3A_463 = arith.muli %scan3A_461, %mul3A_462 : i32
        %add3A_464 = arith.constant 0 : i32
        %add3A_465 = arith.addi %mul3A_463, %add3A_464 : i32
        %mul3A_466 = arith.constant 16 : i32
        %mul3A_467 = arith.muli %add3A_465, %mul3A_466 : i32
        %get3A = arith.index_cast %mul3A_467 : i32 to index
        %get3A_468 = tpu.vector_load %arg6[%get3A] {strides = array<i32>} : memref<512xi32, #tpu.memory_space<vmem>>, vector<16xi32>,
        %get3A_469 = vector.shape_cast %get3A_468 : vector<16xi32> to vector<16xi32>
        %lt3A = arith.cmpi slt, %broadcast_in_dim3A_198, %get3A_469 : vector<16xi32>
        %jit3A = arith.constant 1.000000e+00 : f32
        %jit3A_470 = arith.constant 0.000000e+00 : f32
        %broadcast_in_dim3A_471 = vector.broadcast %jit3A : f32 to vector<16xf32>
        %broadcast_in_dim3A_472 = vector.broadcast %jit3A_470 : f32 to vector<16xf32>
        %select_n3A = arith.select %lt3A, %broadcast_in_dim3A_471, %broadcast_in_dim3A_472 : vector<16xi1>, vector<16xf32>
        %mul3A_473 = arith.constant 8 : i32
        %mul3A_474 = arith.muli %scan3A_461, %mul3A_473 : i32
        %add3A_475 = arith.constant 1 : i32
        %add3A_476 = arith.addi %mul3A_474, %add3A_475 : i32
        %mul3A_477 = arith.constant 16 : i32
        %mul3A_478 = arith.muli %add3A_476, %mul3A_477 : i32
        %get3A_479 = arith.index_cast %mul3A_478 : i32 to index
        %get3A_480 = tpu.vector_load %arg6[%get3A_479] {strides = array<i32>} : memref<512xi32, #tpu.memory_space<vmem>>, vector<16xi32>,
        %get3A_481 = vector.shape_cast %get3A_480 : vector<16xi32> to vector<16xi32>
        %lt3A_482 = arith.cmpi slt, %broadcast_in_dim3A_198, %get3A_481 : vector<16xi32>
        %jit3A_483 = arith.constant 1.000000e+00 : f32
        %jit3A_484 = arith.constant 0.000000e+00 : f32
        %broadcast_in_dim3A_485 = vector.broadcast %jit3A_483 : f32 to vector<16xf32>
        %broadcast_in_dim3A_486 = vector.broadcast %jit3A_484 : f32 to vector<16xf32>
        %select_n3A_487 = arith.select %lt3A_482, %broadcast_in_dim3A_485, %broadcast_in_dim3A_486 : vector<16xi1>, vector<16xf32>
        %mul3A_488 = arith.constant 8 : i32
        %mul3A_489 = arith.muli %scan3A_461, %mul3A_488 : i32
        %add3A_490 = arith.constant 2 : i32
        %add3A_491 = arith.addi %mul3A_489, %add3A_490 : i32
        %mul3A_492 = arith.constant 16 : i32
        %mul3A_493 = arith.muli %add3A_491, %mul3A_492 : i32
        %get3A_494 = arith.index_cast %mul3A_493 : i32 to index
        %get3A_495 = tpu.vector_load %arg6[%get3A_494] {strides = array<i32>} : memref<512xi32, #tpu.memory_space<vmem>>, vector<16xi32>,
        %get3A_496 = vector.shape_cast %get3A_495 : vector<16xi32> to vector<16xi32>
        %lt3A_497 = arith.cmpi slt, %broadcast_in_dim3A_198, %get3A_496 : vector<16xi32>
        %jit3A_498 = arith.constant 1.000000e+00 : f32
        %jit3A_499 = arith.constant 0.000000e+00 : f32
        %broadcast_in_dim3A_500 = vector.broadcast %jit3A_498 : f32 to vector<16xf32>
        %broadcast_in_dim3A_501 = vector.broadcast %jit3A_499 : f32 to vector<16xf32>
        %select_n3A_502 = arith.select %lt3A_497, %broadcast_in_dim3A_500, %broadcast_in_dim3A_501 : vector<16xi1>, vector<16xf32>
        %mul3A_503 = arith.constant 8 : i32
        %mul3A_504 = arith.muli %scan3A_461, %mul3A_503 : i32
        %add3A_505 = arith.constant 3 : i32
        %add3A_506 = arith.addi %mul3A_504, %add3A_505 : i32
        %mul3A_507 = arith.constant 16 : i32
        %mul3A_508 = arith.muli %add3A_506, %mul3A_507 : i32
        %get3A_509 = arith.index_cast %mul3A_508 : i32 to index
        %get3A_510 = tpu.vector_load %arg6[%get3A_509] {strides = array<i32>} : memref<512xi32, #tpu.memory_space<vmem>>, vector<16xi32>,
        %get3A_511 = vector.shape_cast %get3A_510 : vector<16xi32> to vector<16xi32>
        %lt3A_512 = arith.cmpi slt, %broadcast_in_dim3A_198, %get3A_511 : vector<16xi32>
        %jit3A_513 = arith.constant 1.000000e+00 : f32
        %jit3A_514 = arith.constant 0.000000e+00 : f32
        %broadcast_in_dim3A_515 = vector.broadcast %jit3A_513 : f32 to vector<16xf32>
        %broadcast_in_dim3A_516 = vector.broadcast %jit3A_514 : f32 to vector<16xf32>
        %select_n3A_517 = arith.select %lt3A_512, %broadcast_in_dim3A_515, %broadcast_in_dim3A_516 : vector<16xi1>, vector<16xf32>
        %mul3A_518 = arith.constant 8 : i32
        %mul3A_519 = arith.muli %scan3A_461, %mul3A_518 : i32
        %add3A_520 = arith.constant 4 : i32
        %add3A_521 = arith.addi %mul3A_519, %add3A_520 : i32
        %mul3A_522 = arith.constant 16 : i32
        %mul3A_523 = arith.muli %add3A_521, %mul3A_522 : i32
        %get3A_524 = arith.index_cast %mul3A_523 : i32 to index
        %get3A_525 = tpu.vector_load %arg6[%get3A_524] {strides = array<i32>} : memref<512xi32, #tpu.memory_space<vmem>>, vector<16xi32>,
        %get3A_526 = vector.shape_cast %get3A_525 : vector<16xi32> to vector<16xi32>
        %lt3A_527 = arith.cmpi slt, %broadcast_in_dim3A_198, %get3A_526 : vector<16xi32>
        %jit3A_528 = arith.constant 1.000000e+00 : f32
        %jit3A_529 = arith.constant 0.000000e+00 : f32
        %broadcast_in_dim3A_530 = vector.broadcast %jit3A_528 : f32 to vector<16xf32>
        %broadcast_in_dim3A_531 = vector.broadcast %jit3A_529 : f32 to vector<16xf32>
        %select_n3A_532 = arith.select %lt3A_527, %broadcast_in_dim3A_530, %broadcast_in_dim3A_531 : vector<16xi1>, vector<16xf32>
        %mul3A_533 = arith.constant 8 : i32
        %mul3A_534 = arith.muli %scan3A_461, %mul3A_533 : i32
        %add3A_535 = arith.constant 5 : i32
        %add3A_536 = arith.addi %mul3A_534, %add3A_535 : i32
        %mul3A_537 = arith.constant 16 : i32
        %mul3A_538 = arith.muli %add3A_536, %mul3A_537 : i32
        %get3A_539 = arith.index_cast %mul3A_538 : i32 to index
        %get3A_540 = tpu.vector_load %arg6[%get3A_539] {strides = array<i32>} : memref<512xi32, #tpu.memory_space<vmem>>, vector<16xi32>,
        %get3A_541 = vector.shape_cast %get3A_540 : vector<16xi32> to vector<16xi32>
        %lt3A_542 = arith.cmpi slt, %broadcast_in_dim3A_198, %get3A_541 : vector<16xi32>
        %jit3A_543 = arith.constant 1.000000e+00 : f32
        %jit3A_544 = arith.constant 0.000000e+00 : f32
        %broadcast_in_dim3A_545 = vector.broadcast %jit3A_543 : f32 to vector<16xf32>
        %broadcast_in_dim3A_546 = vector.broadcast %jit3A_544 : f32 to vector<16xf32>
        %select_n3A_547 = arith.select %lt3A_542, %broadcast_in_dim3A_545, %broadcast_in_dim3A_546 : vector<16xi1>, vector<16xf32>
        %mul3A_548 = arith.constant 8 : i32
        %mul3A_549 = arith.muli %scan3A_461, %mul3A_548 : i32
        %add3A_550 = arith.constant 6 : i32
        %add3A_551 = arith.addi %mul3A_549, %add3A_550 : i32
        %mul3A_552 = arith.constant 16 : i32
        %mul3A_553 = arith.muli %add3A_551, %mul3A_552 : i32
        %get3A_554 = arith.index_cast %mul3A_553 : i32 to index
        %get3A_555 = tpu.vector_load %arg6[%get3A_554] {strides = array<i32>} : memref<512xi32, #tpu.memory_space<vmem>>, vector<16xi32>,
        %get3A_556 = vector.shape_cast %get3A_555 : vector<16xi32> to vector<16xi32>
        %lt3A_557 = arith.cmpi slt, %broadcast_in_dim3A_198, %get3A_556 : vector<16xi32>
        %jit3A_558 = arith.constant 1.000000e+00 : f32
        %jit3A_559 = arith.constant 0.000000e+00 : f32
        %broadcast_in_dim3A_560 = vector.broadcast %jit3A_558 : f32 to vector<16xf32>
        %broadcast_in_dim3A_561 = vector.broadcast %jit3A_559 : f32 to vector<16xf32>
        %select_n3A_562 = arith.select %lt3A_557, %broadcast_in_dim3A_560, %broadcast_in_dim3A_561 : vector<16xi1>, vector<16xf32>
        %mul3A_563 = arith.constant 8 : i32
        %mul3A_564 = arith.muli %scan3A_461, %mul3A_563 : i32
        %add3A_565 = arith.constant 7 : i32
        %add3A_566 = arith.addi %mul3A_564, %add3A_565 : i32
        %mul3A_567 = arith.constant 16 : i32
        %mul3A_568 = arith.muli %add3A_566, %mul3A_567 : i32
        %get3A_569 = arith.index_cast %mul3A_568 : i32 to index
        %get3A_570 = tpu.vector_load %arg6[%get3A_569] {strides = array<i32>} : memref<512xi32, #tpu.memory_space<vmem>>, vector<16xi32>,
        %get3A_571 = vector.shape_cast %get3A_570 : vector<16xi32> to vector<16xi32>
        %lt3A_572 = arith.cmpi slt, %broadcast_in_dim3A_198, %get3A_571 : vector<16xi32>
        %jit3A_573 = arith.constant 1.000000e+00 : f32
        %jit3A_574 = arith.constant 0.000000e+00 : f32
        %broadcast_in_dim3A_575 = vector.broadcast %jit3A_573 : f32 to vector<16xf32>
        %broadcast_in_dim3A_576 = vector.broadcast %jit3A_574 : f32 to vector<16xf32>
        %select_n3A_577 = arith.select %lt3A_572, %broadcast_in_dim3A_575, %broadcast_in_dim3A_576 : vector<16xi1>, vector<16xf32>
        %scan3A_578 = arith.constant 0 : i32
        %scan3A_579 = arith.constant 0 : i32
        %scan3A_580 = arith.constant 8 : i32
        %scan3A_581 = arith.addi %scan3A_579, %scan3A_580 : i32
        %scan3A_582 = arith.constant 1 : i32
        scf.for %scan3A_584 = %scan3A_579 to %scan3A_581 step %scan3A_582  : i32 {
          %mul3A_585 = arith.constant 64 : i32
          %mul3A_586 = arith.muli %add3A_195, %mul3A_585 : i32
          %jit3A_587 = arith.constant 2 : i32
          %div3A = arith.divsi %scan3A_584, %jit3A_587 : i32
          %sign3A = arith.constant 0 : i32
          %sign3A_588 = arith.cmpi sgt, %scan3A_584, %sign3A : i32
          %sign3A_589 = arith.extui %sign3A_588 : i1 to i32
          %sign3A_590 = arith.constant 0 : i32
          %sign3A_591 = arith.cmpi slt, %scan3A_584, %sign3A_590 : i32
          %sign3A_592 = arith.extui %sign3A_591 : i1 to i32
          %sign3A_593 = arith.subi %sign3A_589, %sign3A_592 : i32
          %sign3A_594 = arith.constant 0 : i32
          %sign3A_595 = arith.cmpi sgt, %jit3A_587, %sign3A_594 : i32
          %sign3A_596 = arith.extui %sign3A_595 : i1 to i32
          %sign3A_597 = arith.constant 0 : i32
          %sign3A_598 = arith.cmpi slt, %jit3A_587, %sign3A_597 : i32
          %sign3A_599 = arith.extui %sign3A_598 : i1 to i32
          %sign3A_600 = arith.subi %sign3A_596, %sign3A_599 : i32
          %ne3A = arith.cmpi ne, %sign3A_593, %sign3A_600 : i32
          %rem3A = arith.remsi %scan3A_584, %jit3A_587 : i32
          %ne3A_601 = arith.constant 0 : i32
          %ne3A_602 = arith.cmpi ne, %rem3A, %ne3A_601 : i32
          %and3A = arith.andi %ne3A, %ne3A_602 : i1
          %sub3A = arith.constant 1 : i32
          %sub3A_603 = arith.subi %div3A, %sub3A : i32
          %select_n3A_604 = arith.select %and3A, %sub3A_603, %div3A : i32
          %mul3A_605 = arith.constant 16 : i32
          %mul3A_606 = arith.muli %select_n3A_604, %mul3A_605 : i32
          %add3A_607 = arith.addi %mul3A_586, %mul3A_606 : i32
          %get3A_608 = arith.index_cast %add3A_607 : i32 to index
          %get3A_609 = tpu.vector_load %arg7[%get3A_608] {strides = array<i32>} : memref<3136xf32, #tpu.memory_space<vmem>>, vector<16xf32>,
          %get3A_610 = vector.shape_cast %get3A_609 : vector<16xf32> to vector<16xf32>
          %jit3A_611 = arith.constant 2 : i32
          %eq3A = arith.constant 0 : i32
          %eq3A_612 = arith.cmpi eq, %jit3A_611, %eq3A : i32
          %jit3A_613 = arith.constant 1 : i32
          %select_n3A_614 = arith.select %eq3A_612, %jit3A_613, %jit3A_611 : i32
          %rem3A_615 = arith.remsi %scan3A_584, %select_n3A_614 : i32
          %ne3A_616 = arith.constant 0 : i32
          %ne3A_617 = arith.cmpi ne, %rem3A_615, %ne3A_616 : i32
          %lt3A_618 = arith.constant 0 : i32
          %lt3A_619 = arith.cmpi slt, %rem3A_615, %lt3A_618 : i32
          %lt3A_620 = arith.constant 0 : i32
          %lt3A_621 = arith.cmpi slt, %select_n3A_614, %lt3A_620 : i32
          %ne3A_622 = arith.xori %lt3A_619, %lt3A_621 : i1
          %and3A_623 = arith.andi %ne3A_622, %ne3A_617 : i1
          %add3A_624 = arith.addi %rem3A_615, %select_n3A_614 : i32
          %select_n3A_625 = arith.select %and3A_623, %add3A_624, %rem3A_615 : i32
          %mul3A_626 = arith.constant 8 : i32
          %mul3A_627 = arith.muli %select_n3A_625, %mul3A_626 : i32
          %add3A_628 = arith.constant 0 : i32
          %add3A_629 = arith.addi %mul3A_627, %add3A_628 : i32
          %broadcast_in_dim3A_630 = vector.broadcast %add3A_629 : i32 to vector<16xi32>
          %lt3A_631 = arith.constant 0 : i32
          %lt3A_632 = vector.broadcast %lt3A_631 : i32 to vector<16xi32>
          %lt3A_633 = arith.cmpi slt, %broadcast_in_dim3A_630, %lt3A_632 : vector<16xi32>
          %add3A_634 = arith.constant 16 : i32
          %add3A_635 = vector.broadcast %add3A_634 : i32 to vector<16xi32>
          %add3A_636 = arith.addi %broadcast_in_dim3A_630, %add3A_635 : vector<16xi32>
          %select_n3A_637 = arith.select %lt3A_633, %add3A_636, %broadcast_in_dim3A_630 : vector<16xi1>, vector<16xi32>
          %broadcast_in_dim3A_638 = vector.shape_cast %select_n3A_637 : vector<16xi32> to vector<16x1xi32>
          %gather3A = vector.shape_cast %broadcast_in_dim3A_638 : vector<16x1xi32> to vector<16xi32>
          %gather3A_639 = tpu.dynamic_gather %get3A_610[%gather3A] in [0] : vector<16xf32>, vector<16xi32> -> vector<16xf32>
          %mul3A_640 = arith.constant 4096 : i32
          %mul3A_641 = arith.muli %scan3A_584, %mul3A_640 : i32
          %mul3A_642 = arith.constant 1024 : i32
          %mul3A_643 = arith.muli %scan3A_461, %mul3A_642 : i32
          %add3A_644 = arith.addi %mul3A_641, %mul3A_643 : i32
          %add3A_645 = arith.constant 0 : i32
          %add3A_646 = arith.addi %add3A_644, %add3A_645 : i32
          %mul3A_647 = arith.mulf %gather3A_639, %select_n3A : vector<16xf32>
          %add3A_648 = arith.constant 0 : i32
          %add3A_649 = arith.addi %add3A_646, %add3A_648 : i32
          %swap3A = arith.index_cast %add3A_649 : i32 to index
          %swap3A_650 = tpu.vector_load %arg9[%swap3A] {strides = array<i32>} : memref<32768xf32, #tpu.memory_space<vmem>>, vector<16xf32>,
          %swap3A_651 = vector.shape_cast %swap3A_650 : vector<16xf32> to vector<16xf32>
          %swap3A_652 = vector.shape_cast %mul3A_647 : vector<16xf32> to vector<16xf32>
          tpu.vector_store %arg9[%swap3A], %swap3A_652 {strides = array<i32>} : memref<32768xf32, #tpu.memory_space<vmem>>, vector<16xf32>,
          %mul3A_653 = arith.mulf %gather3A_639, %select_n3A_487 : vector<16xf32>
          %add3A_654 = arith.constant 16 : i32
          %add3A_655 = arith.addi %add3A_646, %add3A_654 : i32
          %swap3A_656 = arith.index_cast %add3A_655 : i32 to index
          %swap3A_657 = tpu.vector_load %arg9[%swap3A_656] {strides = array<i32>} : memref<32768xf32, #tpu.memory_space<vmem>>, vector<16xf32>,
          %swap3A_658 = vector.shape_cast %swap3A_657 : vector<16xf32> to vector<16xf32>
          %swap3A_659 = vector.shape_cast %mul3A_653 : vector<16xf32> to vector<16xf32>
          tpu.vector_store %arg9[%swap3A_656], %swap3A_659 {strides = array<i32>} : memref<32768xf32, #tpu.memory_space<vmem>>, vector<16xf32>,
          %mul3A_660 = arith.mulf %gather3A_639, %select_n3A_502 : vector<16xf32>
          %add3A_661 = arith.constant 32 : i32
          %add3A_662 = arith.addi %add3A_646, %add3A_661 : i32
          %swap3A_663 = arith.index_cast %add3A_662 : i32 to index
          %swap3A_664 = tpu.vector_load %arg9[%swap3A_663] {strides = array<i32>} : memref<32768xf32, #tpu.memory_space<vmem>>, vector<16xf32>,
          %swap3A_665 = vector.shape_cast %swap3A_664 : vector<16xf32> to vector<16xf32>
          %swap3A_666 = vector.shape_cast %mul3A_660 : vector<16xf32> to vector<16xf32>
          tpu.vector_store %arg9[%swap3A_663], %swap3A_666 {strides = array<i32>} : memref<32768xf32, #tpu.memory_space<vmem>>, vector<16xf32>,
          %mul3A_667 = arith.mulf %gather3A_639, %select_n3A_517 : vector<16xf32>
          %add3A_668 = arith.constant 48 : i32
          %add3A_669 = arith.addi %add3A_646, %add3A_668 : i32
          %swap3A_670 = arith.index_cast %add3A_669 : i32 to index
          %swap3A_671 = tpu.vector_load %arg9[%swap3A_670] {strides = array<i32>} : memref<32768xf32, #tpu.memory_space<vmem>>, vector<16xf32>,
          %swap3A_672 = vector.shape_cast %swap3A_671 : vector<16xf32> to vector<16xf32>
          %swap3A_673 = vector.shape_cast %mul3A_667 : vector<16xf32> to vector<16xf32>
          tpu.vector_store %arg9[%swap3A_670], %swap3A_673 {strides = array<i32>} : memref<32768xf32, #tpu.memory_space<vmem>>, vector<16xf32>,
          %mul3A_674 = arith.mulf %gather3A_639, %select_n3A_532 : vector<16xf32>
          %add3A_675 = arith.constant 64 : i32
          %add3A_676 = arith.addi %add3A_646, %add3A_675 : i32
          %swap3A_677 = arith.index_cast %add3A_676 : i32 to index
          %swap3A_678 = tpu.vector_load %arg9[%swap3A_677] {strides = array<i32>} : memref<32768xf32, #tpu.memory_space<vmem>>, vector<16xf32>,
          %swap3A_679 = vector.shape_cast %swap3A_678 : vector<16xf32> to vector<16xf32>
          %swap3A_680 = vector.shape_cast %mul3A_674 : vector<16xf32> to vector<16xf32>
          tpu.vector_store %arg9[%swap3A_677], %swap3A_680 {strides = array<i32>} : memref<32768xf32, #tpu.memory_space<vmem>>, vector<16xf32>,
          %mul3A_681 = arith.mulf %gather3A_639, %select_n3A_547 : vector<16xf32>
          %add3A_682 = arith.constant 80 : i32
          %add3A_683 = arith.addi %add3A_646, %add3A_682 : i32
          %swap3A_684 = arith.index_cast %add3A_683 : i32 to index
          %swap3A_685 = tpu.vector_load %arg9[%swap3A_684] {strides = array<i32>} : memref<32768xf32, #tpu.memory_space<vmem>>, vector<16xf32>,
          %swap3A_686 = vector.shape_cast %swap3A_685 : vector<16xf32> to vector<16xf32>
          %swap3A_687 = vector.shape_cast %mul3A_681 : vector<16xf32> to vector<16xf32>
          tpu.vector_store %arg9[%swap3A_684], %swap3A_687 {strides = array<i32>} : memref<32768xf32, #tpu.memory_space<vmem>>, vector<16xf32>,
          %mul3A_688 = arith.mulf %gather3A_639, %select_n3A_562 : vector<16xf32>
          %add3A_689 = arith.constant 96 : i32
          %add3A_690 = arith.addi %add3A_646, %add3A_689 : i32
          %swap3A_691 = arith.index_cast %add3A_690 : i32 to index
          %swap3A_692 = tpu.vector_load %arg9[%swap3A_691] {strides = array<i32>} : memref<32768xf32, #tpu.memory_space<vmem>>, vector<16xf32>,
          %swap3A_693 = vector.shape_cast %swap3A_692 : vector<16xf32> to vector<16xf32>
          %swap3A_694 = vector.shape_cast %mul3A_688 : vector<16xf32> to vector<16xf32>
          tpu.vector_store %arg9[%swap3A_691], %swap3A_694 {strides = array<i32>} : memref<32768xf32, #tpu.memory_space<vmem>>, vector<16xf32>,
          %mul3A_695 = arith.mulf %gather3A_639, %select_n3A_577 : vector<16xf32>
          %add3A_696 = arith.constant 112 : i32
          %add3A_697 = arith.addi %add3A_646, %add3A_696 : i32
          %swap3A_698 = arith.index_cast %add3A_697 : i32 to index
          %swap3A_699 = tpu.vector_load %arg9[%swap3A_698] {strides = array<i32>} : memref<32768xf32, #tpu.memory_space<vmem>>, vector<16xf32>,
          %swap3A_700 = vector.shape_cast %swap3A_699 : vector<16xf32> to vector<16xf32>
          %swap3A_701 = vector.shape_cast %mul3A_695 : vector<16xf32> to vector<16xf32>
          tpu.vector_store %arg9[%swap3A_698], %swap3A_701 {strides = array<i32>} : memref<32768xf32, #tpu.memory_space<vmem>>, vector<16xf32>,
          %add3A_702 = arith.constant 1 : i32
          %add3A_703 = arith.addi %mul3A_627, %add3A_702 : i32
          %broadcast_in_dim3A_704 = vector.broadcast %add3A_703 : i32 to vector<16xi32>
          %lt3A_705 = arith.constant 0 : i32
          %lt3A_706 = vector.broadcast %lt3A_705 : i32 to vector<16xi32>
          %lt3A_707 = arith.cmpi slt, %broadcast_in_dim3A_704, %lt3A_706 : vector<16xi32>
          %add3A_708 = arith.constant 16 : i32
          %add3A_709 = vector.broadcast %add3A_708 : i32 to vector<16xi32>
          %add3A_710 = arith.addi %broadcast_in_dim3A_704, %add3A_709 : vector<16xi32>
          %select_n3A_711 = arith.select %lt3A_707, %add3A_710, %broadcast_in_dim3A_704 : vector<16xi1>, vector<16xi32>
          %broadcast_in_dim3A_712 = vector.shape_cast %select_n3A_711 : vector<16xi32> to vector<16x1xi32>
          %gather3A_713 = vector.shape_cast %broadcast_in_dim3A_712 : vector<16x1xi32> to vector<16xi32>
          %gather3A_714 = tpu.dynamic_gather %get3A_610[%gather3A_713] in [0] : vector<16xf32>, vector<16xi32> -> vector<16xf32>
          %mul3A_715 = arith.constant 4096 : i32
          %mul3A_716 = arith.muli %scan3A_584, %mul3A_715 : i32
          %mul3A_717 = arith.constant 1024 : i32
          %mul3A_718 = arith.muli %scan3A_461, %mul3A_717 : i32
          %add3A_719 = arith.addi %mul3A_716, %mul3A_718 : i32
          %add3A_720 = arith.constant 128 : i32
          %add3A_721 = arith.addi %add3A_719, %add3A_720 : i32
          %mul3A_722 = arith.mulf %gather3A_714, %select_n3A : vector<16xf32>
          %add3A_723 = arith.constant 0 : i32
          %add3A_724 = arith.addi %add3A_721, %add3A_723 : i32
          %swap3A_725 = arith.index_cast %add3A_724 : i32 to index
          %swap3A_726 = tpu.vector_load %arg9[%swap3A_725] {strides = array<i32>} : memref<32768xf32, #tpu.memory_space<vmem>>, vector<16xf32>,
          %swap3A_727 = vector.shape_cast %swap3A_726 : vector<16xf32> to vector<16xf32>
          %swap3A_728 = vector.shape_cast %mul3A_722 : vector<16xf32> to vector<16xf32>
          tpu.vector_store %arg9[%swap3A_725], %swap3A_728 {strides = array<i32>} : memref<32768xf32, #tpu.memory_space<vmem>>, vector<16xf32>,
          %mul3A_729 = arith.mulf %gather3A_714, %select_n3A_487 : vector<16xf32>
          %add3A_730 = arith.constant 16 : i32
          %add3A_731 = arith.addi %add3A_721, %add3A_730 : i32
          %swap3A_732 = arith.index_cast %add3A_731 : i32 to index
          %swap3A_733 = tpu.vector_load %arg9[%swap3A_732] {strides = array<i32>} : memref<32768xf32, #tpu.memory_space<vmem>>, vector<16xf32>,
          %swap3A_734 = vector.shape_cast %swap3A_733 : vector<16xf32> to vector<16xf32>
          %swap3A_735 = vector.shape_cast %mul3A_729 : vector<16xf32> to vector<16xf32>
          tpu.vector_store %arg9[%swap3A_732], %swap3A_735 {strides = array<i32>} : memref<32768xf32, #tpu.memory_space<vmem>>, vector<16xf32>,
          %mul3A_736 = arith.mulf %gather3A_714, %select_n3A_502 : vector<16xf32>
          %add3A_737 = arith.constant 32 : i32
          %add3A_738 = arith.addi %add3A_721, %add3A_737 : i32
          %swap3A_739 = arith.index_cast %add3A_738 : i32 to index
          %swap3A_740 = tpu.vector_load %arg9[%swap3A_739] {strides = array<i32>} : memref<32768xf32, #tpu.memory_space<vmem>>, vector<16xf32>,
          %swap3A_741 = vector.shape_cast %swap3A_740 : vector<16xf32> to vector<16xf32>
          %swap3A_742 = vector.shape_cast %mul3A_736 : vector<16xf32> to vector<16xf32>
          tpu.vector_store %arg9[%swap3A_739], %swap3A_742 {strides = array<i32>} : memref<32768xf32, #tpu.memory_space<vmem>>, vector<16xf32>,
          %mul3A_743 = arith.mulf %gather3A_714, %select_n3A_517 : vector<16xf32>
          %add3A_744 = arith.constant 48 : i32
          %add3A_745 = arith.addi %add3A_721, %add3A_744 : i32
          %swap3A_746 = arith.index_cast %add3A_745 : i32 to index
          %swap3A_747 = tpu.vector_load %arg9[%swap3A_746] {strides = array<i32>} : memref<32768xf32, #tpu.memory_space<vmem>>, vector<16xf32>,
          %swap3A_748 = vector.shape_cast %swap3A_747 : vector<16xf32> to vector<16xf32>
          %swap3A_749 = vector.shape_cast %mul3A_743 : vector<16xf32> to vector<16xf32>
          tpu.vector_store %arg9[%swap3A_746], %swap3A_749 {strides = array<i32>} : memref<32768xf32, #tpu.memory_space<vmem>>, vector<16xf32>,
          %mul3A_750 = arith.mulf %gather3A_714, %select_n3A_532 : vector<16xf32>
          %add3A_751 = arith.constant 64 : i32
          %add3A_752 = arith.addi %add3A_721, %add3A_751 : i32
          %swap3A_753 = arith.index_cast %add3A_752 : i32 to index
          %swap3A_754 = tpu.vector_load %arg9[%swap3A_753] {strides = array<i32>} : memref<32768xf32, #tpu.memory_space<vmem>>, vector<16xf32>,
          %swap3A_755 = vector.shape_cast %swap3A_754 : vector<16xf32> to vector<16xf32>
          %swap3A_756 = vector.shape_cast %mul3A_750 : vector<16xf32> to vector<16xf32>
          tpu.vector_store %arg9[%swap3A_753], %swap3A_756 {strides = array<i32>} : memref<32768xf32, #tpu.memory_space<vmem>>, vector<16xf32>,
          %mul3A_757 = arith.mulf %gather3A_714, %select_n3A_547 : vector<16xf32>
          %add3A_758 = arith.constant 80 : i32
          %add3A_759 = arith.addi %add3A_721, %add3A_758 : i32
          %swap3A_760 = arith.index_cast %add3A_759 : i32 to index
          %swap3A_761 = tpu.vector_load %arg9[%swap3A_760] {strides = array<i32>} : memref<32768xf32, #tpu.memory_space<vmem>>, vector<16xf32>,
          %swap3A_762 = vector.shape_cast %swap3A_761 : vector<16xf32> to vector<16xf32>
          %swap3A_763 = vector.shape_cast %mul3A_757 : vector<16xf32> to vector<16xf32>
          tpu.vector_store %arg9[%swap3A_760], %swap3A_763 {strides = array<i32>} : memref<32768xf32, #tpu.memory_space<vmem>>, vector<16xf32>,
          %mul3A_764 = arith.mulf %gather3A_714, %select_n3A_562 : vector<16xf32>
          %add3A_765 = arith.constant 96 : i32
          %add3A_766 = arith.addi %add3A_721, %add3A_765 : i32
          %swap3A_767 = arith.index_cast %add3A_766 : i32 to index
          %swap3A_768 = tpu.vector_load %arg9[%swap3A_767] {strides = array<i32>} : memref<32768xf32, #tpu.memory_space<vmem>>, vector<16xf32>,
          %swap3A_769 = vector.shape_cast %swap3A_768 : vector<16xf32> to vector<16xf32>
          %swap3A_770 = vector.shape_cast %mul3A_764 : vector<16xf32> to vector<16xf32>
          tpu.vector_store %arg9[%swap3A_767], %swap3A_770 {strides = array<i32>} : memref<32768xf32, #tpu.memory_space<vmem>>, vector<16xf32>,
          %mul3A_771 = arith.mulf %gather3A_714, %select_n3A_577 : vector<16xf32>
          %add3A_772 = arith.constant 112 : i32
          %add3A_773 = arith.addi %add3A_721, %add3A_772 : i32
          %swap3A_774 = arith.index_cast %add3A_773 : i32 to index
          %swap3A_775 = tpu.vector_load %arg9[%swap3A_774] {strides = array<i32>} : memref<32768xf32, #tpu.memory_space<vmem>>, vector<16xf32>,
          %swap3A_776 = vector.shape_cast %swap3A_775 : vector<16xf32> to vector<16xf32>
          %swap3A_777 = vector.shape_cast %mul3A_771 : vector<16xf32> to vector<16xf32>
          tpu.vector_store %arg9[%swap3A_774], %swap3A_777 {strides = array<i32>} : memref<32768xf32, #tpu.memory_space<vmem>>, vector<16xf32>,
          %add3A_778 = arith.constant 2 : i32
          %add3A_779 = arith.addi %mul3A_627, %add3A_778 : i32
          %broadcast_in_dim3A_780 = vector.broadcast %add3A_779 : i32 to vector<16xi32>
          %lt3A_781 = arith.constant 0 : i32
          %lt3A_782 = vector.broadcast %lt3A_781 : i32 to vector<16xi32>
          %lt3A_783 = arith.cmpi slt, %broadcast_in_dim3A_780, %lt3A_782 : vector<16xi32>
          %add3A_784 = arith.constant 16 : i32
          %add3A_785 = vector.broadcast %add3A_784 : i32 to vector<16xi32>
          %add3A_786 = arith.addi %broadcast_in_dim3A_780, %add3A_785 : vector<16xi32>
          %select_n3A_787 = arith.select %lt3A_783, %add3A_786, %broadcast_in_dim3A_780 : vector<16xi1>, vector<16xi32>
          %broadcast_in_dim3A_788 = vector.shape_cast %select_n3A_787 : vector<16xi32> to vector<16x1xi32>
          %gather3A_789 = vector.shape_cast %broadcast_in_dim3A_788 : vector<16x1xi32> to vector<16xi32>
          %gather3A_790 = tpu.dynamic_gather %get3A_610[%gather3A_789] in [0] : vector<16xf32>, vector<16xi32> -> vector<16xf32>
          %mul3A_791 = arith.constant 4096 : i32
          %mul3A_792 = arith.muli %scan3A_584, %mul3A_791 : i32
          %mul3A_793 = arith.constant 1024 : i32
          %mul3A_794 = arith.muli %scan3A_461, %mul3A_793 : i32
          %add3A_795 = arith.addi %mul3A_792, %mul3A_794 : i32
          %add3A_796 = arith.constant 256 : i32
          %add3A_797 = arith.addi %add3A_795, %add3A_796 : i32
          %mul3A_798 = arith.mulf %gather3A_790, %select_n3A : vector<16xf32>
          %add3A_799 = arith.constant 0 : i32
          %add3A_800 = arith.addi %add3A_797, %add3A_799 : i32
          %swap3A_801 = arith.index_cast %add3A_800 : i32 to index
          %swap3A_802 = tpu.vector_load %arg9[%swap3A_801] {strides = array<i32>} : memref<32768xf32, #tpu.memory_space<vmem>>, vector<16xf32>,
          %swap3A_803 = vector.shape_cast %swap3A_802 : vector<16xf32> to vector<16xf32>
          %swap3A_804 = vector.shape_cast %mul3A_798 : vector<16xf32> to vector<16xf32>
          tpu.vector_store %arg9[%swap3A_801], %swap3A_804 {strides = array<i32>} : memref<32768xf32, #tpu.memory_space<vmem>>, vector<16xf32>,
          %mul3A_805 = arith.mulf %gather3A_790, %select_n3A_487 : vector<16xf32>
          %add3A_806 = arith.constant 16 : i32
          %add3A_807 = arith.addi %add3A_797, %add3A_806 : i32
          %swap3A_808 = arith.index_cast %add3A_807 : i32 to index
          %swap3A_809 = tpu.vector_load %arg9[%swap3A_808] {strides = array<i32>} : memref<32768xf32, #tpu.memory_space<vmem>>, vector<16xf32>,
          %swap3A_810 = vector.shape_cast %swap3A_809 : vector<16xf32> to vector<16xf32>
          %swap3A_811 = vector.shape_cast %mul3A_805 : vector<16xf32> to vector<16xf32>
          tpu.vector_store %arg9[%swap3A_808], %swap3A_811 {strides = array<i32>} : memref<32768xf32, #tpu.memory_space<vmem>>, vector<16xf32>,
          %mul3A_812 = arith.mulf %gather3A_790, %select_n3A_502 : vector<16xf32>
          %add3A_813 = arith.constant 32 : i32
          %add3A_814 = arith.addi %add3A_797, %add3A_813 : i32
          %swap3A_815 = arith.index_cast %add3A_814 : i32 to index
          %swap3A_816 = tpu.vector_load %arg9[%swap3A_815] {strides = array<i32>} : memref<32768xf32, #tpu.memory_space<vmem>>, vector<16xf32>,
          %swap3A_817 = vector.shape_cast %swap3A_816 : vector<16xf32> to vector<16xf32>
          %swap3A_818 = vector.shape_cast %mul3A_812 : vector<16xf32> to vector<16xf32>
          tpu.vector_store %arg9[%swap3A_815], %swap3A_818 {strides = array<i32>} : memref<32768xf32, #tpu.memory_space<vmem>>, vector<16xf32>,
          %mul3A_819 = arith.mulf %gather3A_790, %select_n3A_517 : vector<16xf32>
          %add3A_820 = arith.constant 48 : i32
          %add3A_821 = arith.addi %add3A_797, %add3A_820 : i32
          %swap3A_822 = arith.index_cast %add3A_821 : i32 to index
          %swap3A_823 = tpu.vector_load %arg9[%swap3A_822] {strides = array<i32>} : memref<32768xf32, #tpu.memory_space<vmem>>, vector<16xf32>,
          %swap3A_824 = vector.shape_cast %swap3A_823 : vector<16xf32> to vector<16xf32>
          %swap3A_825 = vector.shape_cast %mul3A_819 : vector<16xf32> to vector<16xf32>
          tpu.vector_store %arg9[%swap3A_822], %swap3A_825 {strides = array<i32>} : memref<32768xf32, #tpu.memory_space<vmem>>, vector<16xf32>,
          %mul3A_826 = arith.mulf %gather3A_790, %select_n3A_532 : vector<16xf32>
          %add3A_827 = arith.constant 64 : i32
          %add3A_828 = arith.addi %add3A_797, %add3A_827 : i32
          %swap3A_829 = arith.index_cast %add3A_828 : i32 to index
          %swap3A_830 = tpu.vector_load %arg9[%swap3A_829] {strides = array<i32>} : memref<32768xf32, #tpu.memory_space<vmem>>, vector<16xf32>,
          %swap3A_831 = vector.shape_cast %swap3A_830 : vector<16xf32> to vector<16xf32>
          %swap3A_832 = vector.shape_cast %mul3A_826 : vector<16xf32> to vector<16xf32>
          tpu.vector_store %arg9[%swap3A_829], %swap3A_832 {strides = array<i32>} : memref<32768xf32, #tpu.memory_space<vmem>>, vector<16xf32>,
          %mul3A_833 = arith.mulf %gather3A_790, %select_n3A_547 : vector<16xf32>
          %add3A_834 = arith.constant 80 : i32
          %add3A_835 = arith.addi %add3A_797, %add3A_834 : i32
          %swap3A_836 = arith.index_cast %add3A_835 : i32 to index
          %swap3A_837 = tpu.vector_load %arg9[%swap3A_836] {strides = array<i32>} : memref<32768xf32, #tpu.memory_space<vmem>>, vector<16xf32>,
          %swap3A_838 = vector.shape_cast %swap3A_837 : vector<16xf32> to vector<16xf32>
          %swap3A_839 = vector.shape_cast %mul3A_833 : vector<16xf32> to vector<16xf32>
          tpu.vector_store %arg9[%swap3A_836], %swap3A_839 {strides = array<i32>} : memref<32768xf32, #tpu.memory_space<vmem>>, vector<16xf32>,
          %mul3A_840 = arith.mulf %gather3A_790, %select_n3A_562 : vector<16xf32>
          %add3A_841 = arith.constant 96 : i32
          %add3A_842 = arith.addi %add3A_797, %add3A_841 : i32
          %swap3A_843 = arith.index_cast %add3A_842 : i32 to index
          %swap3A_844 = tpu.vector_load %arg9[%swap3A_843] {strides = array<i32>} : memref<32768xf32, #tpu.memory_space<vmem>>, vector<16xf32>,
          %swap3A_845 = vector.shape_cast %swap3A_844 : vector<16xf32> to vector<16xf32>
          %swap3A_846 = vector.shape_cast %mul3A_840 : vector<16xf32> to vector<16xf32>
          tpu.vector_store %arg9[%swap3A_843], %swap3A_846 {strides = array<i32>} : memref<32768xf32, #tpu.memory_space<vmem>>, vector<16xf32>,
          %mul3A_847 = arith.mulf %gather3A_790, %select_n3A_577 : vector<16xf32>
          %add3A_848 = arith.constant 112 : i32
          %add3A_849 = arith.addi %add3A_797, %add3A_848 : i32
          %swap3A_850 = arith.index_cast %add3A_849 : i32 to index
          %swap3A_851 = tpu.vector_load %arg9[%swap3A_850] {strides = array<i32>} : memref<32768xf32, #tpu.memory_space<vmem>>, vector<16xf32>,
          %swap3A_852 = vector.shape_cast %swap3A_851 : vector<16xf32> to vector<16xf32>
          %swap3A_853 = vector.shape_cast %mul3A_847 : vector<16xf32> to vector<16xf32>
          tpu.vector_store %arg9[%swap3A_850], %swap3A_853 {strides = array<i32>} : memref<32768xf32, #tpu.memory_space<vmem>>, vector<16xf32>,
          %add3A_854 = arith.constant 3 : i32
          %add3A_855 = arith.addi %mul3A_627, %add3A_854 : i32
          %broadcast_in_dim3A_856 = vector.broadcast %add3A_855 : i32 to vector<16xi32>
          %lt3A_857 = arith.constant 0 : i32
          %lt3A_858 = vector.broadcast %lt3A_857 : i32 to vector<16xi32>
          %lt3A_859 = arith.cmpi slt, %broadcast_in_dim3A_856, %lt3A_858 : vector<16xi32>
          %add3A_860 = arith.constant 16 : i32
          %add3A_861 = vector.broadcast %add3A_860 : i32 to vector<16xi32>
          %add3A_862 = arith.addi %broadcast_in_dim3A_856, %add3A_861 : vector<16xi32>
          %select_n3A_863 = arith.select %lt3A_859, %add3A_862, %broadcast_in_dim3A_856 : vector<16xi1>, vector<16xi32>
          %broadcast_in_dim3A_864 = vector.shape_cast %select_n3A_863 : vector<16xi32> to vector<16x1xi32>
          %gather3A_865 = vector.shape_cast %broadcast_in_dim3A_864 : vector<16x1xi32> to vector<16xi32>
          %gather3A_866 = tpu.dynamic_gather %get3A_610[%gather3A_865] in [0] : vector<16xf32>, vector<16xi32> -> vector<16xf32>
          %mul3A_867 = arith.constant 4096 : i32
          %mul3A_868 = arith.muli %scan3A_584, %mul3A_867 : i32
          %mul3A_869 = arith.constant 1024 : i32
          %mul3A_870 = arith.muli %scan3A_461, %mul3A_869 : i32
          %add3A_871 = arith.addi %mul3A_868, %mul3A_870 : i32
          %add3A_872 = arith.constant 384 : i32
          %add3A_873 = arith.addi %add3A_871, %add3A_872 : i32
          %mul3A_874 = arith.mulf %gather3A_866, %select_n3A : vector<16xf32>
          %add3A_875 = arith.constant 0 : i32
          %add3A_876 = arith.addi %add3A_873, %add3A_875 : i32
          %swap3A_877 = arith.index_cast %add3A_876 : i32 to index
          %swap3A_878 = tpu.vector_load %arg9[%swap3A_877] {strides = array<i32>} : memref<32768xf32, #tpu.memory_space<vmem>>, vector<16xf32>,
          %swap3A_879 = vector.shape_cast %swap3A_878 : vector<16xf32> to vector<16xf32>
          %swap3A_880 = vector.shape_cast %mul3A_874 : vector<16xf32> to vector<16xf32>
          tpu.vector_store %arg9[%swap3A_877], %swap3A_880 {strides = array<i32>} : memref<32768xf32, #tpu.memory_space<vmem>>, vector<16xf32>,
          %mul3A_881 = arith.mulf %gather3A_866, %select_n3A_487 : vector<16xf32>
          %add3A_882 = arith.constant 16 : i32
          %add3A_883 = arith.addi %add3A_873, %add3A_882 : i32
          %swap3A_884 = arith.index_cast %add3A_883 : i32 to index
          %swap3A_885 = tpu.vector_load %arg9[%swap3A_884] {strides = array<i32>} : memref<32768xf32, #tpu.memory_space<vmem>>, vector<16xf32>,
          %swap3A_886 = vector.shape_cast %swap3A_885 : vector<16xf32> to vector<16xf32>
          %swap3A_887 = vector.shape_cast %mul3A_881 : vector<16xf32> to vector<16xf32>
          tpu.vector_store %arg9[%swap3A_884], %swap3A_887 {strides = array<i32>} : memref<32768xf32, #tpu.memory_space<vmem>>, vector<16xf32>,
          %mul3A_888 = arith.mulf %gather3A_866, %select_n3A_502 : vector<16xf32>
          %add3A_889 = arith.constant 32 : i32
          %add3A_890 = arith.addi %add3A_873, %add3A_889 : i32
          %swap3A_891 = arith.index_cast %add3A_890 : i32 to index
          %swap3A_892 = tpu.vector_load %arg9[%swap3A_891] {strides = array<i32>} : memref<32768xf32, #tpu.memory_space<vmem>>, vector<16xf32>,
          %swap3A_893 = vector.shape_cast %swap3A_892 : vector<16xf32> to vector<16xf32>
          %swap3A_894 = vector.shape_cast %mul3A_888 : vector<16xf32> to vector<16xf32>
          tpu.vector_store %arg9[%swap3A_891], %swap3A_894 {strides = array<i32>} : memref<32768xf32, #tpu.memory_space<vmem>>, vector<16xf32>,
          %mul3A_895 = arith.mulf %gather3A_866, %select_n3A_517 : vector<16xf32>
          %add3A_896 = arith.constant 48 : i32
          %add3A_897 = arith.addi %add3A_873, %add3A_896 : i32
          %swap3A_898 = arith.index_cast %add3A_897 : i32 to index
          %swap3A_899 = tpu.vector_load %arg9[%swap3A_898] {strides = array<i32>} : memref<32768xf32, #tpu.memory_space<vmem>>, vector<16xf32>,
          %swap3A_900 = vector.shape_cast %swap3A_899 : vector<16xf32> to vector<16xf32>
          %swap3A_901 = vector.shape_cast %mul3A_895 : vector<16xf32> to vector<16xf32>
          tpu.vector_store %arg9[%swap3A_898], %swap3A_901 {strides = array<i32>} : memref<32768xf32, #tpu.memory_space<vmem>>, vector<16xf32>,
          %mul3A_902 = arith.mulf %gather3A_866, %select_n3A_532 : vector<16xf32>
          %add3A_903 = arith.constant 64 : i32
          %add3A_904 = arith.addi %add3A_873, %add3A_903 : i32
          %swap3A_905 = arith.index_cast %add3A_904 : i32 to index
          %swap3A_906 = tpu.vector_load %arg9[%swap3A_905] {strides = array<i32>} : memref<32768xf32, #tpu.memory_space<vmem>>, vector<16xf32>,
          %swap3A_907 = vector.shape_cast %swap3A_906 : vector<16xf32> to vector<16xf32>
          %swap3A_908 = vector.shape_cast %mul3A_902 : vector<16xf32> to vector<16xf32>
          tpu.vector_store %arg9[%swap3A_905], %swap3A_908 {strides = array<i32>} : memref<32768xf32, #tpu.memory_space<vmem>>, vector<16xf32>,
          %mul3A_909 = arith.mulf %gather3A_866, %select_n3A_547 : vector<16xf32>
          %add3A_910 = arith.constant 80 : i32
          %add3A_911 = arith.addi %add3A_873, %add3A_910 : i32
          %swap3A_912 = arith.index_cast %add3A_911 : i32 to index
          %swap3A_913 = tpu.vector_load %arg9[%swap3A_912] {strides = array<i32>} : memref<32768xf32, #tpu.memory_space<vmem>>, vector<16xf32>,
          %swap3A_914 = vector.shape_cast %swap3A_913 : vector<16xf32> to vector<16xf32>
          %swap3A_915 = vector.shape_cast %mul3A_909 : vector<16xf32> to vector<16xf32>
          tpu.vector_store %arg9[%swap3A_912], %swap3A_915 {strides = array<i32>} : memref<32768xf32, #tpu.memory_space<vmem>>, vector<16xf32>,
          %mul3A_916 = arith.mulf %gather3A_866, %select_n3A_562 : vector<16xf32>
          %add3A_917 = arith.constant 96 : i32
          %add3A_918 = arith.addi %add3A_873, %add3A_917 : i32
          %swap3A_919 = arith.index_cast %add3A_918 : i32 to index
          %swap3A_920 = tpu.vector_load %arg9[%swap3A_919] {strides = array<i32>} : memref<32768xf32, #tpu.memory_space<vmem>>, vector<16xf32>,
          %swap3A_921 = vector.shape_cast %swap3A_920 : vector<16xf32> to vector<16xf32>
          %swap3A_922 = vector.shape_cast %mul3A_916 : vector<16xf32> to vector<16xf32>
          tpu.vector_store %arg9[%swap3A_919], %swap3A_922 {strides = array<i32>} : memref<32768xf32, #tpu.memory_space<vmem>>, vector<16xf32>,
          %mul3A_923 = arith.mulf %gather3A_866, %select_n3A_577 : vector<16xf32>
          %add3A_924 = arith.constant 112 : i32
          %add3A_925 = arith.addi %add3A_873, %add3A_924 : i32
          %swap3A_926 = arith.index_cast %add3A_925 : i32 to index
          %swap3A_927 = tpu.vector_load %arg9[%swap3A_926] {strides = array<i32>} : memref<32768xf32, #tpu.memory_space<vmem>>, vector<16xf32>,
          %swap3A_928 = vector.shape_cast %swap3A_927 : vector<16xf32> to vector<16xf32>
          %swap3A_929 = vector.shape_cast %mul3A_923 : vector<16xf32> to vector<16xf32>
          tpu.vector_store %arg9[%swap3A_926], %swap3A_929 {strides = array<i32>} : memref<32768xf32, #tpu.memory_space<vmem>>, vector<16xf32>,
          %add3A_930 = arith.constant 4 : i32
          %add3A_931 = arith.addi %mul3A_627, %add3A_930 : i32
          %broadcast_in_dim3A_932 = vector.broadcast %add3A_931 : i32 to vector<16xi32>
          %lt3A_933 = arith.constant 0 : i32
          %lt3A_934 = vector.broadcast %lt3A_933 : i32 to vector<16xi32>
          %lt3A_935 = arith.cmpi slt, %broadcast_in_dim3A_932, %lt3A_934 : vector<16xi32>
          %add3A_936 = arith.constant 16 : i32
          %add3A_937 = vector.broadcast %add3A_936 : i32 to vector<16xi32>
          %add3A_938 = arith.addi %broadcast_in_dim3A_932, %add3A_937 : vector<16xi32>
          %select_n3A_939 = arith.select %lt3A_935, %add3A_938, %broadcast_in_dim3A_932 : vector<16xi1>, vector<16xi32>
          %broadcast_in_dim3A_940 = vector.shape_cast %select_n3A_939 : vector<16xi32> to vector<16x1xi32>
          %gather3A_941 = vector.shape_cast %broadcast_in_dim3A_940 : vector<16x1xi32> to vector<16xi32>
          %gather3A_942 = tpu.dynamic_gather %get3A_610[%gather3A_941] in [0] : vector<16xf32>, vector<16xi32> -> vector<16xf32>
          %mul3A_943 = arith.constant 4096 : i32
          %mul3A_944 = arith.muli %scan3A_584, %mul3A_943 : i32
          %mul3A_945 = arith.constant 1024 : i32
          %mul3A_946 = arith.muli %scan3A_461, %mul3A_945 : i32
          %add3A_947 = arith.addi %mul3A_944, %mul3A_946 : i32
          %add3A_948 = arith.constant 512 : i32
          %add3A_949 = arith.addi %add3A_947, %add3A_948 : i32
          %mul3A_950 = arith.mulf %gather3A_942, %select_n3A : vector<16xf32>
          %add3A_951 = arith.constant 0 : i32
          %add3A_952 = arith.addi %add3A_949, %add3A_951 : i32
          %swap3A_953 = arith.index_cast %add3A_952 : i32 to index
          %swap3A_954 = tpu.vector_load %arg9[%swap3A_953] {strides = array<i32>} : memref<32768xf32, #tpu.memory_space<vmem>>, vector<16xf32>,
          %swap3A_955 = vector.shape_cast %swap3A_954 : vector<16xf32> to vector<16xf32>
          %swap3A_956 = vector.shape_cast %mul3A_950 : vector<16xf32> to vector<16xf32>
          tpu.vector_store %arg9[%swap3A_953], %swap3A_956 {strides = array<i32>} : memref<32768xf32, #tpu.memory_space<vmem>>, vector<16xf32>,
          %mul3A_957 = arith.mulf %gather3A_942, %select_n3A_487 : vector<16xf32>
          %add3A_958 = arith.constant 16 : i32
          %add3A_959 = arith.addi %add3A_949, %add3A_958 : i32
          %swap3A_960 = arith.index_cast %add3A_959 : i32 to index
          %swap3A_961 = tpu.vector_load %arg9[%swap3A_960] {strides = array<i32>} : memref<32768xf32, #tpu.memory_space<vmem>>, vector<16xf32>,
          %swap3A_962 = vector.shape_cast %swap3A_961 : vector<16xf32> to vector<16xf32>
          %swap3A_963 = vector.shape_cast %mul3A_957 : vector<16xf32> to vector<16xf32>
          tpu.vector_store %arg9[%swap3A_960], %swap3A_963 {strides = array<i32>} : memref<32768xf32, #tpu.memory_space<vmem>>, vector<16xf32>,
          %mul3A_964 = arith.mulf %gather3A_942, %select_n3A_502 : vector<16xf32>
          %add3A_965 = arith.constant 32 : i32
          %add3A_966 = arith.addi %add3A_949, %add3A_965 : i32
          %swap3A_967 = arith.index_cast %add3A_966 : i32 to index
          %swap3A_968 = tpu.vector_load %arg9[%swap3A_967] {strides = array<i32>} : memref<32768xf32, #tpu.memory_space<vmem>>, vector<16xf32>,
          %swap3A_969 = vector.shape_cast %swap3A_968 : vector<16xf32> to vector<16xf32>
          %swap3A_970 = vector.shape_cast %mul3A_964 : vector<16xf32> to vector<16xf32>
          tpu.vector_store %arg9[%swap3A_967], %swap3A_970 {strides = array<i32>} : memref<32768xf32, #tpu.memory_space<vmem>>, vector<16xf32>,
          %mul3A_971 = arith.mulf %gather3A_942, %select_n3A_517 : vector<16xf32>
          %add3A_972 = arith.constant 48 : i32
          %add3A_973 = arith.addi %add3A_949, %add3A_972 : i32
          %swap3A_974 = arith.index_cast %add3A_973 : i32 to index
          %swap3A_975 = tpu.vector_load %arg9[%swap3A_974] {strides = array<i32>} : memref<32768xf32, #tpu.memory_space<vmem>>, vector<16xf32>,
          %swap3A_976 = vector.shape_cast %swap3A_975 : vector<16xf32> to vector<16xf32>
          %swap3A_977 = vector.shape_cast %mul3A_971 : vector<16xf32> to vector<16xf32>
          tpu.vector_store %arg9[%swap3A_974], %swap3A_977 {strides = array<i32>} : memref<32768xf32, #tpu.memory_space<vmem>>, vector<16xf32>,
          %mul3A_978 = arith.mulf %gather3A_942, %select_n3A_532 : vector<16xf32>
          %add3A_979 = arith.constant 64 : i32
          %add3A_980 = arith.addi %add3A_949, %add3A_979 : i32
          %swap3A_981 = arith.index_cast %add3A_980 : i32 to index
          %swap3A_982 = tpu.vector_load %arg9[%swap3A_981] {strides = array<i32>} : memref<32768xf32, #tpu.memory_space<vmem>>, vector<16xf32>,
          %swap3A_983 = vector.shape_cast %swap3A_982 : vector<16xf32> to vector<16xf32>
          %swap3A_984 = vector.shape_cast %mul3A_978 : vector<16xf32> to vector<16xf32>
          tpu.vector_store %arg9[%swap3A_981], %swap3A_984 {strides = array<i32>} : memref<32768xf32, #tpu.memory_space<vmem>>, vector<16xf32>,
          %mul3A_985 = arith.mulf %gather3A_942, %select_n3A_547 : vector<16xf32>
          %add3A_986 = arith.constant 80 : i32
          %add3A_987 = arith.addi %add3A_949, %add3A_986 : i32
          %swap3A_988 = arith.index_cast %add3A_987 : i32 to index
          %swap3A_989 = tpu.vector_load %arg9[%swap3A_988] {strides = array<i32>} : memref<32768xf32, #tpu.memory_space<vmem>>, vector<16xf32>,
          %swap3A_990 = vector.shape_cast %swap3A_989 : vector<16xf32> to vector<16xf32>
          %swap3A_991 = vector.shape_cast %mul3A_985 : vector<16xf32> to vector<16xf32>
          tpu.vector_store %arg9[%swap3A_988], %swap3A_991 {strides = array<i32>} : memref<32768xf32, #tpu.memory_space<vmem>>, vector<16xf32>,
          %mul3A_992 = arith.mulf %gather3A_942, %select_n3A_562 : vector<16xf32>
          %add3A_993 = arith.constant 96 : i32
          %add3A_994 = arith.addi %add3A_949, %add3A_993 : i32
          %swap3A_995 = arith.index_cast %add3A_994 : i32 to index
          %swap3A_996 = tpu.vector_load %arg9[%swap3A_995] {strides = array<i32>} : memref<32768xf32, #tpu.memory_space<vmem>>, vector<16xf32>,
          %swap3A_997 = vector.shape_cast %swap3A_996 : vector<16xf32> to vector<16xf32>
          %swap3A_998 = vector.shape_cast %mul3A_992 : vector<16xf32> to vector<16xf32>
          tpu.vector_store %arg9[%swap3A_995], %swap3A_998 {strides = array<i32>} : memref<32768xf32, #tpu.memory_space<vmem>>, vector<16xf32>,
          %mul3A_999 = arith.mulf %gather3A_942, %select_n3A_577 : vector<16xf32>
          %add3A_1000 = arith.constant 112 : i32
          %add3A_1001 = arith.addi %add3A_949, %add3A_1000 : i32
          %swap3A_1002 = arith.index_cast %add3A_1001 : i32 to index
          %swap3A_1003 = tpu.vector_load %arg9[%swap3A_1002] {strides = array<i32>} : memref<32768xf32, #tpu.memory_space<vmem>>, vector<16xf32>,
          %swap3A_1004 = vector.shape_cast %swap3A_1003 : vector<16xf32> to vector<16xf32>
          %swap3A_1005 = vector.shape_cast %mul3A_999 : vector<16xf32> to vector<16xf32>
          tpu.vector_store %arg9[%swap3A_1002], %swap3A_1005 {strides = array<i32>} : memref<32768xf32, #tpu.memory_space<vmem>>, vector<16xf32>,
          %add3A_1006 = arith.constant 5 : i32
          %add3A_1007 = arith.addi %mul3A_627, %add3A_1006 : i32
          %broadcast_in_dim3A_1008 = vector.broadcast %add3A_1007 : i32 to vector<16xi32>
          %lt3A_1009 = arith.constant 0 : i32
          %lt3A_1010 = vector.broadcast %lt3A_1009 : i32 to vector<16xi32>
          %lt3A_1011 = arith.cmpi slt, %broadcast_in_dim3A_1008, %lt3A_1010 : vector<16xi32>
          %add3A_1012 = arith.constant 16 : i32
          %add3A_1013 = vector.broadcast %add3A_1012 : i32 to vector<16xi32>
          %add3A_1014 = arith.addi %broadcast_in_dim3A_1008, %add3A_1013 : vector<16xi32>
          %select_n3A_1015 = arith.select %lt3A_1011, %add3A_1014, %broadcast_in_dim3A_1008 : vector<16xi1>, vector<16xi32>
          %broadcast_in_dim3A_1016 = vector.shape_cast %select_n3A_1015 : vector<16xi32> to vector<16x1xi32>
          %gather3A_1017 = vector.shape_cast %broadcast_in_dim3A_1016 : vector<16x1xi32> to vector<16xi32>
          %gather3A_1018 = tpu.dynamic_gather %get3A_610[%gather3A_1017] in [0] : vector<16xf32>, vector<16xi32> -> vector<16xf32>
          %mul3A_1019 = arith.constant 4096 : i32
          %mul3A_1020 = arith.muli %scan3A_584, %mul3A_1019 : i32
          %mul3A_1021 = arith.constant 1024 : i32
          %mul3A_1022 = arith.muli %scan3A_461, %mul3A_1021 : i32
          %add3A_1023 = arith.addi %mul3A_1020, %mul3A_1022 : i32
          %add3A_1024 = arith.constant 640 : i32
          %add3A_1025 = arith.addi %add3A_1023, %add3A_1024 : i32
          %mul3A_1026 = arith.mulf %gather3A_1018, %select_n3A : vector<16xf32>
          %add3A_1027 = arith.constant 0 : i32
          %add3A_1028 = arith.addi %add3A_1025, %add3A_1027 : i32
          %swap3A_1029 = arith.index_cast %add3A_1028 : i32 to index
          %swap3A_1030 = tpu.vector_load %arg9[%swap3A_1029] {strides = array<i32>} : memref<32768xf32, #tpu.memory_space<vmem>>, vector<16xf32>,
          %swap3A_1031 = vector.shape_cast %swap3A_1030 : vector<16xf32> to vector<16xf32>
          %swap3A_1032 = vector.shape_cast %mul3A_1026 : vector<16xf32> to vector<16xf32>
          tpu.vector_store %arg9[%swap3A_1029], %swap3A_1032 {strides = array<i32>} : memref<32768xf32, #tpu.memory_space<vmem>>, vector<16xf32>,
          %mul3A_1033 = arith.mulf %gather3A_1018, %select_n3A_487 : vector<16xf32>
          %add3A_1034 = arith.constant 16 : i32
          %add3A_1035 = arith.addi %add3A_1025, %add3A_1034 : i32
          %swap3A_1036 = arith.index_cast %add3A_1035 : i32 to index
          %swap3A_1037 = tpu.vector_load %arg9[%swap3A_1036] {strides = array<i32>} : memref<32768xf32, #tpu.memory_space<vmem>>, vector<16xf32>,
          %swap3A_1038 = vector.shape_cast %swap3A_1037 : vector<16xf32> to vector<16xf32>
          %swap3A_1039 = vector.shape_cast %mul3A_1033 : vector<16xf32> to vector<16xf32>
          tpu.vector_store %arg9[%swap3A_1036], %swap3A_1039 {strides = array<i32>} : memref<32768xf32, #tpu.memory_space<vmem>>, vector<16xf32>,
          %mul3A_1040 = arith.mulf %gather3A_1018, %select_n3A_502 : vector<16xf32>
          %add3A_1041 = arith.constant 32 : i32
          %add3A_1042 = arith.addi %add3A_1025, %add3A_1041 : i32
          %swap3A_1043 = arith.index_cast %add3A_1042 : i32 to index
          %swap3A_1044 = tpu.vector_load %arg9[%swap3A_1043] {strides = array<i32>} : memref<32768xf32, #tpu.memory_space<vmem>>, vector<16xf32>,
          %swap3A_1045 = vector.shape_cast %swap3A_1044 : vector<16xf32> to vector<16xf32>
          %swap3A_1046 = vector.shape_cast %mul3A_1040 : vector<16xf32> to vector<16xf32>
          tpu.vector_store %arg9[%swap3A_1043], %swap3A_1046 {strides = array<i32>} : memref<32768xf32, #tpu.memory_space<vmem>>, vector<16xf32>,
          %mul3A_1047 = arith.mulf %gather3A_1018, %select_n3A_517 : vector<16xf32>
          %add3A_1048 = arith.constant 48 : i32
          %add3A_1049 = arith.addi %add3A_1025, %add3A_1048 : i32
          %swap3A_1050 = arith.index_cast %add3A_1049 : i32 to index
          %swap3A_1051 = tpu.vector_load %arg9[%swap3A_1050] {strides = array<i32>} : memref<32768xf32, #tpu.memory_space<vmem>>, vector<16xf32>,
          %swap3A_1052 = vector.shape_cast %swap3A_1051 : vector<16xf32> to vector<16xf32>
          %swap3A_1053 = vector.shape_cast %mul3A_1047 : vector<16xf32> to vector<16xf32>
          tpu.vector_store %arg9[%swap3A_1050], %swap3A_1053 {strides = array<i32>} : memref<32768xf32, #tpu.memory_space<vmem>>, vector<16xf32>,
          %mul3A_1054 = arith.mulf %gather3A_1018, %select_n3A_532 : vector<16xf32>
          %add3A_1055 = arith.constant 64 : i32
          %add3A_1056 = arith.addi %add3A_1025, %add3A_1055 : i32
          %swap3A_1057 = arith.index_cast %add3A_1056 : i32 to index
          %swap3A_1058 = tpu.vector_load %arg9[%swap3A_1057] {strides = array<i32>} : memref<32768xf32, #tpu.memory_space<vmem>>, vector<16xf32>,
          %swap3A_1059 = vector.shape_cast %swap3A_1058 : vector<16xf32> to vector<16xf32>
          %swap3A_1060 = vector.shape_cast %mul3A_1054 : vector<16xf32> to vector<16xf32>
          tpu.vector_store %arg9[%swap3A_1057], %swap3A_1060 {strides = array<i32>} : memref<32768xf32, #tpu.memory_space<vmem>>, vector<16xf32>,
          %mul3A_1061 = arith.mulf %gather3A_1018, %select_n3A_547 : vector<16xf32>
          %add3A_1062 = arith.constant 80 : i32
          %add3A_1063 = arith.addi %add3A_1025, %add3A_1062 : i32
          %swap3A_1064 = arith.index_cast %add3A_1063 : i32 to index
          %swap3A_1065 = tpu.vector_load %arg9[%swap3A_1064] {strides = array<i32>} : memref<32768xf32, #tpu.memory_space<vmem>>, vector<16xf32>,
          %swap3A_1066 = vector.shape_cast %swap3A_1065 : vector<16xf32> to vector<16xf32>
          %swap3A_1067 = vector.shape_cast %mul3A_1061 : vector<16xf32> to vector<16xf32>
          tpu.vector_store %arg9[%swap3A_1064], %swap3A_1067 {strides = array<i32>} : memref<32768xf32, #tpu.memory_space<vmem>>, vector<16xf32>,
          %mul3A_1068 = arith.mulf %gather3A_1018, %select_n3A_562 : vector<16xf32>
          %add3A_1069 = arith.constant 96 : i32
          %add3A_1070 = arith.addi %add3A_1025, %add3A_1069 : i32
          %swap3A_1071 = arith.index_cast %add3A_1070 : i32 to index
          %swap3A_1072 = tpu.vector_load %arg9[%swap3A_1071] {strides = array<i32>} : memref<32768xf32, #tpu.memory_space<vmem>>, vector<16xf32>,
          %swap3A_1073 = vector.shape_cast %swap3A_1072 : vector<16xf32> to vector<16xf32>
          %swap3A_1074 = vector.shape_cast %mul3A_1068 : vector<16xf32> to vector<16xf32>
          tpu.vector_store %arg9[%swap3A_1071], %swap3A_1074 {strides = array<i32>} : memref<32768xf32, #tpu.memory_space<vmem>>, vector<16xf32>,
          %mul3A_1075 = arith.mulf %gather3A_1018, %select_n3A_577 : vector<16xf32>
          %add3A_1076 = arith.constant 112 : i32
          %add3A_1077 = arith.addi %add3A_1025, %add3A_1076 : i32
          %swap3A_1078 = arith.index_cast %add3A_1077 : i32 to index
          %swap3A_1079 = tpu.vector_load %arg9[%swap3A_1078] {strides = array<i32>} : memref<32768xf32, #tpu.memory_space<vmem>>, vector<16xf32>,
          %swap3A_1080 = vector.shape_cast %swap3A_1079 : vector<16xf32> to vector<16xf32>
          %swap3A_1081 = vector.shape_cast %mul3A_1075 : vector<16xf32> to vector<16xf32>
          tpu.vector_store %arg9[%swap3A_1078], %swap3A_1081 {strides = array<i32>} : memref<32768xf32, #tpu.memory_space<vmem>>, vector<16xf32>,
          %add3A_1082 = arith.constant 6 : i32
          %add3A_1083 = arith.addi %mul3A_627, %add3A_1082 : i32
          %broadcast_in_dim3A_1084 = vector.broadcast %add3A_1083 : i32 to vector<16xi32>
          %lt3A_1085 = arith.constant 0 : i32
          %lt3A_1086 = vector.broadcast %lt3A_1085 : i32 to vector<16xi32>
          %lt3A_1087 = arith.cmpi slt, %broadcast_in_dim3A_1084, %lt3A_1086 : vector<16xi32>
          %add3A_1088 = arith.constant 16 : i32
          %add3A_1089 = vector.broadcast %add3A_1088 : i32 to vector<16xi32>
          %add3A_1090 = arith.addi %broadcast_in_dim3A_1084, %add3A_1089 : vector<16xi32>
          %select_n3A_1091 = arith.select %lt3A_1087, %add3A_1090, %broadcast_in_dim3A_1084 : vector<16xi1>, vector<16xi32>
          %broadcast_in_dim3A_1092 = vector.shape_cast %select_n3A_1091 : vector<16xi32> to vector<16x1xi32>
          %gather3A_1093 = vector.shape_cast %broadcast_in_dim3A_1092 : vector<16x1xi32> to vector<16xi32>
          %gather3A_1094 = tpu.dynamic_gather %get3A_610[%gather3A_1093] in [0] : vector<16xf32>, vector<16xi32> -> vector<16xf32>
          %mul3A_1095 = arith.constant 4096 : i32
          %mul3A_1096 = arith.muli %scan3A_584, %mul3A_1095 : i32
          %mul3A_1097 = arith.constant 1024 : i32
          %mul3A_1098 = arith.muli %scan3A_461, %mul3A_1097 : i32
          %add3A_1099 = arith.addi %mul3A_1096, %mul3A_1098 : i32
          %add3A_1100 = arith.constant 768 : i32
          %add3A_1101 = arith.addi %add3A_1099, %add3A_1100 : i32
          %mul3A_1102 = arith.mulf %gather3A_1094, %select_n3A : vector<16xf32>
          %add3A_1103 = arith.constant 0 : i32
          %add3A_1104 = arith.addi %add3A_1101, %add3A_1103 : i32
          %swap3A_1105 = arith.index_cast %add3A_1104 : i32 to index
          %swap3A_1106 = tpu.vector_load %arg9[%swap3A_1105] {strides = array<i32>} : memref<32768xf32, #tpu.memory_space<vmem>>, vector<16xf32>,
          %swap3A_1107 = vector.shape_cast %swap3A_1106 : vector<16xf32> to vector<16xf32>
          %swap3A_1108 = vector.shape_cast %mul3A_1102 : vector<16xf32> to vector<16xf32>
          tpu.vector_store %arg9[%swap3A_1105], %swap3A_1108 {strides = array<i32>} : memref<32768xf32, #tpu.memory_space<vmem>>, vector<16xf32>,
          %mul3A_1109 = arith.mulf %gather3A_1094, %select_n3A_487 : vector<16xf32>
          %add3A_1110 = arith.constant 16 : i32
          %add3A_1111 = arith.addi %add3A_1101, %add3A_1110 : i32
          %swap3A_1112 = arith.index_cast %add3A_1111 : i32 to index
          %swap3A_1113 = tpu.vector_load %arg9[%swap3A_1112] {strides = array<i32>} : memref<32768xf32, #tpu.memory_space<vmem>>, vector<16xf32>,
          %swap3A_1114 = vector.shape_cast %swap3A_1113 : vector<16xf32> to vector<16xf32>
          %swap3A_1115 = vector.shape_cast %mul3A_1109 : vector<16xf32> to vector<16xf32>
          tpu.vector_store %arg9[%swap3A_1112], %swap3A_1115 {strides = array<i32>} : memref<32768xf32, #tpu.memory_space<vmem>>, vector<16xf32>,
          %mul3A_1116 = arith.mulf %gather3A_1094, %select_n3A_502 : vector<16xf32>
          %add3A_1117 = arith.constant 32 : i32
          %add3A_1118 = arith.addi %add3A_1101, %add3A_1117 : i32
          %swap3A_1119 = arith.index_cast %add3A_1118 : i32 to index
          %swap3A_1120 = tpu.vector_load %arg9[%swap3A_1119] {strides = array<i32>} : memref<32768xf32, #tpu.memory_space<vmem>>, vector<16xf32>,
          %swap3A_1121 = vector.shape_cast %swap3A_1120 : vector<16xf32> to vector<16xf32>
          %swap3A_1122 = vector.shape_cast %mul3A_1116 : vector<16xf32> to vector<16xf32>
          tpu.vector_store %arg9[%swap3A_1119], %swap3A_1122 {strides = array<i32>} : memref<32768xf32, #tpu.memory_space<vmem>>, vector<16xf32>,
          %mul3A_1123 = arith.mulf %gather3A_1094, %select_n3A_517 : vector<16xf32>
          %add3A_1124 = arith.constant 48 : i32
          %add3A_1125 = arith.addi %add3A_1101, %add3A_1124 : i32
          %swap3A_1126 = arith.index_cast %add3A_1125 : i32 to index
          %swap3A_1127 = tpu.vector_load %arg9[%swap3A_1126] {strides = array<i32>} : memref<32768xf32, #tpu.memory_space<vmem>>, vector<16xf32>,
          %swap3A_1128 = vector.shape_cast %swap3A_1127 : vector<16xf32> to vector<16xf32>
          %swap3A_1129 = vector.shape_cast %mul3A_1123 : vector<16xf32> to vector<16xf32>
          tpu.vector_store %arg9[%swap3A_1126], %swap3A_1129 {strides = array<i32>} : memref<32768xf32, #tpu.memory_space<vmem>>, vector<16xf32>,
          %mul3A_1130 = arith.mulf %gather3A_1094, %select_n3A_532 : vector<16xf32>
          %add3A_1131 = arith.constant 64 : i32
          %add3A_1132 = arith.addi %add3A_1101, %add3A_1131 : i32
          %swap3A_1133 = arith.index_cast %add3A_1132 : i32 to index
          %swap3A_1134 = tpu.vector_load %arg9[%swap3A_1133] {strides = array<i32>} : memref<32768xf32, #tpu.memory_space<vmem>>, vector<16xf32>,
          %swap3A_1135 = vector.shape_cast %swap3A_1134 : vector<16xf32> to vector<16xf32>
          %swap3A_1136 = vector.shape_cast %mul3A_1130 : vector<16xf32> to vector<16xf32>
          tpu.vector_store %arg9[%swap3A_1133], %swap3A_1136 {strides = array<i32>} : memref<32768xf32, #tpu.memory_space<vmem>>, vector<16xf32>,
          %mul3A_1137 = arith.mulf %gather3A_1094, %select_n3A_547 : vector<16xf32>
          %add3A_1138 = arith.constant 80 : i32
          %add3A_1139 = arith.addi %add3A_1101, %add3A_1138 : i32
          %swap3A_1140 = arith.index_cast %add3A_1139 : i32 to index
          %swap3A_1141 = tpu.vector_load %arg9[%swap3A_1140] {strides = array<i32>} : memref<32768xf32, #tpu.memory_space<vmem>>, vector<16xf32>,
          %swap3A_1142 = vector.shape_cast %swap3A_1141 : vector<16xf32> to vector<16xf32>
          %swap3A_1143 = vector.shape_cast %mul3A_1137 : vector<16xf32> to vector<16xf32>
          tpu.vector_store %arg9[%swap3A_1140], %swap3A_1143 {strides = array<i32>} : memref<32768xf32, #tpu.memory_space<vmem>>, vector<16xf32>,
          %mul3A_1144 = arith.mulf %gather3A_1094, %select_n3A_562 : vector<16xf32>
          %add3A_1145 = arith.constant 96 : i32
          %add3A_1146 = arith.addi %add3A_1101, %add3A_1145 : i32
          %swap3A_1147 = arith.index_cast %add3A_1146 : i32 to index
          %swap3A_1148 = tpu.vector_load %arg9[%swap3A_1147] {strides = array<i32>} : memref<32768xf32, #tpu.memory_space<vmem>>, vector<16xf32>,
          %swap3A_1149 = vector.shape_cast %swap3A_1148 : vector<16xf32> to vector<16xf32>
          %swap3A_1150 = vector.shape_cast %mul3A_1144 : vector<16xf32> to vector<16xf32>
          tpu.vector_store %arg9[%swap3A_1147], %swap3A_1150 {strides = array<i32>} : memref<32768xf32, #tpu.memory_space<vmem>>, vector<16xf32>,
          %mul3A_1151 = arith.mulf %gather3A_1094, %select_n3A_577 : vector<16xf32>
          %add3A_1152 = arith.constant 112 : i32
          %add3A_1153 = arith.addi %add3A_1101, %add3A_1152 : i32
          %swap3A_1154 = arith.index_cast %add3A_1153 : i32 to index
          %swap3A_1155 = tpu.vector_load %arg9[%swap3A_1154] {strides = array<i32>} : memref<32768xf32, #tpu.memory_space<vmem>>, vector<16xf32>,
          %swap3A_1156 = vector.shape_cast %swap3A_1155 : vector<16xf32> to vector<16xf32>
          %swap3A_1157 = vector.shape_cast %mul3A_1151 : vector<16xf32> to vector<16xf32>
          tpu.vector_store %arg9[%swap3A_1154], %swap3A_1157 {strides = array<i32>} : memref<32768xf32, #tpu.memory_space<vmem>>, vector<16xf32>,
          %add3A_1158 = arith.constant 7 : i32
          %add3A_1159 = arith.addi %mul3A_627, %add3A_1158 : i32
          %broadcast_in_dim3A_1160 = vector.broadcast %add3A_1159 : i32 to vector<16xi32>
          %lt3A_1161 = arith.constant 0 : i32
          %lt3A_1162 = vector.broadcast %lt3A_1161 : i32 to vector<16xi32>
          %lt3A_1163 = arith.cmpi slt, %broadcast_in_dim3A_1160, %lt3A_1162 : vector<16xi32>
          %add3A_1164 = arith.constant 16 : i32
          %add3A_1165 = vector.broadcast %add3A_1164 : i32 to vector<16xi32>
          %add3A_1166 = arith.addi %broadcast_in_dim3A_1160, %add3A_1165 : vector<16xi32>
          %select_n3A_1167 = arith.select %lt3A_1163, %add3A_1166, %broadcast_in_dim3A_1160 : vector<16xi1>, vector<16xi32>
          %broadcast_in_dim3A_1168 = vector.shape_cast %select_n3A_1167 : vector<16xi32> to vector<16x1xi32>
          %gather3A_1169 = vector.shape_cast %broadcast_in_dim3A_1168 : vector<16x1xi32> to vector<16xi32>
          %gather3A_1170 = tpu.dynamic_gather %get3A_610[%gather3A_1169] in [0] : vector<16xf32>, vector<16xi32> -> vector<16xf32>
          %mul3A_1171 = arith.constant 4096 : i32
          %mul3A_1172 = arith.muli %scan3A_584, %mul3A_1171 : i32
          %mul3A_1173 = arith.constant 1024 : i32
          %mul3A_1174 = arith.muli %scan3A_461, %mul3A_1173 : i32
          %add3A_1175 = arith.addi %mul3A_1172, %mul3A_1174 : i32
          %add3A_1176 = arith.constant 896 : i32
          %add3A_1177 = arith.addi %add3A_1175, %add3A_1176 : i32
          %mul3A_1178 = arith.mulf %gather3A_1170, %select_n3A : vector<16xf32>
          %add3A_1179 = arith.constant 0 : i32
          %add3A_1180 = arith.addi %add3A_1177, %add3A_1179 : i32
          %swap3A_1181 = arith.index_cast %add3A_1180 : i32 to index
          %swap3A_1182 = tpu.vector_load %arg9[%swap3A_1181] {strides = array<i32>} : memref<32768xf32, #tpu.memory_space<vmem>>, vector<16xf32>,
          %swap3A_1183 = vector.shape_cast %swap3A_1182 : vector<16xf32> to vector<16xf32>
          %swap3A_1184 = vector.shape_cast %mul3A_1178 : vector<16xf32> to vector<16xf32>
          tpu.vector_store %arg9[%swap3A_1181], %swap3A_1184 {strides = array<i32>} : memref<32768xf32, #tpu.memory_space<vmem>>, vector<16xf32>,
          %mul3A_1185 = arith.mulf %gather3A_1170, %select_n3A_487 : vector<16xf32>
          %add3A_1186 = arith.constant 16 : i32
          %add3A_1187 = arith.addi %add3A_1177, %add3A_1186 : i32
          %swap3A_1188 = arith.index_cast %add3A_1187 : i32 to index
          %swap3A_1189 = tpu.vector_load %arg9[%swap3A_1188] {strides = array<i32>} : memref<32768xf32, #tpu.memory_space<vmem>>, vector<16xf32>,
          %swap3A_1190 = vector.shape_cast %swap3A_1189 : vector<16xf32> to vector<16xf32>
          %swap3A_1191 = vector.shape_cast %mul3A_1185 : vector<16xf32> to vector<16xf32>
          tpu.vector_store %arg9[%swap3A_1188], %swap3A_1191 {strides = array<i32>} : memref<32768xf32, #tpu.memory_space<vmem>>, vector<16xf32>,
          %mul3A_1192 = arith.mulf %gather3A_1170, %select_n3A_502 : vector<16xf32>
          %add3A_1193 = arith.constant 32 : i32
          %add3A_1194 = arith.addi %add3A_1177, %add3A_1193 : i32
          %swap3A_1195 = arith.index_cast %add3A_1194 : i32 to index
          %swap3A_1196 = tpu.vector_load %arg9[%swap3A_1195] {strides = array<i32>} : memref<32768xf32, #tpu.memory_space<vmem>>, vector<16xf32>,
          %swap3A_1197 = vector.shape_cast %swap3A_1196 : vector<16xf32> to vector<16xf32>
          %swap3A_1198 = vector.shape_cast %mul3A_1192 : vector<16xf32> to vector<16xf32>
          tpu.vector_store %arg9[%swap3A_1195], %swap3A_1198 {strides = array<i32>} : memref<32768xf32, #tpu.memory_space<vmem>>, vector<16xf32>,
          %mul3A_1199 = arith.mulf %gather3A_1170, %select_n3A_517 : vector<16xf32>
          %add3A_1200 = arith.constant 48 : i32
          %add3A_1201 = arith.addi %add3A_1177, %add3A_1200 : i32
          %swap3A_1202 = arith.index_cast %add3A_1201 : i32 to index
          %swap3A_1203 = tpu.vector_load %arg9[%swap3A_1202] {strides = array<i32>} : memref<32768xf32, #tpu.memory_space<vmem>>, vector<16xf32>,
          %swap3A_1204 = vector.shape_cast %swap3A_1203 : vector<16xf32> to vector<16xf32>
          %swap3A_1205 = vector.shape_cast %mul3A_1199 : vector<16xf32> to vector<16xf32>
          tpu.vector_store %arg9[%swap3A_1202], %swap3A_1205 {strides = array<i32>} : memref<32768xf32, #tpu.memory_space<vmem>>, vector<16xf32>,
          %mul3A_1206 = arith.mulf %gather3A_1170, %select_n3A_532 : vector<16xf32>
          %add3A_1207 = arith.constant 64 : i32
          %add3A_1208 = arith.addi %add3A_1177, %add3A_1207 : i32
          %swap3A_1209 = arith.index_cast %add3A_1208 : i32 to index
          %swap3A_1210 = tpu.vector_load %arg9[%swap3A_1209] {strides = array<i32>} : memref<32768xf32, #tpu.memory_space<vmem>>, vector<16xf32>,
          %swap3A_1211 = vector.shape_cast %swap3A_1210 : vector<16xf32> to vector<16xf32>
          %swap3A_1212 = vector.shape_cast %mul3A_1206 : vector<16xf32> to vector<16xf32>
          tpu.vector_store %arg9[%swap3A_1209], %swap3A_1212 {strides = array<i32>} : memref<32768xf32, #tpu.memory_space<vmem>>, vector<16xf32>,
          %mul3A_1213 = arith.mulf %gather3A_1170, %select_n3A_547 : vector<16xf32>
          %add3A_1214 = arith.constant 80 : i32
          %add3A_1215 = arith.addi %add3A_1177, %add3A_1214 : i32
          %swap3A_1216 = arith.index_cast %add3A_1215 : i32 to index
          %swap3A_1217 = tpu.vector_load %arg9[%swap3A_1216] {strides = array<i32>} : memref<32768xf32, #tpu.memory_space<vmem>>, vector<16xf32>,
          %swap3A_1218 = vector.shape_cast %swap3A_1217 : vector<16xf32> to vector<16xf32>
          %swap3A_1219 = vector.shape_cast %mul3A_1213 : vector<16xf32> to vector<16xf32>
          tpu.vector_store %arg9[%swap3A_1216], %swap3A_1219 {strides = array<i32>} : memref<32768xf32, #tpu.memory_space<vmem>>, vector<16xf32>,
          %mul3A_1220 = arith.mulf %gather3A_1170, %select_n3A_562 : vector<16xf32>
          %add3A_1221 = arith.constant 96 : i32
          %add3A_1222 = arith.addi %add3A_1177, %add3A_1221 : i32
          %swap3A_1223 = arith.index_cast %add3A_1222 : i32 to index
          %swap3A_1224 = tpu.vector_load %arg9[%swap3A_1223] {strides = array<i32>} : memref<32768xf32, #tpu.memory_space<vmem>>, vector<16xf32>,
          %swap3A_1225 = vector.shape_cast %swap3A_1224 : vector<16xf32> to vector<16xf32>
          %swap3A_1226 = vector.shape_cast %mul3A_1220 : vector<16xf32> to vector<16xf32>
          tpu.vector_store %arg9[%swap3A_1223], %swap3A_1226 {strides = array<i32>} : memref<32768xf32, #tpu.memory_space<vmem>>, vector<16xf32>,
          %mul3A_1227 = arith.mulf %gather3A_1170, %select_n3A_577 : vector<16xf32>
          %add3A_1228 = arith.constant 112 : i32
          %add3A_1229 = arith.addi %add3A_1177, %add3A_1228 : i32
          %swap3A_1230 = arith.index_cast %add3A_1229 : i32 to index
          %swap3A_1231 = tpu.vector_load %arg9[%swap3A_1230] {strides = array<i32>} : memref<32768xf32, #tpu.memory_space<vmem>>, vector<16xf32>,
          %swap3A_1232 = vector.shape_cast %swap3A_1231 : vector<16xf32> to vector<16xf32>
          %swap3A_1233 = vector.shape_cast %mul3A_1227 : vector<16xf32> to vector<16xf32>
          tpu.vector_store %arg9[%swap3A_1230], %swap3A_1233 {strides = array<i32>} : memref<32768xf32, #tpu.memory_space<vmem>>, vector<16xf32>,
        }
        %scan3A_583 = arith.constant 8 : i32
      }
      %scan3A_204 = arith.constant 4 : i32
      %mul3A_205 = arith.constant 8 : i32
      %mul3A_206 = arith.muli %add3A_195, %mul3A_205 : i32
      %add3A_207 = arith.constant 0 : i32
      %add3A_208 = arith.addi %mul3A_206, %add3A_207 : i32
      %mul3A_209 = arith.constant 128 : i32
      %mul3A_210 = arith.muli %add3A_208, %mul3A_209 : i32
      %add3A_211 = arith.addi %mul3A_210, %mul3A_4 : i32
      %mul3A_212 = arith.constant 1024 : i32
      %mul3A_213 = arith.muli %add3A_211, %mul3A_212 : i32
      %dma_start3A_214 = arith.constant 0 : i32
      %dma_start3A_215 = tpu.memref_slice %arg9[%dma_start3A_214] : memref<32768xf32, #tpu.memory_space<vmem>> -> memref<4096xf32, #tpu.memory_space<vmem>>
      %dma_start3A_216 = tpu.memref_slice %arg4[%mul3A_213] : memref<51380224xf32, #tpu.memory_space<hbm>> -> memref<4096xf32, #tpu.memory_space<hbm>>
      %dma_start3A_217 = tpu.memref_slice %arg4[%mul3A_213] : memref<51380224xf32, #tpu.memory_space<hbm>> -> memref<4096xf32, #tpu.memory_space<hbm>>
      %dma_start3A_218 = arith.constant 0 : i32
      %dma_start3A_219 = tpu.memref_slice %arg9[%dma_start3A_218] : memref<32768xf32, #tpu.memory_space<vmem>> -> memref<4096xf32, #tpu.memory_space<vmem>>
      tpu.enqueue_dma source(%dma_start3A_219 : memref<4096xf32, #tpu.memory_space<vmem>>) target(%dma_start3A_217 : memref<4096xf32, #tpu.memory_space<hbm>>) target_semaphore(%arg11 : memref<!tpu.dma_semaphore, #tpu.memory_space<semaphore_mem>>)
      %mul3A_220 = arith.constant 8 : i32
      %mul3A_221 = arith.muli %add3A_195, %mul3A_220 : i32
      %add3A_222 = arith.constant 1 : i32
      %add3A_223 = arith.addi %mul3A_221, %add3A_222 : i32
      %mul3A_224 = arith.constant 128 : i32
      %mul3A_225 = arith.muli %add3A_223, %mul3A_224 : i32
      %add3A_226 = arith.addi %mul3A_225, %mul3A_4 : i32
      %mul3A_227 = arith.constant 1024 : i32
      %mul3A_228 = arith.muli %add3A_226, %mul3A_227 : i32
      %dma_start3A_229 = arith.constant 4096 : i32
      %dma_start3A_230 = tpu.memref_slice %arg9[%dma_start3A_229] : memref<32768xf32, #tpu.memory_space<vmem>> -> memref<4096xf32, #tpu.memory_space<vmem>>
      %dma_start3A_231 = tpu.memref_slice %arg4[%mul3A_228] : memref<51380224xf32, #tpu.memory_space<hbm>> -> memref<4096xf32, #tpu.memory_space<hbm>>
      %dma_start3A_232 = tpu.memref_slice %arg4[%mul3A_228] : memref<51380224xf32, #tpu.memory_space<hbm>> -> memref<4096xf32, #tpu.memory_space<hbm>>
      %dma_start3A_233 = arith.constant 4096 : i32
      %dma_start3A_234 = tpu.memref_slice %arg9[%dma_start3A_233] : memref<32768xf32, #tpu.memory_space<vmem>> -> memref<4096xf32, #tpu.memory_space<vmem>>
      tpu.enqueue_dma source(%dma_start3A_234 : memref<4096xf32, #tpu.memory_space<vmem>>) target(%dma_start3A_232 : memref<4096xf32, #tpu.memory_space<hbm>>) target_semaphore(%arg11 : memref<!tpu.dma_semaphore, #tpu.memory_space<semaphore_mem>>)
      %mul3A_235 = arith.constant 8 : i32
      %mul3A_236 = arith.muli %add3A_195, %mul3A_235 : i32
      %add3A_237 = arith.constant 2 : i32
      %add3A_238 = arith.addi %mul3A_236, %add3A_237 : i32
      %mul3A_239 = arith.constant 128 : i32
      %mul3A_240 = arith.muli %add3A_238, %mul3A_239 : i32
      %add3A_241 = arith.addi %mul3A_240, %mul3A_4 : i32
      %mul3A_242 = arith.constant 1024 : i32
      %mul3A_243 = arith.muli %add3A_241, %mul3A_242 : i32
      %dma_start3A_244 = arith.constant 8192 : i32
      %dma_start3A_245 = tpu.memref_slice %arg9[%dma_start3A_244] : memref<32768xf32, #tpu.memory_space<vmem>> -> memref<4096xf32, #tpu.memory_space<vmem>>
      %dma_start3A_246 = tpu.memref_slice %arg4[%mul3A_243] : memref<51380224xf32, #tpu.memory_space<hbm>> -> memref<4096xf32, #tpu.memory_space<hbm>>
      %dma_start3A_247 = tpu.memref_slice %arg4[%mul3A_243] : memref<51380224xf32, #tpu.memory_space<hbm>> -> memref<4096xf32, #tpu.memory_space<hbm>>
      %dma_start3A_248 = arith.constant 8192 : i32
      %dma_start3A_249 = tpu.memref_slice %arg9[%dma_start3A_248] : memref<32768xf32, #tpu.memory_space<vmem>> -> memref<4096xf32, #tpu.memory_space<vmem>>
      tpu.enqueue_dma source(%dma_start3A_249 : memref<4096xf32, #tpu.memory_space<vmem>>) target(%dma_start3A_247 : memref<4096xf32, #tpu.memory_space<hbm>>) target_semaphore(%arg11 : memref<!tpu.dma_semaphore, #tpu.memory_space<semaphore_mem>>)
      %mul3A_250 = arith.constant 8 : i32
      %mul3A_251 = arith.muli %add3A_195, %mul3A_250 : i32
      %add3A_252 = arith.constant 3 : i32
      %add3A_253 = arith.addi %mul3A_251, %add3A_252 : i32
      %mul3A_254 = arith.constant 128 : i32
      %mul3A_255 = arith.muli %add3A_253, %mul3A_254 : i32
      %add3A_256 = arith.addi %mul3A_255, %mul3A_4 : i32
      %mul3A_257 = arith.constant 1024 : i32
      %mul3A_258 = arith.muli %add3A_256, %mul3A_257 : i32
      %dma_start3A_259 = arith.constant 12288 : i32
      %dma_start3A_260 = tpu.memref_slice %arg9[%dma_start3A_259] : memref<32768xf32, #tpu.memory_space<vmem>> -> memref<4096xf32, #tpu.memory_space<vmem>>
      %dma_start3A_261 = tpu.memref_slice %arg4[%mul3A_258] : memref<51380224xf32, #tpu.memory_space<hbm>> -> memref<4096xf32, #tpu.memory_space<hbm>>
      %dma_start3A_262 = tpu.memref_slice %arg4[%mul3A_258] : memref<51380224xf32, #tpu.memory_space<hbm>> -> memref<4096xf32, #tpu.memory_space<hbm>>
      %dma_start3A_263 = arith.constant 12288 : i32
      %dma_start3A_264 = tpu.memref_slice %arg9[%dma_start3A_263] : memref<32768xf32, #tpu.memory_space<vmem>> -> memref<4096xf32, #tpu.memory_space<vmem>>
      tpu.enqueue_dma source(%dma_start3A_264 : memref<4096xf32, #tpu.memory_space<vmem>>) target(%dma_start3A_262 : memref<4096xf32, #tpu.memory_space<hbm>>) target_semaphore(%arg11 : memref<!tpu.dma_semaphore, #tpu.memory_space<semaphore_mem>>)
      %mul3A_265 = arith.constant 8 : i32
      %mul3A_266 = arith.muli %add3A_195, %mul3A_265 : i32
      %add3A_267 = arith.constant 4 : i32
      %add3A_268 = arith.addi %mul3A_266, %add3A_267 : i32
      %mul3A_269 = arith.constant 128 : i32
      %mul3A_270 = arith.muli %add3A_268, %mul3A_269 : i32
      %add3A_271 = arith.addi %mul3A_270, %mul3A_4 : i32
      %mul3A_272 = arith.constant 1024 : i32
      %mul3A_273 = arith.muli %add3A_271, %mul3A_272 : i32
      %dma_start3A_274 = arith.constant 16384 : i32
      %dma_start3A_275 = tpu.memref_slice %arg9[%dma_start3A_274] : memref<32768xf32, #tpu.memory_space<vmem>> -> memref<4096xf32, #tpu.memory_space<vmem>>
      %dma_start3A_276 = tpu.memref_slice %arg4[%mul3A_273] : memref<51380224xf32, #tpu.memory_space<hbm>> -> memref<4096xf32, #tpu.memory_space<hbm>>
      %dma_start3A_277 = tpu.memref_slice %arg4[%mul3A_273] : memref<51380224xf32, #tpu.memory_space<hbm>> -> memref<4096xf32, #tpu.memory_space<hbm>>
      %dma_start3A_278 = arith.constant 16384 : i32
      %dma_start3A_279 = tpu.memref_slice %arg9[%dma_start3A_278] : memref<32768xf32, #tpu.memory_space<vmem>> -> memref<4096xf32, #tpu.memory_space<vmem>>
      tpu.enqueue_dma source(%dma_start3A_279 : memref<4096xf32, #tpu.memory_space<vmem>>) target(%dma_start3A_277 : memref<4096xf32, #tpu.memory_space<hbm>>) target_semaphore(%arg11 : memref<!tpu.dma_semaphore, #tpu.memory_space<semaphore_mem>>)
      %mul3A_280 = arith.constant 8 : i32
      %mul3A_281 = arith.muli %add3A_195, %mul3A_280 : i32
      %add3A_282 = arith.constant 5 : i32
      %add3A_283 = arith.addi %mul3A_281, %add3A_282 : i32
      %mul3A_284 = arith.constant 128 : i32
      %mul3A_285 = arith.muli %add3A_283, %mul3A_284 : i32
      %add3A_286 = arith.addi %mul3A_285, %mul3A_4 : i32
      %mul3A_287 = arith.constant 1024 : i32
      %mul3A_288 = arith.muli %add3A_286, %mul3A_287 : i32
      %dma_start3A_289 = arith.constant 20480 : i32
      %dma_start3A_290 = tpu.memref_slice %arg9[%dma_start3A_289] : memref<32768xf32, #tpu.memory_space<vmem>> -> memref<4096xf32, #tpu.memory_space<vmem>>
      %dma_start3A_291 = tpu.memref_slice %arg4[%mul3A_288] : memref<51380224xf32, #tpu.memory_space<hbm>> -> memref<4096xf32, #tpu.memory_space<hbm>>
      %dma_start3A_292 = tpu.memref_slice %arg4[%mul3A_288] : memref<51380224xf32, #tpu.memory_space<hbm>> -> memref<4096xf32, #tpu.memory_space<hbm>>
      %dma_start3A_293 = arith.constant 20480 : i32
      %dma_start3A_294 = tpu.memref_slice %arg9[%dma_start3A_293] : memref<32768xf32, #tpu.memory_space<vmem>> -> memref<4096xf32, #tpu.memory_space<vmem>>
      tpu.enqueue_dma source(%dma_start3A_294 : memref<4096xf32, #tpu.memory_space<vmem>>) target(%dma_start3A_292 : memref<4096xf32, #tpu.memory_space<hbm>>) target_semaphore(%arg11 : memref<!tpu.dma_semaphore, #tpu.memory_space<semaphore_mem>>)
      %mul3A_295 = arith.constant 8 : i32
      %mul3A_296 = arith.muli %add3A_195, %mul3A_295 : i32
      %add3A_297 = arith.constant 6 : i32
      %add3A_298 = arith.addi %mul3A_296, %add3A_297 : i32
      %mul3A_299 = arith.constant 128 : i32
      %mul3A_300 = arith.muli %add3A_298, %mul3A_299 : i32
      %add3A_301 = arith.addi %mul3A_300, %mul3A_4 : i32
      %mul3A_302 = arith.constant 1024 : i32
      %mul3A_303 = arith.muli %add3A_301, %mul3A_302 : i32
      %dma_start3A_304 = arith.constant 24576 : i32
      %dma_start3A_305 = tpu.memref_slice %arg9[%dma_start3A_304] : memref<32768xf32, #tpu.memory_space<vmem>> -> memref<4096xf32, #tpu.memory_space<vmem>>
      %dma_start3A_306 = tpu.memref_slice %arg4[%mul3A_303] : memref<51380224xf32, #tpu.memory_space<hbm>> -> memref<4096xf32, #tpu.memory_space<hbm>>
      %dma_start3A_307 = tpu.memref_slice %arg4[%mul3A_303] : memref<51380224xf32, #tpu.memory_space<hbm>> -> memref<4096xf32, #tpu.memory_space<hbm>>
      %dma_start3A_308 = arith.constant 24576 : i32
      %dma_start3A_309 = tpu.memref_slice %arg9[%dma_start3A_308] : memref<32768xf32, #tpu.memory_space<vmem>> -> memref<4096xf32, #tpu.memory_space<vmem>>
      tpu.enqueue_dma source(%dma_start3A_309 : memref<4096xf32, #tpu.memory_space<vmem>>) target(%dma_start3A_307 : memref<4096xf32, #tpu.memory_space<hbm>>) target_semaphore(%arg11 : memref<!tpu.dma_semaphore, #tpu.memory_space<semaphore_mem>>)
      %mul3A_310 = arith.constant 8 : i32
      %mul3A_311 = arith.muli %add3A_195, %mul3A_310 : i32
      %add3A_312 = arith.constant 7 : i32
      %add3A_313 = arith.addi %mul3A_311, %add3A_312 : i32
      %mul3A_314 = arith.constant 128 : i32
      %mul3A_315 = arith.muli %add3A_313, %mul3A_314 : i32
      %add3A_316 = arith.addi %mul3A_315, %mul3A_4 : i32
      %mul3A_317 = arith.constant 1024 : i32
      %mul3A_318 = arith.muli %add3A_316, %mul3A_317 : i32
      %dma_start3A_319 = arith.constant 28672 : i32
      %dma_start3A_320 = tpu.memref_slice %arg9[%dma_start3A_319] : memref<32768xf32, #tpu.memory_space<vmem>> -> memref<4096xf32, #tpu.memory_space<vmem>>
      %dma_start3A_321 = tpu.memref_slice %arg4[%mul3A_318] : memref<51380224xf32, #tpu.memory_space<hbm>> -> memref<4096xf32, #tpu.memory_space<hbm>>
      %dma_start3A_322 = tpu.memref_slice %arg4[%mul3A_318] : memref<51380224xf32, #tpu.memory_space<hbm>> -> memref<4096xf32, #tpu.memory_space<hbm>>
      %dma_start3A_323 = arith.constant 28672 : i32
      %dma_start3A_324 = tpu.memref_slice %arg9[%dma_start3A_323] : memref<32768xf32, #tpu.memory_space<vmem>> -> memref<4096xf32, #tpu.memory_space<vmem>>
      tpu.enqueue_dma source(%dma_start3A_324 : memref<4096xf32, #tpu.memory_space<vmem>>) target(%dma_start3A_322 : memref<4096xf32, #tpu.memory_space<hbm>>) target_semaphore(%arg11 : memref<!tpu.dma_semaphore, #tpu.memory_space<semaphore_mem>>)
      %mul3A_325 = arith.constant 2 : i32
      %mul3A_326 = arith.muli %scan3A_191, %mul3A_325 : i32
      %add3A_327 = arith.constant 1 : i32
      %add3A_328 = arith.addi %mul3A_326, %add3A_327 : i32
      %gt3A_329 = arith.constant 0 : i32
      %gt3A_330 = arith.cmpi sgt, %scan3A_191, %gt3A_329 : i32
      %convert_element_type3A_331 = arith.extui %gt3A_330 : i1 to i32
      %cond3A_332 = arith.constant 0 : i32
      %cond3A_333 = arith.cmpi ne, %convert_element_type3A_331, %cond3A_332 : i32
      scf.if %cond3A_333 {
        %dma_wait3A_461 = arith.constant 0 : i32
        %dma_wait3A_462 = tpu.memref_slice %arg4[%dma_wait3A_461] : memref<51380224xf32, #tpu.memory_space<hbm>> -> memref<32768xf32, #tpu.memory_space<hbm>>
        %dma_wait3A_463 = arith.constant 0 : i32
        %dma_wait3A_464 = tpu.memref_slice %arg4[%dma_wait3A_463] : memref<51380224xf32, #tpu.memory_space<hbm>> -> memref<32768xf32, #tpu.memory_space<hbm>>
        tpu.wait_dma2 semaphore(%arg12 : memref<!tpu.dma_semaphore, #tpu.memory_space<semaphore_mem>>) src(%arg10 : memref<32768xf32, #tpu.memory_space<vmem>>) dst(%dma_wait3A_464 : memref<32768xf32, #tpu.memory_space<hbm>>)
      } else {
      }
      %broadcast_in_dim3A_334 = vector.broadcast %add3A_328 : i32 to vector<16xi32>
      %scan3A_335 = arith.constant 0 : i32
      %scan3A_336 = arith.constant 0 : i32
      %scan3A_337 = arith.constant 4 : i32
      %scan3A_338 = arith.addi %scan3A_336, %scan3A_337 : i32
      %scan3A_339 = arith.constant 1 : i32
      scf.for %scan3A_461 = %scan3A_336 to %scan3A_338 step %scan3A_339  : i32 {
        %mul3A_462 = arith.constant 8 : i32
        %mul3A_463 = arith.muli %scan3A_461, %mul3A_462 : i32
        %add3A_464 = arith.constant 0 : i32
        %add3A_465 = arith.addi %mul3A_463, %add3A_464 : i32
        %mul3A_466 = arith.constant 16 : i32
        %mul3A_467 = arith.muli %add3A_465, %mul3A_466 : i32
        %get3A = arith.index_cast %mul3A_467 : i32 to index
        %get3A_468 = tpu.vector_load %arg6[%get3A] {strides = array<i32>} : memref<512xi32, #tpu.memory_space<vmem>>, vector<16xi32>,
        %get3A_469 = vector.shape_cast %get3A_468 : vector<16xi32> to vector<16xi32>
        %lt3A = arith.cmpi slt, %broadcast_in_dim3A_334, %get3A_469 : vector<16xi32>
        %jit3A = arith.constant 1.000000e+00 : f32
        %jit3A_470 = arith.constant 0.000000e+00 : f32
        %broadcast_in_dim3A_471 = vector.broadcast %jit3A : f32 to vector<16xf32>
        %broadcast_in_dim3A_472 = vector.broadcast %jit3A_470 : f32 to vector<16xf32>
        %select_n3A = arith.select %lt3A, %broadcast_in_dim3A_471, %broadcast_in_dim3A_472 : vector<16xi1>, vector<16xf32>
        %mul3A_473 = arith.constant 8 : i32
        %mul3A_474 = arith.muli %scan3A_461, %mul3A_473 : i32
        %add3A_475 = arith.constant 1 : i32
        %add3A_476 = arith.addi %mul3A_474, %add3A_475 : i32
        %mul3A_477 = arith.constant 16 : i32
        %mul3A_478 = arith.muli %add3A_476, %mul3A_477 : i32
        %get3A_479 = arith.index_cast %mul3A_478 : i32 to index
        %get3A_480 = tpu.vector_load %arg6[%get3A_479] {strides = array<i32>} : memref<512xi32, #tpu.memory_space<vmem>>, vector<16xi32>,
        %get3A_481 = vector.shape_cast %get3A_480 : vector<16xi32> to vector<16xi32>
        %lt3A_482 = arith.cmpi slt, %broadcast_in_dim3A_334, %get3A_481 : vector<16xi32>
        %jit3A_483 = arith.constant 1.000000e+00 : f32
        %jit3A_484 = arith.constant 0.000000e+00 : f32
        %broadcast_in_dim3A_485 = vector.broadcast %jit3A_483 : f32 to vector<16xf32>
        %broadcast_in_dim3A_486 = vector.broadcast %jit3A_484 : f32 to vector<16xf32>
        %select_n3A_487 = arith.select %lt3A_482, %broadcast_in_dim3A_485, %broadcast_in_dim3A_486 : vector<16xi1>, vector<16xf32>
        %mul3A_488 = arith.constant 8 : i32
        %mul3A_489 = arith.muli %scan3A_461, %mul3A_488 : i32
        %add3A_490 = arith.constant 2 : i32
        %add3A_491 = arith.addi %mul3A_489, %add3A_490 : i32
        %mul3A_492 = arith.constant 16 : i32
        %mul3A_493 = arith.muli %add3A_491, %mul3A_492 : i32
        %get3A_494 = arith.index_cast %mul3A_493 : i32 to index
        %get3A_495 = tpu.vector_load %arg6[%get3A_494] {strides = array<i32>} : memref<512xi32, #tpu.memory_space<vmem>>, vector<16xi32>,
        %get3A_496 = vector.shape_cast %get3A_495 : vector<16xi32> to vector<16xi32>
        %lt3A_497 = arith.cmpi slt, %broadcast_in_dim3A_334, %get3A_496 : vector<16xi32>
        %jit3A_498 = arith.constant 1.000000e+00 : f32
        %jit3A_499 = arith.constant 0.000000e+00 : f32
        %broadcast_in_dim3A_500 = vector.broadcast %jit3A_498 : f32 to vector<16xf32>
        %broadcast_in_dim3A_501 = vector.broadcast %jit3A_499 : f32 to vector<16xf32>
        %select_n3A_502 = arith.select %lt3A_497, %broadcast_in_dim3A_500, %broadcast_in_dim3A_501 : vector<16xi1>, vector<16xf32>
        %mul3A_503 = arith.constant 8 : i32
        %mul3A_504 = arith.muli %scan3A_461, %mul3A_503 : i32
        %add3A_505 = arith.constant 3 : i32
        %add3A_506 = arith.addi %mul3A_504, %add3A_505 : i32
        %mul3A_507 = arith.constant 16 : i32
        %mul3A_508 = arith.muli %add3A_506, %mul3A_507 : i32
        %get3A_509 = arith.index_cast %mul3A_508 : i32 to index
        %get3A_510 = tpu.vector_load %arg6[%get3A_509] {strides = array<i32>} : memref<512xi32, #tpu.memory_space<vmem>>, vector<16xi32>,
        %get3A_511 = vector.shape_cast %get3A_510 : vector<16xi32> to vector<16xi32>
        %lt3A_512 = arith.cmpi slt, %broadcast_in_dim3A_334, %get3A_511 : vector<16xi32>
        %jit3A_513 = arith.constant 1.000000e+00 : f32
        %jit3A_514 = arith.constant 0.000000e+00 : f32
        %broadcast_in_dim3A_515 = vector.broadcast %jit3A_513 : f32 to vector<16xf32>
        %broadcast_in_dim3A_516 = vector.broadcast %jit3A_514 : f32 to vector<16xf32>
        %select_n3A_517 = arith.select %lt3A_512, %broadcast_in_dim3A_515, %broadcast_in_dim3A_516 : vector<16xi1>, vector<16xf32>
        %mul3A_518 = arith.constant 8 : i32
        %mul3A_519 = arith.muli %scan3A_461, %mul3A_518 : i32
        %add3A_520 = arith.constant 4 : i32
        %add3A_521 = arith.addi %mul3A_519, %add3A_520 : i32
        %mul3A_522 = arith.constant 16 : i32
        %mul3A_523 = arith.muli %add3A_521, %mul3A_522 : i32
        %get3A_524 = arith.index_cast %mul3A_523 : i32 to index
        %get3A_525 = tpu.vector_load %arg6[%get3A_524] {strides = array<i32>} : memref<512xi32, #tpu.memory_space<vmem>>, vector<16xi32>,
        %get3A_526 = vector.shape_cast %get3A_525 : vector<16xi32> to vector<16xi32>
        %lt3A_527 = arith.cmpi slt, %broadcast_in_dim3A_334, %get3A_526 : vector<16xi32>
        %jit3A_528 = arith.constant 1.000000e+00 : f32
        %jit3A_529 = arith.constant 0.000000e+00 : f32
        %broadcast_in_dim3A_530 = vector.broadcast %jit3A_528 : f32 to vector<16xf32>
        %broadcast_in_dim3A_531 = vector.broadcast %jit3A_529 : f32 to vector<16xf32>
        %select_n3A_532 = arith.select %lt3A_527, %broadcast_in_dim3A_530, %broadcast_in_dim3A_531 : vector<16xi1>, vector<16xf32>
        %mul3A_533 = arith.constant 8 : i32
        %mul3A_534 = arith.muli %scan3A_461, %mul3A_533 : i32
        %add3A_535 = arith.constant 5 : i32
        %add3A_536 = arith.addi %mul3A_534, %add3A_535 : i32
        %mul3A_537 = arith.constant 16 : i32
        %mul3A_538 = arith.muli %add3A_536, %mul3A_537 : i32
        %get3A_539 = arith.index_cast %mul3A_538 : i32 to index
        %get3A_540 = tpu.vector_load %arg6[%get3A_539] {strides = array<i32>} : memref<512xi32, #tpu.memory_space<vmem>>, vector<16xi32>,
        %get3A_541 = vector.shape_cast %get3A_540 : vector<16xi32> to vector<16xi32>
        %lt3A_542 = arith.cmpi slt, %broadcast_in_dim3A_334, %get3A_541 : vector<16xi32>
        %jit3A_543 = arith.constant 1.000000e+00 : f32
        %jit3A_544 = arith.constant 0.000000e+00 : f32
        %broadcast_in_dim3A_545 = vector.broadcast %jit3A_543 : f32 to vector<16xf32>
        %broadcast_in_dim3A_546 = vector.broadcast %jit3A_544 : f32 to vector<16xf32>
        %select_n3A_547 = arith.select %lt3A_542, %broadcast_in_dim3A_545, %broadcast_in_dim3A_546 : vector<16xi1>, vector<16xf32>
        %mul3A_548 = arith.constant 8 : i32
        %mul3A_549 = arith.muli %scan3A_461, %mul3A_548 : i32
        %add3A_550 = arith.constant 6 : i32
        %add3A_551 = arith.addi %mul3A_549, %add3A_550 : i32
        %mul3A_552 = arith.constant 16 : i32
        %mul3A_553 = arith.muli %add3A_551, %mul3A_552 : i32
        %get3A_554 = arith.index_cast %mul3A_553 : i32 to index
        %get3A_555 = tpu.vector_load %arg6[%get3A_554] {strides = array<i32>} : memref<512xi32, #tpu.memory_space<vmem>>, vector<16xi32>,
        %get3A_556 = vector.shape_cast %get3A_555 : vector<16xi32> to vector<16xi32>
        %lt3A_557 = arith.cmpi slt, %broadcast_in_dim3A_334, %get3A_556 : vector<16xi32>
        %jit3A_558 = arith.constant 1.000000e+00 : f32
        %jit3A_559 = arith.constant 0.000000e+00 : f32
        %broadcast_in_dim3A_560 = vector.broadcast %jit3A_558 : f32 to vector<16xf32>
        %broadcast_in_dim3A_561 = vector.broadcast %jit3A_559 : f32 to vector<16xf32>
        %select_n3A_562 = arith.select %lt3A_557, %broadcast_in_dim3A_560, %broadcast_in_dim3A_561 : vector<16xi1>, vector<16xf32>
        %mul3A_563 = arith.constant 8 : i32
        %mul3A_564 = arith.muli %scan3A_461, %mul3A_563 : i32
        %add3A_565 = arith.constant 7 : i32
        %add3A_566 = arith.addi %mul3A_564, %add3A_565 : i32
        %mul3A_567 = arith.constant 16 : i32
        %mul3A_568 = arith.muli %add3A_566, %mul3A_567 : i32
        %get3A_569 = arith.index_cast %mul3A_568 : i32 to index
        %get3A_570 = tpu.vector_load %arg6[%get3A_569] {strides = array<i32>} : memref<512xi32, #tpu.memory_space<vmem>>, vector<16xi32>,
        %get3A_571 = vector.shape_cast %get3A_570 : vector<16xi32> to vector<16xi32>
        %lt3A_572 = arith.cmpi slt, %broadcast_in_dim3A_334, %get3A_571 : vector<16xi32>
        %jit3A_573 = arith.constant 1.000000e+00 : f32
        %jit3A_574 = arith.constant 0.000000e+00 : f32
        %broadcast_in_dim3A_575 = vector.broadcast %jit3A_573 : f32 to vector<16xf32>
        %broadcast_in_dim3A_576 = vector.broadcast %jit3A_574 : f32 to vector<16xf32>
        %select_n3A_577 = arith.select %lt3A_572, %broadcast_in_dim3A_575, %broadcast_in_dim3A_576 : vector<16xi1>, vector<16xf32>
        %scan3A_578 = arith.constant 0 : i32
        %scan3A_579 = arith.constant 0 : i32
        %scan3A_580 = arith.constant 8 : i32
        %scan3A_581 = arith.addi %scan3A_579, %scan3A_580 : i32
        %scan3A_582 = arith.constant 1 : i32
        scf.for %scan3A_584 = %scan3A_579 to %scan3A_581 step %scan3A_582  : i32 {
          %mul3A_585 = arith.constant 64 : i32
          %mul3A_586 = arith.muli %add3A_328, %mul3A_585 : i32
          %jit3A_587 = arith.constant 2 : i32
          %div3A = arith.divsi %scan3A_584, %jit3A_587 : i32
          %sign3A = arith.constant 0 : i32
          %sign3A_588 = arith.cmpi sgt, %scan3A_584, %sign3A : i32
          %sign3A_589 = arith.extui %sign3A_588 : i1 to i32
          %sign3A_590 = arith.constant 0 : i32
          %sign3A_591 = arith.cmpi slt, %scan3A_584, %sign3A_590 : i32
          %sign3A_592 = arith.extui %sign3A_591 : i1 to i32
          %sign3A_593 = arith.subi %sign3A_589, %sign3A_592 : i32
          %sign3A_594 = arith.constant 0 : i32
          %sign3A_595 = arith.cmpi sgt, %jit3A_587, %sign3A_594 : i32
          %sign3A_596 = arith.extui %sign3A_595 : i1 to i32
          %sign3A_597 = arith.constant 0 : i32
          %sign3A_598 = arith.cmpi slt, %jit3A_587, %sign3A_597 : i32
          %sign3A_599 = arith.extui %sign3A_598 : i1 to i32
          %sign3A_600 = arith.subi %sign3A_596, %sign3A_599 : i32
          %ne3A = arith.cmpi ne, %sign3A_593, %sign3A_600 : i32
          %rem3A = arith.remsi %scan3A_584, %jit3A_587 : i32
          %ne3A_601 = arith.constant 0 : i32
          %ne3A_602 = arith.cmpi ne, %rem3A, %ne3A_601 : i32
          %and3A = arith.andi %ne3A, %ne3A_602 : i1
          %sub3A = arith.constant 1 : i32
          %sub3A_603 = arith.subi %div3A, %sub3A : i32
          %select_n3A_604 = arith.select %and3A, %sub3A_603, %div3A : i32
          %mul3A_605 = arith.constant 16 : i32
          %mul3A_606 = arith.muli %select_n3A_604, %mul3A_605 : i32
          %add3A_607 = arith.addi %mul3A_586, %mul3A_606 : i32
          %get3A_608 = arith.index_cast %add3A_607 : i32 to index
          %get3A_609 = tpu.vector_load %arg7[%get3A_608] {strides = array<i32>} : memref<3136xf32, #tpu.memory_space<vmem>>, vector<16xf32>,
          %get3A_610 = vector.shape_cast %get3A_609 : vector<16xf32> to vector<16xf32>
          %jit3A_611 = arith.constant 2 : i32
          %eq3A = arith.constant 0 : i32
          %eq3A_612 = arith.cmpi eq, %jit3A_611, %eq3A : i32
          %jit3A_613 = arith.constant 1 : i32
          %select_n3A_614 = arith.select %eq3A_612, %jit3A_613, %jit3A_611 : i32
          %rem3A_615 = arith.remsi %scan3A_584, %select_n3A_614 : i32
          %ne3A_616 = arith.constant 0 : i32
          %ne3A_617 = arith.cmpi ne, %rem3A_615, %ne3A_616 : i32
          %lt3A_618 = arith.constant 0 : i32
          %lt3A_619 = arith.cmpi slt, %rem3A_615, %lt3A_618 : i32
          %lt3A_620 = arith.constant 0 : i32
          %lt3A_621 = arith.cmpi slt, %select_n3A_614, %lt3A_620 : i32
          %ne3A_622 = arith.xori %lt3A_619, %lt3A_621 : i1
          %and3A_623 = arith.andi %ne3A_622, %ne3A_617 : i1
          %add3A_624 = arith.addi %rem3A_615, %select_n3A_614 : i32
          %select_n3A_625 = arith.select %and3A_623, %add3A_624, %rem3A_615 : i32
          %mul3A_626 = arith.constant 8 : i32
          %mul3A_627 = arith.muli %select_n3A_625, %mul3A_626 : i32
          %add3A_628 = arith.constant 0 : i32
          %add3A_629 = arith.addi %mul3A_627, %add3A_628 : i32
          %broadcast_in_dim3A_630 = vector.broadcast %add3A_629 : i32 to vector<16xi32>
          %lt3A_631 = arith.constant 0 : i32
          %lt3A_632 = vector.broadcast %lt3A_631 : i32 to vector<16xi32>
          %lt3A_633 = arith.cmpi slt, %broadcast_in_dim3A_630, %lt3A_632 : vector<16xi32>
          %add3A_634 = arith.constant 16 : i32
          %add3A_635 = vector.broadcast %add3A_634 : i32 to vector<16xi32>
          %add3A_636 = arith.addi %broadcast_in_dim3A_630, %add3A_635 : vector<16xi32>
          %select_n3A_637 = arith.select %lt3A_633, %add3A_636, %broadcast_in_dim3A_630 : vector<16xi1>, vector<16xi32>
          %broadcast_in_dim3A_638 = vector.shape_cast %select_n3A_637 : vector<16xi32> to vector<16x1xi32>
          %gather3A = vector.shape_cast %broadcast_in_dim3A_638 : vector<16x1xi32> to vector<16xi32>
          %gather3A_639 = tpu.dynamic_gather %get3A_610[%gather3A] in [0] : vector<16xf32>, vector<16xi32> -> vector<16xf32>
          %mul3A_640 = arith.constant 4096 : i32
          %mul3A_641 = arith.muli %scan3A_584, %mul3A_640 : i32
          %mul3A_642 = arith.constant 1024 : i32
          %mul3A_643 = arith.muli %scan3A_461, %mul3A_642 : i32
          %add3A_644 = arith.addi %mul3A_641, %mul3A_643 : i32
          %add3A_645 = arith.constant 0 : i32
          %add3A_646 = arith.addi %add3A_644, %add3A_645 : i32
          %mul3A_647 = arith.mulf %gather3A_639, %select_n3A : vector<16xf32>
          %add3A_648 = arith.constant 0 : i32
          %add3A_649 = arith.addi %add3A_646, %add3A_648 : i32
          %swap3A = arith.index_cast %add3A_649 : i32 to index
          %swap3A_650 = tpu.vector_load %arg10[%swap3A] {strides = array<i32>} : memref<32768xf32, #tpu.memory_space<vmem>>, vector<16xf32>,
          %swap3A_651 = vector.shape_cast %swap3A_650 : vector<16xf32> to vector<16xf32>
          %swap3A_652 = vector.shape_cast %mul3A_647 : vector<16xf32> to vector<16xf32>
          tpu.vector_store %arg10[%swap3A], %swap3A_652 {strides = array<i32>} : memref<32768xf32, #tpu.memory_space<vmem>>, vector<16xf32>,
          %mul3A_653 = arith.mulf %gather3A_639, %select_n3A_487 : vector<16xf32>
          %add3A_654 = arith.constant 16 : i32
          %add3A_655 = arith.addi %add3A_646, %add3A_654 : i32
          %swap3A_656 = arith.index_cast %add3A_655 : i32 to index
          %swap3A_657 = tpu.vector_load %arg10[%swap3A_656] {strides = array<i32>} : memref<32768xf32, #tpu.memory_space<vmem>>, vector<16xf32>,
          %swap3A_658 = vector.shape_cast %swap3A_657 : vector<16xf32> to vector<16xf32>
          %swap3A_659 = vector.shape_cast %mul3A_653 : vector<16xf32> to vector<16xf32>
          tpu.vector_store %arg10[%swap3A_656], %swap3A_659 {strides = array<i32>} : memref<32768xf32, #tpu.memory_space<vmem>>, vector<16xf32>,
          %mul3A_660 = arith.mulf %gather3A_639, %select_n3A_502 : vector<16xf32>
          %add3A_661 = arith.constant 32 : i32
          %add3A_662 = arith.addi %add3A_646, %add3A_661 : i32
          %swap3A_663 = arith.index_cast %add3A_662 : i32 to index
          %swap3A_664 = tpu.vector_load %arg10[%swap3A_663] {strides = array<i32>} : memref<32768xf32, #tpu.memory_space<vmem>>, vector<16xf32>,
          %swap3A_665 = vector.shape_cast %swap3A_664 : vector<16xf32> to vector<16xf32>
          %swap3A_666 = vector.shape_cast %mul3A_660 : vector<16xf32> to vector<16xf32>
          tpu.vector_store %arg10[%swap3A_663], %swap3A_666 {strides = array<i32>} : memref<32768xf32, #tpu.memory_space<vmem>>, vector<16xf32>,
          %mul3A_667 = arith.mulf %gather3A_639, %select_n3A_517 : vector<16xf32>
          %add3A_668 = arith.constant 48 : i32
          %add3A_669 = arith.addi %add3A_646, %add3A_668 : i32
          %swap3A_670 = arith.index_cast %add3A_669 : i32 to index
          %swap3A_671 = tpu.vector_load %arg10[%swap3A_670] {strides = array<i32>} : memref<32768xf32, #tpu.memory_space<vmem>>, vector<16xf32>,
          %swap3A_672 = vector.shape_cast %swap3A_671 : vector<16xf32> to vector<16xf32>
          %swap3A_673 = vector.shape_cast %mul3A_667 : vector<16xf32> to vector<16xf32>
          tpu.vector_store %arg10[%swap3A_670], %swap3A_673 {strides = array<i32>} : memref<32768xf32, #tpu.memory_space<vmem>>, vector<16xf32>,
          %mul3A_674 = arith.mulf %gather3A_639, %select_n3A_532 : vector<16xf32>
          %add3A_675 = arith.constant 64 : i32
          %add3A_676 = arith.addi %add3A_646, %add3A_675 : i32
          %swap3A_677 = arith.index_cast %add3A_676 : i32 to index
          %swap3A_678 = tpu.vector_load %arg10[%swap3A_677] {strides = array<i32>} : memref<32768xf32, #tpu.memory_space<vmem>>, vector<16xf32>,
          %swap3A_679 = vector.shape_cast %swap3A_678 : vector<16xf32> to vector<16xf32>
          %swap3A_680 = vector.shape_cast %mul3A_674 : vector<16xf32> to vector<16xf32>
          tpu.vector_store %arg10[%swap3A_677], %swap3A_680 {strides = array<i32>} : memref<32768xf32, #tpu.memory_space<vmem>>, vector<16xf32>,
          %mul3A_681 = arith.mulf %gather3A_639, %select_n3A_547 : vector<16xf32>
          %add3A_682 = arith.constant 80 : i32
          %add3A_683 = arith.addi %add3A_646, %add3A_682 : i32
          %swap3A_684 = arith.index_cast %add3A_683 : i32 to index
          %swap3A_685 = tpu.vector_load %arg10[%swap3A_684] {strides = array<i32>} : memref<32768xf32, #tpu.memory_space<vmem>>, vector<16xf32>,
          %swap3A_686 = vector.shape_cast %swap3A_685 : vector<16xf32> to vector<16xf32>
          %swap3A_687 = vector.shape_cast %mul3A_681 : vector<16xf32> to vector<16xf32>
          tpu.vector_store %arg10[%swap3A_684], %swap3A_687 {strides = array<i32>} : memref<32768xf32, #tpu.memory_space<vmem>>, vector<16xf32>,
          %mul3A_688 = arith.mulf %gather3A_639, %select_n3A_562 : vector<16xf32>
          %add3A_689 = arith.constant 96 : i32
          %add3A_690 = arith.addi %add3A_646, %add3A_689 : i32
          %swap3A_691 = arith.index_cast %add3A_690 : i32 to index
          %swap3A_692 = tpu.vector_load %arg10[%swap3A_691] {strides = array<i32>} : memref<32768xf32, #tpu.memory_space<vmem>>, vector<16xf32>,
          %swap3A_693 = vector.shape_cast %swap3A_692 : vector<16xf32> to vector<16xf32>
          %swap3A_694 = vector.shape_cast %mul3A_688 : vector<16xf32> to vector<16xf32>
          tpu.vector_store %arg10[%swap3A_691], %swap3A_694 {strides = array<i32>} : memref<32768xf32, #tpu.memory_space<vmem>>, vector<16xf32>,
          %mul3A_695 = arith.mulf %gather3A_639, %select_n3A_577 : vector<16xf32>
          %add3A_696 = arith.constant 112 : i32
          %add3A_697 = arith.addi %add3A_646, %add3A_696 : i32
          %swap3A_698 = arith.index_cast %add3A_697 : i32 to index
          %swap3A_699 = tpu.vector_load %arg10[%swap3A_698] {strides = array<i32>} : memref<32768xf32, #tpu.memory_space<vmem>>, vector<16xf32>,
          %swap3A_700 = vector.shape_cast %swap3A_699 : vector<16xf32> to vector<16xf32>
          %swap3A_701 = vector.shape_cast %mul3A_695 : vector<16xf32> to vector<16xf32>
          tpu.vector_store %arg10[%swap3A_698], %swap3A_701 {strides = array<i32>} : memref<32768xf32, #tpu.memory_space<vmem>>, vector<16xf32>,
          %add3A_702 = arith.constant 1 : i32
          %add3A_703 = arith.addi %mul3A_627, %add3A_702 : i32
          %broadcast_in_dim3A_704 = vector.broadcast %add3A_703 : i32 to vector<16xi32>
          %lt3A_705 = arith.constant 0 : i32
          %lt3A_706 = vector.broadcast %lt3A_705 : i32 to vector<16xi32>
          %lt3A_707 = arith.cmpi slt, %broadcast_in_dim3A_704, %lt3A_706 : vector<16xi32>
          %add3A_708 = arith.constant 16 : i32
          %add3A_709 = vector.broadcast %add3A_708 : i32 to vector<16xi32>
          %add3A_710 = arith.addi %broadcast_in_dim3A_704, %add3A_709 : vector<16xi32>
          %select_n3A_711 = arith.select %lt3A_707, %add3A_710, %broadcast_in_dim3A_704 : vector<16xi1>, vector<16xi32>
          %broadcast_in_dim3A_712 = vector.shape_cast %select_n3A_711 : vector<16xi32> to vector<16x1xi32>
          %gather3A_713 = vector.shape_cast %broadcast_in_dim3A_712 : vector<16x1xi32> to vector<16xi32>
          %gather3A_714 = tpu.dynamic_gather %get3A_610[%gather3A_713] in [0] : vector<16xf32>, vector<16xi32> -> vector<16xf32>
          %mul3A_715 = arith.constant 4096 : i32
          %mul3A_716 = arith.muli %scan3A_584, %mul3A_715 : i32
          %mul3A_717 = arith.constant 1024 : i32
          %mul3A_718 = arith.muli %scan3A_461, %mul3A_717 : i32
          %add3A_719 = arith.addi %mul3A_716, %mul3A_718 : i32
          %add3A_720 = arith.constant 128 : i32
          %add3A_721 = arith.addi %add3A_719, %add3A_720 : i32
          %mul3A_722 = arith.mulf %gather3A_714, %select_n3A : vector<16xf32>
          %add3A_723 = arith.constant 0 : i32
          %add3A_724 = arith.addi %add3A_721, %add3A_723 : i32
          %swap3A_725 = arith.index_cast %add3A_724 : i32 to index
          %swap3A_726 = tpu.vector_load %arg10[%swap3A_725] {strides = array<i32>} : memref<32768xf32, #tpu.memory_space<vmem>>, vector<16xf32>,
          %swap3A_727 = vector.shape_cast %swap3A_726 : vector<16xf32> to vector<16xf32>
          %swap3A_728 = vector.shape_cast %mul3A_722 : vector<16xf32> to vector<16xf32>
          tpu.vector_store %arg10[%swap3A_725], %swap3A_728 {strides = array<i32>} : memref<32768xf32, #tpu.memory_space<vmem>>, vector<16xf32>,
          %mul3A_729 = arith.mulf %gather3A_714, %select_n3A_487 : vector<16xf32>
          %add3A_730 = arith.constant 16 : i32
          %add3A_731 = arith.addi %add3A_721, %add3A_730 : i32
          %swap3A_732 = arith.index_cast %add3A_731 : i32 to index
          %swap3A_733 = tpu.vector_load %arg10[%swap3A_732] {strides = array<i32>} : memref<32768xf32, #tpu.memory_space<vmem>>, vector<16xf32>,
          %swap3A_734 = vector.shape_cast %swap3A_733 : vector<16xf32> to vector<16xf32>
          %swap3A_735 = vector.shape_cast %mul3A_729 : vector<16xf32> to vector<16xf32>
          tpu.vector_store %arg10[%swap3A_732], %swap3A_735 {strides = array<i32>} : memref<32768xf32, #tpu.memory_space<vmem>>, vector<16xf32>,
          %mul3A_736 = arith.mulf %gather3A_714, %select_n3A_502 : vector<16xf32>
          %add3A_737 = arith.constant 32 : i32
          %add3A_738 = arith.addi %add3A_721, %add3A_737 : i32
          %swap3A_739 = arith.index_cast %add3A_738 : i32 to index
          %swap3A_740 = tpu.vector_load %arg10[%swap3A_739] {strides = array<i32>} : memref<32768xf32, #tpu.memory_space<vmem>>, vector<16xf32>,
          %swap3A_741 = vector.shape_cast %swap3A_740 : vector<16xf32> to vector<16xf32>
          %swap3A_742 = vector.shape_cast %mul3A_736 : vector<16xf32> to vector<16xf32>
          tpu.vector_store %arg10[%swap3A_739], %swap3A_742 {strides = array<i32>} : memref<32768xf32, #tpu.memory_space<vmem>>, vector<16xf32>,
          %mul3A_743 = arith.mulf %gather3A_714, %select_n3A_517 : vector<16xf32>
          %add3A_744 = arith.constant 48 : i32
          %add3A_745 = arith.addi %add3A_721, %add3A_744 : i32
          %swap3A_746 = arith.index_cast %add3A_745 : i32 to index
          %swap3A_747 = tpu.vector_load %arg10[%swap3A_746] {strides = array<i32>} : memref<32768xf32, #tpu.memory_space<vmem>>, vector<16xf32>,
          %swap3A_748 = vector.shape_cast %swap3A_747 : vector<16xf32> to vector<16xf32>
          %swap3A_749 = vector.shape_cast %mul3A_743 : vector<16xf32> to vector<16xf32>
          tpu.vector_store %arg10[%swap3A_746], %swap3A_749 {strides = array<i32>} : memref<32768xf32, #tpu.memory_space<vmem>>, vector<16xf32>,
          %mul3A_750 = arith.mulf %gather3A_714, %select_n3A_532 : vector<16xf32>
          %add3A_751 = arith.constant 64 : i32
          %add3A_752 = arith.addi %add3A_721, %add3A_751 : i32
          %swap3A_753 = arith.index_cast %add3A_752 : i32 to index
          %swap3A_754 = tpu.vector_load %arg10[%swap3A_753] {strides = array<i32>} : memref<32768xf32, #tpu.memory_space<vmem>>, vector<16xf32>,
          %swap3A_755 = vector.shape_cast %swap3A_754 : vector<16xf32> to vector<16xf32>
          %swap3A_756 = vector.shape_cast %mul3A_750 : vector<16xf32> to vector<16xf32>
          tpu.vector_store %arg10[%swap3A_753], %swap3A_756 {strides = array<i32>} : memref<32768xf32, #tpu.memory_space<vmem>>, vector<16xf32>,
          %mul3A_757 = arith.mulf %gather3A_714, %select_n3A_547 : vector<16xf32>
          %add3A_758 = arith.constant 80 : i32
          %add3A_759 = arith.addi %add3A_721, %add3A_758 : i32
          %swap3A_760 = arith.index_cast %add3A_759 : i32 to index
          %swap3A_761 = tpu.vector_load %arg10[%swap3A_760] {strides = array<i32>} : memref<32768xf32, #tpu.memory_space<vmem>>, vector<16xf32>,
          %swap3A_762 = vector.shape_cast %swap3A_761 : vector<16xf32> to vector<16xf32>
          %swap3A_763 = vector.shape_cast %mul3A_757 : vector<16xf32> to vector<16xf32>
          tpu.vector_store %arg10[%swap3A_760], %swap3A_763 {strides = array<i32>} : memref<32768xf32, #tpu.memory_space<vmem>>, vector<16xf32>,
          %mul3A_764 = arith.mulf %gather3A_714, %select_n3A_562 : vector<16xf32>
          %add3A_765 = arith.constant 96 : i32
          %add3A_766 = arith.addi %add3A_721, %add3A_765 : i32
          %swap3A_767 = arith.index_cast %add3A_766 : i32 to index
          %swap3A_768 = tpu.vector_load %arg10[%swap3A_767] {strides = array<i32>} : memref<32768xf32, #tpu.memory_space<vmem>>, vector<16xf32>,
          %swap3A_769 = vector.shape_cast %swap3A_768 : vector<16xf32> to vector<16xf32>
          %swap3A_770 = vector.shape_cast %mul3A_764 : vector<16xf32> to vector<16xf32>
          tpu.vector_store %arg10[%swap3A_767], %swap3A_770 {strides = array<i32>} : memref<32768xf32, #tpu.memory_space<vmem>>, vector<16xf32>,
          %mul3A_771 = arith.mulf %gather3A_714, %select_n3A_577 : vector<16xf32>
          %add3A_772 = arith.constant 112 : i32
          %add3A_773 = arith.addi %add3A_721, %add3A_772 : i32
          %swap3A_774 = arith.index_cast %add3A_773 : i32 to index
          %swap3A_775 = tpu.vector_load %arg10[%swap3A_774] {strides = array<i32>} : memref<32768xf32, #tpu.memory_space<vmem>>, vector<16xf32>,
          %swap3A_776 = vector.shape_cast %swap3A_775 : vector<16xf32> to vector<16xf32>
          %swap3A_777 = vector.shape_cast %mul3A_771 : vector<16xf32> to vector<16xf32>
          tpu.vector_store %arg10[%swap3A_774], %swap3A_777 {strides = array<i32>} : memref<32768xf32, #tpu.memory_space<vmem>>, vector<16xf32>,
          %add3A_778 = arith.constant 2 : i32
          %add3A_779 = arith.addi %mul3A_627, %add3A_778 : i32
          %broadcast_in_dim3A_780 = vector.broadcast %add3A_779 : i32 to vector<16xi32>
          %lt3A_781 = arith.constant 0 : i32
          %lt3A_782 = vector.broadcast %lt3A_781 : i32 to vector<16xi32>
          %lt3A_783 = arith.cmpi slt, %broadcast_in_dim3A_780, %lt3A_782 : vector<16xi32>
          %add3A_784 = arith.constant 16 : i32
          %add3A_785 = vector.broadcast %add3A_784 : i32 to vector<16xi32>
          %add3A_786 = arith.addi %broadcast_in_dim3A_780, %add3A_785 : vector<16xi32>
          %select_n3A_787 = arith.select %lt3A_783, %add3A_786, %broadcast_in_dim3A_780 : vector<16xi1>, vector<16xi32>
          %broadcast_in_dim3A_788 = vector.shape_cast %select_n3A_787 : vector<16xi32> to vector<16x1xi32>
          %gather3A_789 = vector.shape_cast %broadcast_in_dim3A_788 : vector<16x1xi32> to vector<16xi32>
          %gather3A_790 = tpu.dynamic_gather %get3A_610[%gather3A_789] in [0] : vector<16xf32>, vector<16xi32> -> vector<16xf32>
          %mul3A_791 = arith.constant 4096 : i32
          %mul3A_792 = arith.muli %scan3A_584, %mul3A_791 : i32
          %mul3A_793 = arith.constant 1024 : i32
          %mul3A_794 = arith.muli %scan3A_461, %mul3A_793 : i32
          %add3A_795 = arith.addi %mul3A_792, %mul3A_794 : i32
          %add3A_796 = arith.constant 256 : i32
          %add3A_797 = arith.addi %add3A_795, %add3A_796 : i32
          %mul3A_798 = arith.mulf %gather3A_790, %select_n3A : vector<16xf32>
          %add3A_799 = arith.constant 0 : i32
          %add3A_800 = arith.addi %add3A_797, %add3A_799 : i32
          %swap3A_801 = arith.index_cast %add3A_800 : i32 to index
          %swap3A_802 = tpu.vector_load %arg10[%swap3A_801] {strides = array<i32>} : memref<32768xf32, #tpu.memory_space<vmem>>, vector<16xf32>,
          %swap3A_803 = vector.shape_cast %swap3A_802 : vector<16xf32> to vector<16xf32>
          %swap3A_804 = vector.shape_cast %mul3A_798 : vector<16xf32> to vector<16xf32>
          tpu.vector_store %arg10[%swap3A_801], %swap3A_804 {strides = array<i32>} : memref<32768xf32, #tpu.memory_space<vmem>>, vector<16xf32>,
          %mul3A_805 = arith.mulf %gather3A_790, %select_n3A_487 : vector<16xf32>
          %add3A_806 = arith.constant 16 : i32
          %add3A_807 = arith.addi %add3A_797, %add3A_806 : i32
          %swap3A_808 = arith.index_cast %add3A_807 : i32 to index
          %swap3A_809 = tpu.vector_load %arg10[%swap3A_808] {strides = array<i32>} : memref<32768xf32, #tpu.memory_space<vmem>>, vector<16xf32>,
          %swap3A_810 = vector.shape_cast %swap3A_809 : vector<16xf32> to vector<16xf32>
          %swap3A_811 = vector.shape_cast %mul3A_805 : vector<16xf32> to vector<16xf32>
          tpu.vector_store %arg10[%swap3A_808], %swap3A_811 {strides = array<i32>} : memref<32768xf32, #tpu.memory_space<vmem>>, vector<16xf32>,
          %mul3A_812 = arith.mulf %gather3A_790, %select_n3A_502 : vector<16xf32>
          %add3A_813 = arith.constant 32 : i32
          %add3A_814 = arith.addi %add3A_797, %add3A_813 : i32
          %swap3A_815 = arith.index_cast %add3A_814 : i32 to index
          %swap3A_816 = tpu.vector_load %arg10[%swap3A_815] {strides = array<i32>} : memref<32768xf32, #tpu.memory_space<vmem>>, vector<16xf32>,
          %swap3A_817 = vector.shape_cast %swap3A_816 : vector<16xf32> to vector<16xf32>
          %swap3A_818 = vector.shape_cast %mul3A_812 : vector<16xf32> to vector<16xf32>
          tpu.vector_store %arg10[%swap3A_815], %swap3A_818 {strides = array<i32>} : memref<32768xf32, #tpu.memory_space<vmem>>, vector<16xf32>,
          %mul3A_819 = arith.mulf %gather3A_790, %select_n3A_517 : vector<16xf32>
          %add3A_820 = arith.constant 48 : i32
          %add3A_821 = arith.addi %add3A_797, %add3A_820 : i32
          %swap3A_822 = arith.index_cast %add3A_821 : i32 to index
          %swap3A_823 = tpu.vector_load %arg10[%swap3A_822] {strides = array<i32>} : memref<32768xf32, #tpu.memory_space<vmem>>, vector<16xf32>,
          %swap3A_824 = vector.shape_cast %swap3A_823 : vector<16xf32> to vector<16xf32>
          %swap3A_825 = vector.shape_cast %mul3A_819 : vector<16xf32> to vector<16xf32>
          tpu.vector_store %arg10[%swap3A_822], %swap3A_825 {strides = array<i32>} : memref<32768xf32, #tpu.memory_space<vmem>>, vector<16xf32>,
          %mul3A_826 = arith.mulf %gather3A_790, %select_n3A_532 : vector<16xf32>
          %add3A_827 = arith.constant 64 : i32
          %add3A_828 = arith.addi %add3A_797, %add3A_827 : i32
          %swap3A_829 = arith.index_cast %add3A_828 : i32 to index
          %swap3A_830 = tpu.vector_load %arg10[%swap3A_829] {strides = array<i32>} : memref<32768xf32, #tpu.memory_space<vmem>>, vector<16xf32>,
          %swap3A_831 = vector.shape_cast %swap3A_830 : vector<16xf32> to vector<16xf32>
          %swap3A_832 = vector.shape_cast %mul3A_826 : vector<16xf32> to vector<16xf32>
          tpu.vector_store %arg10[%swap3A_829], %swap3A_832 {strides = array<i32>} : memref<32768xf32, #tpu.memory_space<vmem>>, vector<16xf32>,
          %mul3A_833 = arith.mulf %gather3A_790, %select_n3A_547 : vector<16xf32>
          %add3A_834 = arith.constant 80 : i32
          %add3A_835 = arith.addi %add3A_797, %add3A_834 : i32
          %swap3A_836 = arith.index_cast %add3A_835 : i32 to index
          %swap3A_837 = tpu.vector_load %arg10[%swap3A_836] {strides = array<i32>} : memref<32768xf32, #tpu.memory_space<vmem>>, vector<16xf32>,
          %swap3A_838 = vector.shape_cast %swap3A_837 : vector<16xf32> to vector<16xf32>
          %swap3A_839 = vector.shape_cast %mul3A_833 : vector<16xf32> to vector<16xf32>
          tpu.vector_store %arg10[%swap3A_836], %swap3A_839 {strides = array<i32>} : memref<32768xf32, #tpu.memory_space<vmem>>, vector<16xf32>,
          %mul3A_840 = arith.mulf %gather3A_790, %select_n3A_562 : vector<16xf32>
          %add3A_841 = arith.constant 96 : i32
          %add3A_842 = arith.addi %add3A_797, %add3A_841 : i32
          %swap3A_843 = arith.index_cast %add3A_842 : i32 to index
          %swap3A_844 = tpu.vector_load %arg10[%swap3A_843] {strides = array<i32>} : memref<32768xf32, #tpu.memory_space<vmem>>, vector<16xf32>,
          %swap3A_845 = vector.shape_cast %swap3A_844 : vector<16xf32> to vector<16xf32>
          %swap3A_846 = vector.shape_cast %mul3A_840 : vector<16xf32> to vector<16xf32>
          tpu.vector_store %arg10[%swap3A_843], %swap3A_846 {strides = array<i32>} : memref<32768xf32, #tpu.memory_space<vmem>>, vector<16xf32>,
          %mul3A_847 = arith.mulf %gather3A_790, %select_n3A_577 : vector<16xf32>
          %add3A_848 = arith.constant 112 : i32
          %add3A_849 = arith.addi %add3A_797, %add3A_848 : i32
          %swap3A_850 = arith.index_cast %add3A_849 : i32 to index
          %swap3A_851 = tpu.vector_load %arg10[%swap3A_850] {strides = array<i32>} : memref<32768xf32, #tpu.memory_space<vmem>>, vector<16xf32>,
          %swap3A_852 = vector.shape_cast %swap3A_851 : vector<16xf32> to vector<16xf32>
          %swap3A_853 = vector.shape_cast %mul3A_847 : vector<16xf32> to vector<16xf32>
          tpu.vector_store %arg10[%swap3A_850], %swap3A_853 {strides = array<i32>} : memref<32768xf32, #tpu.memory_space<vmem>>, vector<16xf32>,
          %add3A_854 = arith.constant 3 : i32
          %add3A_855 = arith.addi %mul3A_627, %add3A_854 : i32
          %broadcast_in_dim3A_856 = vector.broadcast %add3A_855 : i32 to vector<16xi32>
          %lt3A_857 = arith.constant 0 : i32
          %lt3A_858 = vector.broadcast %lt3A_857 : i32 to vector<16xi32>
          %lt3A_859 = arith.cmpi slt, %broadcast_in_dim3A_856, %lt3A_858 : vector<16xi32>
          %add3A_860 = arith.constant 16 : i32
          %add3A_861 = vector.broadcast %add3A_860 : i32 to vector<16xi32>
          %add3A_862 = arith.addi %broadcast_in_dim3A_856, %add3A_861 : vector<16xi32>
          %select_n3A_863 = arith.select %lt3A_859, %add3A_862, %broadcast_in_dim3A_856 : vector<16xi1>, vector<16xi32>
          %broadcast_in_dim3A_864 = vector.shape_cast %select_n3A_863 : vector<16xi32> to vector<16x1xi32>
          %gather3A_865 = vector.shape_cast %broadcast_in_dim3A_864 : vector<16x1xi32> to vector<16xi32>
          %gather3A_866 = tpu.dynamic_gather %get3A_610[%gather3A_865] in [0] : vector<16xf32>, vector<16xi32> -> vector<16xf32>
          %mul3A_867 = arith.constant 4096 : i32
          %mul3A_868 = arith.muli %scan3A_584, %mul3A_867 : i32
          %mul3A_869 = arith.constant 1024 : i32
          %mul3A_870 = arith.muli %scan3A_461, %mul3A_869 : i32
          %add3A_871 = arith.addi %mul3A_868, %mul3A_870 : i32
          %add3A_872 = arith.constant 384 : i32
          %add3A_873 = arith.addi %add3A_871, %add3A_872 : i32
          %mul3A_874 = arith.mulf %gather3A_866, %select_n3A : vector<16xf32>
          %add3A_875 = arith.constant 0 : i32
          %add3A_876 = arith.addi %add3A_873, %add3A_875 : i32
          %swap3A_877 = arith.index_cast %add3A_876 : i32 to index
          %swap3A_878 = tpu.vector_load %arg10[%swap3A_877] {strides = array<i32>} : memref<32768xf32, #tpu.memory_space<vmem>>, vector<16xf32>,
          %swap3A_879 = vector.shape_cast %swap3A_878 : vector<16xf32> to vector<16xf32>
          %swap3A_880 = vector.shape_cast %mul3A_874 : vector<16xf32> to vector<16xf32>
          tpu.vector_store %arg10[%swap3A_877], %swap3A_880 {strides = array<i32>} : memref<32768xf32, #tpu.memory_space<vmem>>, vector<16xf32>,
          %mul3A_881 = arith.mulf %gather3A_866, %select_n3A_487 : vector<16xf32>
          %add3A_882 = arith.constant 16 : i32
          %add3A_883 = arith.addi %add3A_873, %add3A_882 : i32
          %swap3A_884 = arith.index_cast %add3A_883 : i32 to index
          %swap3A_885 = tpu.vector_load %arg10[%swap3A_884] {strides = array<i32>} : memref<32768xf32, #tpu.memory_space<vmem>>, vector<16xf32>,
          %swap3A_886 = vector.shape_cast %swap3A_885 : vector<16xf32> to vector<16xf32>
          %swap3A_887 = vector.shape_cast %mul3A_881 : vector<16xf32> to vector<16xf32>
          tpu.vector_store %arg10[%swap3A_884], %swap3A_887 {strides = array<i32>} : memref<32768xf32, #tpu.memory_space<vmem>>, vector<16xf32>,
          %mul3A_888 = arith.mulf %gather3A_866, %select_n3A_502 : vector<16xf32>
          %add3A_889 = arith.constant 32 : i32
          %add3A_890 = arith.addi %add3A_873, %add3A_889 : i32
          %swap3A_891 = arith.index_cast %add3A_890 : i32 to index
          %swap3A_892 = tpu.vector_load %arg10[%swap3A_891] {strides = array<i32>} : memref<32768xf32, #tpu.memory_space<vmem>>, vector<16xf32>,
          %swap3A_893 = vector.shape_cast %swap3A_892 : vector<16xf32> to vector<16xf32>
          %swap3A_894 = vector.shape_cast %mul3A_888 : vector<16xf32> to vector<16xf32>
          tpu.vector_store %arg10[%swap3A_891], %swap3A_894 {strides = array<i32>} : memref<32768xf32, #tpu.memory_space<vmem>>, vector<16xf32>,
          %mul3A_895 = arith.mulf %gather3A_866, %select_n3A_517 : vector<16xf32>
          %add3A_896 = arith.constant 48 : i32
          %add3A_897 = arith.addi %add3A_873, %add3A_896 : i32
          %swap3A_898 = arith.index_cast %add3A_897 : i32 to index
          %swap3A_899 = tpu.vector_load %arg10[%swap3A_898] {strides = array<i32>} : memref<32768xf32, #tpu.memory_space<vmem>>, vector<16xf32>,
          %swap3A_900 = vector.shape_cast %swap3A_899 : vector<16xf32> to vector<16xf32>
          %swap3A_901 = vector.shape_cast %mul3A_895 : vector<16xf32> to vector<16xf32>
          tpu.vector_store %arg10[%swap3A_898], %swap3A_901 {strides = array<i32>} : memref<32768xf32, #tpu.memory_space<vmem>>, vector<16xf32>,
          %mul3A_902 = arith.mulf %gather3A_866, %select_n3A_532 : vector<16xf32>
          %add3A_903 = arith.constant 64 : i32
          %add3A_904 = arith.addi %add3A_873, %add3A_903 : i32
          %swap3A_905 = arith.index_cast %add3A_904 : i32 to index
          %swap3A_906 = tpu.vector_load %arg10[%swap3A_905] {strides = array<i32>} : memref<32768xf32, #tpu.memory_space<vmem>>, vector<16xf32>,
          %swap3A_907 = vector.shape_cast %swap3A_906 : vector<16xf32> to vector<16xf32>
          %swap3A_908 = vector.shape_cast %mul3A_902 : vector<16xf32> to vector<16xf32>
          tpu.vector_store %arg10[%swap3A_905], %swap3A_908 {strides = array<i32>} : memref<32768xf32, #tpu.memory_space<vmem>>, vector<16xf32>,
          %mul3A_909 = arith.mulf %gather3A_866, %select_n3A_547 : vector<16xf32>
          %add3A_910 = arith.constant 80 : i32
          %add3A_911 = arith.addi %add3A_873, %add3A_910 : i32
          %swap3A_912 = arith.index_cast %add3A_911 : i32 to index
          %swap3A_913 = tpu.vector_load %arg10[%swap3A_912] {strides = array<i32>} : memref<32768xf32, #tpu.memory_space<vmem>>, vector<16xf32>,
          %swap3A_914 = vector.shape_cast %swap3A_913 : vector<16xf32> to vector<16xf32>
          %swap3A_915 = vector.shape_cast %mul3A_909 : vector<16xf32> to vector<16xf32>
          tpu.vector_store %arg10[%swap3A_912], %swap3A_915 {strides = array<i32>} : memref<32768xf32, #tpu.memory_space<vmem>>, vector<16xf32>,
          %mul3A_916 = arith.mulf %gather3A_866, %select_n3A_562 : vector<16xf32>
          %add3A_917 = arith.constant 96 : i32
          %add3A_918 = arith.addi %add3A_873, %add3A_917 : i32
          %swap3A_919 = arith.index_cast %add3A_918 : i32 to index
          %swap3A_920 = tpu.vector_load %arg10[%swap3A_919] {strides = array<i32>} : memref<32768xf32, #tpu.memory_space<vmem>>, vector<16xf32>,
          %swap3A_921 = vector.shape_cast %swap3A_920 : vector<16xf32> to vector<16xf32>
          %swap3A_922 = vector.shape_cast %mul3A_916 : vector<16xf32> to vector<16xf32>
          tpu.vector_store %arg10[%swap3A_919], %swap3A_922 {strides = array<i32>} : memref<32768xf32, #tpu.memory_space<vmem>>, vector<16xf32>,
          %mul3A_923 = arith.mulf %gather3A_866, %select_n3A_577 : vector<16xf32>
          %add3A_924 = arith.constant 112 : i32
          %add3A_925 = arith.addi %add3A_873, %add3A_924 : i32
          %swap3A_926 = arith.index_cast %add3A_925 : i32 to index
          %swap3A_927 = tpu.vector_load %arg10[%swap3A_926] {strides = array<i32>} : memref<32768xf32, #tpu.memory_space<vmem>>, vector<16xf32>,
          %swap3A_928 = vector.shape_cast %swap3A_927 : vector<16xf32> to vector<16xf32>
          %swap3A_929 = vector.shape_cast %mul3A_923 : vector<16xf32> to vector<16xf32>
          tpu.vector_store %arg10[%swap3A_926], %swap3A_929 {strides = array<i32>} : memref<32768xf32, #tpu.memory_space<vmem>>, vector<16xf32>,
          %add3A_930 = arith.constant 4 : i32
          %add3A_931 = arith.addi %mul3A_627, %add3A_930 : i32
          %broadcast_in_dim3A_932 = vector.broadcast %add3A_931 : i32 to vector<16xi32>
          %lt3A_933 = arith.constant 0 : i32
          %lt3A_934 = vector.broadcast %lt3A_933 : i32 to vector<16xi32>
          %lt3A_935 = arith.cmpi slt, %broadcast_in_dim3A_932, %lt3A_934 : vector<16xi32>
          %add3A_936 = arith.constant 16 : i32
          %add3A_937 = vector.broadcast %add3A_936 : i32 to vector<16xi32>
          %add3A_938 = arith.addi %broadcast_in_dim3A_932, %add3A_937 : vector<16xi32>
          %select_n3A_939 = arith.select %lt3A_935, %add3A_938, %broadcast_in_dim3A_932 : vector<16xi1>, vector<16xi32>
          %broadcast_in_dim3A_940 = vector.shape_cast %select_n3A_939 : vector<16xi32> to vector<16x1xi32>
          %gather3A_941 = vector.shape_cast %broadcast_in_dim3A_940 : vector<16x1xi32> to vector<16xi32>
          %gather3A_942 = tpu.dynamic_gather %get3A_610[%gather3A_941] in [0] : vector<16xf32>, vector<16xi32> -> vector<16xf32>
          %mul3A_943 = arith.constant 4096 : i32
          %mul3A_944 = arith.muli %scan3A_584, %mul3A_943 : i32
          %mul3A_945 = arith.constant 1024 : i32
          %mul3A_946 = arith.muli %scan3A_461, %mul3A_945 : i32
          %add3A_947 = arith.addi %mul3A_944, %mul3A_946 : i32
          %add3A_948 = arith.constant 512 : i32
          %add3A_949 = arith.addi %add3A_947, %add3A_948 : i32
          %mul3A_950 = arith.mulf %gather3A_942, %select_n3A : vector<16xf32>
          %add3A_951 = arith.constant 0 : i32
          %add3A_952 = arith.addi %add3A_949, %add3A_951 : i32
          %swap3A_953 = arith.index_cast %add3A_952 : i32 to index
          %swap3A_954 = tpu.vector_load %arg10[%swap3A_953] {strides = array<i32>} : memref<32768xf32, #tpu.memory_space<vmem>>, vector<16xf32>,
          %swap3A_955 = vector.shape_cast %swap3A_954 : vector<16xf32> to vector<16xf32>
          %swap3A_956 = vector.shape_cast %mul3A_950 : vector<16xf32> to vector<16xf32>
          tpu.vector_store %arg10[%swap3A_953], %swap3A_956 {strides = array<i32>} : memref<32768xf32, #tpu.memory_space<vmem>>, vector<16xf32>,
          %mul3A_957 = arith.mulf %gather3A_942, %select_n3A_487 : vector<16xf32>
          %add3A_958 = arith.constant 16 : i32
          %add3A_959 = arith.addi %add3A_949, %add3A_958 : i32
          %swap3A_960 = arith.index_cast %add3A_959 : i32 to index
          %swap3A_961 = tpu.vector_load %arg10[%swap3A_960] {strides = array<i32>} : memref<32768xf32, #tpu.memory_space<vmem>>, vector<16xf32>,
          %swap3A_962 = vector.shape_cast %swap3A_961 : vector<16xf32> to vector<16xf32>
          %swap3A_963 = vector.shape_cast %mul3A_957 : vector<16xf32> to vector<16xf32>
          tpu.vector_store %arg10[%swap3A_960], %swap3A_963 {strides = array<i32>} : memref<32768xf32, #tpu.memory_space<vmem>>, vector<16xf32>,
          %mul3A_964 = arith.mulf %gather3A_942, %select_n3A_502 : vector<16xf32>
          %add3A_965 = arith.constant 32 : i32
          %add3A_966 = arith.addi %add3A_949, %add3A_965 : i32
          %swap3A_967 = arith.index_cast %add3A_966 : i32 to index
          %swap3A_968 = tpu.vector_load %arg10[%swap3A_967] {strides = array<i32>} : memref<32768xf32, #tpu.memory_space<vmem>>, vector<16xf32>,
          %swap3A_969 = vector.shape_cast %swap3A_968 : vector<16xf32> to vector<16xf32>
          %swap3A_970 = vector.shape_cast %mul3A_964 : vector<16xf32> to vector<16xf32>
          tpu.vector_store %arg10[%swap3A_967], %swap3A_970 {strides = array<i32>} : memref<32768xf32, #tpu.memory_space<vmem>>, vector<16xf32>,
          %mul3A_971 = arith.mulf %gather3A_942, %select_n3A_517 : vector<16xf32>
          %add3A_972 = arith.constant 48 : i32
          %add3A_973 = arith.addi %add3A_949, %add3A_972 : i32
          %swap3A_974 = arith.index_cast %add3A_973 : i32 to index
          %swap3A_975 = tpu.vector_load %arg10[%swap3A_974] {strides = array<i32>} : memref<32768xf32, #tpu.memory_space<vmem>>, vector<16xf32>,
          %swap3A_976 = vector.shape_cast %swap3A_975 : vector<16xf32> to vector<16xf32>
          %swap3A_977 = vector.shape_cast %mul3A_971 : vector<16xf32> to vector<16xf32>
          tpu.vector_store %arg10[%swap3A_974], %swap3A_977 {strides = array<i32>} : memref<32768xf32, #tpu.memory_space<vmem>>, vector<16xf32>,
          %mul3A_978 = arith.mulf %gather3A_942, %select_n3A_532 : vector<16xf32>
          %add3A_979 = arith.constant 64 : i32
          %add3A_980 = arith.addi %add3A_949, %add3A_979 : i32
          %swap3A_981 = arith.index_cast %add3A_980 : i32 to index
          %swap3A_982 = tpu.vector_load %arg10[%swap3A_981] {strides = array<i32>} : memref<32768xf32, #tpu.memory_space<vmem>>, vector<16xf32>,
          %swap3A_983 = vector.shape_cast %swap3A_982 : vector<16xf32> to vector<16xf32>
          %swap3A_984 = vector.shape_cast %mul3A_978 : vector<16xf32> to vector<16xf32>
          tpu.vector_store %arg10[%swap3A_981], %swap3A_984 {strides = array<i32>} : memref<32768xf32, #tpu.memory_space<vmem>>, vector<16xf32>,
          %mul3A_985 = arith.mulf %gather3A_942, %select_n3A_547 : vector<16xf32>
          %add3A_986 = arith.constant 80 : i32
          %add3A_987 = arith.addi %add3A_949, %add3A_986 : i32
          %swap3A_988 = arith.index_cast %add3A_987 : i32 to index
          %swap3A_989 = tpu.vector_load %arg10[%swap3A_988] {strides = array<i32>} : memref<32768xf32, #tpu.memory_space<vmem>>, vector<16xf32>,
          %swap3A_990 = vector.shape_cast %swap3A_989 : vector<16xf32> to vector<16xf32>
          %swap3A_991 = vector.shape_cast %mul3A_985 : vector<16xf32> to vector<16xf32>
          tpu.vector_store %arg10[%swap3A_988], %swap3A_991 {strides = array<i32>} : memref<32768xf32, #tpu.memory_space<vmem>>, vector<16xf32>,
          %mul3A_992 = arith.mulf %gather3A_942, %select_n3A_562 : vector<16xf32>
          %add3A_993 = arith.constant 96 : i32
          %add3A_994 = arith.addi %add3A_949, %add3A_993 : i32
          %swap3A_995 = arith.index_cast %add3A_994 : i32 to index
          %swap3A_996 = tpu.vector_load %arg10[%swap3A_995] {strides = array<i32>} : memref<32768xf32, #tpu.memory_space<vmem>>, vector<16xf32>,
          %swap3A_997 = vector.shape_cast %swap3A_996 : vector<16xf32> to vector<16xf32>
          %swap3A_998 = vector.shape_cast %mul3A_992 : vector<16xf32> to vector<16xf32>
          tpu.vector_store %arg10[%swap3A_995], %swap3A_998 {strides = array<i32>} : memref<32768xf32, #tpu.memory_space<vmem>>, vector<16xf32>,
          %mul3A_999 = arith.mulf %gather3A_942, %select_n3A_577 : vector<16xf32>
          %add3A_1000 = arith.constant 112 : i32
          %add3A_1001 = arith.addi %add3A_949, %add3A_1000 : i32
          %swap3A_1002 = arith.index_cast %add3A_1001 : i32 to index
          %swap3A_1003 = tpu.vector_load %arg10[%swap3A_1002] {strides = array<i32>} : memref<32768xf32, #tpu.memory_space<vmem>>, vector<16xf32>,
          %swap3A_1004 = vector.shape_cast %swap3A_1003 : vector<16xf32> to vector<16xf32>
          %swap3A_1005 = vector.shape_cast %mul3A_999 : vector<16xf32> to vector<16xf32>
          tpu.vector_store %arg10[%swap3A_1002], %swap3A_1005 {strides = array<i32>} : memref<32768xf32, #tpu.memory_space<vmem>>, vector<16xf32>,
          %add3A_1006 = arith.constant 5 : i32
          %add3A_1007 = arith.addi %mul3A_627, %add3A_1006 : i32
          %broadcast_in_dim3A_1008 = vector.broadcast %add3A_1007 : i32 to vector<16xi32>
          %lt3A_1009 = arith.constant 0 : i32
          %lt3A_1010 = vector.broadcast %lt3A_1009 : i32 to vector<16xi32>
          %lt3A_1011 = arith.cmpi slt, %broadcast_in_dim3A_1008, %lt3A_1010 : vector<16xi32>
          %add3A_1012 = arith.constant 16 : i32
          %add3A_1013 = vector.broadcast %add3A_1012 : i32 to vector<16xi32>
          %add3A_1014 = arith.addi %broadcast_in_dim3A_1008, %add3A_1013 : vector<16xi32>
          %select_n3A_1015 = arith.select %lt3A_1011, %add3A_1014, %broadcast_in_dim3A_1008 : vector<16xi1>, vector<16xi32>
          %broadcast_in_dim3A_1016 = vector.shape_cast %select_n3A_1015 : vector<16xi32> to vector<16x1xi32>
          %gather3A_1017 = vector.shape_cast %broadcast_in_dim3A_1016 : vector<16x1xi32> to vector<16xi32>
          %gather3A_1018 = tpu.dynamic_gather %get3A_610[%gather3A_1017] in [0] : vector<16xf32>, vector<16xi32> -> vector<16xf32>
          %mul3A_1019 = arith.constant 4096 : i32
          %mul3A_1020 = arith.muli %scan3A_584, %mul3A_1019 : i32
          %mul3A_1021 = arith.constant 1024 : i32
          %mul3A_1022 = arith.muli %scan3A_461, %mul3A_1021 : i32
          %add3A_1023 = arith.addi %mul3A_1020, %mul3A_1022 : i32
          %add3A_1024 = arith.constant 640 : i32
          %add3A_1025 = arith.addi %add3A_1023, %add3A_1024 : i32
          %mul3A_1026 = arith.mulf %gather3A_1018, %select_n3A : vector<16xf32>
          %add3A_1027 = arith.constant 0 : i32
          %add3A_1028 = arith.addi %add3A_1025, %add3A_1027 : i32
          %swap3A_1029 = arith.index_cast %add3A_1028 : i32 to index
          %swap3A_1030 = tpu.vector_load %arg10[%swap3A_1029] {strides = array<i32>} : memref<32768xf32, #tpu.memory_space<vmem>>, vector<16xf32>,
          %swap3A_1031 = vector.shape_cast %swap3A_1030 : vector<16xf32> to vector<16xf32>
          %swap3A_1032 = vector.shape_cast %mul3A_1026 : vector<16xf32> to vector<16xf32>
          tpu.vector_store %arg10[%swap3A_1029], %swap3A_1032 {strides = array<i32>} : memref<32768xf32, #tpu.memory_space<vmem>>, vector<16xf32>,
          %mul3A_1033 = arith.mulf %gather3A_1018, %select_n3A_487 : vector<16xf32>
          %add3A_1034 = arith.constant 16 : i32
          %add3A_1035 = arith.addi %add3A_1025, %add3A_1034 : i32
          %swap3A_1036 = arith.index_cast %add3A_1035 : i32 to index
          %swap3A_1037 = tpu.vector_load %arg10[%swap3A_1036] {strides = array<i32>} : memref<32768xf32, #tpu.memory_space<vmem>>, vector<16xf32>,
          %swap3A_1038 = vector.shape_cast %swap3A_1037 : vector<16xf32> to vector<16xf32>
          %swap3A_1039 = vector.shape_cast %mul3A_1033 : vector<16xf32> to vector<16xf32>
          tpu.vector_store %arg10[%swap3A_1036], %swap3A_1039 {strides = array<i32>} : memref<32768xf32, #tpu.memory_space<vmem>>, vector<16xf32>,
          %mul3A_1040 = arith.mulf %gather3A_1018, %select_n3A_502 : vector<16xf32>
          %add3A_1041 = arith.constant 32 : i32
          %add3A_1042 = arith.addi %add3A_1025, %add3A_1041 : i32
          %swap3A_1043 = arith.index_cast %add3A_1042 : i32 to index
          %swap3A_1044 = tpu.vector_load %arg10[%swap3A_1043] {strides = array<i32>} : memref<32768xf32, #tpu.memory_space<vmem>>, vector<16xf32>,
          %swap3A_1045 = vector.shape_cast %swap3A_1044 : vector<16xf32> to vector<16xf32>
          %swap3A_1046 = vector.shape_cast %mul3A_1040 : vector<16xf32> to vector<16xf32>
          tpu.vector_store %arg10[%swap3A_1043], %swap3A_1046 {strides = array<i32>} : memref<32768xf32, #tpu.memory_space<vmem>>, vector<16xf32>,
          %mul3A_1047 = arith.mulf %gather3A_1018, %select_n3A_517 : vector<16xf32>
          %add3A_1048 = arith.constant 48 : i32
          %add3A_1049 = arith.addi %add3A_1025, %add3A_1048 : i32
          %swap3A_1050 = arith.index_cast %add3A_1049 : i32 to index
          %swap3A_1051 = tpu.vector_load %arg10[%swap3A_1050] {strides = array<i32>} : memref<32768xf32, #tpu.memory_space<vmem>>, vector<16xf32>,
          %swap3A_1052 = vector.shape_cast %swap3A_1051 : vector<16xf32> to vector<16xf32>
          %swap3A_1053 = vector.shape_cast %mul3A_1047 : vector<16xf32> to vector<16xf32>
          tpu.vector_store %arg10[%swap3A_1050], %swap3A_1053 {strides = array<i32>} : memref<32768xf32, #tpu.memory_space<vmem>>, vector<16xf32>,
          %mul3A_1054 = arith.mulf %gather3A_1018, %select_n3A_532 : vector<16xf32>
          %add3A_1055 = arith.constant 64 : i32
          %add3A_1056 = arith.addi %add3A_1025, %add3A_1055 : i32
          %swap3A_1057 = arith.index_cast %add3A_1056 : i32 to index
          %swap3A_1058 = tpu.vector_load %arg10[%swap3A_1057] {strides = array<i32>} : memref<32768xf32, #tpu.memory_space<vmem>>, vector<16xf32>,
          %swap3A_1059 = vector.shape_cast %swap3A_1058 : vector<16xf32> to vector<16xf32>
          %swap3A_1060 = vector.shape_cast %mul3A_1054 : vector<16xf32> to vector<16xf32>
          tpu.vector_store %arg10[%swap3A_1057], %swap3A_1060 {strides = array<i32>} : memref<32768xf32, #tpu.memory_space<vmem>>, vector<16xf32>,
          %mul3A_1061 = arith.mulf %gather3A_1018, %select_n3A_547 : vector<16xf32>
          %add3A_1062 = arith.constant 80 : i32
          %add3A_1063 = arith.addi %add3A_1025, %add3A_1062 : i32
          %swap3A_1064 = arith.index_cast %add3A_1063 : i32 to index
          %swap3A_1065 = tpu.vector_load %arg10[%swap3A_1064] {strides = array<i32>} : memref<32768xf32, #tpu.memory_space<vmem>>, vector<16xf32>,
          %swap3A_1066 = vector.shape_cast %swap3A_1065 : vector<16xf32> to vector<16xf32>
          %swap3A_1067 = vector.shape_cast %mul3A_1061 : vector<16xf32> to vector<16xf32>
          tpu.vector_store %arg10[%swap3A_1064], %swap3A_1067 {strides = array<i32>} : memref<32768xf32, #tpu.memory_space<vmem>>, vector<16xf32>,
          %mul3A_1068 = arith.mulf %gather3A_1018, %select_n3A_562 : vector<16xf32>
          %add3A_1069 = arith.constant 96 : i32
          %add3A_1070 = arith.addi %add3A_1025, %add3A_1069 : i32
          %swap3A_1071 = arith.index_cast %add3A_1070 : i32 to index
          %swap3A_1072 = tpu.vector_load %arg10[%swap3A_1071] {strides = array<i32>} : memref<32768xf32, #tpu.memory_space<vmem>>, vector<16xf32>,
          %swap3A_1073 = vector.shape_cast %swap3A_1072 : vector<16xf32> to vector<16xf32>
          %swap3A_1074 = vector.shape_cast %mul3A_1068 : vector<16xf32> to vector<16xf32>
          tpu.vector_store %arg10[%swap3A_1071], %swap3A_1074 {strides = array<i32>} : memref<32768xf32, #tpu.memory_space<vmem>>, vector<16xf32>,
          %mul3A_1075 = arith.mulf %gather3A_1018, %select_n3A_577 : vector<16xf32>
          %add3A_1076 = arith.constant 112 : i32
          %add3A_1077 = arith.addi %add3A_1025, %add3A_1076 : i32
          %swap3A_1078 = arith.index_cast %add3A_1077 : i32 to index
          %swap3A_1079 = tpu.vector_load %arg10[%swap3A_1078] {strides = array<i32>} : memref<32768xf32, #tpu.memory_space<vmem>>, vector<16xf32>,
          %swap3A_1080 = vector.shape_cast %swap3A_1079 : vector<16xf32> to vector<16xf32>
          %swap3A_1081 = vector.shape_cast %mul3A_1075 : vector<16xf32> to vector<16xf32>
          tpu.vector_store %arg10[%swap3A_1078], %swap3A_1081 {strides = array<i32>} : memref<32768xf32, #tpu.memory_space<vmem>>, vector<16xf32>,
          %add3A_1082 = arith.constant 6 : i32
          %add3A_1083 = arith.addi %mul3A_627, %add3A_1082 : i32
          %broadcast_in_dim3A_1084 = vector.broadcast %add3A_1083 : i32 to vector<16xi32>
          %lt3A_1085 = arith.constant 0 : i32
          %lt3A_1086 = vector.broadcast %lt3A_1085 : i32 to vector<16xi32>
          %lt3A_1087 = arith.cmpi slt, %broadcast_in_dim3A_1084, %lt3A_1086 : vector<16xi32>
          %add3A_1088 = arith.constant 16 : i32
          %add3A_1089 = vector.broadcast %add3A_1088 : i32 to vector<16xi32>
          %add3A_1090 = arith.addi %broadcast_in_dim3A_1084, %add3A_1089 : vector<16xi32>
          %select_n3A_1091 = arith.select %lt3A_1087, %add3A_1090, %broadcast_in_dim3A_1084 : vector<16xi1>, vector<16xi32>
          %broadcast_in_dim3A_1092 = vector.shape_cast %select_n3A_1091 : vector<16xi32> to vector<16x1xi32>
          %gather3A_1093 = vector.shape_cast %broadcast_in_dim3A_1092 : vector<16x1xi32> to vector<16xi32>
          %gather3A_1094 = tpu.dynamic_gather %get3A_610[%gather3A_1093] in [0] : vector<16xf32>, vector<16xi32> -> vector<16xf32>
          %mul3A_1095 = arith.constant 4096 : i32
          %mul3A_1096 = arith.muli %scan3A_584, %mul3A_1095 : i32
          %mul3A_1097 = arith.constant 1024 : i32
          %mul3A_1098 = arith.muli %scan3A_461, %mul3A_1097 : i32
          %add3A_1099 = arith.addi %mul3A_1096, %mul3A_1098 : i32
          %add3A_1100 = arith.constant 768 : i32
          %add3A_1101 = arith.addi %add3A_1099, %add3A_1100 : i32
          %mul3A_1102 = arith.mulf %gather3A_1094, %select_n3A : vector<16xf32>
          %add3A_1103 = arith.constant 0 : i32
          %add3A_1104 = arith.addi %add3A_1101, %add3A_1103 : i32
          %swap3A_1105 = arith.index_cast %add3A_1104 : i32 to index
          %swap3A_1106 = tpu.vector_load %arg10[%swap3A_1105] {strides = array<i32>} : memref<32768xf32, #tpu.memory_space<vmem>>, vector<16xf32>,
          %swap3A_1107 = vector.shape_cast %swap3A_1106 : vector<16xf32> to vector<16xf32>
          %swap3A_1108 = vector.shape_cast %mul3A_1102 : vector<16xf32> to vector<16xf32>
          tpu.vector_store %arg10[%swap3A_1105], %swap3A_1108 {strides = array<i32>} : memref<32768xf32, #tpu.memory_space<vmem>>, vector<16xf32>,
          %mul3A_1109 = arith.mulf %gather3A_1094, %select_n3A_487 : vector<16xf32>
          %add3A_1110 = arith.constant 16 : i32
          %add3A_1111 = arith.addi %add3A_1101, %add3A_1110 : i32
          %swap3A_1112 = arith.index_cast %add3A_1111 : i32 to index
          %swap3A_1113 = tpu.vector_load %arg10[%swap3A_1112] {strides = array<i32>} : memref<32768xf32, #tpu.memory_space<vmem>>, vector<16xf32>,
          %swap3A_1114 = vector.shape_cast %swap3A_1113 : vector<16xf32> to vector<16xf32>
          %swap3A_1115 = vector.shape_cast %mul3A_1109 : vector<16xf32> to vector<16xf32>
          tpu.vector_store %arg10[%swap3A_1112], %swap3A_1115 {strides = array<i32>} : memref<32768xf32, #tpu.memory_space<vmem>>, vector<16xf32>,
          %mul3A_1116 = arith.mulf %gather3A_1094, %select_n3A_502 : vector<16xf32>
          %add3A_1117 = arith.constant 32 : i32
          %add3A_1118 = arith.addi %add3A_1101, %add3A_1117 : i32
          %swap3A_1119 = arith.index_cast %add3A_1118 : i32 to index
          %swap3A_1120 = tpu.vector_load %arg10[%swap3A_1119] {strides = array<i32>} : memref<32768xf32, #tpu.memory_space<vmem>>, vector<16xf32>,
          %swap3A_1121 = vector.shape_cast %swap3A_1120 : vector<16xf32> to vector<16xf32>
          %swap3A_1122 = vector.shape_cast %mul3A_1116 : vector<16xf32> to vector<16xf32>
          tpu.vector_store %arg10[%swap3A_1119], %swap3A_1122 {strides = array<i32>} : memref<32768xf32, #tpu.memory_space<vmem>>, vector<16xf32>,
          %mul3A_1123 = arith.mulf %gather3A_1094, %select_n3A_517 : vector<16xf32>
          %add3A_1124 = arith.constant 48 : i32
          %add3A_1125 = arith.addi %add3A_1101, %add3A_1124 : i32
          %swap3A_1126 = arith.index_cast %add3A_1125 : i32 to index
          %swap3A_1127 = tpu.vector_load %arg10[%swap3A_1126] {strides = array<i32>} : memref<32768xf32, #tpu.memory_space<vmem>>, vector<16xf32>,
          %swap3A_1128 = vector.shape_cast %swap3A_1127 : vector<16xf32> to vector<16xf32>
          %swap3A_1129 = vector.shape_cast %mul3A_1123 : vector<16xf32> to vector<16xf32>
          tpu.vector_store %arg10[%swap3A_1126], %swap3A_1129 {strides = array<i32>} : memref<32768xf32, #tpu.memory_space<vmem>>, vector<16xf32>,
          %mul3A_1130 = arith.mulf %gather3A_1094, %select_n3A_532 : vector<16xf32>
          %add3A_1131 = arith.constant 64 : i32
          %add3A_1132 = arith.addi %add3A_1101, %add3A_1131 : i32
          %swap3A_1133 = arith.index_cast %add3A_1132 : i32 to index
          %swap3A_1134 = tpu.vector_load %arg10[%swap3A_1133] {strides = array<i32>} : memref<32768xf32, #tpu.memory_space<vmem>>, vector<16xf32>,
          %swap3A_1135 = vector.shape_cast %swap3A_1134 : vector<16xf32> to vector<16xf32>
          %swap3A_1136 = vector.shape_cast %mul3A_1130 : vector<16xf32> to vector<16xf32>
          tpu.vector_store %arg10[%swap3A_1133], %swap3A_1136 {strides = array<i32>} : memref<32768xf32, #tpu.memory_space<vmem>>, vector<16xf32>,
          %mul3A_1137 = arith.mulf %gather3A_1094, %select_n3A_547 : vector<16xf32>
          %add3A_1138 = arith.constant 80 : i32
          %add3A_1139 = arith.addi %add3A_1101, %add3A_1138 : i32
          %swap3A_1140 = arith.index_cast %add3A_1139 : i32 to index
          %swap3A_1141 = tpu.vector_load %arg10[%swap3A_1140] {strides = array<i32>} : memref<32768xf32, #tpu.memory_space<vmem>>, vector<16xf32>,
          %swap3A_1142 = vector.shape_cast %swap3A_1141 : vector<16xf32> to vector<16xf32>
          %swap3A_1143 = vector.shape_cast %mul3A_1137 : vector<16xf32> to vector<16xf32>
          tpu.vector_store %arg10[%swap3A_1140], %swap3A_1143 {strides = array<i32>} : memref<32768xf32, #tpu.memory_space<vmem>>, vector<16xf32>,
          %mul3A_1144 = arith.mulf %gather3A_1094, %select_n3A_562 : vector<16xf32>
          %add3A_1145 = arith.constant 96 : i32
          %add3A_1146 = arith.addi %add3A_1101, %add3A_1145 : i32
          %swap3A_1147 = arith.index_cast %add3A_1146 : i32 to index
          %swap3A_1148 = tpu.vector_load %arg10[%swap3A_1147] {strides = array<i32>} : memref<32768xf32, #tpu.memory_space<vmem>>, vector<16xf32>,
          %swap3A_1149 = vector.shape_cast %swap3A_1148 : vector<16xf32> to vector<16xf32>
          %swap3A_1150 = vector.shape_cast %mul3A_1144 : vector<16xf32> to vector<16xf32>
          tpu.vector_store %arg10[%swap3A_1147], %swap3A_1150 {strides = array<i32>} : memref<32768xf32, #tpu.memory_space<vmem>>, vector<16xf32>,
          %mul3A_1151 = arith.mulf %gather3A_1094, %select_n3A_577 : vector<16xf32>
          %add3A_1152 = arith.constant 112 : i32
          %add3A_1153 = arith.addi %add3A_1101, %add3A_1152 : i32
          %swap3A_1154 = arith.index_cast %add3A_1153 : i32 to index
          %swap3A_1155 = tpu.vector_load %arg10[%swap3A_1154] {strides = array<i32>} : memref<32768xf32, #tpu.memory_space<vmem>>, vector<16xf32>,
          %swap3A_1156 = vector.shape_cast %swap3A_1155 : vector<16xf32> to vector<16xf32>
          %swap3A_1157 = vector.shape_cast %mul3A_1151 : vector<16xf32> to vector<16xf32>
          tpu.vector_store %arg10[%swap3A_1154], %swap3A_1157 {strides = array<i32>} : memref<32768xf32, #tpu.memory_space<vmem>>, vector<16xf32>,
          %add3A_1158 = arith.constant 7 : i32
          %add3A_1159 = arith.addi %mul3A_627, %add3A_1158 : i32
          %broadcast_in_dim3A_1160 = vector.broadcast %add3A_1159 : i32 to vector<16xi32>
          %lt3A_1161 = arith.constant 0 : i32
          %lt3A_1162 = vector.broadcast %lt3A_1161 : i32 to vector<16xi32>
          %lt3A_1163 = arith.cmpi slt, %broadcast_in_dim3A_1160, %lt3A_1162 : vector<16xi32>
          %add3A_1164 = arith.constant 16 : i32
          %add3A_1165 = vector.broadcast %add3A_1164 : i32 to vector<16xi32>
          %add3A_1166 = arith.addi %broadcast_in_dim3A_1160, %add3A_1165 : vector<16xi32>
          %select_n3A_1167 = arith.select %lt3A_1163, %add3A_1166, %broadcast_in_dim3A_1160 : vector<16xi1>, vector<16xi32>
          %broadcast_in_dim3A_1168 = vector.shape_cast %select_n3A_1167 : vector<16xi32> to vector<16x1xi32>
          %gather3A_1169 = vector.shape_cast %broadcast_in_dim3A_1168 : vector<16x1xi32> to vector<16xi32>
          %gather3A_1170 = tpu.dynamic_gather %get3A_610[%gather3A_1169] in [0] : vector<16xf32>, vector<16xi32> -> vector<16xf32>
          %mul3A_1171 = arith.constant 4096 : i32
          %mul3A_1172 = arith.muli %scan3A_584, %mul3A_1171 : i32
          %mul3A_1173 = arith.constant 1024 : i32
          %mul3A_1174 = arith.muli %scan3A_461, %mul3A_1173 : i32
          %add3A_1175 = arith.addi %mul3A_1172, %mul3A_1174 : i32
          %add3A_1176 = arith.constant 896 : i32
          %add3A_1177 = arith.addi %add3A_1175, %add3A_1176 : i32
          %mul3A_1178 = arith.mulf %gather3A_1170, %select_n3A : vector<16xf32>
          %add3A_1179 = arith.constant 0 : i32
          %add3A_1180 = arith.addi %add3A_1177, %add3A_1179 : i32
          %swap3A_1181 = arith.index_cast %add3A_1180 : i32 to index
          %swap3A_1182 = tpu.vector_load %arg10[%swap3A_1181] {strides = array<i32>} : memref<32768xf32, #tpu.memory_space<vmem>>, vector<16xf32>,
          %swap3A_1183 = vector.shape_cast %swap3A_1182 : vector<16xf32> to vector<16xf32>
          %swap3A_1184 = vector.shape_cast %mul3A_1178 : vector<16xf32> to vector<16xf32>
          tpu.vector_store %arg10[%swap3A_1181], %swap3A_1184 {strides = array<i32>} : memref<32768xf32, #tpu.memory_space<vmem>>, vector<16xf32>,
          %mul3A_1185 = arith.mulf %gather3A_1170, %select_n3A_487 : vector<16xf32>
          %add3A_1186 = arith.constant 16 : i32
          %add3A_1187 = arith.addi %add3A_1177, %add3A_1186 : i32
          %swap3A_1188 = arith.index_cast %add3A_1187 : i32 to index
          %swap3A_1189 = tpu.vector_load %arg10[%swap3A_1188] {strides = array<i32>} : memref<32768xf32, #tpu.memory_space<vmem>>, vector<16xf32>,
          %swap3A_1190 = vector.shape_cast %swap3A_1189 : vector<16xf32> to vector<16xf32>
          %swap3A_1191 = vector.shape_cast %mul3A_1185 : vector<16xf32> to vector<16xf32>
          tpu.vector_store %arg10[%swap3A_1188], %swap3A_1191 {strides = array<i32>} : memref<32768xf32, #tpu.memory_space<vmem>>, vector<16xf32>,
          %mul3A_1192 = arith.mulf %gather3A_1170, %select_n3A_502 : vector<16xf32>
          %add3A_1193 = arith.constant 32 : i32
          %add3A_1194 = arith.addi %add3A_1177, %add3A_1193 : i32
          %swap3A_1195 = arith.index_cast %add3A_1194 : i32 to index
          %swap3A_1196 = tpu.vector_load %arg10[%swap3A_1195] {strides = array<i32>} : memref<32768xf32, #tpu.memory_space<vmem>>, vector<16xf32>,
          %swap3A_1197 = vector.shape_cast %swap3A_1196 : vector<16xf32> to vector<16xf32>
          %swap3A_1198 = vector.shape_cast %mul3A_1192 : vector<16xf32> to vector<16xf32>
          tpu.vector_store %arg10[%swap3A_1195], %swap3A_1198 {strides = array<i32>} : memref<32768xf32, #tpu.memory_space<vmem>>, vector<16xf32>,
          %mul3A_1199 = arith.mulf %gather3A_1170, %select_n3A_517 : vector<16xf32>
          %add3A_1200 = arith.constant 48 : i32
          %add3A_1201 = arith.addi %add3A_1177, %add3A_1200 : i32
          %swap3A_1202 = arith.index_cast %add3A_1201 : i32 to index
          %swap3A_1203 = tpu.vector_load %arg10[%swap3A_1202] {strides = array<i32>} : memref<32768xf32, #tpu.memory_space<vmem>>, vector<16xf32>,
          %swap3A_1204 = vector.shape_cast %swap3A_1203 : vector<16xf32> to vector<16xf32>
          %swap3A_1205 = vector.shape_cast %mul3A_1199 : vector<16xf32> to vector<16xf32>
          tpu.vector_store %arg10[%swap3A_1202], %swap3A_1205 {strides = array<i32>} : memref<32768xf32, #tpu.memory_space<vmem>>, vector<16xf32>,
          %mul3A_1206 = arith.mulf %gather3A_1170, %select_n3A_532 : vector<16xf32>
          %add3A_1207 = arith.constant 64 : i32
          %add3A_1208 = arith.addi %add3A_1177, %add3A_1207 : i32
          %swap3A_1209 = arith.index_cast %add3A_1208 : i32 to index
          %swap3A_1210 = tpu.vector_load %arg10[%swap3A_1209] {strides = array<i32>} : memref<32768xf32, #tpu.memory_space<vmem>>, vector<16xf32>,
          %swap3A_1211 = vector.shape_cast %swap3A_1210 : vector<16xf32> to vector<16xf32>
          %swap3A_1212 = vector.shape_cast %mul3A_1206 : vector<16xf32> to vector<16xf32>
          tpu.vector_store %arg10[%swap3A_1209], %swap3A_1212 {strides = array<i32>} : memref<32768xf32, #tpu.memory_space<vmem>>, vector<16xf32>,
          %mul3A_1213 = arith.mulf %gather3A_1170, %select_n3A_547 : vector<16xf32>
          %add3A_1214 = arith.constant 80 : i32
          %add3A_1215 = arith.addi %add3A_1177, %add3A_1214 : i32
          %swap3A_1216 = arith.index_cast %add3A_1215 : i32 to index
          %swap3A_1217 = tpu.vector_load %arg10[%swap3A_1216] {strides = array<i32>} : memref<32768xf32, #tpu.memory_space<vmem>>, vector<16xf32>,
          %swap3A_1218 = vector.shape_cast %swap3A_1217 : vector<16xf32> to vector<16xf32>
          %swap3A_1219 = vector.shape_cast %mul3A_1213 : vector<16xf32> to vector<16xf32>
          tpu.vector_store %arg10[%swap3A_1216], %swap3A_1219 {strides = array<i32>} : memref<32768xf32, #tpu.memory_space<vmem>>, vector<16xf32>,
          %mul3A_1220 = arith.mulf %gather3A_1170, %select_n3A_562 : vector<16xf32>
          %add3A_1221 = arith.constant 96 : i32
          %add3A_1222 = arith.addi %add3A_1177, %add3A_1221 : i32
          %swap3A_1223 = arith.index_cast %add3A_1222 : i32 to index
          %swap3A_1224 = tpu.vector_load %arg10[%swap3A_1223] {strides = array<i32>} : memref<32768xf32, #tpu.memory_space<vmem>>, vector<16xf32>,
          %swap3A_1225 = vector.shape_cast %swap3A_1224 : vector<16xf32> to vector<16xf32>
          %swap3A_1226 = vector.shape_cast %mul3A_1220 : vector<16xf32> to vector<16xf32>
          tpu.vector_store %arg10[%swap3A_1223], %swap3A_1226 {strides = array<i32>} : memref<32768xf32, #tpu.memory_space<vmem>>, vector<16xf32>,
          %mul3A_1227 = arith.mulf %gather3A_1170, %select_n3A_577 : vector<16xf32>
          %add3A_1228 = arith.constant 112 : i32
          %add3A_1229 = arith.addi %add3A_1177, %add3A_1228 : i32
          %swap3A_1230 = arith.index_cast %add3A_1229 : i32 to index
          %swap3A_1231 = tpu.vector_load %arg10[%swap3A_1230] {strides = array<i32>} : memref<32768xf32, #tpu.memory_space<vmem>>, vector<16xf32>,
          %swap3A_1232 = vector.shape_cast %swap3A_1231 : vector<16xf32> to vector<16xf32>
          %swap3A_1233 = vector.shape_cast %mul3A_1227 : vector<16xf32> to vector<16xf32>
          tpu.vector_store %arg10[%swap3A_1230], %swap3A_1233 {strides = array<i32>} : memref<32768xf32, #tpu.memory_space<vmem>>, vector<16xf32>,
        }
        %scan3A_583 = arith.constant 8 : i32
      }
      %scan3A_340 = arith.constant 4 : i32
      %mul3A_341 = arith.constant 8 : i32
      %mul3A_342 = arith.muli %add3A_328, %mul3A_341 : i32
      %add3A_343 = arith.constant 0 : i32
      %add3A_344 = arith.addi %mul3A_342, %add3A_343 : i32
      %mul3A_345 = arith.constant 128 : i32
      %mul3A_346 = arith.muli %add3A_344, %mul3A_345 : i32
      %add3A_347 = arith.addi %mul3A_346, %mul3A_4 : i32
      %mul3A_348 = arith.constant 1024 : i32
      %mul3A_349 = arith.muli %add3A_347, %mul3A_348 : i32
      %dma_start3A_350 = arith.constant 0 : i32
      %dma_start3A_351 = tpu.memref_slice %arg10[%dma_start3A_350] : memref<32768xf32, #tpu.memory_space<vmem>> -> memref<4096xf32, #tpu.memory_space<vmem>>
      %dma_start3A_352 = tpu.memref_slice %arg4[%mul3A_349] : memref<51380224xf32, #tpu.memory_space<hbm>> -> memref<4096xf32, #tpu.memory_space<hbm>>
      %dma_start3A_353 = tpu.memref_slice %arg4[%mul3A_349] : memref<51380224xf32, #tpu.memory_space<hbm>> -> memref<4096xf32, #tpu.memory_space<hbm>>
      %dma_start3A_354 = arith.constant 0 : i32
      %dma_start3A_355 = tpu.memref_slice %arg10[%dma_start3A_354] : memref<32768xf32, #tpu.memory_space<vmem>> -> memref<4096xf32, #tpu.memory_space<vmem>>
      tpu.enqueue_dma source(%dma_start3A_355 : memref<4096xf32, #tpu.memory_space<vmem>>) target(%dma_start3A_353 : memref<4096xf32, #tpu.memory_space<hbm>>) target_semaphore(%arg12 : memref<!tpu.dma_semaphore, #tpu.memory_space<semaphore_mem>>)
      %mul3A_356 = arith.constant 8 : i32
      %mul3A_357 = arith.muli %add3A_328, %mul3A_356 : i32
      %add3A_358 = arith.constant 1 : i32
      %add3A_359 = arith.addi %mul3A_357, %add3A_358 : i32
      %mul3A_360 = arith.constant 128 : i32
      %mul3A_361 = arith.muli %add3A_359, %mul3A_360 : i32
      %add3A_362 = arith.addi %mul3A_361, %mul3A_4 : i32
      %mul3A_363 = arith.constant 1024 : i32
      %mul3A_364 = arith.muli %add3A_362, %mul3A_363 : i32
      %dma_start3A_365 = arith.constant 4096 : i32
      %dma_start3A_366 = tpu.memref_slice %arg10[%dma_start3A_365] : memref<32768xf32, #tpu.memory_space<vmem>> -> memref<4096xf32, #tpu.memory_space<vmem>>
      %dma_start3A_367 = tpu.memref_slice %arg4[%mul3A_364] : memref<51380224xf32, #tpu.memory_space<hbm>> -> memref<4096xf32, #tpu.memory_space<hbm>>
      %dma_start3A_368 = tpu.memref_slice %arg4[%mul3A_364] : memref<51380224xf32, #tpu.memory_space<hbm>> -> memref<4096xf32, #tpu.memory_space<hbm>>
      %dma_start3A_369 = arith.constant 4096 : i32
      %dma_start3A_370 = tpu.memref_slice %arg10[%dma_start3A_369] : memref<32768xf32, #tpu.memory_space<vmem>> -> memref<4096xf32, #tpu.memory_space<vmem>>
      tpu.enqueue_dma source(%dma_start3A_370 : memref<4096xf32, #tpu.memory_space<vmem>>) target(%dma_start3A_368 : memref<4096xf32, #tpu.memory_space<hbm>>) target_semaphore(%arg12 : memref<!tpu.dma_semaphore, #tpu.memory_space<semaphore_mem>>)
      %mul3A_371 = arith.constant 8 : i32
      %mul3A_372 = arith.muli %add3A_328, %mul3A_371 : i32
      %add3A_373 = arith.constant 2 : i32
      %add3A_374 = arith.addi %mul3A_372, %add3A_373 : i32
      %mul3A_375 = arith.constant 128 : i32
      %mul3A_376 = arith.muli %add3A_374, %mul3A_375 : i32
      %add3A_377 = arith.addi %mul3A_376, %mul3A_4 : i32
      %mul3A_378 = arith.constant 1024 : i32
      %mul3A_379 = arith.muli %add3A_377, %mul3A_378 : i32
      %dma_start3A_380 = arith.constant 8192 : i32
      %dma_start3A_381 = tpu.memref_slice %arg10[%dma_start3A_380] : memref<32768xf32, #tpu.memory_space<vmem>> -> memref<4096xf32, #tpu.memory_space<vmem>>
      %dma_start3A_382 = tpu.memref_slice %arg4[%mul3A_379] : memref<51380224xf32, #tpu.memory_space<hbm>> -> memref<4096xf32, #tpu.memory_space<hbm>>
      %dma_start3A_383 = tpu.memref_slice %arg4[%mul3A_379] : memref<51380224xf32, #tpu.memory_space<hbm>> -> memref<4096xf32, #tpu.memory_space<hbm>>
      %dma_start3A_384 = arith.constant 8192 : i32
      %dma_start3A_385 = tpu.memref_slice %arg10[%dma_start3A_384] : memref<32768xf32, #tpu.memory_space<vmem>> -> memref<4096xf32, #tpu.memory_space<vmem>>
      tpu.enqueue_dma source(%dma_start3A_385 : memref<4096xf32, #tpu.memory_space<vmem>>) target(%dma_start3A_383 : memref<4096xf32, #tpu.memory_space<hbm>>) target_semaphore(%arg12 : memref<!tpu.dma_semaphore, #tpu.memory_space<semaphore_mem>>)
      %mul3A_386 = arith.constant 8 : i32
      %mul3A_387 = arith.muli %add3A_328, %mul3A_386 : i32
      %add3A_388 = arith.constant 3 : i32
      %add3A_389 = arith.addi %mul3A_387, %add3A_388 : i32
      %mul3A_390 = arith.constant 128 : i32
      %mul3A_391 = arith.muli %add3A_389, %mul3A_390 : i32
      %add3A_392 = arith.addi %mul3A_391, %mul3A_4 : i32
      %mul3A_393 = arith.constant 1024 : i32
      %mul3A_394 = arith.muli %add3A_392, %mul3A_393 : i32
      %dma_start3A_395 = arith.constant 12288 : i32
      %dma_start3A_396 = tpu.memref_slice %arg10[%dma_start3A_395] : memref<32768xf32, #tpu.memory_space<vmem>> -> memref<4096xf32, #tpu.memory_space<vmem>>
      %dma_start3A_397 = tpu.memref_slice %arg4[%mul3A_394] : memref<51380224xf32, #tpu.memory_space<hbm>> -> memref<4096xf32, #tpu.memory_space<hbm>>
      %dma_start3A_398 = tpu.memref_slice %arg4[%mul3A_394] : memref<51380224xf32, #tpu.memory_space<hbm>> -> memref<4096xf32, #tpu.memory_space<hbm>>
      %dma_start3A_399 = arith.constant 12288 : i32
      %dma_start3A_400 = tpu.memref_slice %arg10[%dma_start3A_399] : memref<32768xf32, #tpu.memory_space<vmem>> -> memref<4096xf32, #tpu.memory_space<vmem>>
      tpu.enqueue_dma source(%dma_start3A_400 : memref<4096xf32, #tpu.memory_space<vmem>>) target(%dma_start3A_398 : memref<4096xf32, #tpu.memory_space<hbm>>) target_semaphore(%arg12 : memref<!tpu.dma_semaphore, #tpu.memory_space<semaphore_mem>>)
      %mul3A_401 = arith.constant 8 : i32
      %mul3A_402 = arith.muli %add3A_328, %mul3A_401 : i32
      %add3A_403 = arith.constant 4 : i32
      %add3A_404 = arith.addi %mul3A_402, %add3A_403 : i32
      %mul3A_405 = arith.constant 128 : i32
      %mul3A_406 = arith.muli %add3A_404, %mul3A_405 : i32
      %add3A_407 = arith.addi %mul3A_406, %mul3A_4 : i32
      %mul3A_408 = arith.constant 1024 : i32
      %mul3A_409 = arith.muli %add3A_407, %mul3A_408 : i32
      %dma_start3A_410 = arith.constant 16384 : i32
      %dma_start3A_411 = tpu.memref_slice %arg10[%dma_start3A_410] : memref<32768xf32, #tpu.memory_space<vmem>> -> memref<4096xf32, #tpu.memory_space<vmem>>
      %dma_start3A_412 = tpu.memref_slice %arg4[%mul3A_409] : memref<51380224xf32, #tpu.memory_space<hbm>> -> memref<4096xf32, #tpu.memory_space<hbm>>
      %dma_start3A_413 = tpu.memref_slice %arg4[%mul3A_409] : memref<51380224xf32, #tpu.memory_space<hbm>> -> memref<4096xf32, #tpu.memory_space<hbm>>
      %dma_start3A_414 = arith.constant 16384 : i32
      %dma_start3A_415 = tpu.memref_slice %arg10[%dma_start3A_414] : memref<32768xf32, #tpu.memory_space<vmem>> -> memref<4096xf32, #tpu.memory_space<vmem>>
      tpu.enqueue_dma source(%dma_start3A_415 : memref<4096xf32, #tpu.memory_space<vmem>>) target(%dma_start3A_413 : memref<4096xf32, #tpu.memory_space<hbm>>) target_semaphore(%arg12 : memref<!tpu.dma_semaphore, #tpu.memory_space<semaphore_mem>>)
      %mul3A_416 = arith.constant 8 : i32
      %mul3A_417 = arith.muli %add3A_328, %mul3A_416 : i32
      %add3A_418 = arith.constant 5 : i32
      %add3A_419 = arith.addi %mul3A_417, %add3A_418 : i32
      %mul3A_420 = arith.constant 128 : i32
      %mul3A_421 = arith.muli %add3A_419, %mul3A_420 : i32
      %add3A_422 = arith.addi %mul3A_421, %mul3A_4 : i32
      %mul3A_423 = arith.constant 1024 : i32
      %mul3A_424 = arith.muli %add3A_422, %mul3A_423 : i32
      %dma_start3A_425 = arith.constant 20480 : i32
      %dma_start3A_426 = tpu.memref_slice %arg10[%dma_start3A_425] : memref<32768xf32, #tpu.memory_space<vmem>> -> memref<4096xf32, #tpu.memory_space<vmem>>
      %dma_start3A_427 = tpu.memref_slice %arg4[%mul3A_424] : memref<51380224xf32, #tpu.memory_space<hbm>> -> memref<4096xf32, #tpu.memory_space<hbm>>
      %dma_start3A_428 = tpu.memref_slice %arg4[%mul3A_424] : memref<51380224xf32, #tpu.memory_space<hbm>> -> memref<4096xf32, #tpu.memory_space<hbm>>
      %dma_start3A_429 = arith.constant 20480 : i32
      %dma_start3A_430 = tpu.memref_slice %arg10[%dma_start3A_429] : memref<32768xf32, #tpu.memory_space<vmem>> -> memref<4096xf32, #tpu.memory_space<vmem>>
      tpu.enqueue_dma source(%dma_start3A_430 : memref<4096xf32, #tpu.memory_space<vmem>>) target(%dma_start3A_428 : memref<4096xf32, #tpu.memory_space<hbm>>) target_semaphore(%arg12 : memref<!tpu.dma_semaphore, #tpu.memory_space<semaphore_mem>>)
      %mul3A_431 = arith.constant 8 : i32
      %mul3A_432 = arith.muli %add3A_328, %mul3A_431 : i32
      %add3A_433 = arith.constant 6 : i32
      %add3A_434 = arith.addi %mul3A_432, %add3A_433 : i32
      %mul3A_435 = arith.constant 128 : i32
      %mul3A_436 = arith.muli %add3A_434, %mul3A_435 : i32
      %add3A_437 = arith.addi %mul3A_436, %mul3A_4 : i32
      %mul3A_438 = arith.constant 1024 : i32
      %mul3A_439 = arith.muli %add3A_437, %mul3A_438 : i32
      %dma_start3A_440 = arith.constant 24576 : i32
      %dma_start3A_441 = tpu.memref_slice %arg10[%dma_start3A_440] : memref<32768xf32, #tpu.memory_space<vmem>> -> memref<4096xf32, #tpu.memory_space<vmem>>
      %dma_start3A_442 = tpu.memref_slice %arg4[%mul3A_439] : memref<51380224xf32, #tpu.memory_space<hbm>> -> memref<4096xf32, #tpu.memory_space<hbm>>
      %dma_start3A_443 = tpu.memref_slice %arg4[%mul3A_439] : memref<51380224xf32, #tpu.memory_space<hbm>> -> memref<4096xf32, #tpu.memory_space<hbm>>
      %dma_start3A_444 = arith.constant 24576 : i32
      %dma_start3A_445 = tpu.memref_slice %arg10[%dma_start3A_444] : memref<32768xf32, #tpu.memory_space<vmem>> -> memref<4096xf32, #tpu.memory_space<vmem>>
      tpu.enqueue_dma source(%dma_start3A_445 : memref<4096xf32, #tpu.memory_space<vmem>>) target(%dma_start3A_443 : memref<4096xf32, #tpu.memory_space<hbm>>) target_semaphore(%arg12 : memref<!tpu.dma_semaphore, #tpu.memory_space<semaphore_mem>>)
      %mul3A_446 = arith.constant 8 : i32
      %mul3A_447 = arith.muli %add3A_328, %mul3A_446 : i32
      %add3A_448 = arith.constant 7 : i32
      %add3A_449 = arith.addi %mul3A_447, %add3A_448 : i32
      %mul3A_450 = arith.constant 128 : i32
      %mul3A_451 = arith.muli %add3A_449, %mul3A_450 : i32
      %add3A_452 = arith.addi %mul3A_451, %mul3A_4 : i32
      %mul3A_453 = arith.constant 1024 : i32
      %mul3A_454 = arith.muli %add3A_452, %mul3A_453 : i32
      %dma_start3A_455 = arith.constant 28672 : i32
      %dma_start3A_456 = tpu.memref_slice %arg10[%dma_start3A_455] : memref<32768xf32, #tpu.memory_space<vmem>> -> memref<4096xf32, #tpu.memory_space<vmem>>
      %dma_start3A_457 = tpu.memref_slice %arg4[%mul3A_454] : memref<51380224xf32, #tpu.memory_space<hbm>> -> memref<4096xf32, #tpu.memory_space<hbm>>
      %dma_start3A_458 = tpu.memref_slice %arg4[%mul3A_454] : memref<51380224xf32, #tpu.memory_space<hbm>> -> memref<4096xf32, #tpu.memory_space<hbm>>
      %dma_start3A_459 = arith.constant 28672 : i32
      %dma_start3A_460 = tpu.memref_slice %arg10[%dma_start3A_459] : memref<32768xf32, #tpu.memory_space<vmem>> -> memref<4096xf32, #tpu.memory_space<vmem>>
      tpu.enqueue_dma source(%dma_start3A_460 : memref<4096xf32, #tpu.memory_space<vmem>>) target(%dma_start3A_458 : memref<4096xf32, #tpu.memory_space<hbm>>) target_semaphore(%arg12 : memref<!tpu.dma_semaphore, #tpu.memory_space<semaphore_mem>>)
    }
    %scan3A_84 = arith.constant 24 : i32
    %dma_wait3A = arith.constant 0 : i32
    %dma_wait3A_85 = tpu.memref_slice %arg4[%dma_wait3A] : memref<51380224xf32, #tpu.memory_space<hbm>> -> memref<32768xf32, #tpu.memory_space<hbm>>
    %dma_wait3A_86 = arith.constant 0 : i32
    %dma_wait3A_87 = tpu.memref_slice %arg4[%dma_wait3A_86] : memref<51380224xf32, #tpu.memory_space<hbm>> -> memref<32768xf32, #tpu.memory_space<hbm>>
    tpu.wait_dma2 semaphore(%arg11 : memref<!tpu.dma_semaphore, #tpu.memory_space<semaphore_mem>>) src(%arg9 : memref<32768xf32, #tpu.memory_space<vmem>>) dst(%dma_wait3A_87 : memref<32768xf32, #tpu.memory_space<hbm>>)
    %broadcast_in_dim3A = arith.constant 48 : i32
    %broadcast_in_dim3A_88 = vector.broadcast %broadcast_in_dim3A : i32 to vector<16xi32>
    %scan3A_89 = arith.constant 0 : i32
    %scan3A_90 = arith.constant 0 : i32
    %scan3A_91 = arith.constant 4 : i32
    %scan3A_92 = arith.addi %scan3A_90, %scan3A_91 : i32
    %scan3A_93 = arith.constant 1 : i32
    scf.for %scan3A_191 = %scan3A_90 to %scan3A_92 step %scan3A_93  : i32 {
      %mul3A_192 = arith.constant 8 : i32
      %mul3A_193 = arith.muli %scan3A_191, %mul3A_192 : i32
      %add3A_194 = arith.constant 0 : i32
      %add3A_195 = arith.addi %mul3A_193, %add3A_194 : i32
      %mul3A_196 = arith.constant 16 : i32
      %mul3A_197 = arith.muli %add3A_195, %mul3A_196 : i32
      %get3A = arith.index_cast %mul3A_197 : i32 to index
      %get3A_198 = tpu.vector_load %arg6[%get3A] {strides = array<i32>} : memref<512xi32, #tpu.memory_space<vmem>>, vector<16xi32>,
      %get3A_199 = vector.shape_cast %get3A_198 : vector<16xi32> to vector<16xi32>
      %lt3A = arith.cmpi slt, %broadcast_in_dim3A_88, %get3A_199 : vector<16xi32>
      %jit3A = arith.constant 1.000000e+00 : f32
      %jit3A_200 = arith.constant 0.000000e+00 : f32
      %broadcast_in_dim3A_201 = vector.broadcast %jit3A : f32 to vector<16xf32>
      %broadcast_in_dim3A_202 = vector.broadcast %jit3A_200 : f32 to vector<16xf32>
      %select_n3A = arith.select %lt3A, %broadcast_in_dim3A_201, %broadcast_in_dim3A_202 : vector<16xi1>, vector<16xf32>
      %mul3A_203 = arith.constant 8 : i32
      %mul3A_204 = arith.muli %scan3A_191, %mul3A_203 : i32
      %add3A_205 = arith.constant 1 : i32
      %add3A_206 = arith.addi %mul3A_204, %add3A_205 : i32
      %mul3A_207 = arith.constant 16 : i32
      %mul3A_208 = arith.muli %add3A_206, %mul3A_207 : i32
      %get3A_209 = arith.index_cast %mul3A_208 : i32 to index
      %get3A_210 = tpu.vector_load %arg6[%get3A_209] {strides = array<i32>} : memref<512xi32, #tpu.memory_space<vmem>>, vector<16xi32>,
      %get3A_211 = vector.shape_cast %get3A_210 : vector<16xi32> to vector<16xi32>
      %lt3A_212 = arith.cmpi slt, %broadcast_in_dim3A_88, %get3A_211 : vector<16xi32>
      %jit3A_213 = arith.constant 1.000000e+00 : f32
      %jit3A_214 = arith.constant 0.000000e+00 : f32
      %broadcast_in_dim3A_215 = vector.broadcast %jit3A_213 : f32 to vector<16xf32>
      %broadcast_in_dim3A_216 = vector.broadcast %jit3A_214 : f32 to vector<16xf32>
      %select_n3A_217 = arith.select %lt3A_212, %broadcast_in_dim3A_215, %broadcast_in_dim3A_216 : vector<16xi1>, vector<16xf32>
      %mul3A_218 = arith.constant 8 : i32
      %mul3A_219 = arith.muli %scan3A_191, %mul3A_218 : i32
      %add3A_220 = arith.constant 2 : i32
      %add3A_221 = arith.addi %mul3A_219, %add3A_220 : i32
      %mul3A_222 = arith.constant 16 : i32
      %mul3A_223 = arith.muli %add3A_221, %mul3A_222 : i32
      %get3A_224 = arith.index_cast %mul3A_223 : i32 to index
      %get3A_225 = tpu.vector_load %arg6[%get3A_224] {strides = array<i32>} : memref<512xi32, #tpu.memory_space<vmem>>, vector<16xi32>,
      %get3A_226 = vector.shape_cast %get3A_225 : vector<16xi32> to vector<16xi32>
      %lt3A_227 = arith.cmpi slt, %broadcast_in_dim3A_88, %get3A_226 : vector<16xi32>
      %jit3A_228 = arith.constant 1.000000e+00 : f32
      %jit3A_229 = arith.constant 0.000000e+00 : f32
      %broadcast_in_dim3A_230 = vector.broadcast %jit3A_228 : f32 to vector<16xf32>
      %broadcast_in_dim3A_231 = vector.broadcast %jit3A_229 : f32 to vector<16xf32>
      %select_n3A_232 = arith.select %lt3A_227, %broadcast_in_dim3A_230, %broadcast_in_dim3A_231 : vector<16xi1>, vector<16xf32>
      %mul3A_233 = arith.constant 8 : i32
      %mul3A_234 = arith.muli %scan3A_191, %mul3A_233 : i32
      %add3A_235 = arith.constant 3 : i32
      %add3A_236 = arith.addi %mul3A_234, %add3A_235 : i32
      %mul3A_237 = arith.constant 16 : i32
      %mul3A_238 = arith.muli %add3A_236, %mul3A_237 : i32
      %get3A_239 = arith.index_cast %mul3A_238 : i32 to index
      %get3A_240 = tpu.vector_load %arg6[%get3A_239] {strides = array<i32>} : memref<512xi32, #tpu.memory_space<vmem>>, vector<16xi32>,
      %get3A_241 = vector.shape_cast %get3A_240 : vector<16xi32> to vector<16xi32>
      %lt3A_242 = arith.cmpi slt, %broadcast_in_dim3A_88, %get3A_241 : vector<16xi32>
      %jit3A_243 = arith.constant 1.000000e+00 : f32
      %jit3A_244 = arith.constant 0.000000e+00 : f32
      %broadcast_in_dim3A_245 = vector.broadcast %jit3A_243 : f32 to vector<16xf32>
      %broadcast_in_dim3A_246 = vector.broadcast %jit3A_244 : f32 to vector<16xf32>
      %select_n3A_247 = arith.select %lt3A_242, %broadcast_in_dim3A_245, %broadcast_in_dim3A_246 : vector<16xi1>, vector<16xf32>
      %mul3A_248 = arith.constant 8 : i32
      %mul3A_249 = arith.muli %scan3A_191, %mul3A_248 : i32
      %add3A_250 = arith.constant 4 : i32
      %add3A_251 = arith.addi %mul3A_249, %add3A_250 : i32
      %mul3A_252 = arith.constant 16 : i32
      %mul3A_253 = arith.muli %add3A_251, %mul3A_252 : i32
      %get3A_254 = arith.index_cast %mul3A_253 : i32 to index
      %get3A_255 = tpu.vector_load %arg6[%get3A_254] {strides = array<i32>} : memref<512xi32, #tpu.memory_space<vmem>>, vector<16xi32>,
      %get3A_256 = vector.shape_cast %get3A_255 : vector<16xi32> to vector<16xi32>
      %lt3A_257 = arith.cmpi slt, %broadcast_in_dim3A_88, %get3A_256 : vector<16xi32>
      %jit3A_258 = arith.constant 1.000000e+00 : f32
      %jit3A_259 = arith.constant 0.000000e+00 : f32
      %broadcast_in_dim3A_260 = vector.broadcast %jit3A_258 : f32 to vector<16xf32>
      %broadcast_in_dim3A_261 = vector.broadcast %jit3A_259 : f32 to vector<16xf32>
      %select_n3A_262 = arith.select %lt3A_257, %broadcast_in_dim3A_260, %broadcast_in_dim3A_261 : vector<16xi1>, vector<16xf32>
      %mul3A_263 = arith.constant 8 : i32
      %mul3A_264 = arith.muli %scan3A_191, %mul3A_263 : i32
      %add3A_265 = arith.constant 5 : i32
      %add3A_266 = arith.addi %mul3A_264, %add3A_265 : i32
      %mul3A_267 = arith.constant 16 : i32
      %mul3A_268 = arith.muli %add3A_266, %mul3A_267 : i32
      %get3A_269 = arith.index_cast %mul3A_268 : i32 to index
      %get3A_270 = tpu.vector_load %arg6[%get3A_269] {strides = array<i32>} : memref<512xi32, #tpu.memory_space<vmem>>, vector<16xi32>,
      %get3A_271 = vector.shape_cast %get3A_270 : vector<16xi32> to vector<16xi32>
      %lt3A_272 = arith.cmpi slt, %broadcast_in_dim3A_88, %get3A_271 : vector<16xi32>
      %jit3A_273 = arith.constant 1.000000e+00 : f32
      %jit3A_274 = arith.constant 0.000000e+00 : f32
      %broadcast_in_dim3A_275 = vector.broadcast %jit3A_273 : f32 to vector<16xf32>
      %broadcast_in_dim3A_276 = vector.broadcast %jit3A_274 : f32 to vector<16xf32>
      %select_n3A_277 = arith.select %lt3A_272, %broadcast_in_dim3A_275, %broadcast_in_dim3A_276 : vector<16xi1>, vector<16xf32>
      %mul3A_278 = arith.constant 8 : i32
      %mul3A_279 = arith.muli %scan3A_191, %mul3A_278 : i32
      %add3A_280 = arith.constant 6 : i32
      %add3A_281 = arith.addi %mul3A_279, %add3A_280 : i32
      %mul3A_282 = arith.constant 16 : i32
      %mul3A_283 = arith.muli %add3A_281, %mul3A_282 : i32
      %get3A_284 = arith.index_cast %mul3A_283 : i32 to index
      %get3A_285 = tpu.vector_load %arg6[%get3A_284] {strides = array<i32>} : memref<512xi32, #tpu.memory_space<vmem>>, vector<16xi32>,
      %get3A_286 = vector.shape_cast %get3A_285 : vector<16xi32> to vector<16xi32>
      %lt3A_287 = arith.cmpi slt, %broadcast_in_dim3A_88, %get3A_286 : vector<16xi32>
      %jit3A_288 = arith.constant 1.000000e+00 : f32
      %jit3A_289 = arith.constant 0.000000e+00 : f32
      %broadcast_in_dim3A_290 = vector.broadcast %jit3A_288 : f32 to vector<16xf32>
      %broadcast_in_dim3A_291 = vector.broadcast %jit3A_289 : f32 to vector<16xf32>
      %select_n3A_292 = arith.select %lt3A_287, %broadcast_in_dim3A_290, %broadcast_in_dim3A_291 : vector<16xi1>, vector<16xf32>
      %mul3A_293 = arith.constant 8 : i32
      %mul3A_294 = arith.muli %scan3A_191, %mul3A_293 : i32
      %add3A_295 = arith.constant 7 : i32
      %add3A_296 = arith.addi %mul3A_294, %add3A_295 : i32
      %mul3A_297 = arith.constant 16 : i32
      %mul3A_298 = arith.muli %add3A_296, %mul3A_297 : i32
      %get3A_299 = arith.index_cast %mul3A_298 : i32 to index
      %get3A_300 = tpu.vector_load %arg6[%get3A_299] {strides = array<i32>} : memref<512xi32, #tpu.memory_space<vmem>>, vector<16xi32>,
      %get3A_301 = vector.shape_cast %get3A_300 : vector<16xi32> to vector<16xi32>
      %lt3A_302 = arith.cmpi slt, %broadcast_in_dim3A_88, %get3A_301 : vector<16xi32>
      %jit3A_303 = arith.constant 1.000000e+00 : f32
      %jit3A_304 = arith.constant 0.000000e+00 : f32
      %broadcast_in_dim3A_305 = vector.broadcast %jit3A_303 : f32 to vector<16xf32>
      %broadcast_in_dim3A_306 = vector.broadcast %jit3A_304 : f32 to vector<16xf32>
      %select_n3A_307 = arith.select %lt3A_302, %broadcast_in_dim3A_305, %broadcast_in_dim3A_306 : vector<16xi1>, vector<16xf32>
      %scan3A_308 = arith.constant 0 : i32
      %scan3A_309 = arith.constant 0 : i32
      %scan3A_310 = arith.constant 8 : i32
      %scan3A_311 = arith.addi %scan3A_309, %scan3A_310 : i32
      %scan3A_312 = arith.constant 1 : i32
      scf.for %scan3A_314 = %scan3A_309 to %scan3A_311 step %scan3A_312  : i32 {
        %jit3A_315 = arith.constant 2 : i32
        %div3A = arith.divsi %scan3A_314, %jit3A_315 : i32
        %sign3A = arith.constant 0 : i32
        %sign3A_316 = arith.cmpi sgt, %scan3A_314, %sign3A : i32
        %sign3A_317 = arith.extui %sign3A_316 : i1 to i32
        %sign3A_318 = arith.constant 0 : i32
        %sign3A_319 = arith.cmpi slt, %scan3A_314, %sign3A_318 : i32
        %sign3A_320 = arith.extui %sign3A_319 : i1 to i32
        %sign3A_321 = arith.subi %sign3A_317, %sign3A_320 : i32
        %sign3A_322 = arith.constant 0 : i32
        %sign3A_323 = arith.cmpi sgt, %jit3A_315, %sign3A_322 : i32
        %sign3A_324 = arith.extui %sign3A_323 : i1 to i32
        %sign3A_325 = arith.constant 0 : i32
        %sign3A_326 = arith.cmpi slt, %jit3A_315, %sign3A_325 : i32
        %sign3A_327 = arith.extui %sign3A_326 : i1 to i32
        %sign3A_328 = arith.subi %sign3A_324, %sign3A_327 : i32
        %ne3A = arith.cmpi ne, %sign3A_321, %sign3A_328 : i32
        %rem3A = arith.remsi %scan3A_314, %jit3A_315 : i32
        %ne3A_329 = arith.constant 0 : i32
        %ne3A_330 = arith.cmpi ne, %rem3A, %ne3A_329 : i32
        %and3A = arith.andi %ne3A, %ne3A_330 : i1
        %sub3A = arith.constant 1 : i32
        %sub3A_331 = arith.subi %div3A, %sub3A : i32
        %select_n3A_332 = arith.select %and3A, %sub3A_331, %div3A : i32
        %mul3A_333 = arith.constant 16 : i32
        %mul3A_334 = arith.muli %select_n3A_332, %mul3A_333 : i32
        %add3A_335 = arith.constant 3072 : i32
        %add3A_336 = arith.addi %add3A_335, %mul3A_334 : i32
        %get3A_337 = arith.index_cast %add3A_336 : i32 to index
        %get3A_338 = tpu.vector_load %arg7[%get3A_337] {strides = array<i32>} : memref<3136xf32, #tpu.memory_space<vmem>>, vector<16xf32>,
        %get3A_339 = vector.shape_cast %get3A_338 : vector<16xf32> to vector<16xf32>
        %jit3A_340 = arith.constant 2 : i32
        %eq3A = arith.constant 0 : i32
        %eq3A_341 = arith.cmpi eq, %jit3A_340, %eq3A : i32
        %jit3A_342 = arith.constant 1 : i32
        %select_n3A_343 = arith.select %eq3A_341, %jit3A_342, %jit3A_340 : i32
        %rem3A_344 = arith.remsi %scan3A_314, %select_n3A_343 : i32
        %ne3A_345 = arith.constant 0 : i32
        %ne3A_346 = arith.cmpi ne, %rem3A_344, %ne3A_345 : i32
        %lt3A_347 = arith.constant 0 : i32
        %lt3A_348 = arith.cmpi slt, %rem3A_344, %lt3A_347 : i32
        %lt3A_349 = arith.constant 0 : i32
        %lt3A_350 = arith.cmpi slt, %select_n3A_343, %lt3A_349 : i32
        %ne3A_351 = arith.xori %lt3A_348, %lt3A_350 : i1
        %and3A_352 = arith.andi %ne3A_351, %ne3A_346 : i1
        %add3A_353 = arith.addi %rem3A_344, %select_n3A_343 : i32
        %select_n3A_354 = arith.select %and3A_352, %add3A_353, %rem3A_344 : i32
        %mul3A_355 = arith.constant 8 : i32
        %mul3A_356 = arith.muli %select_n3A_354, %mul3A_355 : i32
        %add3A_357 = arith.constant 0 : i32
        %add3A_358 = arith.addi %mul3A_356, %add3A_357 : i32
        %broadcast_in_dim3A_359 = vector.broadcast %add3A_358 : i32 to vector<16xi32>
        %lt3A_360 = arith.constant 0 : i32
        %lt3A_361 = vector.broadcast %lt3A_360 : i32 to vector<16xi32>
        %lt3A_362 = arith.cmpi slt, %broadcast_in_dim3A_359, %lt3A_361 : vector<16xi32>
        %add3A_363 = arith.constant 16 : i32
        %add3A_364 = vector.broadcast %add3A_363 : i32 to vector<16xi32>
        %add3A_365 = arith.addi %broadcast_in_dim3A_359, %add3A_364 : vector<16xi32>
        %select_n3A_366 = arith.select %lt3A_362, %add3A_365, %broadcast_in_dim3A_359 : vector<16xi1>, vector<16xi32>
        %broadcast_in_dim3A_367 = vector.shape_cast %select_n3A_366 : vector<16xi32> to vector<16x1xi32>
        %gather3A = vector.shape_cast %broadcast_in_dim3A_367 : vector<16x1xi32> to vector<16xi32>
        %gather3A_368 = tpu.dynamic_gather %get3A_339[%gather3A] in [0] : vector<16xf32>, vector<16xi32> -> vector<16xf32>
        %mul3A_369 = arith.constant 4096 : i32
        %mul3A_370 = arith.muli %scan3A_314, %mul3A_369 : i32
        %mul3A_371 = arith.constant 1024 : i32
        %mul3A_372 = arith.muli %scan3A_191, %mul3A_371 : i32
        %add3A_373 = arith.addi %mul3A_370, %mul3A_372 : i32
        %add3A_374 = arith.constant 0 : i32
        %add3A_375 = arith.addi %add3A_373, %add3A_374 : i32
        %mul3A_376 = arith.mulf %gather3A_368, %select_n3A : vector<16xf32>
        %add3A_377 = arith.constant 0 : i32
        %add3A_378 = arith.addi %add3A_375, %add3A_377 : i32
        %swap3A = arith.index_cast %add3A_378 : i32 to index
        %swap3A_379 = tpu.vector_load %arg9[%swap3A] {strides = array<i32>} : memref<32768xf32, #tpu.memory_space<vmem>>, vector<16xf32>,
        %swap3A_380 = vector.shape_cast %swap3A_379 : vector<16xf32> to vector<16xf32>
        %swap3A_381 = vector.shape_cast %mul3A_376 : vector<16xf32> to vector<16xf32>
        tpu.vector_store %arg9[%swap3A], %swap3A_381 {strides = array<i32>} : memref<32768xf32, #tpu.memory_space<vmem>>, vector<16xf32>,
        %mul3A_382 = arith.mulf %gather3A_368, %select_n3A_217 : vector<16xf32>
        %add3A_383 = arith.constant 16 : i32
        %add3A_384 = arith.addi %add3A_375, %add3A_383 : i32
        %swap3A_385 = arith.index_cast %add3A_384 : i32 to index
        %swap3A_386 = tpu.vector_load %arg9[%swap3A_385] {strides = array<i32>} : memref<32768xf32, #tpu.memory_space<vmem>>, vector<16xf32>,
        %swap3A_387 = vector.shape_cast %swap3A_386 : vector<16xf32> to vector<16xf32>
        %swap3A_388 = vector.shape_cast %mul3A_382 : vector<16xf32> to vector<16xf32>
        tpu.vector_store %arg9[%swap3A_385], %swap3A_388 {strides = array<i32>} : memref<32768xf32, #tpu.memory_space<vmem>>, vector<16xf32>,
        %mul3A_389 = arith.mulf %gather3A_368, %select_n3A_232 : vector<16xf32>
        %add3A_390 = arith.constant 32 : i32
        %add3A_391 = arith.addi %add3A_375, %add3A_390 : i32
        %swap3A_392 = arith.index_cast %add3A_391 : i32 to index
        %swap3A_393 = tpu.vector_load %arg9[%swap3A_392] {strides = array<i32>} : memref<32768xf32, #tpu.memory_space<vmem>>, vector<16xf32>,
        %swap3A_394 = vector.shape_cast %swap3A_393 : vector<16xf32> to vector<16xf32>
        %swap3A_395 = vector.shape_cast %mul3A_389 : vector<16xf32> to vector<16xf32>
        tpu.vector_store %arg9[%swap3A_392], %swap3A_395 {strides = array<i32>} : memref<32768xf32, #tpu.memory_space<vmem>>, vector<16xf32>,
        %mul3A_396 = arith.mulf %gather3A_368, %select_n3A_247 : vector<16xf32>
        %add3A_397 = arith.constant 48 : i32
        %add3A_398 = arith.addi %add3A_375, %add3A_397 : i32
        %swap3A_399 = arith.index_cast %add3A_398 : i32 to index
        %swap3A_400 = tpu.vector_load %arg9[%swap3A_399] {strides = array<i32>} : memref<32768xf32, #tpu.memory_space<vmem>>, vector<16xf32>,
        %swap3A_401 = vector.shape_cast %swap3A_400 : vector<16xf32> to vector<16xf32>
        %swap3A_402 = vector.shape_cast %mul3A_396 : vector<16xf32> to vector<16xf32>
        tpu.vector_store %arg9[%swap3A_399], %swap3A_402 {strides = array<i32>} : memref<32768xf32, #tpu.memory_space<vmem>>, vector<16xf32>,
        %mul3A_403 = arith.mulf %gather3A_368, %select_n3A_262 : vector<16xf32>
        %add3A_404 = arith.constant 64 : i32
        %add3A_405 = arith.addi %add3A_375, %add3A_404 : i32
        %swap3A_406 = arith.index_cast %add3A_405 : i32 to index
        %swap3A_407 = tpu.vector_load %arg9[%swap3A_406] {strides = array<i32>} : memref<32768xf32, #tpu.memory_space<vmem>>, vector<16xf32>,
        %swap3A_408 = vector.shape_cast %swap3A_407 : vector<16xf32> to vector<16xf32>
        %swap3A_409 = vector.shape_cast %mul3A_403 : vector<16xf32> to vector<16xf32>
        tpu.vector_store %arg9[%swap3A_406], %swap3A_409 {strides = array<i32>} : memref<32768xf32, #tpu.memory_space<vmem>>, vector<16xf32>,
        %mul3A_410 = arith.mulf %gather3A_368, %select_n3A_277 : vector<16xf32>
        %add3A_411 = arith.constant 80 : i32
        %add3A_412 = arith.addi %add3A_375, %add3A_411 : i32
        %swap3A_413 = arith.index_cast %add3A_412 : i32 to index
        %swap3A_414 = tpu.vector_load %arg9[%swap3A_413] {strides = array<i32>} : memref<32768xf32, #tpu.memory_space<vmem>>, vector<16xf32>,
        %swap3A_415 = vector.shape_cast %swap3A_414 : vector<16xf32> to vector<16xf32>
        %swap3A_416 = vector.shape_cast %mul3A_410 : vector<16xf32> to vector<16xf32>
        tpu.vector_store %arg9[%swap3A_413], %swap3A_416 {strides = array<i32>} : memref<32768xf32, #tpu.memory_space<vmem>>, vector<16xf32>,
        %mul3A_417 = arith.mulf %gather3A_368, %select_n3A_292 : vector<16xf32>
        %add3A_418 = arith.constant 96 : i32
        %add3A_419 = arith.addi %add3A_375, %add3A_418 : i32
        %swap3A_420 = arith.index_cast %add3A_419 : i32 to index
        %swap3A_421 = tpu.vector_load %arg9[%swap3A_420] {strides = array<i32>} : memref<32768xf32, #tpu.memory_space<vmem>>, vector<16xf32>,
        %swap3A_422 = vector.shape_cast %swap3A_421 : vector<16xf32> to vector<16xf32>
        %swap3A_423 = vector.shape_cast %mul3A_417 : vector<16xf32> to vector<16xf32>
        tpu.vector_store %arg9[%swap3A_420], %swap3A_423 {strides = array<i32>} : memref<32768xf32, #tpu.memory_space<vmem>>, vector<16xf32>,
        %mul3A_424 = arith.mulf %gather3A_368, %select_n3A_307 : vector<16xf32>
        %add3A_425 = arith.constant 112 : i32
        %add3A_426 = arith.addi %add3A_375, %add3A_425 : i32
        %swap3A_427 = arith.index_cast %add3A_426 : i32 to index
        %swap3A_428 = tpu.vector_load %arg9[%swap3A_427] {strides = array<i32>} : memref<32768xf32, #tpu.memory_space<vmem>>, vector<16xf32>,
        %swap3A_429 = vector.shape_cast %swap3A_428 : vector<16xf32> to vector<16xf32>
        %swap3A_430 = vector.shape_cast %mul3A_424 : vector<16xf32> to vector<16xf32>
        tpu.vector_store %arg9[%swap3A_427], %swap3A_430 {strides = array<i32>} : memref<32768xf32, #tpu.memory_space<vmem>>, vector<16xf32>,
        %add3A_431 = arith.constant 1 : i32
        %add3A_432 = arith.addi %mul3A_356, %add3A_431 : i32
        %broadcast_in_dim3A_433 = vector.broadcast %add3A_432 : i32 to vector<16xi32>
        %lt3A_434 = arith.constant 0 : i32
        %lt3A_435 = vector.broadcast %lt3A_434 : i32 to vector<16xi32>
        %lt3A_436 = arith.cmpi slt, %broadcast_in_dim3A_433, %lt3A_435 : vector<16xi32>
        %add3A_437 = arith.constant 16 : i32
        %add3A_438 = vector.broadcast %add3A_437 : i32 to vector<16xi32>
        %add3A_439 = arith.addi %broadcast_in_dim3A_433, %add3A_438 : vector<16xi32>
        %select_n3A_440 = arith.select %lt3A_436, %add3A_439, %broadcast_in_dim3A_433 : vector<16xi1>, vector<16xi32>
        %broadcast_in_dim3A_441 = vector.shape_cast %select_n3A_440 : vector<16xi32> to vector<16x1xi32>
        %gather3A_442 = vector.shape_cast %broadcast_in_dim3A_441 : vector<16x1xi32> to vector<16xi32>
        %gather3A_443 = tpu.dynamic_gather %get3A_339[%gather3A_442] in [0] : vector<16xf32>, vector<16xi32> -> vector<16xf32>
        %mul3A_444 = arith.constant 4096 : i32
        %mul3A_445 = arith.muli %scan3A_314, %mul3A_444 : i32
        %mul3A_446 = arith.constant 1024 : i32
        %mul3A_447 = arith.muli %scan3A_191, %mul3A_446 : i32
        %add3A_448 = arith.addi %mul3A_445, %mul3A_447 : i32
        %add3A_449 = arith.constant 128 : i32
        %add3A_450 = arith.addi %add3A_448, %add3A_449 : i32
        %mul3A_451 = arith.mulf %gather3A_443, %select_n3A : vector<16xf32>
        %add3A_452 = arith.constant 0 : i32
        %add3A_453 = arith.addi %add3A_450, %add3A_452 : i32
        %swap3A_454 = arith.index_cast %add3A_453 : i32 to index
        %swap3A_455 = tpu.vector_load %arg9[%swap3A_454] {strides = array<i32>} : memref<32768xf32, #tpu.memory_space<vmem>>, vector<16xf32>,
        %swap3A_456 = vector.shape_cast %swap3A_455 : vector<16xf32> to vector<16xf32>
        %swap3A_457 = vector.shape_cast %mul3A_451 : vector<16xf32> to vector<16xf32>
        tpu.vector_store %arg9[%swap3A_454], %swap3A_457 {strides = array<i32>} : memref<32768xf32, #tpu.memory_space<vmem>>, vector<16xf32>,
        %mul3A_458 = arith.mulf %gather3A_443, %select_n3A_217 : vector<16xf32>
        %add3A_459 = arith.constant 16 : i32
        %add3A_460 = arith.addi %add3A_450, %add3A_459 : i32
        %swap3A_461 = arith.index_cast %add3A_460 : i32 to index
        %swap3A_462 = tpu.vector_load %arg9[%swap3A_461] {strides = array<i32>} : memref<32768xf32, #tpu.memory_space<vmem>>, vector<16xf32>,
        %swap3A_463 = vector.shape_cast %swap3A_462 : vector<16xf32> to vector<16xf32>
        %swap3A_464 = vector.shape_cast %mul3A_458 : vector<16xf32> to vector<16xf32>
        tpu.vector_store %arg9[%swap3A_461], %swap3A_464 {strides = array<i32>} : memref<32768xf32, #tpu.memory_space<vmem>>, vector<16xf32>,
        %mul3A_465 = arith.mulf %gather3A_443, %select_n3A_232 : vector<16xf32>
        %add3A_466 = arith.constant 32 : i32
        %add3A_467 = arith.addi %add3A_450, %add3A_466 : i32
        %swap3A_468 = arith.index_cast %add3A_467 : i32 to index
        %swap3A_469 = tpu.vector_load %arg9[%swap3A_468] {strides = array<i32>} : memref<32768xf32, #tpu.memory_space<vmem>>, vector<16xf32>,
        %swap3A_470 = vector.shape_cast %swap3A_469 : vector<16xf32> to vector<16xf32>
        %swap3A_471 = vector.shape_cast %mul3A_465 : vector<16xf32> to vector<16xf32>
        tpu.vector_store %arg9[%swap3A_468], %swap3A_471 {strides = array<i32>} : memref<32768xf32, #tpu.memory_space<vmem>>, vector<16xf32>,
        %mul3A_472 = arith.mulf %gather3A_443, %select_n3A_247 : vector<16xf32>
        %add3A_473 = arith.constant 48 : i32
        %add3A_474 = arith.addi %add3A_450, %add3A_473 : i32
        %swap3A_475 = arith.index_cast %add3A_474 : i32 to index
        %swap3A_476 = tpu.vector_load %arg9[%swap3A_475] {strides = array<i32>} : memref<32768xf32, #tpu.memory_space<vmem>>, vector<16xf32>,
        %swap3A_477 = vector.shape_cast %swap3A_476 : vector<16xf32> to vector<16xf32>
        %swap3A_478 = vector.shape_cast %mul3A_472 : vector<16xf32> to vector<16xf32>
        tpu.vector_store %arg9[%swap3A_475], %swap3A_478 {strides = array<i32>} : memref<32768xf32, #tpu.memory_space<vmem>>, vector<16xf32>,
        %mul3A_479 = arith.mulf %gather3A_443, %select_n3A_262 : vector<16xf32>
        %add3A_480 = arith.constant 64 : i32
        %add3A_481 = arith.addi %add3A_450, %add3A_480 : i32
        %swap3A_482 = arith.index_cast %add3A_481 : i32 to index
        %swap3A_483 = tpu.vector_load %arg9[%swap3A_482] {strides = array<i32>} : memref<32768xf32, #tpu.memory_space<vmem>>, vector<16xf32>,
        %swap3A_484 = vector.shape_cast %swap3A_483 : vector<16xf32> to vector<16xf32>
        %swap3A_485 = vector.shape_cast %mul3A_479 : vector<16xf32> to vector<16xf32>
        tpu.vector_store %arg9[%swap3A_482], %swap3A_485 {strides = array<i32>} : memref<32768xf32, #tpu.memory_space<vmem>>, vector<16xf32>,
        %mul3A_486 = arith.mulf %gather3A_443, %select_n3A_277 : vector<16xf32>
        %add3A_487 = arith.constant 80 : i32
        %add3A_488 = arith.addi %add3A_450, %add3A_487 : i32
        %swap3A_489 = arith.index_cast %add3A_488 : i32 to index
        %swap3A_490 = tpu.vector_load %arg9[%swap3A_489] {strides = array<i32>} : memref<32768xf32, #tpu.memory_space<vmem>>, vector<16xf32>,
        %swap3A_491 = vector.shape_cast %swap3A_490 : vector<16xf32> to vector<16xf32>
        %swap3A_492 = vector.shape_cast %mul3A_486 : vector<16xf32> to vector<16xf32>
        tpu.vector_store %arg9[%swap3A_489], %swap3A_492 {strides = array<i32>} : memref<32768xf32, #tpu.memory_space<vmem>>, vector<16xf32>,
        %mul3A_493 = arith.mulf %gather3A_443, %select_n3A_292 : vector<16xf32>
        %add3A_494 = arith.constant 96 : i32
        %add3A_495 = arith.addi %add3A_450, %add3A_494 : i32
        %swap3A_496 = arith.index_cast %add3A_495 : i32 to index
        %swap3A_497 = tpu.vector_load %arg9[%swap3A_496] {strides = array<i32>} : memref<32768xf32, #tpu.memory_space<vmem>>, vector<16xf32>,
        %swap3A_498 = vector.shape_cast %swap3A_497 : vector<16xf32> to vector<16xf32>
        %swap3A_499 = vector.shape_cast %mul3A_493 : vector<16xf32> to vector<16xf32>
        tpu.vector_store %arg9[%swap3A_496], %swap3A_499 {strides = array<i32>} : memref<32768xf32, #tpu.memory_space<vmem>>, vector<16xf32>,
        %mul3A_500 = arith.mulf %gather3A_443, %select_n3A_307 : vector<16xf32>
        %add3A_501 = arith.constant 112 : i32
        %add3A_502 = arith.addi %add3A_450, %add3A_501 : i32
        %swap3A_503 = arith.index_cast %add3A_502 : i32 to index
        %swap3A_504 = tpu.vector_load %arg9[%swap3A_503] {strides = array<i32>} : memref<32768xf32, #tpu.memory_space<vmem>>, vector<16xf32>,
        %swap3A_505 = vector.shape_cast %swap3A_504 : vector<16xf32> to vector<16xf32>
        %swap3A_506 = vector.shape_cast %mul3A_500 : vector<16xf32> to vector<16xf32>
        tpu.vector_store %arg9[%swap3A_503], %swap3A_506 {strides = array<i32>} : memref<32768xf32, #tpu.memory_space<vmem>>, vector<16xf32>,
        %add3A_507 = arith.constant 2 : i32
        %add3A_508 = arith.addi %mul3A_356, %add3A_507 : i32
        %broadcast_in_dim3A_509 = vector.broadcast %add3A_508 : i32 to vector<16xi32>
        %lt3A_510 = arith.constant 0 : i32
        %lt3A_511 = vector.broadcast %lt3A_510 : i32 to vector<16xi32>
        %lt3A_512 = arith.cmpi slt, %broadcast_in_dim3A_509, %lt3A_511 : vector<16xi32>
        %add3A_513 = arith.constant 16 : i32
        %add3A_514 = vector.broadcast %add3A_513 : i32 to vector<16xi32>
        %add3A_515 = arith.addi %broadcast_in_dim3A_509, %add3A_514 : vector<16xi32>
        %select_n3A_516 = arith.select %lt3A_512, %add3A_515, %broadcast_in_dim3A_509 : vector<16xi1>, vector<16xi32>
        %broadcast_in_dim3A_517 = vector.shape_cast %select_n3A_516 : vector<16xi32> to vector<16x1xi32>
        %gather3A_518 = vector.shape_cast %broadcast_in_dim3A_517 : vector<16x1xi32> to vector<16xi32>
        %gather3A_519 = tpu.dynamic_gather %get3A_339[%gather3A_518] in [0] : vector<16xf32>, vector<16xi32> -> vector<16xf32>
        %mul3A_520 = arith.constant 4096 : i32
        %mul3A_521 = arith.muli %scan3A_314, %mul3A_520 : i32
        %mul3A_522 = arith.constant 1024 : i32
        %mul3A_523 = arith.muli %scan3A_191, %mul3A_522 : i32
        %add3A_524 = arith.addi %mul3A_521, %mul3A_523 : i32
        %add3A_525 = arith.constant 256 : i32
        %add3A_526 = arith.addi %add3A_524, %add3A_525 : i32
        %mul3A_527 = arith.mulf %gather3A_519, %select_n3A : vector<16xf32>
        %add3A_528 = arith.constant 0 : i32
        %add3A_529 = arith.addi %add3A_526, %add3A_528 : i32
        %swap3A_530 = arith.index_cast %add3A_529 : i32 to index
        %swap3A_531 = tpu.vector_load %arg9[%swap3A_530] {strides = array<i32>} : memref<32768xf32, #tpu.memory_space<vmem>>, vector<16xf32>,
        %swap3A_532 = vector.shape_cast %swap3A_531 : vector<16xf32> to vector<16xf32>
        %swap3A_533 = vector.shape_cast %mul3A_527 : vector<16xf32> to vector<16xf32>
        tpu.vector_store %arg9[%swap3A_530], %swap3A_533 {strides = array<i32>} : memref<32768xf32, #tpu.memory_space<vmem>>, vector<16xf32>,
        %mul3A_534 = arith.mulf %gather3A_519, %select_n3A_217 : vector<16xf32>
        %add3A_535 = arith.constant 16 : i32
        %add3A_536 = arith.addi %add3A_526, %add3A_535 : i32
        %swap3A_537 = arith.index_cast %add3A_536 : i32 to index
        %swap3A_538 = tpu.vector_load %arg9[%swap3A_537] {strides = array<i32>} : memref<32768xf32, #tpu.memory_space<vmem>>, vector<16xf32>,
        %swap3A_539 = vector.shape_cast %swap3A_538 : vector<16xf32> to vector<16xf32>
        %swap3A_540 = vector.shape_cast %mul3A_534 : vector<16xf32> to vector<16xf32>
        tpu.vector_store %arg9[%swap3A_537], %swap3A_540 {strides = array<i32>} : memref<32768xf32, #tpu.memory_space<vmem>>, vector<16xf32>,
        %mul3A_541 = arith.mulf %gather3A_519, %select_n3A_232 : vector<16xf32>
        %add3A_542 = arith.constant 32 : i32
        %add3A_543 = arith.addi %add3A_526, %add3A_542 : i32
        %swap3A_544 = arith.index_cast %add3A_543 : i32 to index
        %swap3A_545 = tpu.vector_load %arg9[%swap3A_544] {strides = array<i32>} : memref<32768xf32, #tpu.memory_space<vmem>>, vector<16xf32>,
        %swap3A_546 = vector.shape_cast %swap3A_545 : vector<16xf32> to vector<16xf32>
        %swap3A_547 = vector.shape_cast %mul3A_541 : vector<16xf32> to vector<16xf32>
        tpu.vector_store %arg9[%swap3A_544], %swap3A_547 {strides = array<i32>} : memref<32768xf32, #tpu.memory_space<vmem>>, vector<16xf32>,
        %mul3A_548 = arith.mulf %gather3A_519, %select_n3A_247 : vector<16xf32>
        %add3A_549 = arith.constant 48 : i32
        %add3A_550 = arith.addi %add3A_526, %add3A_549 : i32
        %swap3A_551 = arith.index_cast %add3A_550 : i32 to index
        %swap3A_552 = tpu.vector_load %arg9[%swap3A_551] {strides = array<i32>} : memref<32768xf32, #tpu.memory_space<vmem>>, vector<16xf32>,
        %swap3A_553 = vector.shape_cast %swap3A_552 : vector<16xf32> to vector<16xf32>
        %swap3A_554 = vector.shape_cast %mul3A_548 : vector<16xf32> to vector<16xf32>
        tpu.vector_store %arg9[%swap3A_551], %swap3A_554 {strides = array<i32>} : memref<32768xf32, #tpu.memory_space<vmem>>, vector<16xf32>,
        %mul3A_555 = arith.mulf %gather3A_519, %select_n3A_262 : vector<16xf32>
        %add3A_556 = arith.constant 64 : i32
        %add3A_557 = arith.addi %add3A_526, %add3A_556 : i32
        %swap3A_558 = arith.index_cast %add3A_557 : i32 to index
        %swap3A_559 = tpu.vector_load %arg9[%swap3A_558] {strides = array<i32>} : memref<32768xf32, #tpu.memory_space<vmem>>, vector<16xf32>,
        %swap3A_560 = vector.shape_cast %swap3A_559 : vector<16xf32> to vector<16xf32>
        %swap3A_561 = vector.shape_cast %mul3A_555 : vector<16xf32> to vector<16xf32>
        tpu.vector_store %arg9[%swap3A_558], %swap3A_561 {strides = array<i32>} : memref<32768xf32, #tpu.memory_space<vmem>>, vector<16xf32>,
        %mul3A_562 = arith.mulf %gather3A_519, %select_n3A_277 : vector<16xf32>
        %add3A_563 = arith.constant 80 : i32
        %add3A_564 = arith.addi %add3A_526, %add3A_563 : i32
        %swap3A_565 = arith.index_cast %add3A_564 : i32 to index
        %swap3A_566 = tpu.vector_load %arg9[%swap3A_565] {strides = array<i32>} : memref<32768xf32, #tpu.memory_space<vmem>>, vector<16xf32>,
        %swap3A_567 = vector.shape_cast %swap3A_566 : vector<16xf32> to vector<16xf32>
        %swap3A_568 = vector.shape_cast %mul3A_562 : vector<16xf32> to vector<16xf32>
        tpu.vector_store %arg9[%swap3A_565], %swap3A_568 {strides = array<i32>} : memref<32768xf32, #tpu.memory_space<vmem>>, vector<16xf32>,
        %mul3A_569 = arith.mulf %gather3A_519, %select_n3A_292 : vector<16xf32>
        %add3A_570 = arith.constant 96 : i32
        %add3A_571 = arith.addi %add3A_526, %add3A_570 : i32
        %swap3A_572 = arith.index_cast %add3A_571 : i32 to index
        %swap3A_573 = tpu.vector_load %arg9[%swap3A_572] {strides = array<i32>} : memref<32768xf32, #tpu.memory_space<vmem>>, vector<16xf32>,
        %swap3A_574 = vector.shape_cast %swap3A_573 : vector<16xf32> to vector<16xf32>
        %swap3A_575 = vector.shape_cast %mul3A_569 : vector<16xf32> to vector<16xf32>
        tpu.vector_store %arg9[%swap3A_572], %swap3A_575 {strides = array<i32>} : memref<32768xf32, #tpu.memory_space<vmem>>, vector<16xf32>,
        %mul3A_576 = arith.mulf %gather3A_519, %select_n3A_307 : vector<16xf32>
        %add3A_577 = arith.constant 112 : i32
        %add3A_578 = arith.addi %add3A_526, %add3A_577 : i32
        %swap3A_579 = arith.index_cast %add3A_578 : i32 to index
        %swap3A_580 = tpu.vector_load %arg9[%swap3A_579] {strides = array<i32>} : memref<32768xf32, #tpu.memory_space<vmem>>, vector<16xf32>,
        %swap3A_581 = vector.shape_cast %swap3A_580 : vector<16xf32> to vector<16xf32>
        %swap3A_582 = vector.shape_cast %mul3A_576 : vector<16xf32> to vector<16xf32>
        tpu.vector_store %arg9[%swap3A_579], %swap3A_582 {strides = array<i32>} : memref<32768xf32, #tpu.memory_space<vmem>>, vector<16xf32>,
        %add3A_583 = arith.constant 3 : i32
        %add3A_584 = arith.addi %mul3A_356, %add3A_583 : i32
        %broadcast_in_dim3A_585 = vector.broadcast %add3A_584 : i32 to vector<16xi32>
        %lt3A_586 = arith.constant 0 : i32
        %lt3A_587 = vector.broadcast %lt3A_586 : i32 to vector<16xi32>
        %lt3A_588 = arith.cmpi slt, %broadcast_in_dim3A_585, %lt3A_587 : vector<16xi32>
        %add3A_589 = arith.constant 16 : i32
        %add3A_590 = vector.broadcast %add3A_589 : i32 to vector<16xi32>
        %add3A_591 = arith.addi %broadcast_in_dim3A_585, %add3A_590 : vector<16xi32>
        %select_n3A_592 = arith.select %lt3A_588, %add3A_591, %broadcast_in_dim3A_585 : vector<16xi1>, vector<16xi32>
        %broadcast_in_dim3A_593 = vector.shape_cast %select_n3A_592 : vector<16xi32> to vector<16x1xi32>
        %gather3A_594 = vector.shape_cast %broadcast_in_dim3A_593 : vector<16x1xi32> to vector<16xi32>
        %gather3A_595 = tpu.dynamic_gather %get3A_339[%gather3A_594] in [0] : vector<16xf32>, vector<16xi32> -> vector<16xf32>
        %mul3A_596 = arith.constant 4096 : i32
        %mul3A_597 = arith.muli %scan3A_314, %mul3A_596 : i32
        %mul3A_598 = arith.constant 1024 : i32
        %mul3A_599 = arith.muli %scan3A_191, %mul3A_598 : i32
        %add3A_600 = arith.addi %mul3A_597, %mul3A_599 : i32
        %add3A_601 = arith.constant 384 : i32
        %add3A_602 = arith.addi %add3A_600, %add3A_601 : i32
        %mul3A_603 = arith.mulf %gather3A_595, %select_n3A : vector<16xf32>
        %add3A_604 = arith.constant 0 : i32
        %add3A_605 = arith.addi %add3A_602, %add3A_604 : i32
        %swap3A_606 = arith.index_cast %add3A_605 : i32 to index
        %swap3A_607 = tpu.vector_load %arg9[%swap3A_606] {strides = array<i32>} : memref<32768xf32, #tpu.memory_space<vmem>>, vector<16xf32>,
        %swap3A_608 = vector.shape_cast %swap3A_607 : vector<16xf32> to vector<16xf32>
        %swap3A_609 = vector.shape_cast %mul3A_603 : vector<16xf32> to vector<16xf32>
        tpu.vector_store %arg9[%swap3A_606], %swap3A_609 {strides = array<i32>} : memref<32768xf32, #tpu.memory_space<vmem>>, vector<16xf32>,
        %mul3A_610 = arith.mulf %gather3A_595, %select_n3A_217 : vector<16xf32>
        %add3A_611 = arith.constant 16 : i32
        %add3A_612 = arith.addi %add3A_602, %add3A_611 : i32
        %swap3A_613 = arith.index_cast %add3A_612 : i32 to index
        %swap3A_614 = tpu.vector_load %arg9[%swap3A_613] {strides = array<i32>} : memref<32768xf32, #tpu.memory_space<vmem>>, vector<16xf32>,
        %swap3A_615 = vector.shape_cast %swap3A_614 : vector<16xf32> to vector<16xf32>
        %swap3A_616 = vector.shape_cast %mul3A_610 : vector<16xf32> to vector<16xf32>
        tpu.vector_store %arg9[%swap3A_613], %swap3A_616 {strides = array<i32>} : memref<32768xf32, #tpu.memory_space<vmem>>, vector<16xf32>,
        %mul3A_617 = arith.mulf %gather3A_595, %select_n3A_232 : vector<16xf32>
        %add3A_618 = arith.constant 32 : i32
        %add3A_619 = arith.addi %add3A_602, %add3A_618 : i32
        %swap3A_620 = arith.index_cast %add3A_619 : i32 to index
        %swap3A_621 = tpu.vector_load %arg9[%swap3A_620] {strides = array<i32>} : memref<32768xf32, #tpu.memory_space<vmem>>, vector<16xf32>,
        %swap3A_622 = vector.shape_cast %swap3A_621 : vector<16xf32> to vector<16xf32>
        %swap3A_623 = vector.shape_cast %mul3A_617 : vector<16xf32> to vector<16xf32>
        tpu.vector_store %arg9[%swap3A_620], %swap3A_623 {strides = array<i32>} : memref<32768xf32, #tpu.memory_space<vmem>>, vector<16xf32>,
        %mul3A_624 = arith.mulf %gather3A_595, %select_n3A_247 : vector<16xf32>
        %add3A_625 = arith.constant 48 : i32
        %add3A_626 = arith.addi %add3A_602, %add3A_625 : i32
        %swap3A_627 = arith.index_cast %add3A_626 : i32 to index
        %swap3A_628 = tpu.vector_load %arg9[%swap3A_627] {strides = array<i32>} : memref<32768xf32, #tpu.memory_space<vmem>>, vector<16xf32>,
        %swap3A_629 = vector.shape_cast %swap3A_628 : vector<16xf32> to vector<16xf32>
        %swap3A_630 = vector.shape_cast %mul3A_624 : vector<16xf32> to vector<16xf32>
        tpu.vector_store %arg9[%swap3A_627], %swap3A_630 {strides = array<i32>} : memref<32768xf32, #tpu.memory_space<vmem>>, vector<16xf32>,
        %mul3A_631 = arith.mulf %gather3A_595, %select_n3A_262 : vector<16xf32>
        %add3A_632 = arith.constant 64 : i32
        %add3A_633 = arith.addi %add3A_602, %add3A_632 : i32
        %swap3A_634 = arith.index_cast %add3A_633 : i32 to index
        %swap3A_635 = tpu.vector_load %arg9[%swap3A_634] {strides = array<i32>} : memref<32768xf32, #tpu.memory_space<vmem>>, vector<16xf32>,
        %swap3A_636 = vector.shape_cast %swap3A_635 : vector<16xf32> to vector<16xf32>
        %swap3A_637 = vector.shape_cast %mul3A_631 : vector<16xf32> to vector<16xf32>
        tpu.vector_store %arg9[%swap3A_634], %swap3A_637 {strides = array<i32>} : memref<32768xf32, #tpu.memory_space<vmem>>, vector<16xf32>,
        %mul3A_638 = arith.mulf %gather3A_595, %select_n3A_277 : vector<16xf32>
        %add3A_639 = arith.constant 80 : i32
        %add3A_640 = arith.addi %add3A_602, %add3A_639 : i32
        %swap3A_641 = arith.index_cast %add3A_640 : i32 to index
        %swap3A_642 = tpu.vector_load %arg9[%swap3A_641] {strides = array<i32>} : memref<32768xf32, #tpu.memory_space<vmem>>, vector<16xf32>,
        %swap3A_643 = vector.shape_cast %swap3A_642 : vector<16xf32> to vector<16xf32>
        %swap3A_644 = vector.shape_cast %mul3A_638 : vector<16xf32> to vector<16xf32>
        tpu.vector_store %arg9[%swap3A_641], %swap3A_644 {strides = array<i32>} : memref<32768xf32, #tpu.memory_space<vmem>>, vector<16xf32>,
        %mul3A_645 = arith.mulf %gather3A_595, %select_n3A_292 : vector<16xf32>
        %add3A_646 = arith.constant 96 : i32
        %add3A_647 = arith.addi %add3A_602, %add3A_646 : i32
        %swap3A_648 = arith.index_cast %add3A_647 : i32 to index
        %swap3A_649 = tpu.vector_load %arg9[%swap3A_648] {strides = array<i32>} : memref<32768xf32, #tpu.memory_space<vmem>>, vector<16xf32>,
        %swap3A_650 = vector.shape_cast %swap3A_649 : vector<16xf32> to vector<16xf32>
        %swap3A_651 = vector.shape_cast %mul3A_645 : vector<16xf32> to vector<16xf32>
        tpu.vector_store %arg9[%swap3A_648], %swap3A_651 {strides = array<i32>} : memref<32768xf32, #tpu.memory_space<vmem>>, vector<16xf32>,
        %mul3A_652 = arith.mulf %gather3A_595, %select_n3A_307 : vector<16xf32>
        %add3A_653 = arith.constant 112 : i32
        %add3A_654 = arith.addi %add3A_602, %add3A_653 : i32
        %swap3A_655 = arith.index_cast %add3A_654 : i32 to index
        %swap3A_656 = tpu.vector_load %arg9[%swap3A_655] {strides = array<i32>} : memref<32768xf32, #tpu.memory_space<vmem>>, vector<16xf32>,
        %swap3A_657 = vector.shape_cast %swap3A_656 : vector<16xf32> to vector<16xf32>
        %swap3A_658 = vector.shape_cast %mul3A_652 : vector<16xf32> to vector<16xf32>
        tpu.vector_store %arg9[%swap3A_655], %swap3A_658 {strides = array<i32>} : memref<32768xf32, #tpu.memory_space<vmem>>, vector<16xf32>,
        %add3A_659 = arith.constant 4 : i32
        %add3A_660 = arith.addi %mul3A_356, %add3A_659 : i32
        %broadcast_in_dim3A_661 = vector.broadcast %add3A_660 : i32 to vector<16xi32>
        %lt3A_662 = arith.constant 0 : i32
        %lt3A_663 = vector.broadcast %lt3A_662 : i32 to vector<16xi32>
        %lt3A_664 = arith.cmpi slt, %broadcast_in_dim3A_661, %lt3A_663 : vector<16xi32>
        %add3A_665 = arith.constant 16 : i32
        %add3A_666 = vector.broadcast %add3A_665 : i32 to vector<16xi32>
        %add3A_667 = arith.addi %broadcast_in_dim3A_661, %add3A_666 : vector<16xi32>
        %select_n3A_668 = arith.select %lt3A_664, %add3A_667, %broadcast_in_dim3A_661 : vector<16xi1>, vector<16xi32>
        %broadcast_in_dim3A_669 = vector.shape_cast %select_n3A_668 : vector<16xi32> to vector<16x1xi32>
        %gather3A_670 = vector.shape_cast %broadcast_in_dim3A_669 : vector<16x1xi32> to vector<16xi32>
        %gather3A_671 = tpu.dynamic_gather %get3A_339[%gather3A_670] in [0] : vector<16xf32>, vector<16xi32> -> vector<16xf32>
        %mul3A_672 = arith.constant 4096 : i32
        %mul3A_673 = arith.muli %scan3A_314, %mul3A_672 : i32
        %mul3A_674 = arith.constant 1024 : i32
        %mul3A_675 = arith.muli %scan3A_191, %mul3A_674 : i32
        %add3A_676 = arith.addi %mul3A_673, %mul3A_675 : i32
        %add3A_677 = arith.constant 512 : i32
        %add3A_678 = arith.addi %add3A_676, %add3A_677 : i32
        %mul3A_679 = arith.mulf %gather3A_671, %select_n3A : vector<16xf32>
        %add3A_680 = arith.constant 0 : i32
        %add3A_681 = arith.addi %add3A_678, %add3A_680 : i32
        %swap3A_682 = arith.index_cast %add3A_681 : i32 to index
        %swap3A_683 = tpu.vector_load %arg9[%swap3A_682] {strides = array<i32>} : memref<32768xf32, #tpu.memory_space<vmem>>, vector<16xf32>,
        %swap3A_684 = vector.shape_cast %swap3A_683 : vector<16xf32> to vector<16xf32>
        %swap3A_685 = vector.shape_cast %mul3A_679 : vector<16xf32> to vector<16xf32>
        tpu.vector_store %arg9[%swap3A_682], %swap3A_685 {strides = array<i32>} : memref<32768xf32, #tpu.memory_space<vmem>>, vector<16xf32>,
        %mul3A_686 = arith.mulf %gather3A_671, %select_n3A_217 : vector<16xf32>
        %add3A_687 = arith.constant 16 : i32
        %add3A_688 = arith.addi %add3A_678, %add3A_687 : i32
        %swap3A_689 = arith.index_cast %add3A_688 : i32 to index
        %swap3A_690 = tpu.vector_load %arg9[%swap3A_689] {strides = array<i32>} : memref<32768xf32, #tpu.memory_space<vmem>>, vector<16xf32>,
        %swap3A_691 = vector.shape_cast %swap3A_690 : vector<16xf32> to vector<16xf32>
        %swap3A_692 = vector.shape_cast %mul3A_686 : vector<16xf32> to vector<16xf32>
        tpu.vector_store %arg9[%swap3A_689], %swap3A_692 {strides = array<i32>} : memref<32768xf32, #tpu.memory_space<vmem>>, vector<16xf32>,
        %mul3A_693 = arith.mulf %gather3A_671, %select_n3A_232 : vector<16xf32>
        %add3A_694 = arith.constant 32 : i32
        %add3A_695 = arith.addi %add3A_678, %add3A_694 : i32
        %swap3A_696 = arith.index_cast %add3A_695 : i32 to index
        %swap3A_697 = tpu.vector_load %arg9[%swap3A_696] {strides = array<i32>} : memref<32768xf32, #tpu.memory_space<vmem>>, vector<16xf32>,
        %swap3A_698 = vector.shape_cast %swap3A_697 : vector<16xf32> to vector<16xf32>
        %swap3A_699 = vector.shape_cast %mul3A_693 : vector<16xf32> to vector<16xf32>
        tpu.vector_store %arg9[%swap3A_696], %swap3A_699 {strides = array<i32>} : memref<32768xf32, #tpu.memory_space<vmem>>, vector<16xf32>,
        %mul3A_700 = arith.mulf %gather3A_671, %select_n3A_247 : vector<16xf32>
        %add3A_701 = arith.constant 48 : i32
        %add3A_702 = arith.addi %add3A_678, %add3A_701 : i32
        %swap3A_703 = arith.index_cast %add3A_702 : i32 to index
        %swap3A_704 = tpu.vector_load %arg9[%swap3A_703] {strides = array<i32>} : memref<32768xf32, #tpu.memory_space<vmem>>, vector<16xf32>,
        %swap3A_705 = vector.shape_cast %swap3A_704 : vector<16xf32> to vector<16xf32>
        %swap3A_706 = vector.shape_cast %mul3A_700 : vector<16xf32> to vector<16xf32>
        tpu.vector_store %arg9[%swap3A_703], %swap3A_706 {strides = array<i32>} : memref<32768xf32, #tpu.memory_space<vmem>>, vector<16xf32>,
        %mul3A_707 = arith.mulf %gather3A_671, %select_n3A_262 : vector<16xf32>
        %add3A_708 = arith.constant 64 : i32
        %add3A_709 = arith.addi %add3A_678, %add3A_708 : i32
        %swap3A_710 = arith.index_cast %add3A_709 : i32 to index
        %swap3A_711 = tpu.vector_load %arg9[%swap3A_710] {strides = array<i32>} : memref<32768xf32, #tpu.memory_space<vmem>>, vector<16xf32>,
        %swap3A_712 = vector.shape_cast %swap3A_711 : vector<16xf32> to vector<16xf32>
        %swap3A_713 = vector.shape_cast %mul3A_707 : vector<16xf32> to vector<16xf32>
        tpu.vector_store %arg9[%swap3A_710], %swap3A_713 {strides = array<i32>} : memref<32768xf32, #tpu.memory_space<vmem>>, vector<16xf32>,
        %mul3A_714 = arith.mulf %gather3A_671, %select_n3A_277 : vector<16xf32>
        %add3A_715 = arith.constant 80 : i32
        %add3A_716 = arith.addi %add3A_678, %add3A_715 : i32
        %swap3A_717 = arith.index_cast %add3A_716 : i32 to index
        %swap3A_718 = tpu.vector_load %arg9[%swap3A_717] {strides = array<i32>} : memref<32768xf32, #tpu.memory_space<vmem>>, vector<16xf32>,
        %swap3A_719 = vector.shape_cast %swap3A_718 : vector<16xf32> to vector<16xf32>
        %swap3A_720 = vector.shape_cast %mul3A_714 : vector<16xf32> to vector<16xf32>
        tpu.vector_store %arg9[%swap3A_717], %swap3A_720 {strides = array<i32>} : memref<32768xf32, #tpu.memory_space<vmem>>, vector<16xf32>,
        %mul3A_721 = arith.mulf %gather3A_671, %select_n3A_292 : vector<16xf32>
        %add3A_722 = arith.constant 96 : i32
        %add3A_723 = arith.addi %add3A_678, %add3A_722 : i32
        %swap3A_724 = arith.index_cast %add3A_723 : i32 to index
        %swap3A_725 = tpu.vector_load %arg9[%swap3A_724] {strides = array<i32>} : memref<32768xf32, #tpu.memory_space<vmem>>, vector<16xf32>,
        %swap3A_726 = vector.shape_cast %swap3A_725 : vector<16xf32> to vector<16xf32>
        %swap3A_727 = vector.shape_cast %mul3A_721 : vector<16xf32> to vector<16xf32>
        tpu.vector_store %arg9[%swap3A_724], %swap3A_727 {strides = array<i32>} : memref<32768xf32, #tpu.memory_space<vmem>>, vector<16xf32>,
        %mul3A_728 = arith.mulf %gather3A_671, %select_n3A_307 : vector<16xf32>
        %add3A_729 = arith.constant 112 : i32
        %add3A_730 = arith.addi %add3A_678, %add3A_729 : i32
        %swap3A_731 = arith.index_cast %add3A_730 : i32 to index
        %swap3A_732 = tpu.vector_load %arg9[%swap3A_731] {strides = array<i32>} : memref<32768xf32, #tpu.memory_space<vmem>>, vector<16xf32>,
        %swap3A_733 = vector.shape_cast %swap3A_732 : vector<16xf32> to vector<16xf32>
        %swap3A_734 = vector.shape_cast %mul3A_728 : vector<16xf32> to vector<16xf32>
        tpu.vector_store %arg9[%swap3A_731], %swap3A_734 {strides = array<i32>} : memref<32768xf32, #tpu.memory_space<vmem>>, vector<16xf32>,
        %add3A_735 = arith.constant 5 : i32
        %add3A_736 = arith.addi %mul3A_356, %add3A_735 : i32
        %broadcast_in_dim3A_737 = vector.broadcast %add3A_736 : i32 to vector<16xi32>
        %lt3A_738 = arith.constant 0 : i32
        %lt3A_739 = vector.broadcast %lt3A_738 : i32 to vector<16xi32>
        %lt3A_740 = arith.cmpi slt, %broadcast_in_dim3A_737, %lt3A_739 : vector<16xi32>
        %add3A_741 = arith.constant 16 : i32
        %add3A_742 = vector.broadcast %add3A_741 : i32 to vector<16xi32>
        %add3A_743 = arith.addi %broadcast_in_dim3A_737, %add3A_742 : vector<16xi32>
        %select_n3A_744 = arith.select %lt3A_740, %add3A_743, %broadcast_in_dim3A_737 : vector<16xi1>, vector<16xi32>
        %broadcast_in_dim3A_745 = vector.shape_cast %select_n3A_744 : vector<16xi32> to vector<16x1xi32>
        %gather3A_746 = vector.shape_cast %broadcast_in_dim3A_745 : vector<16x1xi32> to vector<16xi32>
        %gather3A_747 = tpu.dynamic_gather %get3A_339[%gather3A_746] in [0] : vector<16xf32>, vector<16xi32> -> vector<16xf32>
        %mul3A_748 = arith.constant 4096 : i32
        %mul3A_749 = arith.muli %scan3A_314, %mul3A_748 : i32
        %mul3A_750 = arith.constant 1024 : i32
        %mul3A_751 = arith.muli %scan3A_191, %mul3A_750 : i32
        %add3A_752 = arith.addi %mul3A_749, %mul3A_751 : i32
        %add3A_753 = arith.constant 640 : i32
        %add3A_754 = arith.addi %add3A_752, %add3A_753 : i32
        %mul3A_755 = arith.mulf %gather3A_747, %select_n3A : vector<16xf32>
        %add3A_756 = arith.constant 0 : i32
        %add3A_757 = arith.addi %add3A_754, %add3A_756 : i32
        %swap3A_758 = arith.index_cast %add3A_757 : i32 to index
        %swap3A_759 = tpu.vector_load %arg9[%swap3A_758] {strides = array<i32>} : memref<32768xf32, #tpu.memory_space<vmem>>, vector<16xf32>,
        %swap3A_760 = vector.shape_cast %swap3A_759 : vector<16xf32> to vector<16xf32>
        %swap3A_761 = vector.shape_cast %mul3A_755 : vector<16xf32> to vector<16xf32>
        tpu.vector_store %arg9[%swap3A_758], %swap3A_761 {strides = array<i32>} : memref<32768xf32, #tpu.memory_space<vmem>>, vector<16xf32>,
        %mul3A_762 = arith.mulf %gather3A_747, %select_n3A_217 : vector<16xf32>
        %add3A_763 = arith.constant 16 : i32
        %add3A_764 = arith.addi %add3A_754, %add3A_763 : i32
        %swap3A_765 = arith.index_cast %add3A_764 : i32 to index
        %swap3A_766 = tpu.vector_load %arg9[%swap3A_765] {strides = array<i32>} : memref<32768xf32, #tpu.memory_space<vmem>>, vector<16xf32>,
        %swap3A_767 = vector.shape_cast %swap3A_766 : vector<16xf32> to vector<16xf32>
        %swap3A_768 = vector.shape_cast %mul3A_762 : vector<16xf32> to vector<16xf32>
        tpu.vector_store %arg9[%swap3A_765], %swap3A_768 {strides = array<i32>} : memref<32768xf32, #tpu.memory_space<vmem>>, vector<16xf32>,
        %mul3A_769 = arith.mulf %gather3A_747, %select_n3A_232 : vector<16xf32>
        %add3A_770 = arith.constant 32 : i32
        %add3A_771 = arith.addi %add3A_754, %add3A_770 : i32
        %swap3A_772 = arith.index_cast %add3A_771 : i32 to index
        %swap3A_773 = tpu.vector_load %arg9[%swap3A_772] {strides = array<i32>} : memref<32768xf32, #tpu.memory_space<vmem>>, vector<16xf32>,
        %swap3A_774 = vector.shape_cast %swap3A_773 : vector<16xf32> to vector<16xf32>
        %swap3A_775 = vector.shape_cast %mul3A_769 : vector<16xf32> to vector<16xf32>
        tpu.vector_store %arg9[%swap3A_772], %swap3A_775 {strides = array<i32>} : memref<32768xf32, #tpu.memory_space<vmem>>, vector<16xf32>,
        %mul3A_776 = arith.mulf %gather3A_747, %select_n3A_247 : vector<16xf32>
        %add3A_777 = arith.constant 48 : i32
        %add3A_778 = arith.addi %add3A_754, %add3A_777 : i32
        %swap3A_779 = arith.index_cast %add3A_778 : i32 to index
        %swap3A_780 = tpu.vector_load %arg9[%swap3A_779] {strides = array<i32>} : memref<32768xf32, #tpu.memory_space<vmem>>, vector<16xf32>,
        %swap3A_781 = vector.shape_cast %swap3A_780 : vector<16xf32> to vector<16xf32>
        %swap3A_782 = vector.shape_cast %mul3A_776 : vector<16xf32> to vector<16xf32>
        tpu.vector_store %arg9[%swap3A_779], %swap3A_782 {strides = array<i32>} : memref<32768xf32, #tpu.memory_space<vmem>>, vector<16xf32>,
        %mul3A_783 = arith.mulf %gather3A_747, %select_n3A_262 : vector<16xf32>
        %add3A_784 = arith.constant 64 : i32
        %add3A_785 = arith.addi %add3A_754, %add3A_784 : i32
        %swap3A_786 = arith.index_cast %add3A_785 : i32 to index
        %swap3A_787 = tpu.vector_load %arg9[%swap3A_786] {strides = array<i32>} : memref<32768xf32, #tpu.memory_space<vmem>>, vector<16xf32>,
        %swap3A_788 = vector.shape_cast %swap3A_787 : vector<16xf32> to vector<16xf32>
        %swap3A_789 = vector.shape_cast %mul3A_783 : vector<16xf32> to vector<16xf32>
        tpu.vector_store %arg9[%swap3A_786], %swap3A_789 {strides = array<i32>} : memref<32768xf32, #tpu.memory_space<vmem>>, vector<16xf32>,
        %mul3A_790 = arith.mulf %gather3A_747, %select_n3A_277 : vector<16xf32>
        %add3A_791 = arith.constant 80 : i32
        %add3A_792 = arith.addi %add3A_754, %add3A_791 : i32
        %swap3A_793 = arith.index_cast %add3A_792 : i32 to index
        %swap3A_794 = tpu.vector_load %arg9[%swap3A_793] {strides = array<i32>} : memref<32768xf32, #tpu.memory_space<vmem>>, vector<16xf32>,
        %swap3A_795 = vector.shape_cast %swap3A_794 : vector<16xf32> to vector<16xf32>
        %swap3A_796 = vector.shape_cast %mul3A_790 : vector<16xf32> to vector<16xf32>
        tpu.vector_store %arg9[%swap3A_793], %swap3A_796 {strides = array<i32>} : memref<32768xf32, #tpu.memory_space<vmem>>, vector<16xf32>,
        %mul3A_797 = arith.mulf %gather3A_747, %select_n3A_292 : vector<16xf32>
        %add3A_798 = arith.constant 96 : i32
        %add3A_799 = arith.addi %add3A_754, %add3A_798 : i32
        %swap3A_800 = arith.index_cast %add3A_799 : i32 to index
        %swap3A_801 = tpu.vector_load %arg9[%swap3A_800] {strides = array<i32>} : memref<32768xf32, #tpu.memory_space<vmem>>, vector<16xf32>,
        %swap3A_802 = vector.shape_cast %swap3A_801 : vector<16xf32> to vector<16xf32>
        %swap3A_803 = vector.shape_cast %mul3A_797 : vector<16xf32> to vector<16xf32>
        tpu.vector_store %arg9[%swap3A_800], %swap3A_803 {strides = array<i32>} : memref<32768xf32, #tpu.memory_space<vmem>>, vector<16xf32>,
        %mul3A_804 = arith.mulf %gather3A_747, %select_n3A_307 : vector<16xf32>
        %add3A_805 = arith.constant 112 : i32
        %add3A_806 = arith.addi %add3A_754, %add3A_805 : i32
        %swap3A_807 = arith.index_cast %add3A_806 : i32 to index
        %swap3A_808 = tpu.vector_load %arg9[%swap3A_807] {strides = array<i32>} : memref<32768xf32, #tpu.memory_space<vmem>>, vector<16xf32>,
        %swap3A_809 = vector.shape_cast %swap3A_808 : vector<16xf32> to vector<16xf32>
        %swap3A_810 = vector.shape_cast %mul3A_804 : vector<16xf32> to vector<16xf32>
        tpu.vector_store %arg9[%swap3A_807], %swap3A_810 {strides = array<i32>} : memref<32768xf32, #tpu.memory_space<vmem>>, vector<16xf32>,
        %add3A_811 = arith.constant 6 : i32
        %add3A_812 = arith.addi %mul3A_356, %add3A_811 : i32
        %broadcast_in_dim3A_813 = vector.broadcast %add3A_812 : i32 to vector<16xi32>
        %lt3A_814 = arith.constant 0 : i32
        %lt3A_815 = vector.broadcast %lt3A_814 : i32 to vector<16xi32>
        %lt3A_816 = arith.cmpi slt, %broadcast_in_dim3A_813, %lt3A_815 : vector<16xi32>
        %add3A_817 = arith.constant 16 : i32
        %add3A_818 = vector.broadcast %add3A_817 : i32 to vector<16xi32>
        %add3A_819 = arith.addi %broadcast_in_dim3A_813, %add3A_818 : vector<16xi32>
        %select_n3A_820 = arith.select %lt3A_816, %add3A_819, %broadcast_in_dim3A_813 : vector<16xi1>, vector<16xi32>
        %broadcast_in_dim3A_821 = vector.shape_cast %select_n3A_820 : vector<16xi32> to vector<16x1xi32>
        %gather3A_822 = vector.shape_cast %broadcast_in_dim3A_821 : vector<16x1xi32> to vector<16xi32>
        %gather3A_823 = tpu.dynamic_gather %get3A_339[%gather3A_822] in [0] : vector<16xf32>, vector<16xi32> -> vector<16xf32>
        %mul3A_824 = arith.constant 4096 : i32
        %mul3A_825 = arith.muli %scan3A_314, %mul3A_824 : i32
        %mul3A_826 = arith.constant 1024 : i32
        %mul3A_827 = arith.muli %scan3A_191, %mul3A_826 : i32
        %add3A_828 = arith.addi %mul3A_825, %mul3A_827 : i32
        %add3A_829 = arith.constant 768 : i32
        %add3A_830 = arith.addi %add3A_828, %add3A_829 : i32
        %mul3A_831 = arith.mulf %gather3A_823, %select_n3A : vector<16xf32>
        %add3A_832 = arith.constant 0 : i32
        %add3A_833 = arith.addi %add3A_830, %add3A_832 : i32
        %swap3A_834 = arith.index_cast %add3A_833 : i32 to index
        %swap3A_835 = tpu.vector_load %arg9[%swap3A_834] {strides = array<i32>} : memref<32768xf32, #tpu.memory_space<vmem>>, vector<16xf32>,
        %swap3A_836 = vector.shape_cast %swap3A_835 : vector<16xf32> to vector<16xf32>
        %swap3A_837 = vector.shape_cast %mul3A_831 : vector<16xf32> to vector<16xf32>
        tpu.vector_store %arg9[%swap3A_834], %swap3A_837 {strides = array<i32>} : memref<32768xf32, #tpu.memory_space<vmem>>, vector<16xf32>,
        %mul3A_838 = arith.mulf %gather3A_823, %select_n3A_217 : vector<16xf32>
        %add3A_839 = arith.constant 16 : i32
        %add3A_840 = arith.addi %add3A_830, %add3A_839 : i32
        %swap3A_841 = arith.index_cast %add3A_840 : i32 to index
        %swap3A_842 = tpu.vector_load %arg9[%swap3A_841] {strides = array<i32>} : memref<32768xf32, #tpu.memory_space<vmem>>, vector<16xf32>,
        %swap3A_843 = vector.shape_cast %swap3A_842 : vector<16xf32> to vector<16xf32>
        %swap3A_844 = vector.shape_cast %mul3A_838 : vector<16xf32> to vector<16xf32>
        tpu.vector_store %arg9[%swap3A_841], %swap3A_844 {strides = array<i32>} : memref<32768xf32, #tpu.memory_space<vmem>>, vector<16xf32>,
        %mul3A_845 = arith.mulf %gather3A_823, %select_n3A_232 : vector<16xf32>
        %add3A_846 = arith.constant 32 : i32
        %add3A_847 = arith.addi %add3A_830, %add3A_846 : i32
        %swap3A_848 = arith.index_cast %add3A_847 : i32 to index
        %swap3A_849 = tpu.vector_load %arg9[%swap3A_848] {strides = array<i32>} : memref<32768xf32, #tpu.memory_space<vmem>>, vector<16xf32>,
        %swap3A_850 = vector.shape_cast %swap3A_849 : vector<16xf32> to vector<16xf32>
        %swap3A_851 = vector.shape_cast %mul3A_845 : vector<16xf32> to vector<16xf32>
        tpu.vector_store %arg9[%swap3A_848], %swap3A_851 {strides = array<i32>} : memref<32768xf32, #tpu.memory_space<vmem>>, vector<16xf32>,
        %mul3A_852 = arith.mulf %gather3A_823, %select_n3A_247 : vector<16xf32>
        %add3A_853 = arith.constant 48 : i32
        %add3A_854 = arith.addi %add3A_830, %add3A_853 : i32
        %swap3A_855 = arith.index_cast %add3A_854 : i32 to index
        %swap3A_856 = tpu.vector_load %arg9[%swap3A_855] {strides = array<i32>} : memref<32768xf32, #tpu.memory_space<vmem>>, vector<16xf32>,
        %swap3A_857 = vector.shape_cast %swap3A_856 : vector<16xf32> to vector<16xf32>
        %swap3A_858 = vector.shape_cast %mul3A_852 : vector<16xf32> to vector<16xf32>
        tpu.vector_store %arg9[%swap3A_855], %swap3A_858 {strides = array<i32>} : memref<32768xf32, #tpu.memory_space<vmem>>, vector<16xf32>,
        %mul3A_859 = arith.mulf %gather3A_823, %select_n3A_262 : vector<16xf32>
        %add3A_860 = arith.constant 64 : i32
        %add3A_861 = arith.addi %add3A_830, %add3A_860 : i32
        %swap3A_862 = arith.index_cast %add3A_861 : i32 to index
        %swap3A_863 = tpu.vector_load %arg9[%swap3A_862] {strides = array<i32>} : memref<32768xf32, #tpu.memory_space<vmem>>, vector<16xf32>,
        %swap3A_864 = vector.shape_cast %swap3A_863 : vector<16xf32> to vector<16xf32>
        %swap3A_865 = vector.shape_cast %mul3A_859 : vector<16xf32> to vector<16xf32>
        tpu.vector_store %arg9[%swap3A_862], %swap3A_865 {strides = array<i32>} : memref<32768xf32, #tpu.memory_space<vmem>>, vector<16xf32>,
        %mul3A_866 = arith.mulf %gather3A_823, %select_n3A_277 : vector<16xf32>
        %add3A_867 = arith.constant 80 : i32
        %add3A_868 = arith.addi %add3A_830, %add3A_867 : i32
        %swap3A_869 = arith.index_cast %add3A_868 : i32 to index
        %swap3A_870 = tpu.vector_load %arg9[%swap3A_869] {strides = array<i32>} : memref<32768xf32, #tpu.memory_space<vmem>>, vector<16xf32>,
        %swap3A_871 = vector.shape_cast %swap3A_870 : vector<16xf32> to vector<16xf32>
        %swap3A_872 = vector.shape_cast %mul3A_866 : vector<16xf32> to vector<16xf32>
        tpu.vector_store %arg9[%swap3A_869], %swap3A_872 {strides = array<i32>} : memref<32768xf32, #tpu.memory_space<vmem>>, vector<16xf32>,
        %mul3A_873 = arith.mulf %gather3A_823, %select_n3A_292 : vector<16xf32>
        %add3A_874 = arith.constant 96 : i32
        %add3A_875 = arith.addi %add3A_830, %add3A_874 : i32
        %swap3A_876 = arith.index_cast %add3A_875 : i32 to index
        %swap3A_877 = tpu.vector_load %arg9[%swap3A_876] {strides = array<i32>} : memref<32768xf32, #tpu.memory_space<vmem>>, vector<16xf32>,
        %swap3A_878 = vector.shape_cast %swap3A_877 : vector<16xf32> to vector<16xf32>
        %swap3A_879 = vector.shape_cast %mul3A_873 : vector<16xf32> to vector<16xf32>
        tpu.vector_store %arg9[%swap3A_876], %swap3A_879 {strides = array<i32>} : memref<32768xf32, #tpu.memory_space<vmem>>, vector<16xf32>,
        %mul3A_880 = arith.mulf %gather3A_823, %select_n3A_307 : vector<16xf32>
        %add3A_881 = arith.constant 112 : i32
        %add3A_882 = arith.addi %add3A_830, %add3A_881 : i32
        %swap3A_883 = arith.index_cast %add3A_882 : i32 to index
        %swap3A_884 = tpu.vector_load %arg9[%swap3A_883] {strides = array<i32>} : memref<32768xf32, #tpu.memory_space<vmem>>, vector<16xf32>,
        %swap3A_885 = vector.shape_cast %swap3A_884 : vector<16xf32> to vector<16xf32>
        %swap3A_886 = vector.shape_cast %mul3A_880 : vector<16xf32> to vector<16xf32>
        tpu.vector_store %arg9[%swap3A_883], %swap3A_886 {strides = array<i32>} : memref<32768xf32, #tpu.memory_space<vmem>>, vector<16xf32>,
        %add3A_887 = arith.constant 7 : i32
        %add3A_888 = arith.addi %mul3A_356, %add3A_887 : i32
        %broadcast_in_dim3A_889 = vector.broadcast %add3A_888 : i32 to vector<16xi32>
        %lt3A_890 = arith.constant 0 : i32
        %lt3A_891 = vector.broadcast %lt3A_890 : i32 to vector<16xi32>
        %lt3A_892 = arith.cmpi slt, %broadcast_in_dim3A_889, %lt3A_891 : vector<16xi32>
        %add3A_893 = arith.constant 16 : i32
        %add3A_894 = vector.broadcast %add3A_893 : i32 to vector<16xi32>
        %add3A_895 = arith.addi %broadcast_in_dim3A_889, %add3A_894 : vector<16xi32>
        %select_n3A_896 = arith.select %lt3A_892, %add3A_895, %broadcast_in_dim3A_889 : vector<16xi1>, vector<16xi32>
        %broadcast_in_dim3A_897 = vector.shape_cast %select_n3A_896 : vector<16xi32> to vector<16x1xi32>
        %gather3A_898 = vector.shape_cast %broadcast_in_dim3A_897 : vector<16x1xi32> to vector<16xi32>
        %gather3A_899 = tpu.dynamic_gather %get3A_339[%gather3A_898] in [0] : vector<16xf32>, vector<16xi32> -> vector<16xf32>
        %mul3A_900 = arith.constant 4096 : i32
        %mul3A_901 = arith.muli %scan3A_314, %mul3A_900 : i32
        %mul3A_902 = arith.constant 1024 : i32
        %mul3A_903 = arith.muli %scan3A_191, %mul3A_902 : i32
        %add3A_904 = arith.addi %mul3A_901, %mul3A_903 : i32
        %add3A_905 = arith.constant 896 : i32
        %add3A_906 = arith.addi %add3A_904, %add3A_905 : i32
        %mul3A_907 = arith.mulf %gather3A_899, %select_n3A : vector<16xf32>
        %add3A_908 = arith.constant 0 : i32
        %add3A_909 = arith.addi %add3A_906, %add3A_908 : i32
        %swap3A_910 = arith.index_cast %add3A_909 : i32 to index
        %swap3A_911 = tpu.vector_load %arg9[%swap3A_910] {strides = array<i32>} : memref<32768xf32, #tpu.memory_space<vmem>>, vector<16xf32>,
        %swap3A_912 = vector.shape_cast %swap3A_911 : vector<16xf32> to vector<16xf32>
        %swap3A_913 = vector.shape_cast %mul3A_907 : vector<16xf32> to vector<16xf32>
        tpu.vector_store %arg9[%swap3A_910], %swap3A_913 {strides = array<i32>} : memref<32768xf32, #tpu.memory_space<vmem>>, vector<16xf32>,
        %mul3A_914 = arith.mulf %gather3A_899, %select_n3A_217 : vector<16xf32>
        %add3A_915 = arith.constant 16 : i32
        %add3A_916 = arith.addi %add3A_906, %add3A_915 : i32
        %swap3A_917 = arith.index_cast %add3A_916 : i32 to index
        %swap3A_918 = tpu.vector_load %arg9[%swap3A_917] {strides = array<i32>} : memref<32768xf32, #tpu.memory_space<vmem>>, vector<16xf32>,
        %swap3A_919 = vector.shape_cast %swap3A_918 : vector<16xf32> to vector<16xf32>
        %swap3A_920 = vector.shape_cast %mul3A_914 : vector<16xf32> to vector<16xf32>
        tpu.vector_store %arg9[%swap3A_917], %swap3A_920 {strides = array<i32>} : memref<32768xf32, #tpu.memory_space<vmem>>, vector<16xf32>,
        %mul3A_921 = arith.mulf %gather3A_899, %select_n3A_232 : vector<16xf32>
        %add3A_922 = arith.constant 32 : i32
        %add3A_923 = arith.addi %add3A_906, %add3A_922 : i32
        %swap3A_924 = arith.index_cast %add3A_923 : i32 to index
        %swap3A_925 = tpu.vector_load %arg9[%swap3A_924] {strides = array<i32>} : memref<32768xf32, #tpu.memory_space<vmem>>, vector<16xf32>,
        %swap3A_926 = vector.shape_cast %swap3A_925 : vector<16xf32> to vector<16xf32>
        %swap3A_927 = vector.shape_cast %mul3A_921 : vector<16xf32> to vector<16xf32>
        tpu.vector_store %arg9[%swap3A_924], %swap3A_927 {strides = array<i32>} : memref<32768xf32, #tpu.memory_space<vmem>>, vector<16xf32>,
        %mul3A_928 = arith.mulf %gather3A_899, %select_n3A_247 : vector<16xf32>
        %add3A_929 = arith.constant 48 : i32
        %add3A_930 = arith.addi %add3A_906, %add3A_929 : i32
        %swap3A_931 = arith.index_cast %add3A_930 : i32 to index
        %swap3A_932 = tpu.vector_load %arg9[%swap3A_931] {strides = array<i32>} : memref<32768xf32, #tpu.memory_space<vmem>>, vector<16xf32>,
        %swap3A_933 = vector.shape_cast %swap3A_932 : vector<16xf32> to vector<16xf32>
        %swap3A_934 = vector.shape_cast %mul3A_928 : vector<16xf32> to vector<16xf32>
        tpu.vector_store %arg9[%swap3A_931], %swap3A_934 {strides = array<i32>} : memref<32768xf32, #tpu.memory_space<vmem>>, vector<16xf32>,
        %mul3A_935 = arith.mulf %gather3A_899, %select_n3A_262 : vector<16xf32>
        %add3A_936 = arith.constant 64 : i32
        %add3A_937 = arith.addi %add3A_906, %add3A_936 : i32
        %swap3A_938 = arith.index_cast %add3A_937 : i32 to index
        %swap3A_939 = tpu.vector_load %arg9[%swap3A_938] {strides = array<i32>} : memref<32768xf32, #tpu.memory_space<vmem>>, vector<16xf32>,
        %swap3A_940 = vector.shape_cast %swap3A_939 : vector<16xf32> to vector<16xf32>
        %swap3A_941 = vector.shape_cast %mul3A_935 : vector<16xf32> to vector<16xf32>
        tpu.vector_store %arg9[%swap3A_938], %swap3A_941 {strides = array<i32>} : memref<32768xf32, #tpu.memory_space<vmem>>, vector<16xf32>,
        %mul3A_942 = arith.mulf %gather3A_899, %select_n3A_277 : vector<16xf32>
        %add3A_943 = arith.constant 80 : i32
        %add3A_944 = arith.addi %add3A_906, %add3A_943 : i32
        %swap3A_945 = arith.index_cast %add3A_944 : i32 to index
        %swap3A_946 = tpu.vector_load %arg9[%swap3A_945] {strides = array<i32>} : memref<32768xf32, #tpu.memory_space<vmem>>, vector<16xf32>,
        %swap3A_947 = vector.shape_cast %swap3A_946 : vector<16xf32> to vector<16xf32>
        %swap3A_948 = vector.shape_cast %mul3A_942 : vector<16xf32> to vector<16xf32>
        tpu.vector_store %arg9[%swap3A_945], %swap3A_948 {strides = array<i32>} : memref<32768xf32, #tpu.memory_space<vmem>>, vector<16xf32>,
        %mul3A_949 = arith.mulf %gather3A_899, %select_n3A_292 : vector<16xf32>
        %add3A_950 = arith.constant 96 : i32
        %add3A_951 = arith.addi %add3A_906, %add3A_950 : i32
        %swap3A_952 = arith.index_cast %add3A_951 : i32 to index
        %swap3A_953 = tpu.vector_load %arg9[%swap3A_952] {strides = array<i32>} : memref<32768xf32, #tpu.memory_space<vmem>>, vector<16xf32>,
        %swap3A_954 = vector.shape_cast %swap3A_953 : vector<16xf32> to vector<16xf32>
        %swap3A_955 = vector.shape_cast %mul3A_949 : vector<16xf32> to vector<16xf32>
        tpu.vector_store %arg9[%swap3A_952], %swap3A_955 {strides = array<i32>} : memref<32768xf32, #tpu.memory_space<vmem>>, vector<16xf32>,
        %mul3A_956 = arith.mulf %gather3A_899, %select_n3A_307 : vector<16xf32>
        %add3A_957 = arith.constant 112 : i32
        %add3A_958 = arith.addi %add3A_906, %add3A_957 : i32
        %swap3A_959 = arith.index_cast %add3A_958 : i32 to index
        %swap3A_960 = tpu.vector_load %arg9[%swap3A_959] {strides = array<i32>} : memref<32768xf32, #tpu.memory_space<vmem>>, vector<16xf32>,
        %swap3A_961 = vector.shape_cast %swap3A_960 : vector<16xf32> to vector<16xf32>
        %swap3A_962 = vector.shape_cast %mul3A_956 : vector<16xf32> to vector<16xf32>
        tpu.vector_store %arg9[%swap3A_959], %swap3A_962 {strides = array<i32>} : memref<32768xf32, #tpu.memory_space<vmem>>, vector<16xf32>,
      }
      %scan3A_313 = arith.constant 8 : i32
    }
    %scan3A_94 = arith.constant 4 : i32
    %add3A_95 = arith.constant 49152 : i32
    %add3A_96 = arith.addi %add3A_95, %mul3A_4 : i32
    %mul3A_97 = arith.constant 1024 : i32
    %mul3A_98 = arith.muli %add3A_96, %mul3A_97 : i32
    %dma_start3A_99 = arith.constant 0 : i32
    %dma_start3A_100 = tpu.memref_slice %arg9[%dma_start3A_99] : memref<32768xf32, #tpu.memory_space<vmem>> -> memref<4096xf32, #tpu.memory_space<vmem>>
    %dma_start3A_101 = tpu.memref_slice %arg4[%mul3A_98] : memref<51380224xf32, #tpu.memory_space<hbm>> -> memref<4096xf32, #tpu.memory_space<hbm>>
    %dma_start3A_102 = tpu.memref_slice %arg4[%mul3A_98] : memref<51380224xf32, #tpu.memory_space<hbm>> -> memref<4096xf32, #tpu.memory_space<hbm>>
    %dma_start3A_103 = arith.constant 0 : i32
    %dma_start3A_104 = tpu.memref_slice %arg9[%dma_start3A_103] : memref<32768xf32, #tpu.memory_space<vmem>> -> memref<4096xf32, #tpu.memory_space<vmem>>
    tpu.enqueue_dma source(%dma_start3A_104 : memref<4096xf32, #tpu.memory_space<vmem>>) target(%dma_start3A_102 : memref<4096xf32, #tpu.memory_space<hbm>>) target_semaphore(%arg11 : memref<!tpu.dma_semaphore, #tpu.memory_space<semaphore_mem>>)
    %add3A_105 = arith.constant 49280 : i32
    %add3A_106 = arith.addi %add3A_105, %mul3A_4 : i32
    %mul3A_107 = arith.constant 1024 : i32
    %mul3A_108 = arith.muli %add3A_106, %mul3A_107 : i32
    %dma_start3A_109 = arith.constant 4096 : i32
    %dma_start3A_110 = tpu.memref_slice %arg9[%dma_start3A_109] : memref<32768xf32, #tpu.memory_space<vmem>> -> memref<4096xf32, #tpu.memory_space<vmem>>
    %dma_start3A_111 = tpu.memref_slice %arg4[%mul3A_108] : memref<51380224xf32, #tpu.memory_space<hbm>> -> memref<4096xf32, #tpu.memory_space<hbm>>
    %dma_start3A_112 = tpu.memref_slice %arg4[%mul3A_108] : memref<51380224xf32, #tpu.memory_space<hbm>> -> memref<4096xf32, #tpu.memory_space<hbm>>
    %dma_start3A_113 = arith.constant 4096 : i32
    %dma_start3A_114 = tpu.memref_slice %arg9[%dma_start3A_113] : memref<32768xf32, #tpu.memory_space<vmem>> -> memref<4096xf32, #tpu.memory_space<vmem>>
    tpu.enqueue_dma source(%dma_start3A_114 : memref<4096xf32, #tpu.memory_space<vmem>>) target(%dma_start3A_112 : memref<4096xf32, #tpu.memory_space<hbm>>) target_semaphore(%arg11 : memref<!tpu.dma_semaphore, #tpu.memory_space<semaphore_mem>>)
    %add3A_115 = arith.constant 49408 : i32
    %add3A_116 = arith.addi %add3A_115, %mul3A_4 : i32
    %mul3A_117 = arith.constant 1024 : i32
    %mul3A_118 = arith.muli %add3A_116, %mul3A_117 : i32
    %dma_start3A_119 = arith.constant 8192 : i32
    %dma_start3A_120 = tpu.memref_slice %arg9[%dma_start3A_119] : memref<32768xf32, #tpu.memory_space<vmem>> -> memref<4096xf32, #tpu.memory_space<vmem>>
    %dma_start3A_121 = tpu.memref_slice %arg4[%mul3A_118] : memref<51380224xf32, #tpu.memory_space<hbm>> -> memref<4096xf32, #tpu.memory_space<hbm>>
    %dma_start3A_122 = tpu.memref_slice %arg4[%mul3A_118] : memref<51380224xf32, #tpu.memory_space<hbm>> -> memref<4096xf32, #tpu.memory_space<hbm>>
    %dma_start3A_123 = arith.constant 8192 : i32
    %dma_start3A_124 = tpu.memref_slice %arg9[%dma_start3A_123] : memref<32768xf32, #tpu.memory_space<vmem>> -> memref<4096xf32, #tpu.memory_space<vmem>>
    tpu.enqueue_dma source(%dma_start3A_124 : memref<4096xf32, #tpu.memory_space<vmem>>) target(%dma_start3A_122 : memref<4096xf32, #tpu.memory_space<hbm>>) target_semaphore(%arg11 : memref<!tpu.dma_semaphore, #tpu.memory_space<semaphore_mem>>)
    %add3A_125 = arith.constant 49536 : i32
    %add3A_126 = arith.addi %add3A_125, %mul3A_4 : i32
    %mul3A_127 = arith.constant 1024 : i32
    %mul3A_128 = arith.muli %add3A_126, %mul3A_127 : i32
    %dma_start3A_129 = arith.constant 12288 : i32
    %dma_start3A_130 = tpu.memref_slice %arg9[%dma_start3A_129] : memref<32768xf32, #tpu.memory_space<vmem>> -> memref<4096xf32, #tpu.memory_space<vmem>>
    %dma_start3A_131 = tpu.memref_slice %arg4[%mul3A_128] : memref<51380224xf32, #tpu.memory_space<hbm>> -> memref<4096xf32, #tpu.memory_space<hbm>>
    %dma_start3A_132 = tpu.memref_slice %arg4[%mul3A_128] : memref<51380224xf32, #tpu.memory_space<hbm>> -> memref<4096xf32, #tpu.memory_space<hbm>>
    %dma_start3A_133 = arith.constant 12288 : i32
    %dma_start3A_134 = tpu.memref_slice %arg9[%dma_start3A_133] : memref<32768xf32, #tpu.memory_space<vmem>> -> memref<4096xf32, #tpu.memory_space<vmem>>
    tpu.enqueue_dma source(%dma_start3A_134 : memref<4096xf32, #tpu.memory_space<vmem>>) target(%dma_start3A_132 : memref<4096xf32, #tpu.memory_space<hbm>>) target_semaphore(%arg11 : memref<!tpu.dma_semaphore, #tpu.memory_space<semaphore_mem>>)
    %add3A_135 = arith.constant 49664 : i32
    %add3A_136 = arith.addi %add3A_135, %mul3A_4 : i32
    %mul3A_137 = arith.constant 1024 : i32
    %mul3A_138 = arith.muli %add3A_136, %mul3A_137 : i32
    %dma_start3A_139 = arith.constant 16384 : i32
    %dma_start3A_140 = tpu.memref_slice %arg9[%dma_start3A_139] : memref<32768xf32, #tpu.memory_space<vmem>> -> memref<4096xf32, #tpu.memory_space<vmem>>
    %dma_start3A_141 = tpu.memref_slice %arg4[%mul3A_138] : memref<51380224xf32, #tpu.memory_space<hbm>> -> memref<4096xf32, #tpu.memory_space<hbm>>
    %dma_start3A_142 = tpu.memref_slice %arg4[%mul3A_138] : memref<51380224xf32, #tpu.memory_space<hbm>> -> memref<4096xf32, #tpu.memory_space<hbm>>
    %dma_start3A_143 = arith.constant 16384 : i32
    %dma_start3A_144 = tpu.memref_slice %arg9[%dma_start3A_143] : memref<32768xf32, #tpu.memory_space<vmem>> -> memref<4096xf32, #tpu.memory_space<vmem>>
    tpu.enqueue_dma source(%dma_start3A_144 : memref<4096xf32, #tpu.memory_space<vmem>>) target(%dma_start3A_142 : memref<4096xf32, #tpu.memory_space<hbm>>) target_semaphore(%arg11 : memref<!tpu.dma_semaphore, #tpu.memory_space<semaphore_mem>>)
    %add3A_145 = arith.constant 49792 : i32
    %add3A_146 = arith.addi %add3A_145, %mul3A_4 : i32
    %mul3A_147 = arith.constant 1024 : i32
    %mul3A_148 = arith.muli %add3A_146, %mul3A_147 : i32
    %dma_start3A_149 = arith.constant 20480 : i32
    %dma_start3A_150 = tpu.memref_slice %arg9[%dma_start3A_149] : memref<32768xf32, #tpu.memory_space<vmem>> -> memref<4096xf32, #tpu.memory_space<vmem>>
    %dma_start3A_151 = tpu.memref_slice %arg4[%mul3A_148] : memref<51380224xf32, #tpu.memory_space<hbm>> -> memref<4096xf32, #tpu.memory_space<hbm>>
    %dma_start3A_152 = tpu.memref_slice %arg4[%mul3A_148] : memref<51380224xf32, #tpu.memory_space<hbm>> -> memref<4096xf32, #tpu.memory_space<hbm>>
    %dma_start3A_153 = arith.constant 20480 : i32
    %dma_start3A_154 = tpu.memref_slice %arg9[%dma_start3A_153] : memref<32768xf32, #tpu.memory_space<vmem>> -> memref<4096xf32, #tpu.memory_space<vmem>>
    tpu.enqueue_dma source(%dma_start3A_154 : memref<4096xf32, #tpu.memory_space<vmem>>) target(%dma_start3A_152 : memref<4096xf32, #tpu.memory_space<hbm>>) target_semaphore(%arg11 : memref<!tpu.dma_semaphore, #tpu.memory_space<semaphore_mem>>)
    %add3A_155 = arith.constant 49920 : i32
    %add3A_156 = arith.addi %add3A_155, %mul3A_4 : i32
    %mul3A_157 = arith.constant 1024 : i32
    %mul3A_158 = arith.muli %add3A_156, %mul3A_157 : i32
    %dma_start3A_159 = arith.constant 24576 : i32
    %dma_start3A_160 = tpu.memref_slice %arg9[%dma_start3A_159] : memref<32768xf32, #tpu.memory_space<vmem>> -> memref<4096xf32, #tpu.memory_space<vmem>>
    %dma_start3A_161 = tpu.memref_slice %arg4[%mul3A_158] : memref<51380224xf32, #tpu.memory_space<hbm>> -> memref<4096xf32, #tpu.memory_space<hbm>>
    %dma_start3A_162 = tpu.memref_slice %arg4[%mul3A_158] : memref<51380224xf32, #tpu.memory_space<hbm>> -> memref<4096xf32, #tpu.memory_space<hbm>>
    %dma_start3A_163 = arith.constant 24576 : i32
    %dma_start3A_164 = tpu.memref_slice %arg9[%dma_start3A_163] : memref<32768xf32, #tpu.memory_space<vmem>> -> memref<4096xf32, #tpu.memory_space<vmem>>
    tpu.enqueue_dma source(%dma_start3A_164 : memref<4096xf32, #tpu.memory_space<vmem>>) target(%dma_start3A_162 : memref<4096xf32, #tpu.memory_space<hbm>>) target_semaphore(%arg11 : memref<!tpu.dma_semaphore, #tpu.memory_space<semaphore_mem>>)
    %add3A_165 = arith.constant 50048 : i32
    %add3A_166 = arith.addi %add3A_165, %mul3A_4 : i32
    %mul3A_167 = arith.constant 1024 : i32
    %mul3A_168 = arith.muli %add3A_166, %mul3A_167 : i32
    %dma_start3A_169 = arith.constant 28672 : i32
    %dma_start3A_170 = tpu.memref_slice %arg9[%dma_start3A_169] : memref<32768xf32, #tpu.memory_space<vmem>> -> memref<4096xf32, #tpu.memory_space<vmem>>
    %dma_start3A_171 = tpu.memref_slice %arg4[%mul3A_168] : memref<51380224xf32, #tpu.memory_space<hbm>> -> memref<4096xf32, #tpu.memory_space<hbm>>
    %dma_start3A_172 = tpu.memref_slice %arg4[%mul3A_168] : memref<51380224xf32, #tpu.memory_space<hbm>> -> memref<4096xf32, #tpu.memory_space<hbm>>
    %dma_start3A_173 = arith.constant 28672 : i32
    %dma_start3A_174 = tpu.memref_slice %arg9[%dma_start3A_173] : memref<32768xf32, #tpu.memory_space<vmem>> -> memref<4096xf32, #tpu.memory_space<vmem>>
    tpu.enqueue_dma source(%dma_start3A_174 : memref<4096xf32, #tpu.memory_space<vmem>>) target(%dma_start3A_172 : memref<4096xf32, #tpu.memory_space<hbm>>) target_semaphore(%arg11 : memref<!tpu.dma_semaphore, #tpu.memory_space<semaphore_mem>>)
    %dma_wait3A_175 = arith.constant 0 : i32
    %dma_wait3A_176 = tpu.memref_slice %arg4[%dma_wait3A_175] : memref<51380224xf32, #tpu.memory_space<hbm>> -> memref<32768xf32, #tpu.memory_space<hbm>>
    %dma_wait3A_177 = arith.constant 0 : i32
    %dma_wait3A_178 = tpu.memref_slice %arg4[%dma_wait3A_177] : memref<51380224xf32, #tpu.memory_space<hbm>> -> memref<32768xf32, #tpu.memory_space<hbm>>
    tpu.wait_dma2 semaphore(%arg11 : memref<!tpu.dma_semaphore, #tpu.memory_space<semaphore_mem>>) src(%arg9 : memref<32768xf32, #tpu.memory_space<vmem>>) dst(%dma_wait3A_178 : memref<32768xf32, #tpu.memory_space<hbm>>)
    %dma_wait3A_179 = arith.constant 0 : i32
    %dma_wait3A_180 = tpu.memref_slice %arg4[%dma_wait3A_179] : memref<51380224xf32, #tpu.memory_space<hbm>> -> memref<32768xf32, #tpu.memory_space<hbm>>
    %dma_wait3A_181 = arith.constant 0 : i32
    %dma_wait3A_182 = tpu.memref_slice %arg4[%dma_wait3A_181] : memref<51380224xf32, #tpu.memory_space<hbm>> -> memref<32768xf32, #tpu.memory_space<hbm>>
    tpu.wait_dma2 semaphore(%arg12 : memref<!tpu.dma_semaphore, #tpu.memory_space<semaphore_mem>>) src(%arg10 : memref<32768xf32, #tpu.memory_space<vmem>>) dst(%dma_wait3A_182 : memref<32768xf32, #tpu.memory_space<hbm>>)
    %dma_wait3A_183 = arith.constant 0 : i32
    %dma_wait3A_184 = tpu.memref_slice %arg8[%dma_wait3A_183] : memref<28672xi32, #tpu.memory_space<vmem>> -> memref<28672xi32, #tpu.memory_space<vmem>>
    %dma_wait3A_185 = arith.constant 0 : i32
    %dma_wait3A_186 = tpu.memref_slice %arg5[%dma_wait3A_185] : memref<917504xi32, #tpu.memory_space<hbm>> -> memref<28672xi32, #tpu.memory_space<hbm>>
    %dma_wait3A_187 = arith.constant 0 : i32
    %dma_wait3A_188 = tpu.memref_slice %arg5[%dma_wait3A_187] : memref<917504xi32, #tpu.memory_space<hbm>> -> memref<28672xi32, #tpu.memory_space<hbm>>
    %dma_wait3A_189 = arith.constant 0 : i32
    %dma_wait3A_190 = tpu.memref_slice %arg8[%dma_wait3A_189] : memref<28672xi32, #tpu.memory_space<vmem>> -> memref<28672xi32, #tpu.memory_space<vmem>>
    tpu.wait_dma2 semaphore(%arg13 : memref<!tpu.dma_semaphore, #tpu.memory_space<semaphore_mem>>) src(%dma_wait3A_190 : memref<28672xi32, #tpu.memory_space<vmem>>) dst(%dma_wait3A_188 : memref<28672xi32, #tpu.memory_space<hbm>>)
    return
  }
}

</mosaic_0001>

<sc_bundles>
// kernel: kernel.3.cloned.1.call-start
scs
__scs_entry_jumppad:
0x0: {  	(pc) =	sbr.rel $0x88, $3  }
0x1: {  	(tag) =	ssettag $0x0;
	lr =	simm.s32 $0x1  }
0x2: {  	[smem:$0x3F9F] =	sst lr;
	_ =	strace $0xD0000000  }
0x3: {  	_ = 	snop  }
0x4: {  	_ = 	snop  }
0x5: {  	_ = 	snop  }
0x6: {  	_ = 	snop  }
0x7: {  	_ = 	snop  }
__scs_overlays_trampoline_lowered:
0x8: {  	[smem:$0x3FAE] =	sst s0  }
0x9: {  	[smem:$0x3FAF] =	sst s1  }
0xa: {  	[smem:$0x3FB0] =	sst s2  }
0xb: {  	[smem:$0x3FB1] =	sst s3  }
0xc: {  	[smem:$0x3FB2] =	sst s4  }
0xd: {  	[smem:$0x3FB3] =	sst s5  }
0xe: {  	[smem:$0x3FB4] =	sst s6  }
0xf: {  	[smem:$0x3FB5] =	sst s7  }
0x10: {  	[smem:$0x3FB6] =	sst s8  }
0x11: {  	[smem:$0x3FB7] =	sst s9;
	s0 =	simm.s32 @!p0 $0x0  }
0x12: {  	s1 =	sld [smem:$0x3F9D];
	s0 =	simm.s32 @p0 $0x1  }
0x13: {  	[smem:$0x3FB8] =	sst s0;
	s0 =	simm.s32 @!p1 $0x0  }
0x14: {  	s2 =	sld [smem:$0x3F9C];
	s0 =	simm.s32 @p1 $0x1  }
0x15: {  	[smem:$0x3FB9] =	sst s0;
	s0 =	simm.s32 @!p2 $0x0  }
0x16: {  	s3 =	sld [smem:$0x3FDB];
	s0 =	simm.s32 @p2 $0x1  }
0x17: {  	s4 =	simm.s32 $0x1BF5;
	[smem:$0x3FBB] =	sst s0  }
0x18: {  	s0 =	sld [smem:$0x3F9E];
	_ =	swait.ge [sflag:s4], $0x0  }
0x19: {  	s7 =	sld [smem:$0x3F9F]  }
0x1a: {  	s8 =	sadd.s32 $0xFFFFE003, lr  }
0x1b: {  	s9 =	sadd.s32 $0xFFFFFEF7, lr;
	s5 =	simm.s32 $0xFFFFFFFF;
	p2 =	slt.u32 s8, $0xFFFFF086  }
0x1c: {  	p1 =	slt.u32 s9, $0xF7A;
	s5 =	simm.s32 @!p2 $0x0  }
0x1d: {  	s5 =	simm.s32 @p1 $0x1;
	p0 =	seq.s32 s7, s2  }
0x1e: {  	s7 =	smul.u32 @!p0 $0xF7A, s2;
	p2 =	seq.s32 @!p0 s5, $0x0  }
0x1f: {  	s9 =	smul.u32 $0xF7A, s1;
	s8 =	simm.s32 @!p0 $0x1BF5;
	p2 =	por !p2, p0  }
0x20: {  	[sflag:s8] =	ssyncset.s32 @!p0 $0xFFFFF086;
	s6 =	sadd.s32 @!p0 s3, s7;
	s7 =	simm.s32 @!p0 $0x108  }
0x21: {  	s3 =	sadd.s32 s3, s9;
	s6 =	sadd.s32 @!p0 $0x88, s6;
	s7 =	simm.s32 @p2 $0x1082  }
0x22: {  	[simem:s7], [sflag:s8] =	dma.local @!p0 [hbm:s6], $0xF7A  }
0x23: {  	s9 =	sor.u32 $0xD0000000, s2;
	s6 =	simm.s32 $0x108;
	_ =	swait.ge @!p0 [sflag:s8], $0x0  }
0x24: {  	s3 =	sadd.s32 $0x88, s3;
	s6 =	simm.s32 @!p1 $0x1082;
	[sflag:s4] =	ssyncset.s32 $0xFFFFF086  }
0x25: {  	[simem:s6], [sflag:s4] =	dma.local [hbm:s3], $0xF7A  }
0x26: {  	[smem:$0x3F9F] =	sst s1;
	(tag) =	ssettag s2;
	_ =	strace s9  }
0x27: {  	s1 =	sld [smem:$0x3FAF]  }
0x28: {  	s2 =	sld [smem:$0x3FB0]  }
0x29: {  	s4 =	sld [smem:$0x3FB2]  }
0x2a: {  	p0 =	seq.s32 s5, $0x0;
	s5 =	sld [smem:$0x3FB3]  }
0x2b: {  	s6 =	sld [smem:$0x3FB4]  }
0x2c: {  	s7 =	sld [smem:$0x3FB5]  }
0x2d: {  	s3 =	simm.s32 $0x108;
	s8 =	sld [smem:$0x3FB6]  }
0x2e: {  	s3 =	simm.s32 @!p0 $0x1082;
	s9 =	sld [smem:$0x3FB7]  }
0x2f: {  	lr =	sadd.s32 s0, s3;
	s0 =	sld [smem:$0x3FAE]  }
0x30: {  	s3 =	sld [smem:$0x3FB1]  }
0x31: {  	[smem:$0x3FBA] =	sst s10  }
0x32: {  	s10 =	sld [smem:$0x3FB8];
	_ =	sdelay $0x3  }
0x33: {  	p0 =	seq.s32 s10, $0x1;
	s10 =	sld [smem:$0x3FBA];
	_ =	sdelay $0x3  }
0x34: {  	[smem:$0x3FBA] =	sst s10  }
0x35: {  	s10 =	sld [smem:$0x3FB9];
	_ =	sdelay $0x3  }
0x36: {  	p1 =	seq.s32 s10, $0x1;
	s10 =	sld [smem:$0x3FBA];
	_ =	sdelay $0x3  }
0x37: {  	[smem:$0x3FBA] =	sst s10  }
0x38: {  	s10 =	sld [smem:$0x3FBB]  }
0x39: {  	_ = 	snop;
	(pc) =	sbr.ind lr, $3  }
0x3a: {  	_ = 	snop  }
0x3b: {  	_ = 	snop  }
0x3c: {  	p2 =	seq.s32 s10, $0x1;
	s10 =	sld [smem:$0x3FBA]  }
0x3d: {  	_ =	shalt  }
0x3e: {  	_ =	shalt  }
0x3f: {  	_ =	shalt  }
0x40: {  	_ =	shalt  }
0x41: {  	_ =	shalt  }
0x42: {  	_ =	shalt  }
0x43: {  	_ =	shalt  }
0x44: {  	_ =	shalt  }
0x45: {  	_ =	shalt  }
0x46: {  	_ =	shalt  }
0x47: {  	_ =	shalt  }
0x48: {  	_ =	shalt  }
0x49: {  	_ =	shalt  }
0x4a: {  	_ =	shalt  }
0x4b: {  	_ =	shalt  }
0x4c: {  	_ =	shalt  }
0x4d: {  	_ =	shalt  }
0x4e: {  	_ =	shalt  }
0x4f: {  	_ =	shalt  }
0x50: {  	_ =	shalt  }
0x51: {  	_ =	shalt  }
0x52: {  	_ =	shalt  }
0x53: {  	_ =	shalt  }
0x54: {  	_ =	shalt  }
0x55: {  	_ =	shalt  }
0x56: {  	_ =	shalt  }
0x57: {  	_ =	shalt  }
0x58: {  	_ =	shalt  }
0x59: {  	_ =	shalt  }
0x5a: {  	_ =	shalt  }
0x5b: {  	_ =	shalt  }
0x5c: {  	_ =	shalt  }
0x5d: {  	_ =	shalt  }
0x5e: {  	_ =	shalt  }
0x5f: {  	_ =	shalt  }
0x60: {  	_ =	shalt  }
0x61: {  	_ =	shalt  }
0x62: {  	_ =	shalt  }
0x63: {  	_ =	shalt  }
0x64: {  	_ =	shalt  }
0x65: {  	_ =	shalt  }
0x66: {  	_ =	shalt  }
0x67: {  	_ =	shalt  }
0x68: {  	_ =	shalt  }
0x69: {  	_ =	shalt  }
0x6a: {  	_ =	shalt  }
0x6b: {  	_ =	shalt  }
0x6c: {  	_ =	shalt  }
0x6d: {  	_ =	shalt  }
0x6e: {  	_ =	shalt  }
0x6f: {  	_ =	shalt  }
0x70: {  	_ =	shalt  }
0x71: {  	_ =	shalt  }
0x72: {  	_ =	shalt  }
0x73: {  	_ =	shalt  }
0x74: {  	_ =	shalt  }
0x75: {  	_ =	shalt  }
0x76: {  	_ =	shalt  }
0x77: {  	_ =	shalt  }
0x78: {  	_ =	shalt  }
0x79: {  	_ =	shalt  }
0x7a: {  	_ =	shalt  }
0x7b: {  	_ =	shalt  }
0x7c: {  	_ =	shalt  }
0x7d: {  	_ =	shalt  }
0x7e: {  	_ =	shalt  }
0x7f: {  	_ =	shalt  }
0x80: {  	_ =	shalt  }
0x81: {  	_ =	shalt  }
0x82: {  	_ =	shalt  }
0x83: {  	_ =	shalt  }
0x84: {  	_ =	shalt  }
0x85: {  	_ =	shalt  }
0x86: {  	_ =	shalt  }
0x87: {  	_ =	shalt  }
.Lfunc_end0:
.L_simem_size_0:
called_computation_lowered:
.L_overlay_start_0:
0x88: {  	s2 =	sld [smem:$0x3FD9]  }
0x89: {  	s3 =	sld [smem:$0x3FFE];
	_ =	sdelay $0x1  }
0x8a: {  	s1 =	srdreg.scid  }
0x8b: {  	s0 =	sand.u32 $0x1, s1  }
0x8c: {  	s14 =	sshll.u32 s0, $0xA;
	s2 =	sadd.s32 s3, s2  }
0x8d: {  	s2 =	sadd.s32 s2, s14  }
0x8e: {  	[smem:$0x3FC6] =	sst s2  }
0x8f: {  	_ = 	snop  }
0x90: {  	s2 =	sld [smem:$0x3FD0];
	_ =	sdelay $0x2  }
0x91: {  	s4 =	simm.s32 $0xA;
	s5 =	simm.s32 $0x10;
	s15 =	sld [smem:$0x3FC9]  }
0x92: {  	[smem:s5], [sflag:s4] =	dma.local [hbm:s2], $0x1  }
0x93: {  	_ =	swait.eq [sflag:s4], $0x1  }
0x94: {  	[sflag:s4] =	ssyncset.done $0x0  }
0x95: {  	s16 =	sld [smem:$0x10];
	[sflag:s4] =	ssyncadd.s32 $0xFFFFFFFF  }
0x96: {  	s17 =	sld [smem:$0x11];
	(tm) =	ssettm $0x1  }
0x97: {  	s18 =	sld [smem:$0x3FFB];
	_ =	sdelay $0x3  }
0x98: {  	_ =	strace s18  }
0x99: {  	s5 =	sld [smem:$0x3FFC];
	_ =	sdelay $0x3  }
0x9a: {  	_ =	strace s5  }
0x9b: {  	s5 =	sld [smem:$0x3FFD];
	_ =	sdelay $0x3  }
0x9c: {  	_ =	strace s5  }
0x9d: {  	_ =	strace $0x8FFFFFFF  }
0x9e: {  	s19 =	sld [smem:$0x3FDB];
	_ =	sdelay $0x1  }
0x9f: {  	s6 =	simm.s32 $_scs_section_size  }
0xa0: {  	s7 =	simm.s32 $_size__tile_overlayer_lowered;
	s8 =	simm.s32 $_tile_overlayer_lowered  }
0xa1: {  	s22 =	simm.s32 $0x1BFF;
	s21 =	sshll.u32 s8, $0x1;
	s5 =	sadd.s32 s6, s19  }
0xa2: {  	s9 =	simm.s32 $0x0;
	s20 =	sshll.u32 s7, $0x1;
	s7 =	sadd.s32 s21, s5  }
0xa3: {  	[timem:s9], [sflag:s22] =	dma.local [hbm:s7], s20  }
0xa4: {  	_ =	swait.ge [sflag:s22], s20  }
0xa5: {  	s6 =	ssub.s32 $0x0, s20;
	[sflag:s22] =	ssyncset.done $0x0  }
0xa6: {  	[sflag:s22] =	ssyncadd.s32 s6;
	_ =	sdelay $0x1  }
0xa7: {  	s23 =	simm.s32 $0x1B8B  }
0xa8: {  	_ =	swait.ge [sflag:s23], $0x1  }
0xa9: {  	[sflag:s23] =	ssyncset.done $0x0  }
0xaa: {  	s25 =	simm.s32 $0x1B8E;
	s24 =	sld [smem:$0x3FFE];
	[sflag:s23] =	ssyncadd.s32 $0xFFFFFFFF  }
0xab: {  	s26 =	simm.s32 $execute0_lowered;
	[smem:$0x3FD2] =	sst s25  }
0xac: {  	s7 =	sshll.u32 s26, $0x1;
	_ =	strace $0x80000046;
	[dreg:$0x1] =	wrdreg $0xFFFFFFFF  }
0xad: {  	s28 =	simm.s32 $_size_execute0_lowered;
	s5 =	sadd.s32 s5, s7;
	[dreg:$0x0] =	wrdreg $0x0  }
0xae: {  	s7 =	sshll.u32 s28, $0x1;
	[dreg:$0x2] =	wrdreg s5  }
0xaf: {  	[dreg:$0x3] =	wrdreg s7  }
0xb0: {  	[dreg:$0x4] =	wrdreg $0xC0  }
0xb1: {  	_ =	task [dreg:s9], $0x5FFFF  }
0xb2: {  	[dreg:$0x1] =	wrdreg $0xFFFFFFFF  }
0xb3: {  	[dreg:$0x0] =	wrdreg $0x60  }
0xb4: {  	[dreg:$0x2] =	wrdreg s15  }
0xb5: {  	[dreg:$0x3] =	wrdreg s24  }
0xb6: {  	[dreg:$0x4] =	wrdreg s16  }
0xb7: {  	[dreg:$0x5] =	wrdreg s17  }
0xb8: {  	[dreg:$0x6] =	wrdreg $0x9  }
0xb9: {  	_ =	task.clear_ibuf [dreg:s9], $0x7FFFF;
	_ =	strace $0x90000046  }
0xba: {  	s29 =	simm.s32 $0x9;
	_ =	strace $0x80000048  }
0xbb: {  	_ =	swait.ge [sflag:s29], $0x1  }
0xbc: {  	[sflag:s29] =	ssyncadd.s32 $0xFFFFFFFF  }
0xbd: {  	_ =	strace $0x90000048  }
0xbe: {  	_ =	sfence  }
0xbf: {  	s30 =	sld [smem:$0x0];
	_ =	sdelay $0x2  }
0xc0: {  	s31 =	sshll.u32 s1, $0xD;
	s1 =	sshrl.u32 s1, $0x2  }
0xc1: {  	s3 =	sand.u32 $0x4000, s31;
	s1 =	sadd.s32 s1, s30  }
0xc2: {  	s0 =	sor.u32 s3, s0;
	s1 =	sshll.u32 s1, $0x11  }
0xc3: {  	s0 =	sor.u32 s1, s0  }
0xc4: {  	s0 =	sadd.s32 $0x8F2B, s0  }
0xc5: {  	[sflag:s0] =	ssyncadd.remote.s32 $0x1  }
0xc6: {  	_ =	sfence.sel $0xFFFF  }
0xc7: {  	[dreg:$0x0] =	wrdreg $0xFFFFFFFF;
	(pc) =	sbr.abs _section_cstart, $3  }
0xc8: {  	[dreg:$0x1] =	wrdreg $0xFFFFFFFF  }
0xc9: {  	_ =	task.clear_ibuf [dreg:s9], $0x2FFFF;
	_ =	strace $0x9FFFFFFF  }
0xca: {  	(tm) =	ssettm $0x7FFFFFFF  }
0xcb: {  	_ =	shalt  }
tec
execute0_lowered:
.L_overlay_start_1:
0x0: {  	(tag) =	ssettag $0x1  }
0x1: {  	s0 =	rddreg [dreg:$0x0]  }
0x2: {  	s1 =	rddreg [dreg:$0x1]  }
0x3: {  	s2 =	rddreg [dreg:$0x2]  }
0x4: {  	s5 =	rddreg [dreg:$0x3]  }
0x5: {  	s4 =	srdreg.scid;
	s6 =	stileid.u32  }
0x6: {  	s3 =	simm.s32 $0x0;
	s4 =	sand.u32 $0x1, s4;
	s6 =	sshll.u32 s6, $0x1  }
0x7: {  	[smem:$0x7FF] =	sst s3;
	s12 =	sadd.s32 $0x808, s1;
	s6 =	sor.u32 s4, s6  }
0x8: {  	s7 =	ssub.s32 $0x2, s4;
	s4 =	sshll.u32 s6, $0x9;
	s6 =	sshll.u32 s6, $0x6  }
0x9: {  	_ =	strace $0x80000047;
	[dreg:$0x7] =	wrdreg s12;
	s0 =	sadd.s32 s0, s6  }
0xa: {  	s5 =	sadd.s32 s5, s4;
	[dreg:$0x6] =	wrdreg s0  }
0xb: {  	s13 =	sadd.s32 $0x4000, s5;
	[dreg:$0x5] =	wrdreg s5  }
0xc: {  	s14 =	sadd.s32 $0x8000, s5;
	[dreg:$0x8] =	wrdreg s13  }
0xd: {  	s9 =	simm.s32 $0xCE80;
	s15 =	sadd.s32 $0xC000, s5;
	[dreg:$0x9] =	wrdreg s14  }
0xe: {  	s10 =	simm.s32 $0xDE80;
	s16 =	sadd.s32 $0x10000, s5;
	[dreg:$0xa] =	wrdreg s15  }
0xf: {  	s11 =	simm.s32 $0xEE80;
	s17 =	sadd.s32 $0x14000, s5;
	[dreg:$0xb] =	wrdreg s16  }
0x10: {  	s19 =	sadd.s32 s4, s2;
	s18 =	sadd.s32 $0x18000, s5;
	[dreg:$0xc] =	wrdreg s17  }
0x11: {  	s28 =	sadd.s32 $0x14000, s2;
	s20 =	sadd.s32 $0x600000, s19;
	[dreg:$0xd] =	wrdreg s18  }
0x12: {  	s29 =	sadd.s32 $0x18000, s2;
	s21 =	sadd.s32 $0x604000, s19;
	[dreg:$0xe] =	wrdreg s20  }
0x13: {  	s30 =	sadd.s32 $0x1C000, s2;
	s22 =	sadd.s32 $0x608000, s19;
	[dreg:$0xf] =	wrdreg s21  }
0x14: {  	s8 =	sshrl.u32 s7, $0x1;
	s23 =	sadd.s32 $0x60C000, s19;
	[dreg:$0x10] =	wrdreg s22  }
0x15: {  	s7 =	ssub.s32 s7, s8;
	s24 =	sadd.s32 $0x610000, s19;
	[dreg:$0x11] =	wrdreg s23  }
0x16: {  	s8 =	simm.s32 $0xBE80;
	s25 =	sadd.s32 $0x614000, s19;
	[dreg:$0x12] =	wrdreg s24  }
0x17: {  	s26 =	sadd.s32 $0x618000, s19;
	s0 =	sadd.s32 $0x61C000, s19;
	[dreg:$0x13] =	wrdreg s25  }
0x18: {  	s31 =	smax.u32 s7, $0x1;
	s5 =	simm.s32 $0x0;
	[dreg:$0x14] =	wrdreg s26  }
0x19: {  	s14 =	sadd.s32 $0x4000, s2;
	s15 =	sadd.s32 $0x8000, s2;
	[dreg:$0x15] =	wrdreg s0  }
0x1a: {  	v0 =	vimm.f32 $0.0e+00;
	s16 =	sadd.s32 $0xC000, s2;
	[dreg:$0x16] =	wrdreg s31;
	s26 =	sadd.s32 $0x10000, s2  }
.LBB2_1:
0x1b: {  	[dreg:$0x17] =	wrdreg s5  }
0x1c: {  	s0 =	rddreg [dreg:$0x6];
	s1 =	simm.s32 $0x4  }
0x1d: {  	[tilespmem:s3], [sflag:$0x4] =	stream.linear.gather [hbm4b:s0+s3], $0x200, $0x38;
	[tilespmem:$0x17E80] =	vst v63  }
0x1e: {  	s25 =	simm.s32 $0x200;
	_ =	swait.ge [sflag:s1], $0x200  }
0x1f: {  	s21 =	simm.s32 $0x1080;
	s31 =	simm.s32 $0x10A0;
	[sflag:s1] =	ssyncset.done $0x0  }
0x20: {  	s23 =	simm.s32 $0x10B0;
	s24 =	rddreg [dreg:$0x7];
	[sflag:s1] =	ssyncadd.s32 $0xFFFFFE00  }
0x21: {  	[tilespmem:s25], [sflag:$0x4] =	stream.linear.gather [hbm4b:s24+s3], $0xC40, $0x38;
	[tilespmem:$0x17E80] =	vst v63  }
0x22: {  	s5 =	simm.s32 $0x10C0;
	s12 =	simm.s32 $0x10D0;
	_ =	swait.ge [sflag:s1], $0xC40  }
0x23: {  	s13 =	simm.s32 $0x10E0;
	s17 =	simm.s32 $0x10F0;
	[sflag:s1] =	ssyncset.done $0x0  }
0x24: {  	s18 =	simm.s32 $0x0;
	s25 =	simm.s32 $0x1090;
	[sflag:s1] =	ssyncadd.s32 $0xFFFFF3C0  }
.LBB2_2:
0x25: {  	s0 =	sshll.u32 s18, $0x7  }
0x26: {  	s19 =	sand.u32 $0x3FFFFF80, s0  }
0x27: {  	v1 =	vld [tilespmem:s19+$0x0]  }
0x28: {  	s24 =	simm.s32 $0x7  }
0x29: {  	s1 =	simm.s32 $0x0;
	s6 =	simm.s32 $0x1;
	s20 =	simm.s32 $0x2;
	v2 =	vmov s24  }
0x2a: {  	s7 =	simm.s32 $0x3;
	s22 =	simm.s32 $0x4;
	v3 =	vmov s1;
	v4 =	vmov s6;
	v5 =	vmov s20;
	s24 =	simm.s32 $0x6  }
0x2b: {  	v6 =	vmov s7;
	v7 =	vmov s22;
	s1 =	simm.s32 $0x5;
	v8 =	vmov s24  }
0x2c: {  	v9 =	vmov s1;
	vm0 =	vlt.s32 v8, v1;
	v8 =	vor.u32 $0x1, v8  }
0x2d: {  	vm1 =	vlt.s32 v3, v1;
	v3 =	vor.u32 $0x1, v3;
	v8 =	vnsel vm0, $0x0, v8  }
0x2e: {  	vm10 =	vlt.s32 v4, v1;
	v4 =	vadd.s32 $0x1, v4;
	v3 =	vnsel vm1, $0x0, v3;
	[tilespmem:s21+$0x100] =	vst v8  }
0x2f: {  	vm11 =	vlt.s32 v5, v1;
	[tilespmem:s21+$0xFFFFFE00] =	vst v3;
	v3 =	vnsel vm10, $0x0, v4;
	v4 =	vor.u32 $0x1, v5  }
0x30: {  	vm12 =	vlt.s32 v6, v1;
	[tilespmem:s21+$0xFFFFFE80] =	vst v3;
	v3 =	vnsel vm11, $0x0, v4;
	v4 =	vadd.s32 $0x1, v6  }
0x31: {  	vm13 =	vlt.s32 v7, v1;
	[tilespmem:s21+$0xFFFFFF00] =	vst v3;
	v3 =	vnsel vm12, $0x0, v4;
	v4 =	vor.u32 $0x1, v7  }
0x32: {  	vm14 =	vlt.s32 v9, v1;
	[tilespmem:s21+$0xFFFFFF80] =	vst v3;
	v3 =	vnsel vm13, $0x0, v4;
	v4 =	vadd.s32 $0x1, v9  }
0x33: {  	s20 =	simm.s32 $0xF;
	s7 =	simm.s32 $0x8;
	s22 =	simm.s32 $0xA;
	vm15 =	vlt.s32 v2, v1;
	[tilespmem:s21+$0x0] =	vst v3;
	v3 =	vnsel vm14, $0x0, v4;
	v4 =	vadd.s32 $0x1, v2  }
0x34: {  	s0 =	simm.s32 $0xB;
	s6 =	simm.s32 $0xC;
	s24 =	simm.s32 $0x9;
	v5 =	vmov s7;
	[tilespmem:s21+$0x80] =	vst v3;
	v6 =	vnsel vm15, $0x0, v4  }
0x35: {  	s1 =	simm.s32 $0xE;
	v2 =	vmov s20;
	v4 =	vmov s24;
	v3 =	vmov s22;
	s22 =	simm.s32 $0x17;
	s24 =	smov.u32 s21;
	[tilespmem:s21+$0x180] =	vst v6  }
.LBB2_3:
0x36: {  	p0 =	sne.s32 s22, $0x37;
	v6 =	vmov s0;
	v7 =	vmov s6;
	s0 =	sadd.s32 $0xFFFFFFFE, s20;
	v8 =	vmov s1;
	s20 =	smov.u32 s22  }
0x37: {  	v9 =	vmov s0;
	vm0 =	vlt.s32 v8, v1;
	v8 =	vor.u32 $0x1, v8  }
0x38: {  	vm1 =	vlt.s32 v5, v1;
	v5 =	vor.u32 $0x1, v5;
	s24 =	sadd.s32 $0x1000, s24;
	v8 =	vnsel vm0, $0x0, v8  }
0x39: {  	v5 =	vnsel vm1, $0x0, v5;
	vm0 =	vlt.s32 v4, v1;
	v4 =	vadd.s32 $0x1, v4;
	[tilespmem:s24+$0x100] =	vst v8  }
0x3a: {  	v4 =	vnsel vm0, $0x0, v4;
	vm0 =	vlt.s32 v3, v1;
	v3 =	vor.u32 $0x1, v3;
	[tilespmem:s24+$0xFFFFFE00] =	vst v5  }
0x3b: {  	v3 =	vnsel vm0, $0x0, v3;
	vm0 =	vlt.s32 v6, v1;
	[tilespmem:s24+$0xFFFFFE80] =	vst v4;
	v4 =	vadd.s32 $0x1, v6  }
.Ltmp0:
0x3c: {  	[tilespmem:s24+$0xFFFFFF00] =	vst v3;
	v3 =	vnsel vm0, $0x0, v4;
	vm0 =	vlt.s32 v7, v1;
	v4 =	vor.u32 $0x1, v7;
	(pc) =	sbr.rel @p0 .LBB2_3-.Ltmp0, $4  }
0x3d: {  	[tilespmem:s24+$0xFFFFFF80] =	vst v3;
	v3 =	vnsel vm0, $0x0, v4;
	vm0 =	vlt.s32 v9, v1;
	v4 =	vadd.s32 $0x1, v9  }
0x3e: {  	s1 =	sadd.s32 $0xFFFFFFF9, s22;
	[tilespmem:s24+$0x0] =	vst v3;
	v3 =	vnsel vm0, $0x0, v4;
	vm0 =	vlt.s32 v2, v1;
	v4 =	vadd.s32 $0x1, v2  }
0x3f: {  	s6 =	sadd.s32 $0xFFFFFFFA, s22;
	s7 =	sadd.s32 $0xFFFFFFFB, s22;
	s0 =	sadd.s32 $0xFFFFFFFC, s22;
	v2 =	vmov s22;
	[tilespmem:s24+$0x80] =	vst v3;
	v6 =	vnsel vm0, $0x0, v4  }
0x40: {  	v5 =	vmov s1;
	s1 =	sadd.s32 $0xFFFFFFFF, s20;
	s22 =	sadd.s32 $0x8, s22;
	v4 =	vmov s6;
	v3 =	vmov s7;
	s6 =	sadd.s32 $0xFFFFFFFD, s20;
	[tilespmem:s24+$0x180] =	vst v6  }
0x41: {  	v6 =	vmov s0;
	v7 =	vmov s6  }
0x42: {  	v8 =	vmov s1;
	vm1 =	vlt.s32 v5, v1;
	v5 =	vor.u32 $0x1, v5  }
0x43: {  	vm14 =	vlt.s32 v4, v1;
	v4 =	vadd.s32 $0x1, v4;
	vm15 =	vlt.s32 v3, v1  }
0x44: {  	s6 =	sadd.s32 $0xFFFFFFFE, s20;
	s7 =	sadd.s32 $0x1000, s24;
	v3 =	vor.u32 $0x1, v3;
	vm7 =	vlt.s32 v2, v1;
	v5 =	vnsel vm1, $0x0, v5  }
0x45: {  	v9 =	vmov s6;
	vm0 =	vlt.s32 v8, v1;
	v4 =	vnsel vm14, $0x0, v4;
	[tilespmem:s7+$0xFFFFFE00] =	vst v5  }
0x46: {  	v8 =	vor.u32 $0x1, v8;
	v3 =	vnsel vm15, $0x0, v3;
	vm4 =	vlt.s32 v6, v1;
	[tilespmem:s7+$0xFFFFFE80] =	vst v4  }
0x47: {  	vm5 =	vlt.s32 v7, v1;
	v8 =	vnsel vm0, $0x0, v8;
	v4 =	vadd.s32 $0x1, v6;
	[tilespmem:s7+$0xFFFFFF00] =	vst v3  }
0x48: {  	vm6 =	vlt.s32 v9, v1;
	v1 =	vadd.s32 $0x1, v2;
	[tilespmem:s7+$0x100] =	vst v8;
	v3 =	vnsel vm4, $0x0, v4  }
0x49: {  	v4 =	vor.u32 $0x1, v7;
	v1 =	vnsel vm7, $0x0, v1;
	[tilespmem:s7+$0xFFFFFF80] =	vst v3  }
0x4a: {  	v3 =	vnsel vm5, $0x0, v4;
	v4 =	vadd.s32 $0x1, v9;
	[tilespmem:s7+$0x180] =	vst v1  }
0x4b: {  	[tilespmem:s7+$0x0] =	vst v3;
	v3 =	vnsel vm6, $0x0, v4  }
0x4c: {  	[tilespmem:s7+$0x80] =	vst v3  }
0x4d: {  	v1 =	vld [tilespmem:s19+$0x10]  }
0x4e: {  	s20 =	simm.s32 $0x7  }
0x4f: {  	s24 =	simm.s32 $0x1;
	s1 =	simm.s32 $0x5;
	v2 =	vmov s20;
	s20 =	simm.s32 $0x3  }
0x50: {  	s22 =	simm.s32 $0x0;
	v63 =	vmov s1;
	v6 =	vmov s20;
	v4 =	vmov s24;
	s24 =	simm.s32 $0x6;
	s7 =	simm.s32 $0x2  }
0x51: {  	v3 =	vmov s22;
	s22 =	simm.s32 $0x4;
	v62 =	vmov s24;
	v5 =	vmov s7  }
0x52: {  	v7 =	vmov s22;
	v8 =	vor.u32 $0x1, v62;
	vm8 =	vlt.s32 v62, v1  }
0x53: {  	vm9 =	vlt.s32 v3, v1;
	v3 =	vor.u32 $0x1, v3;
	v8 =	vnsel vm8, $0x0, v8  }
0x54: {  	vm10 =	vlt.s32 v4, v1;
	v4 =	vadd.s32 $0x1, v4;
	v3 =	vnsel vm9, $0x0, v3;
	[tilespmem:s25+$0x100] =	vst v8  }
0x55: {  	vm11 =	vlt.s32 v5, v1;
	[tilespmem:s25+$0xFFFFFE00] =	vst v3;
	v3 =	vnsel vm10, $0x0, v4;
	v4 =	vor.u32 $0x1, v5  }
0x56: {  	vm12 =	vlt.s32 v6, v1;
	[tilespmem:s25+$0xFFFFFE80] =	vst v3;
	v3 =	vnsel vm11, $0x0, v4;
	v4 =	vadd.s32 $0x1, v6  }
0x57: {  	vm13 =	vlt.s32 v7, v1;
	[tilespmem:s25+$0xFFFFFF00] =	vst v3;
	v3 =	vnsel vm12, $0x0, v4;
	v4 =	vor.u32 $0x1, v7  }
0x58: {  	vm14 =	vlt.s32 v63, v1;
	[tilespmem:s25+$0xFFFFFF80] =	vst v3;
	v3 =	vnsel vm13, $0x0, v4;
	v4 =	vadd.s32 $0x1, v63  }
0x59: {  	s0 =	simm.s32 $0xB;
	s6 =	simm.s32 $0xC;
	s7 =	simm.s32 $0x8;
	vm15 =	vlt.s32 v2, v1;
	[tilespmem:s25+$0x0] =	vst v3;
	v3 =	vnsel vm14, $0x0, v4;
	v4 =	vadd.s32 $0x1, v2  }
0x5a: {  	s20 =	simm.s32 $0xF;
	s24 =	simm.s32 $0xA;
	s22 =	simm.s32 $0x9;
	v5 =	vmov s7;
	[tilespmem:s25+$0x80] =	vst v3;
	v6 =	vnsel vm15, $0x0, v4  }
0x5b: {  	s1 =	simm.s32 $0xE;
	v2 =	vmov s20;
	v4 =	vmov s22;
	v3 =	vmov s24;
	s22 =	simm.s32 $0x17;
	s24 =	smov.u32 s25;
	[tilespmem:s25+$0x180] =	vst v6  }
.LBB2_5:
0x5c: {  	p0 =	sne.s32 s22, $0x37;
	v6 =	vmov s0;
	v7 =	vmov s6;
	s0 =	sadd.s32 $0xFFFFFFFE, s20;
	v8 =	vmov s1;
	s20 =	smov.u32 s22  }
0x5d: {  	v9 =	vmov s0;
	vm0 =	vlt.s32 v8, v1;
	v8 =	vor.u32 $0x1, v8  }
0x5e: {  	vm1 =	vlt.s32 v5, v1;
	v5 =	vor.u32 $0x1, v5;
	s24 =	sadd.s32 $0x1000, s24;
	v8 =	vnsel vm0, $0x0, v8  }
0x5f: {  	v5 =	vnsel vm1, $0x0, v5;
	vm0 =	vlt.s32 v4, v1;
	v4 =	vadd.s32 $0x1, v4;
	[tilespmem:s24+$0x100] =	vst v8  }
0x60: {  	v4 =	vnsel vm0, $0x0, v4;
	vm0 =	vlt.s32 v3, v1;
	v3 =	vor.u32 $0x1, v3;
	[tilespmem:s24+$0xFFFFFE00] =	vst v5  }
0x61: {  	v3 =	vnsel vm0, $0x0, v3;
	vm0 =	vlt.s32 v6, v1;
	[tilespmem:s24+$0xFFFFFE80] =	vst v4;
	v4 =	vadd.s32 $0x1, v6  }
.Ltmp1:
0x62: {  	[tilespmem:s24+$0xFFFFFF00] =	vst v3;
	v3 =	vnsel vm0, $0x0, v4;
	vm0 =	vlt.s32 v7, v1;
	v4 =	vor.u32 $0x1, v7;
	(pc) =	sbr.rel @p0 .LBB2_5-.Ltmp1, $4  }
0x63: {  	[tilespmem:s24+$0xFFFFFF80] =	vst v3;
	v3 =	vnsel vm0, $0x0, v4;
	vm0 =	vlt.s32 v9, v1;
	v4 =	vadd.s32 $0x1, v9  }
0x64: {  	s1 =	sadd.s32 $0xFFFFFFF9, s22;
	[tilespmem:s24+$0x0] =	vst v3;
	v3 =	vnsel vm0, $0x0, v4;
	vm0 =	vlt.s32 v2, v1;
	v4 =	vadd.s32 $0x1, v2  }
0x65: {  	s6 =	sadd.s32 $0xFFFFFFFA, s22;
	s7 =	sadd.s32 $0xFFFFFFFB, s22;
	s0 =	sadd.s32 $0xFFFFFFFC, s22;
	v2 =	vmov s22;
	[tilespmem:s24+$0x80] =	vst v3;
	v6 =	vnsel vm0, $0x0, v4  }
0x66: {  	v5 =	vmov s1;
	s1 =	sadd.s32 $0xFFFFFFFF, s20;
	s22 =	sadd.s32 $0x8, s22;
	v4 =	vmov s6;
	v3 =	vmov s7;
	s6 =	sadd.s32 $0xFFFFFFFD, s20;
	[tilespmem:s24+$0x180] =	vst v6  }
0x67: {  	v6 =	vmov s0;
	v7 =	vmov s6  }
0x68: {  	v8 =	vmov s1;
	vm1 =	vlt.s32 v5, v1;
	v5 =	vor.u32 $0x1, v5  }
0x69: {  	vm14 =	vlt.s32 v4, v1;
	v4 =	vadd.s32 $0x1, v4;
	vm15 =	vlt.s32 v3, v1  }
0x6a: {  	s6 =	sadd.s32 $0xFFFFFFFE, s20;
	s7 =	sadd.s32 $0x1000, s24;
	v3 =	vor.u32 $0x1, v3;
	vm7 =	vlt.s32 v2, v1;
	v5 =	vnsel vm1, $0x0, v5  }
0x6b: {  	v9 =	vmov s6;
	vm0 =	vlt.s32 v8, v1;
	v4 =	vnsel vm14, $0x0, v4;
	[tilespmem:s7+$0xFFFFFE00] =	vst v5  }
0x6c: {  	v8 =	vor.u32 $0x1, v8;
	v3 =	vnsel vm15, $0x0, v3;
	vm4 =	vlt.s32 v6, v1;
	[tilespmem:s7+$0xFFFFFE80] =	vst v4  }
0x6d: {  	vm5 =	vlt.s32 v7, v1;
	v8 =	vnsel vm0, $0x0, v8;
	v4 =	vadd.s32 $0x1, v6;
	[tilespmem:s7+$0xFFFFFF00] =	vst v3  }
0x6e: {  	vm6 =	vlt.s32 v9, v1;
	v1 =	vadd.s32 $0x1, v2;
	[tilespmem:s7+$0x100] =	vst v8;
	v3 =	vnsel vm4, $0x0, v4  }
0x6f: {  	v4 =	vor.u32 $0x1, v7;
	v1 =	vnsel vm7, $0x0, v1;
	[tilespmem:s7+$0xFFFFFF80] =	vst v3  }
0x70: {  	v3 =	vnsel vm5, $0x0, v4;
	v4 =	vadd.s32 $0x1, v9;
	[tilespmem:s7+$0x180] =	vst v1  }
0x71: {  	[tilespmem:s7+$0x0] =	vst v3;
	v3 =	vnsel vm6, $0x0, v4  }
0x72: {  	[tilespmem:s7+$0x80] =	vst v3  }
0x73: {  	v1 =	vld [tilespmem:s19+$0x20]  }
0x74: {  	s20 =	simm.s32 $0x7  }
0x75: {  	s24 =	simm.s32 $0x1;
	s1 =	simm.s32 $0x5;
	v2 =	vmov s20;
	s20 =	simm.s32 $0x3  }
0x76: {  	s22 =	simm.s32 $0x0;
	v63 =	vmov s1;
	v6 =	vmov s20;
	v4 =	vmov s24;
	s24 =	simm.s32 $0x6;
	s7 =	simm.s32 $0x2  }
0x77: {  	v3 =	vmov s22;
	s22 =	simm.s32 $0x4;
	v62 =	vmov s24;
	v5 =	vmov s7  }
0x78: {  	v7 =	vmov s22;
	v8 =	vor.u32 $0x1, v62;
	vm8 =	vlt.s32 v62, v1  }
0x79: {  	vm9 =	vlt.s32 v3, v1;
	v3 =	vor.u32 $0x1, v3;
	v8 =	vnsel vm8, $0x0, v8  }
0x7a: {  	vm10 =	vlt.s32 v4, v1;
	v4 =	vadd.s32 $0x1, v4;
	v3 =	vnsel vm9, $0x0, v3;
	[tilespmem:s31+$0x100] =	vst v8  }
0x7b: {  	vm11 =	vlt.s32 v5, v1;
	[tilespmem:s31+$0xFFFFFE00] =	vst v3;
	v3 =	vnsel vm10, $0x0, v4;
	v4 =	vor.u32 $0x1, v5  }
0x7c: {  	vm12 =	vlt.s32 v6, v1;
	[tilespmem:s31+$0xFFFFFE80] =	vst v3;
	v3 =	vnsel vm11, $0x0, v4;
	v4 =	vadd.s32 $0x1, v6  }
0x7d: {  	vm13 =	vlt.s32 v7, v1;
	[tilespmem:s31+$0xFFFFFF00] =	vst v3;
	v3 =	vnsel vm12, $0x0, v4;
	v4 =	vor.u32 $0x1, v7  }
0x7e: {  	vm14 =	vlt.s32 v63, v1;
	[tilespmem:s31+$0xFFFFFF80] =	vst v3;
	v3 =	vnsel vm13, $0x0, v4;
	v4 =	vadd.s32 $0x1, v63  }
0x7f: {  	s0 =	simm.s32 $0xB;
	s6 =	simm.s32 $0xC;
	s7 =	simm.s32 $0x8;
	vm15 =	vlt.s32 v2, v1;
	[tilespmem:s31+$0x0] =	vst v3;
	v3 =	vnsel vm14, $0x0, v4;
	v4 =	vadd.s32 $0x1, v2  }
0x80: {  	s20 =	simm.s32 $0xF;
	s24 =	simm.s32 $0xA;
	s22 =	simm.s32 $0x9;
	v5 =	vmov s7;
	[tilespmem:s31+$0x80] =	vst v3;
	v6 =	vnsel vm15, $0x0, v4  }
0x81: {  	s1 =	simm.s32 $0xE;
	v2 =	vmov s20;
	v4 =	vmov s22;
	v3 =	vmov s24;
	s22 =	simm.s32 $0x17;
	s24 =	smov.u32 s31;
	[tilespmem:s31+$0x180] =	vst v6  }
.LBB2_7:
0x82: {  	p0 =	sne.s32 s22, $0x37;
	v6 =	vmov s0;
	v7 =	vmov s6;
	s0 =	sadd.s32 $0xFFFFFFFE, s20;
	v8 =	vmov s1;
	s20 =	smov.u32 s22  }
0x83: {  	v9 =	vmov s0;
	vm0 =	vlt.s32 v8, v1;
	v8 =	vor.u32 $0x1, v8  }
0x84: {  	vm1 =	vlt.s32 v5, v1;
	v5 =	vor.u32 $0x1, v5;
	s24 =	sadd.s32 $0x1000, s24;
	v8 =	vnsel vm0, $0x0, v8  }
0x85: {  	v5 =	vnsel vm1, $0x0, v5;
	vm0 =	vlt.s32 v4, v1;
	v4 =	vadd.s32 $0x1, v4;
	[tilespmem:s24+$0x100] =	vst v8  }
0x86: {  	v4 =	vnsel vm0, $0x0, v4;
	vm0 =	vlt.s32 v3, v1;
	v3 =	vor.u32 $0x1, v3;
	[tilespmem:s24+$0xFFFFFE00] =	vst v5  }
0x87: {  	v3 =	vnsel vm0, $0x0, v3;
	vm0 =	vlt.s32 v6, v1;
	[tilespmem:s24+$0xFFFFFE80] =	vst v4;
	v4 =	vadd.s32 $0x1, v6  }
.Ltmp2:
0x88: {  	[tilespmem:s24+$0xFFFFFF00] =	vst v3;
	v3 =	vnsel vm0, $0x0, v4;
	vm0 =	vlt.s32 v7, v1;
	v4 =	vor.u32 $0x1, v7;
	(pc) =	sbr.rel @p0 .LBB2_7-.Ltmp2, $4  }
0x89: {  	[tilespmem:s24+$0xFFFFFF80] =	vst v3;
	v3 =	vnsel vm0, $0x0, v4;
	vm0 =	vlt.s32 v9, v1;
	v4 =	vadd.s32 $0x1, v9  }
0x8a: {  	s1 =	sadd.s32 $0xFFFFFFF9, s22;
	[tilespmem:s24+$0x0] =	vst v3;
	v3 =	vnsel vm0, $0x0, v4;
	vm0 =	vlt.s32 v2, v1;
	v4 =	vadd.s32 $0x1, v2  }
0x8b: {  	s6 =	sadd.s32 $0xFFFFFFFA, s22;
	s7 =	sadd.s32 $0xFFFFFFFB, s22;
	s0 =	sadd.s32 $0xFFFFFFFC, s22;
	v2 =	vmov s22;
	[tilespmem:s24+$0x80] =	vst v3;
	v6 =	vnsel vm0, $0x0, v4  }
0x8c: {  	v5 =	vmov s1;
	s1 =	sadd.s32 $0xFFFFFFFF, s20;
	s22 =	sadd.s32 $0x8, s22;
	v4 =	vmov s6;
	v3 =	vmov s7;
	s6 =	sadd.s32 $0xFFFFFFFD, s20;
	[tilespmem:s24+$0x180] =	vst v6  }
0x8d: {  	v6 =	vmov s0;
	v7 =	vmov s6  }
0x8e: {  	v8 =	vmov s1;
	vm1 =	vlt.s32 v5, v1;
	v5 =	vor.u32 $0x1, v5  }
0x8f: {  	vm14 =	vlt.s32 v4, v1;
	v4 =	vadd.s32 $0x1, v4;
	vm15 =	vlt.s32 v3, v1  }
0x90: {  	s6 =	sadd.s32 $0xFFFFFFFE, s20;
	s7 =	sadd.s32 $0x1000, s24;
	v3 =	vor.u32 $0x1, v3;
	vm7 =	vlt.s32 v2, v1;
	v5 =	vnsel vm1, $0x0, v5  }
0x91: {  	v9 =	vmov s6;
	vm0 =	vlt.s32 v8, v1;
	v4 =	vnsel vm14, $0x0, v4;
	[tilespmem:s7+$0xFFFFFE00] =	vst v5  }
0x92: {  	v8 =	vor.u32 $0x1, v8;
	v3 =	vnsel vm15, $0x0, v3;
	vm4 =	vlt.s32 v6, v1;
	[tilespmem:s7+$0xFFFFFE80] =	vst v4  }
0x93: {  	vm5 =	vlt.s32 v7, v1;
	v8 =	vnsel vm0, $0x0, v8;
	v4 =	vadd.s32 $0x1, v6;
	[tilespmem:s7+$0xFFFFFF00] =	vst v3  }
0x94: {  	vm6 =	vlt.s32 v9, v1;
	v1 =	vadd.s32 $0x1, v2;
	[tilespmem:s7+$0x100] =	vst v8;
	v3 =	vnsel vm4, $0x0, v4  }
0x95: {  	v4 =	vor.u32 $0x1, v7;
	v1 =	vnsel vm7, $0x0, v1;
	[tilespmem:s7+$0xFFFFFF80] =	vst v3  }
0x96: {  	v3 =	vnsel vm5, $0x0, v4;
	v4 =	vadd.s32 $0x1, v9;
	[tilespmem:s7+$0x180] =	vst v1  }
0x97: {  	[tilespmem:s7+$0x0] =	vst v3;
	v3 =	vnsel vm6, $0x0, v4  }
0x98: {  	[tilespmem:s7+$0x80] =	vst v3  }
0x99: {  	v1 =	vld [tilespmem:s19+$0x30]  }
0x9a: {  	s20 =	simm.s32 $0x7  }
0x9b: {  	s24 =	simm.s32 $0x1;
	s1 =	simm.s32 $0x5;
	v2 =	vmov s20;
	s20 =	simm.s32 $0x3  }
0x9c: {  	s22 =	simm.s32 $0x0;
	v63 =	vmov s1;
	v6 =	vmov s20;
	v4 =	vmov s24;
	s24 =	simm.s32 $0x6;
	s7 =	simm.s32 $0x2  }
0x9d: {  	v3 =	vmov s22;
	s22 =	simm.s32 $0x4;
	v62 =	vmov s24;
	v5 =	vmov s7  }
0x9e: {  	v7 =	vmov s22;
	v8 =	vor.u32 $0x1, v62;
	vm8 =	vlt.s32 v62, v1  }
0x9f: {  	vm9 =	vlt.s32 v3, v1;
	v3 =	vor.u32 $0x1, v3;
	v8 =	vnsel vm8, $0x0, v8  }
0xa0: {  	vm10 =	vlt.s32 v4, v1;
	v4 =	vadd.s32 $0x1, v4;
	v3 =	vnsel vm9, $0x0, v3;
	[tilespmem:s23+$0x100] =	vst v8  }
0xa1: {  	vm11 =	vlt.s32 v5, v1;
	[tilespmem:s23+$0xFFFFFE00] =	vst v3;
	v3 =	vnsel vm10, $0x0, v4;
	v4 =	vor.u32 $0x1, v5  }
0xa2: {  	vm12 =	vlt.s32 v6, v1;
	[tilespmem:s23+$0xFFFFFE80] =	vst v3;
	v3 =	vnsel vm11, $0x0, v4;
	v4 =	vadd.s32 $0x1, v6  }
0xa3: {  	vm13 =	vlt.s32 v7, v1;
	[tilespmem:s23+$0xFFFFFF00] =	vst v3;
	v3 =	vnsel vm12, $0x0, v4;
	v4 =	vor.u32 $0x1, v7  }
0xa4: {  	vm14 =	vlt.s32 v63, v1;
	[tilespmem:s23+$0xFFFFFF80] =	vst v3;
	v3 =	vnsel vm13, $0x0, v4;
	v4 =	vadd.s32 $0x1, v63  }
0xa5: {  	s0 =	simm.s32 $0xB;
	s6 =	simm.s32 $0xC;
	s7 =	simm.s32 $0x8;
	vm15 =	vlt.s32 v2, v1;
	[tilespmem:s23+$0x0] =	vst v3;
	v3 =	vnsel vm14, $0x0, v4;
	v4 =	vadd.s32 $0x1, v2  }
0xa6: {  	s20 =	simm.s32 $0xF;
	s24 =	simm.s32 $0xA;
	s22 =	simm.s32 $0x9;
	v5 =	vmov s7;
	[tilespmem:s23+$0x80] =	vst v3;
	v6 =	vnsel vm15, $0x0, v4  }
0xa7: {  	s1 =	simm.s32 $0xE;
	v2 =	vmov s20;
	v4 =	vmov s22;
	v3 =	vmov s24;
	s22 =	simm.s32 $0x17;
	s24 =	smov.u32 s23;
	[tilespmem:s23+$0x180] =	vst v6  }
.LBB2_9:
0xa8: {  	p0 =	sne.s32 s22, $0x37;
	v6 =	vmov s0;
	v7 =	vmov s6;
	s0 =	sadd.s32 $0xFFFFFFFE, s20;
	v8 =	vmov s1;
	s20 =	smov.u32 s22  }
0xa9: {  	v9 =	vmov s0;
	vm0 =	vlt.s32 v8, v1;
	v8 =	vor.u32 $0x1, v8  }
0xaa: {  	vm1 =	vlt.s32 v5, v1;
	v5 =	vor.u32 $0x1, v5;
	s24 =	sadd.s32 $0x1000, s24;
	v8 =	vnsel vm0, $0x0, v8  }
0xab: {  	v5 =	vnsel vm1, $0x0, v5;
	vm0 =	vlt.s32 v4, v1;
	v4 =	vadd.s32 $0x1, v4;
	[tilespmem:s24+$0x100] =	vst v8  }
0xac: {  	v4 =	vnsel vm0, $0x0, v4;
	vm0 =	vlt.s32 v3, v1;
	v3 =	vor.u32 $0x1, v3;
	[tilespmem:s24+$0xFFFFFE00] =	vst v5  }
0xad: {  	v3 =	vnsel vm0, $0x0, v3;
	vm0 =	vlt.s32 v6, v1;
	[tilespmem:s24+$0xFFFFFE80] =	vst v4;
	v4 =	vadd.s32 $0x1, v6  }
.Ltmp3:
0xae: {  	[tilespmem:s24+$0xFFFFFF00] =	vst v3;
	v3 =	vnsel vm0, $0x0, v4;
	vm0 =	vlt.s32 v7, v1;
	v4 =	vor.u32 $0x1, v7;
	(pc) =	sbr.rel @p0 .LBB2_9-.Ltmp3, $4  }
0xaf: {  	[tilespmem:s24+$0xFFFFFF80] =	vst v3;
	v3 =	vnsel vm0, $0x0, v4;
	vm0 =	vlt.s32 v9, v1;
	v4 =	vadd.s32 $0x1, v9  }
0xb0: {  	s1 =	sadd.s32 $0xFFFFFFF9, s22;
	[tilespmem:s24+$0x0] =	vst v3;
	v3 =	vnsel vm0, $0x0, v4;
	vm0 =	vlt.s32 v2, v1;
	v4 =	vadd.s32 $0x1, v2  }
0xb1: {  	s6 =	sadd.s32 $0xFFFFFFFA, s22;
	s7 =	sadd.s32 $0xFFFFFFFB, s22;
	s0 =	sadd.s32 $0xFFFFFFFC, s22;
	v2 =	vmov s22;
	[tilespmem:s24+$0x80] =	vst v3;
	v6 =	vnsel vm0, $0x0, v4  }
0xb2: {  	v5 =	vmov s1;
	s1 =	sadd.s32 $0xFFFFFFFF, s20;
	s22 =	sadd.s32 $0x8, s22;
	v4 =	vmov s6;
	v3 =	vmov s7;
	s6 =	sadd.s32 $0xFFFFFFFD, s20;
	[tilespmem:s24+$0x180] =	vst v6  }
0xb3: {  	v6 =	vmov s0;
	v7 =	vmov s6  }
0xb4: {  	v8 =	vmov s1;
	vm1 =	vlt.s32 v5, v1;
	v5 =	vor.u32 $0x1, v5  }
0xb5: {  	vm14 =	vlt.s32 v4, v1;
	v4 =	vadd.s32 $0x1, v4;
	vm15 =	vlt.s32 v3, v1  }
0xb6: {  	s6 =	sadd.s32 $0xFFFFFFFE, s20;
	s7 =	sadd.s32 $0x1000, s24;
	v3 =	vor.u32 $0x1, v3;
	vm7 =	vlt.s32 v2, v1;
	v5 =	vnsel vm1, $0x0, v5  }
0xb7: {  	v9 =	vmov s6;
	vm0 =	vlt.s32 v8, v1;
	v4 =	vnsel vm14, $0x0, v4;
	[tilespmem:s7+$0xFFFFFE00] =	vst v5  }
0xb8: {  	v8 =	vor.u32 $0x1, v8;
	v3 =	vnsel vm15, $0x0, v3;
	vm4 =	vlt.s32 v6, v1;
	[tilespmem:s7+$0xFFFFFE80] =	vst v4  }
0xb9: {  	vm5 =	vlt.s32 v7, v1;
	v8 =	vnsel vm0, $0x0, v8;
	v4 =	vadd.s32 $0x1, v6;
	[tilespmem:s7+$0xFFFFFF00] =	vst v3  }
0xba: {  	vm6 =	vlt.s32 v9, v1;
	v1 =	vadd.s32 $0x1, v2;
	[tilespmem:s7+$0x100] =	vst v8;
	v3 =	vnsel vm4, $0x0, v4  }
0xbb: {  	v4 =	vor.u32 $0x1, v7;
	v1 =	vnsel vm7, $0x0, v1;
	[tilespmem:s7+$0xFFFFFF80] =	vst v3  }
0xbc: {  	v3 =	vnsel vm5, $0x0, v4;
	v4 =	vadd.s32 $0x1, v9;
	[tilespmem:s7+$0x180] =	vst v1  }
0xbd: {  	[tilespmem:s7+$0x0] =	vst v3;
	v3 =	vnsel vm6, $0x0, v4  }
0xbe: {  	[tilespmem:s7+$0x80] =	vst v3  }
0xbf: {  	v1 =	vld [tilespmem:s19+$0x40]  }
0xc0: {  	s20 =	simm.s32 $0x7  }
0xc1: {  	s24 =	simm.s32 $0x1;
	s1 =	simm.s32 $0x5;
	v2 =	vmov s20;
	s20 =	simm.s32 $0x3  }
0xc2: {  	s22 =	simm.s32 $0x0;
	v63 =	vmov s1;
	v6 =	vmov s20;
	v4 =	vmov s24;
	s24 =	simm.s32 $0x6;
	s7 =	simm.s32 $0x2  }
0xc3: {  	v3 =	vmov s22;
	s22 =	simm.s32 $0x4;
	v62 =	vmov s24;
	v5 =	vmov s7  }
0xc4: {  	v7 =	vmov s22;
	v8 =	vor.u32 $0x1, v62;
	vm8 =	vlt.s32 v62, v1  }
0xc5: {  	vm9 =	vlt.s32 v3, v1;
	v3 =	vor.u32 $0x1, v3;
	v8 =	vnsel vm8, $0x0, v8  }
0xc6: {  	vm10 =	vlt.s32 v4, v1;
	v4 =	vadd.s32 $0x1, v4;
	v3 =	vnsel vm9, $0x0, v3;
	[tilespmem:s5+$0x100] =	vst v8  }
0xc7: {  	vm11 =	vlt.s32 v5, v1;
	[tilespmem:s5+$0xFFFFFE00] =	vst v3;
	v3 =	vnsel vm10, $0x0, v4;
	v4 =	vor.u32 $0x1, v5  }
0xc8: {  	vm12 =	vlt.s32 v6, v1;
	[tilespmem:s5+$0xFFFFFE80] =	vst v3;
	v3 =	vnsel vm11, $0x0, v4;
	v4 =	vadd.s32 $0x1, v6  }
0xc9: {  	vm13 =	vlt.s32 v7, v1;
	[tilespmem:s5+$0xFFFFFF00] =	vst v3;
	v3 =	vnsel vm12, $0x0, v4;
	v4 =	vor.u32 $0x1, v7  }
0xca: {  	vm14 =	vlt.s32 v63, v1;
	[tilespmem:s5+$0xFFFFFF80] =	vst v3;
	v3 =	vnsel vm13, $0x0, v4;
	v4 =	vadd.s32 $0x1, v63  }
0xcb: {  	s0 =	simm.s32 $0xB;
	s6 =	simm.s32 $0xC;
	s7 =	simm.s32 $0x8;
	vm15 =	vlt.s32 v2, v1;
	[tilespmem:s5+$0x0] =	vst v3;
	v3 =	vnsel vm14, $0x0, v4;
	v4 =	vadd.s32 $0x1, v2  }
0xcc: {  	s20 =	simm.s32 $0xF;
	s24 =	simm.s32 $0xA;
	s22 =	simm.s32 $0x9;
	v5 =	vmov s7;
	[tilespmem:s5+$0x80] =	vst v3;
	v6 =	vnsel vm15, $0x0, v4  }
0xcd: {  	s1 =	simm.s32 $0xE;
	v2 =	vmov s20;
	v4 =	vmov s22;
	v3 =	vmov s24;
	s22 =	simm.s32 $0x17;
	s24 =	smov.u32 s5;
	[tilespmem:s5+$0x180] =	vst v6  }
.LBB2_11:
0xce: {  	p0 =	sne.s32 s22, $0x37;
	v6 =	vmov s0;
	v7 =	vmov s6;
	s0 =	sadd.s32 $0xFFFFFFFE, s20;
	v8 =	vmov s1;
	s20 =	smov.u32 s22  }
0xcf: {  	v9 =	vmov s0;
	vm0 =	vlt.s32 v8, v1;
	v8 =	vor.u32 $0x1, v8  }
0xd0: {  	vm1 =	vlt.s32 v5, v1;
	v5 =	vor.u32 $0x1, v5;
	s24 =	sadd.s32 $0x1000, s24;
	v8 =	vnsel vm0, $0x0, v8  }
0xd1: {  	v5 =	vnsel vm1, $0x0, v5;
	vm0 =	vlt.s32 v4, v1;
	v4 =	vadd.s32 $0x1, v4;
	[tilespmem:s24+$0x100] =	vst v8  }
0xd2: {  	v4 =	vnsel vm0, $0x0, v4;
	vm0 =	vlt.s32 v3, v1;
	v3 =	vor.u32 $0x1, v3;
	[tilespmem:s24+$0xFFFFFE00] =	vst v5  }
0xd3: {  	v3 =	vnsel vm0, $0x0, v3;
	vm0 =	vlt.s32 v6, v1;
	[tilespmem:s24+$0xFFFFFE80] =	vst v4;
	v4 =	vadd.s32 $0x1, v6  }
.Ltmp4:
0xd4: {  	[tilespmem:s24+$0xFFFFFF00] =	vst v3;
	v3 =	vnsel vm0, $0x0, v4;
	vm0 =	vlt.s32 v7, v1;
	v4 =	vor.u32 $0x1, v7;
	(pc) =	sbr.rel @p0 .LBB2_11-.Ltmp4, $4  }
0xd5: {  	[tilespmem:s24+$0xFFFFFF80] =	vst v3;
	v3 =	vnsel vm0, $0x0, v4;
	vm0 =	vlt.s32 v9, v1;
	v4 =	vadd.s32 $0x1, v9  }
0xd6: {  	s1 =	sadd.s32 $0xFFFFFFF9, s22;
	[tilespmem:s24+$0x0] =	vst v3;
	v3 =	vnsel vm0, $0x0, v4;
	vm0 =	vlt.s32 v2, v1;
	v4 =	vadd.s32 $0x1, v2  }
0xd7: {  	s6 =	sadd.s32 $0xFFFFFFFA, s22;
	s7 =	sadd.s32 $0xFFFFFFFB, s22;
	s0 =	sadd.s32 $0xFFFFFFFC, s22;
	v2 =	vmov s22;
	[tilespmem:s24+$0x80] =	vst v3;
	v6 =	vnsel vm0, $0x0, v4  }
0xd8: {  	v5 =	vmov s1;
	s1 =	sadd.s32 $0xFFFFFFFF, s20;
	s22 =	sadd.s32 $0x8, s22;
	v4 =	vmov s6;
	v3 =	vmov s7;
	s6 =	sadd.s32 $0xFFFFFFFD, s20;
	[tilespmem:s24+$0x180] =	vst v6  }
0xd9: {  	v6 =	vmov s0;
	v7 =	vmov s6  }
0xda: {  	v8 =	vmov s1;
	vm1 =	vlt.s32 v5, v1;
	v5 =	vor.u32 $0x1, v5  }
0xdb: {  	vm14 =	vlt.s32 v4, v1;
	v4 =	vadd.s32 $0x1, v4;
	vm15 =	vlt.s32 v3, v1  }
0xdc: {  	s6 =	sadd.s32 $0xFFFFFFFE, s20;
	s7 =	sadd.s32 $0x1000, s24;
	v3 =	vor.u32 $0x1, v3;
	vm7 =	vlt.s32 v2, v1;
	v5 =	vnsel vm1, $0x0, v5  }
0xdd: {  	v9 =	vmov s6;
	vm0 =	vlt.s32 v8, v1;
	v4 =	vnsel vm14, $0x0, v4;
	[tilespmem:s7+$0xFFFFFE00] =	vst v5  }
0xde: {  	v8 =	vor.u32 $0x1, v8;
	v3 =	vnsel vm15, $0x0, v3;
	vm4 =	vlt.s32 v6, v1;
	[tilespmem:s7+$0xFFFFFE80] =	vst v4  }
0xdf: {  	vm5 =	vlt.s32 v7, v1;
	v8 =	vnsel vm0, $0x0, v8;
	v4 =	vadd.s32 $0x1, v6;
	[tilespmem:s7+$0xFFFFFF00] =	vst v3  }
0xe0: {  	vm6 =	vlt.s32 v9, v1;
	v1 =	vadd.s32 $0x1, v2;
	[tilespmem:s7+$0x100] =	vst v8;
	v3 =	vnsel vm4, $0x0, v4  }
0xe1: {  	v4 =	vor.u32 $0x1, v7;
	v1 =	vnsel vm7, $0x0, v1;
	[tilespmem:s7+$0xFFFFFF80] =	vst v3  }
0xe2: {  	v3 =	vnsel vm5, $0x0, v4;
	v4 =	vadd.s32 $0x1, v9;
	[tilespmem:s7+$0x180] =	vst v1  }
0xe3: {  	[tilespmem:s7+$0x0] =	vst v3;
	v3 =	vnsel vm6, $0x0, v4  }
0xe4: {  	[tilespmem:s7+$0x80] =	vst v3  }
0xe5: {  	v1 =	vld [tilespmem:s19+$0x50]  }
0xe6: {  	s20 =	simm.s32 $0x7  }
0xe7: {  	s24 =	simm.s32 $0x1;
	s1 =	simm.s32 $0x5;
	v2 =	vmov s20;
	s20 =	simm.s32 $0x3  }
0xe8: {  	s22 =	simm.s32 $0x0;
	v63 =	vmov s1;
	v6 =	vmov s20;
	v4 =	vmov s24;
	s24 =	simm.s32 $0x6;
	s7 =	simm.s32 $0x2  }
0xe9: {  	v3 =	vmov s22;
	s22 =	simm.s32 $0x4;
	v62 =	vmov s24;
	v5 =	vmov s7  }
0xea: {  	v7 =	vmov s22;
	v8 =	vor.u32 $0x1, v62;
	vm8 =	vlt.s32 v62, v1  }
0xeb: {  	vm9 =	vlt.s32 v3, v1;
	v3 =	vor.u32 $0x1, v3;
	v8 =	vnsel vm8, $0x0, v8  }
0xec: {  	vm10 =	vlt.s32 v4, v1;
	v4 =	vadd.s32 $0x1, v4;
	v3 =	vnsel vm9, $0x0, v3;
	[tilespmem:s12+$0x100] =	vst v8  }
0xed: {  	vm11 =	vlt.s32 v5, v1;
	[tilespmem:s12+$0xFFFFFE00] =	vst v3;
	v3 =	vnsel vm10, $0x0, v4;
	v4 =	vor.u32 $0x1, v5  }
0xee: {  	vm12 =	vlt.s32 v6, v1;
	[tilespmem:s12+$0xFFFFFE80] =	vst v3;
	v3 =	vnsel vm11, $0x0, v4;
	v4 =	vadd.s32 $0x1, v6  }
0xef: {  	vm13 =	vlt.s32 v7, v1;
	[tilespmem:s12+$0xFFFFFF00] =	vst v3;
	v3 =	vnsel vm12, $0x0, v4;
	v4 =	vor.u32 $0x1, v7  }
0xf0: {  	vm14 =	vlt.s32 v63, v1;
	[tilespmem:s12+$0xFFFFFF80] =	vst v3;
	v3 =	vnsel vm13, $0x0, v4;
	v4 =	vadd.s32 $0x1, v63  }
0xf1: {  	s0 =	simm.s32 $0xB;
	s6 =	simm.s32 $0xC;
	s7 =	simm.s32 $0x8;
	vm15 =	vlt.s32 v2, v1;
	[tilespmem:s12+$0x0] =	vst v3;
	v3 =	vnsel vm14, $0x0, v4;
	v4 =	vadd.s32 $0x1, v2  }
0xf2: {  	s20 =	simm.s32 $0xF;
	s24 =	simm.s32 $0xA;
	s22 =	simm.s32 $0x9;
	v5 =	vmov s7;
	[tilespmem:s12+$0x80] =	vst v3;
	v6 =	vnsel vm15, $0x0, v4  }
0xf3: {  	s1 =	simm.s32 $0xE;
	v2 =	vmov s20;
	v4 =	vmov s22;
	v3 =	vmov s24;
	s22 =	simm.s32 $0x17;
	s24 =	smov.u32 s12;
	[tilespmem:s12+$0x180] =	vst v6  }
.LBB2_13:
0xf4: {  	p0 =	sne.s32 s22, $0x37;
	v6 =	vmov s0;
	v7 =	vmov s6;
	s0 =	sadd.s32 $0xFFFFFFFE, s20;
	v8 =	vmov s1;
	s20 =	smov.u32 s22  }
0xf5: {  	v9 =	vmov s0;
	vm0 =	vlt.s32 v8, v1;
	v8 =	vor.u32 $0x1, v8  }
0xf6: {  	vm1 =	vlt.s32 v5, v1;
	v5 =	vor.u32 $0x1, v5;
	s24 =	sadd.s32 $0x1000, s24;
	v8 =	vnsel vm0, $0x0, v8  }
0xf7: {  	v5 =	vnsel vm1, $0x0, v5;
	vm0 =	vlt.s32 v4, v1;
	v4 =	vadd.s32 $0x1, v4;
	[tilespmem:s24+$0x100] =	vst v8  }
0xf8: {  	v4 =	vnsel vm0, $0x0, v4;
	vm0 =	vlt.s32 v3, v1;
	v3 =	vor.u32 $0x1, v3;
	[tilespmem:s24+$0xFFFFFE00] =	vst v5  }
0xf9: {  	v3 =	vnsel vm0, $0x0, v3;
	vm0 =	vlt.s32 v6, v1;
	[tilespmem:s24+$0xFFFFFE80] =	vst v4;
	v4 =	vadd.s32 $0x1, v6  }
.Ltmp5:
0xfa: {  	[tilespmem:s24+$0xFFFFFF00] =	vst v3;
	v3 =	vnsel vm0, $0x0, v4;
	vm0 =	vlt.s32 v7, v1;
	v4 =	vor.u32 $0x1, v7;
	(pc) =	sbr.rel @p0 .LBB2_13-.Ltmp5, $4  }
0xfb: {  	[tilespmem:s24+$0xFFFFFF80] =	vst v3;
	v3 =	vnsel vm0, $0x0, v4;
	vm0 =	vlt.s32 v9, v1;
	v4 =	vadd.s32 $0x1, v9  }
0xfc: {  	s1 =	sadd.s32 $0xFFFFFFF9, s22;
	[tilespmem:s24+$0x0] =	vst v3;
	v3 =	vnsel vm0, $0x0, v4;
	vm0 =	vlt.s32 v2, v1;
	v4 =	vadd.s32 $0x1, v2  }
0xfd: {  	s6 =	sadd.s32 $0xFFFFFFFA, s22;
	s7 =	sadd.s32 $0xFFFFFFFB, s22;
	s0 =	sadd.s32 $0xFFFFFFFC, s22;
	v2 =	vmov s22;
	[tilespmem:s24+$0x80] =	vst v3;
	v6 =	vnsel vm0, $0x0, v4  }
0xfe: {  	v5 =	vmov s1;
	s1 =	sadd.s32 $0xFFFFFFFF, s20;
	s22 =	sadd.s32 $0x8, s22;
	v4 =	vmov s6;
	v3 =	vmov s7;
	s6 =	sadd.s32 $0xFFFFFFFD, s20;
	[tilespmem:s24+$0x180] =	vst v6  }
0xff: {  	v6 =	vmov s0;
	v7 =	vmov s6  }
0x100: {  	v8 =	vmov s1;
	vm1 =	vlt.s32 v5, v1;
	v5 =	vor.u32 $0x1, v5  }
0x101: {  	vm14 =	vlt.s32 v4, v1;
	v4 =	vadd.s32 $0x1, v4;
	vm15 =	vlt.s32 v3, v1  }
0x102: {  	s6 =	sadd.s32 $0xFFFFFFFE, s20;
	s7 =	sadd.s32 $0x1000, s24;
	v3 =	vor.u32 $0x1, v3;
	vm7 =	vlt.s32 v2, v1;
	v5 =	vnsel vm1, $0x0, v5  }
0x103: {  	v9 =	vmov s6;
	vm0 =	vlt.s32 v8, v1;
	v4 =	vnsel vm14, $0x0, v4;
	[tilespmem:s7+$0xFFFFFE00] =	vst v5  }
0x104: {  	v8 =	vor.u32 $0x1, v8;
	v3 =	vnsel vm15, $0x0, v3;
	vm4 =	vlt.s32 v6, v1;
	[tilespmem:s7+$0xFFFFFE80] =	vst v4  }
0x105: {  	vm5 =	vlt.s32 v7, v1;
	v8 =	vnsel vm0, $0x0, v8;
	v4 =	vadd.s32 $0x1, v6;
	[tilespmem:s7+$0xFFFFFF00] =	vst v3  }
0x106: {  	vm6 =	vlt.s32 v9, v1;
	v1 =	vadd.s32 $0x1, v2;
	[tilespmem:s7+$0x100] =	vst v8;
	v3 =	vnsel vm4, $0x0, v4  }
0x107: {  	v4 =	vor.u32 $0x1, v7;
	v1 =	vnsel vm7, $0x0, v1;
	[tilespmem:s7+$0xFFFFFF80] =	vst v3  }
0x108: {  	v3 =	vnsel vm5, $0x0, v4;
	v4 =	vadd.s32 $0x1, v9;
	[tilespmem:s7+$0x180] =	vst v1  }
0x109: {  	[tilespmem:s7+$0x0] =	vst v3;
	v3 =	vnsel vm6, $0x0, v4  }
0x10a: {  	[tilespmem:s7+$0x80] =	vst v3  }
0x10b: {  	v1 =	vld [tilespmem:s19+$0x60]  }
0x10c: {  	s20 =	simm.s32 $0x7  }
0x10d: {  	s24 =	simm.s32 $0x1;
	s1 =	simm.s32 $0x5;
	v2 =	vmov s20;
	s20 =	simm.s32 $0x3  }
0x10e: {  	s22 =	simm.s32 $0x0;
	v63 =	vmov s1;
	v6 =	vmov s20;
	v4 =	vmov s24;
	s24 =	simm.s32 $0x6;
	s7 =	simm.s32 $0x2  }
0x10f: {  	v3 =	vmov s22;
	s22 =	simm.s32 $0x4;
	v62 =	vmov s24;
	v5 =	vmov s7  }
0x110: {  	v7 =	vmov s22;
	v8 =	vor.u32 $0x1, v62;
	vm8 =	vlt.s32 v62, v1  }
0x111: {  	vm9 =	vlt.s32 v3, v1;
	v3 =	vor.u32 $0x1, v3;
	v8 =	vnsel vm8, $0x0, v8  }
0x112: {  	vm10 =	vlt.s32 v4, v1;
	v4 =	vadd.s32 $0x1, v4;
	v3 =	vnsel vm9, $0x0, v3;
	[tilespmem:s13+$0x100] =	vst v8  }
0x113: {  	vm11 =	vlt.s32 v5, v1;
	[tilespmem:s13+$0xFFFFFE00] =	vst v3;
	v3 =	vnsel vm10, $0x0, v4;
	v4 =	vor.u32 $0x1, v5  }
0x114: {  	vm12 =	vlt.s32 v6, v1;
	[tilespmem:s13+$0xFFFFFE80] =	vst v3;
	v3 =	vnsel vm11, $0x0, v4;
	v4 =	vadd.s32 $0x1, v6  }
0x115: {  	vm13 =	vlt.s32 v7, v1;
	[tilespmem:s13+$0xFFFFFF00] =	vst v3;
	v3 =	vnsel vm12, $0x0, v4;
	v4 =	vor.u32 $0x1, v7  }
0x116: {  	vm14 =	vlt.s32 v63, v1;
	[tilespmem:s13+$0xFFFFFF80] =	vst v3;
	v3 =	vnsel vm13, $0x0, v4;
	v4 =	vadd.s32 $0x1, v63  }
0x117: {  	s0 =	simm.s32 $0xB;
	s6 =	simm.s32 $0xC;
	s7 =	simm.s32 $0x8;
	vm15 =	vlt.s32 v2, v1;
	[tilespmem:s13+$0x0] =	vst v3;
	v3 =	vnsel vm14, $0x0, v4;
	v4 =	vadd.s32 $0x1, v2  }
0x118: {  	s20 =	simm.s32 $0xF;
	s24 =	simm.s32 $0xA;
	s22 =	simm.s32 $0x9;
	v5 =	vmov s7;
	[tilespmem:s13+$0x80] =	vst v3;
	v6 =	vnsel vm15, $0x0, v4  }
0x119: {  	s1 =	simm.s32 $0xE;
	v2 =	vmov s20;
	v4 =	vmov s22;
	v3 =	vmov s24;
	s22 =	simm.s32 $0x17;
	s24 =	smov.u32 s13;
	[tilespmem:s13+$0x180] =	vst v6  }
.LBB2_15:
0x11a: {  	p0 =	sne.s32 s22, $0x37;
	v6 =	vmov s0;
	v7 =	vmov s6;
	s0 =	sadd.s32 $0xFFFFFFFE, s20;
	v8 =	vmov s1;
	s20 =	smov.u32 s22  }
0x11b: {  	v9 =	vmov s0;
	vm0 =	vlt.s32 v8, v1;
	v8 =	vor.u32 $0x1, v8  }
0x11c: {  	vm1 =	vlt.s32 v5, v1;
	v5 =	vor.u32 $0x1, v5;
	s24 =	sadd.s32 $0x1000, s24;
	v8 =	vnsel vm0, $0x0, v8  }
0x11d: {  	v5 =	vnsel vm1, $0x0, v5;
	vm0 =	vlt.s32 v4, v1;
	v4 =	vadd.s32 $0x1, v4;
	[tilespmem:s24+$0x100] =	vst v8  }
0x11e: {  	v4 =	vnsel vm0, $0x0, v4;
	vm0 =	vlt.s32 v3, v1;
	v3 =	vor.u32 $0x1, v3;
	[tilespmem:s24+$0xFFFFFE00] =	vst v5  }
0x11f: {  	v3 =	vnsel vm0, $0x0, v3;
	vm0 =	vlt.s32 v6, v1;
	[tilespmem:s24+$0xFFFFFE80] =	vst v4;
	v4 =	vadd.s32 $0x1, v6  }
.Ltmp6:
0x120: {  	[tilespmem:s24+$0xFFFFFF00] =	vst v3;
	v3 =	vnsel vm0, $0x0, v4;
	vm0 =	vlt.s32 v7, v1;
	v4 =	vor.u32 $0x1, v7;
	(pc) =	sbr.rel @p0 .LBB2_15-.Ltmp6, $4  }
0x121: {  	[tilespmem:s24+$0xFFFFFF80] =	vst v3;
	v3 =	vnsel vm0, $0x0, v4;
	vm0 =	vlt.s32 v9, v1;
	v4 =	vadd.s32 $0x1, v9  }
0x122: {  	s1 =	sadd.s32 $0xFFFFFFF9, s22;
	[tilespmem:s24+$0x0] =	vst v3;
	v3 =	vnsel vm0, $0x0, v4;
	vm0 =	vlt.s32 v2, v1;
	v4 =	vadd.s32 $0x1, v2  }
0x123: {  	s6 =	sadd.s32 $0xFFFFFFFA, s22;
	s7 =	sadd.s32 $0xFFFFFFFB, s22;
	s0 =	sadd.s32 $0xFFFFFFFC, s22;
	v2 =	vmov s22;
	[tilespmem:s24+$0x80] =	vst v3;
	v6 =	vnsel vm0, $0x0, v4  }
0x124: {  	v5 =	vmov s1;
	s1 =	sadd.s32 $0xFFFFFFFF, s20;
	s22 =	sadd.s32 $0x8, s22;
	v4 =	vmov s6;
	v3 =	vmov s7;
	s6 =	sadd.s32 $0xFFFFFFFD, s20;
	[tilespmem:s24+$0x180] =	vst v6  }
0x125: {  	v6 =	vmov s0;
	v7 =	vmov s6  }
0x126: {  	v8 =	vmov s1;
	vm1 =	vlt.s32 v5, v1;
	v5 =	vor.u32 $0x1, v5  }
0x127: {  	vm14 =	vlt.s32 v4, v1;
	v4 =	vadd.s32 $0x1, v4;
	vm15 =	vlt.s32 v3, v1  }
0x128: {  	s6 =	sadd.s32 $0xFFFFFFFE, s20;
	s7 =	sadd.s32 $0x1000, s24;
	v3 =	vor.u32 $0x1, v3;
	vm7 =	vlt.s32 v2, v1;
	v5 =	vnsel vm1, $0x0, v5  }
0x129: {  	v9 =	vmov s6;
	vm0 =	vlt.s32 v8, v1;
	v4 =	vnsel vm14, $0x0, v4;
	[tilespmem:s7+$0xFFFFFE00] =	vst v5  }
0x12a: {  	v8 =	vor.u32 $0x1, v8;
	v3 =	vnsel vm15, $0x0, v3;
	vm4 =	vlt.s32 v6, v1;
	[tilespmem:s7+$0xFFFFFE80] =	vst v4  }
0x12b: {  	vm5 =	vlt.s32 v7, v1;
	v8 =	vnsel vm0, $0x0, v8;
	v4 =	vadd.s32 $0x1, v6;
	[tilespmem:s7+$0xFFFFFF00] =	vst v3  }
0x12c: {  	vm6 =	vlt.s32 v9, v1;
	v1 =	vadd.s32 $0x1, v2;
	[tilespmem:s7+$0x100] =	vst v8;
	v3 =	vnsel vm4, $0x0, v4  }
0x12d: {  	v4 =	vor.u32 $0x1, v7;
	v1 =	vnsel vm7, $0x0, v1;
	[tilespmem:s7+$0xFFFFFF80] =	vst v3  }
0x12e: {  	v3 =	vnsel vm5, $0x0, v4;
	v4 =	vadd.s32 $0x1, v9;
	[tilespmem:s7+$0x180] =	vst v1  }
0x12f: {  	[tilespmem:s7+$0x0] =	vst v3;
	v3 =	vnsel vm6, $0x0, v4  }
0x130: {  	[tilespmem:s7+$0x80] =	vst v3  }
0x131: {  	v1 =	vld [tilespmem:s19+$0x70]  }
0x132: {  	s24 =	simm.s32 $0x3  }
0x133: {  	s22 =	simm.s32 $0x1;
	s6 =	simm.s32 $0x4;
	v6 =	vmov s24;
	s7 =	simm.s32 $0x2  }
0x134: {  	s20 =	simm.s32 $0x0;
	v7 =	vmov s6;
	v4 =	vmov s22;
	s19 =	simm.s32 $0x7;
	v5 =	vmov s7;
	s7 =	simm.s32 $0x6  }
0x135: {  	v3 =	vmov s20;
	v2 =	vmov s19;
	s19 =	simm.s32 $0x5;
	v62 =	vmov s7  }
0x136: {  	v63 =	vmov s19;
	v8 =	vor.u32 $0x1, v62;
	vm8 =	vlt.s32 v62, v1  }
0x137: {  	vm9 =	vlt.s32 v3, v1;
	v3 =	vor.u32 $0x1, v3;
	v8 =	vnsel vm8, $0x0, v8  }
0x138: {  	vm10 =	vlt.s32 v4, v1;
	v4 =	vadd.s32 $0x1, v4;
	v3 =	vnsel vm9, $0x0, v3;
	[tilespmem:s17+$0x100] =	vst v8  }
0x139: {  	vm11 =	vlt.s32 v5, v1;
	[tilespmem:s17+$0xFFFFFE00] =	vst v3;
	v3 =	vnsel vm10, $0x0, v4;
	v4 =	vor.u32 $0x1, v5  }
0x13a: {  	vm12 =	vlt.s32 v6, v1;
	[tilespmem:s17+$0xFFFFFE80] =	vst v3;
	v3 =	vnsel vm11, $0x0, v4;
	v4 =	vadd.s32 $0x1, v6  }
0x13b: {  	vm13 =	vlt.s32 v7, v1;
	[tilespmem:s17+$0xFFFFFF00] =	vst v3;
	v3 =	vnsel vm12, $0x0, v4;
	v4 =	vor.u32 $0x1, v7  }
0x13c: {  	vm14 =	vlt.s32 v63, v1;
	[tilespmem:s17+$0xFFFFFF80] =	vst v3;
	v3 =	vnsel vm13, $0x0, v4;
	v4 =	vadd.s32 $0x1, v63  }
0x13d: {  	s0 =	simm.s32 $0xB;
	s1 =	simm.s32 $0xE;
	s20 =	simm.s32 $0x8;
	vm15 =	vlt.s32 v2, v1;
	[tilespmem:s17+$0x0] =	vst v3;
	v3 =	vnsel vm14, $0x0, v4;
	v4 =	vadd.s32 $0x1, v2  }
0x13e: {  	s24 =	simm.s32 $0xA;
	s22 =	simm.s32 $0x9;
	s19 =	simm.s32 $0xF;
	v5 =	vmov s20;
	[tilespmem:s17+$0x80] =	vst v3;
	v6 =	vnsel vm15, $0x0, v4  }
0x13f: {  	s6 =	simm.s32 $0xC;
	s20 =	smov.u32 s17;
	v2 =	vmov s19;
	v4 =	vmov s22;
	v3 =	vmov s24;
	s22 =	simm.s32 $0x17;
	[tilespmem:s17+$0x180] =	vst v6  }
.LBB2_17:
0x140: {  	p0 =	sne.s32 s22, $0x37;
	v6 =	vmov s0;
	v7 =	vmov s6;
	s0 =	sadd.s32 $0xFFFFFFFE, s19;
	v8 =	vmov s1;
	s19 =	smov.u32 s22  }
0x141: {  	v9 =	vmov s0;
	vm0 =	vlt.s32 v8, v1;
	v8 =	vor.u32 $0x1, v8  }
0x142: {  	vm1 =	vlt.s32 v5, v1;
	v5 =	vor.u32 $0x1, v5;
	s20 =	sadd.s32 $0x1000, s20;
	v8 =	vnsel vm0, $0x0, v8  }
0x143: {  	v5 =	vnsel vm1, $0x0, v5;
	vm0 =	vlt.s32 v4, v1;
	v4 =	vadd.s32 $0x1, v4;
	[tilespmem:s20+$0x100] =	vst v8  }
0x144: {  	v4 =	vnsel vm0, $0x0, v4;
	vm0 =	vlt.s32 v3, v1;
	v3 =	vor.u32 $0x1, v3;
	[tilespmem:s20+$0xFFFFFE00] =	vst v5  }
0x145: {  	v3 =	vnsel vm0, $0x0, v3;
	vm0 =	vlt.s32 v6, v1;
	[tilespmem:s20+$0xFFFFFE80] =	vst v4;
	v4 =	vadd.s32 $0x1, v6  }
.Ltmp7:
0x146: {  	[tilespmem:s20+$0xFFFFFF00] =	vst v3;
	v3 =	vnsel vm0, $0x0, v4;
	vm0 =	vlt.s32 v7, v1;
	v4 =	vor.u32 $0x1, v7;
	(pc) =	sbr.rel @p0 .LBB2_17-.Ltmp7, $4  }
0x147: {  	[tilespmem:s20+$0xFFFFFF80] =	vst v3;
	v3 =	vnsel vm0, $0x0, v4;
	vm0 =	vlt.s32 v9, v1;
	v4 =	vadd.s32 $0x1, v9  }
0x148: {  	s1 =	sadd.s32 $0xFFFFFFF9, s22;
	[tilespmem:s20+$0x0] =	vst v3;
	v3 =	vnsel vm0, $0x0, v4;
	vm0 =	vlt.s32 v2, v1;
	v4 =	vadd.s32 $0x1, v2  }
0x149: {  	s6 =	sadd.s32 $0xFFFFFFFA, s22;
	s7 =	sadd.s32 $0xFFFFFFFB, s22;
	s0 =	sadd.s32 $0xFFFFFFFC, s22;
	v2 =	vmov s22;
	[tilespmem:s20+$0x80] =	vst v3;
	v6 =	vnsel vm0, $0x0, v4  }
0x14a: {  	v5 =	vmov s1;
	s1 =	sadd.s32 $0xFFFFFFFF, s19;
	s22 =	sadd.s32 $0x8, s22;
	v4 =	vmov s6;
	v3 =	vmov s7;
	s6 =	sadd.s32 $0xFFFFFFFD, s19;
	[tilespmem:s20+$0x180] =	vst v6  }
0x14b: {  	v6 =	vmov s0  }
0x14c: {  	v7 =	vmov s6;
	v8 =	vmov s1;
	vm1 =	vlt.s32 v5, v1  }
0x14d: {  	v59 =	vor.u32 $0x1, v5;
	vm10 =	vlt.s32 v4, v1;
	v60 =	vadd.s32 $0x1, v4  }
0x14e: {  	s22 =	sadd.s32 $0xFFFFFFFE, s19;
	s24 =	sadd.s32 $0x1000, s20;
	vm11 =	vlt.s32 v3, v1;
	v3 =	vor.u32 $0x1, v3;
	v5 =	vnsel vm1, $0x0, v59  }
0x14f: {  	vm15 =	vlt.s32 v2, v1;
	v9 =	vmov s22;
	v4 =	vnsel vm10, $0x0, v60;
	[tilespmem:s24+$0xFFFFFE00] =	vst v5  }
0x150: {  	s18 =	sadd.s32 $0x1, s18;
	vm0 =	vlt.s32 v8, v1;
	v8 =	vor.u32 $0x1, v8;
	v3 =	vnsel vm11, $0x0, v3;
	[tilespmem:s24+$0xFFFFFE80] =	vst v4  }
0x151: {  	vm12 =	vlt.s32 v6, v1;
	v61 =	vadd.s32 $0x1, v6;
	p0 =	sne.s32 s18, $0x4;
	v8 =	vnsel vm0, $0x0, v8;
	[tilespmem:s24+$0xFFFFFF00] =	vst v3  }
.Ltmp8:
0x152: {  	vm13 =	vlt.s32 v7, v1;
	v62 =	vor.u32 $0x1, v7;
	v3 =	vnsel vm12, $0x0, v61;
	[tilespmem:s24+$0x100] =	vst v8;
	(pc) =	sbr.rel @p0 .LBB2_2-.Ltmp8, $4  }
0x153: {  	vm14 =	vlt.s32 v9, v1;
	v1 =	vadd.s32 $0x1, v2;
	[tilespmem:s24+$0xFFFFFF80] =	vst v3;
	v3 =	vnsel vm13, $0x0, v62  }
0x154: {  	s21 =	sadd.s32 $0x400, s21;
	s25 =	sadd.s32 $0x400, s25;
	v63 =	vadd.s32 $0x1, v9;
	v1 =	vnsel vm15, $0x0, v1;
	[tilespmem:s24+$0x0] =	vst v3  }
0x155: {  	s31 =	sadd.s32 $0x400, s31;
	s23 =	sadd.s32 $0x400, s23;
	s5 =	sadd.s32 $0x400, s5;
	v3 =	vnsel vm14, $0x0, v63;
	[tilespmem:s24+$0x180] =	vst v1  }
0x156: {  	s12 =	sadd.s32 $0x400, s12;
	s13 =	sadd.s32 $0x400, s13;
	s17 =	sadd.s32 $0x400, s17;
	[tilespmem:s24+$0x80] =	vst v3  }
0x157: {  	s0 =	rddreg [dreg:$0x5]  }
0x158: {  	s5 =	simm.s32 $0x0;
	s1 =	simm.s32 $0xE80;
	s7 =	rddreg [dreg:$0x8]  }
0x159: {  	[hbm4b:s0+s5] =	stream.linear.scatter [tilespmem:s1], [sflag:$0x3], $0x1000, $0x38;
	[tilespmem:$0x17E80] =	vst v63  }
0x15a: {  	s12 =	simm.s32 $0x1E80;
	s13 =	rddreg [dreg:$0x9]  }
0x15b: {  	[hbm4b:s7+s5] =	stream.linear.scatter [tilespmem:s12], [sflag:$0x3], $0x1000, $0x38;
	[tilespmem:$0x17E80] =	vst v63  }
0x15c: {  	s17 =	simm.s32 $0x2E80;
	s18 =	rddreg [dreg:$0xa]  }
0x15d: {  	[hbm4b:s13+s5] =	stream.linear.scatter [tilespmem:s17], [sflag:$0x3], $0x1000, $0x38;
	[tilespmem:$0x17E80] =	vst v63  }
0x15e: {  	s19 =	simm.s32 $0x3E80;
	s20 =	rddreg [dreg:$0xb]  }
0x15f: {  	[hbm4b:s18+s5] =	stream.linear.scatter [tilespmem:s19], [sflag:$0x3], $0x1000, $0x38;
	[tilespmem:$0x17E80] =	vst v63  }
0x160: {  	s21 =	simm.s32 $0x4E80;
	s22 =	rddreg [dreg:$0xc];
	s23 =	simm.s32 $0x5E80  }
0x161: {  	[hbm4b:s20+s5] =	stream.linear.scatter [tilespmem:s21], [sflag:$0x3], $0x1000, $0x38;
	[tilespmem:$0x17E80] =	vst v63  }
0x162: {  	s24 =	rddreg [dreg:$0xd];
	s25 =	simm.s32 $0x6E80;
	s31 =	simm.s32 $0xAE80  }
0x163: {  	[hbm4b:s22+s5] =	stream.linear.scatter [tilespmem:s23], [sflag:$0x3], $0x1000, $0x38;
	[tilespmem:$0x17E80] =	vst v63  }
0x164: {  	s7 =	simm.s32 $0x7E80;
	s21 =	simm.s32 $0x8E80;
	s22 =	simm.s32 $0x9E80  }
0x165: {  	[hbm4b:s24+s5] =	stream.linear.scatter [tilespmem:s25], [sflag:$0x3], $0x1000, $0x38;
	[tilespmem:$0x17E80] =	vst v63  }
.LBB2_20:
0x166: {  	s1 =	sshll.u32 s5, $0x7  }
0x167: {  	s1 =	sand.u32 $0x3FFFFF80, s1  }
0x168: {  	s1 =	sadd.s32 $0x200, s1  }
0x169: {  	p0 =	seq.s32 s5, $0x0;
	v2 =	vmov s1  }
0x16a: {  	s0 =	simm.s32 @!p0 $0x1  }
0x16b: {  	_ =	swait.ge @!p0 [sflag:s0], $0x8000  }
0x16c: {  	s12 =	sshll.u32 s5, $0x1;
	[sflag:s0] =	ssyncset.done @!p0 $0x0  }
0x16d: {  	s13 =	simm.s32 $0x8080;
	s17 =	simm.s32 $0x0;
	v1 =	vmov s12;
	[sflag:s0] =	ssyncadd.s32 @!p0 $0xFFFF8000  }
.LBB2_21:
0x16e: {  	s0 =	sshll.u32 s17, $0x7  }
0x16f: {  	s0 =	sand.u32 $0x3FFFFF80, s0  }
0x170: {  	s1 =	simm.s32 $0x0;
	v3 =	vld [tilespmem:s0+$0x0]  }
0x171: {  	s6 =	sand.u32 $0x30, s1;
	v4 =	vld [tilespmem:s0+$0x10]  }
0x172: {  	v11 =	vld.idx.msk [tilespmem:v2+s6+$0x0 ss:$0x1], $0xffff  }
0x173: {  	v5 =	vld [tilespmem:s0+$0x20]  }
0x174: {  	v6 =	vld [tilespmem:s0+$0x30]  }
0x175: {  	s18 =	sand.u32 $0x8, s1;
	v7 =	vld [tilespmem:s0+$0x40]  }
0x176: {  	v8 =	vld [tilespmem:s0+$0x50];
	s1 =	sor.u32 $0x1, s18  }
0x177: {  	v9 =	vmov s18;
	v10 =	vld [tilespmem:s0+$0x60];
	v53 =	vmov s1  }
0x178: {  	v13 =	vld [tilespmem:s0+$0x70];
	vm0 =	vlt.s32 v1, v3;
	v12 =	vperm.xlane v11, v9;
	vm10 =	vlt.s32 v1, v4  }
0x179: {  	vm1 =	vlt.s32 v1, v5;
	vm11 =	vlt.s32 v1, v6;
	v3 =	vsel vm0, $0x3F800000, v0  }
0x17a: {  	vm12 =	vlt.s32 v1, v7;
	v5 =	vsel vm10, $0x3F800000, v0;
	v9 =	vmul.f32 v12, v3  }
0x17b: {  	vm13 =	vlt.s32 v1, v8;
	v4 =	vsel vm1, $0x3F800000, v0;
	v14 =	vmul.f32 v12, v5  }
0x17c: {  	vm14 =	vlt.s32 v1, v10;
	v7 =	vsel vm11, $0x3F800000, v0;
	v15 =	vmul.f32 v12, v4;
	[tilespmem:s13+$0xFFFFFE00] =	vst v9  }
0x17d: {  	vm15 =	vlt.s32 v1, v13;
	v6 =	vsel vm12, $0x3F800000, v0;
	v10 =	vmul.f32 v12, v7;
	[tilespmem:s13+$0xFFFFFE10] =	vst v14  }
0x17e: {  	v13 =	vperm.xlane v11, v53;
	v8 =	vsel vm14, $0x3F800000, v0;
	v52 =	vmul.f32 v12, v6;
	[tilespmem:s13+$0xFFFFFE20] =	vst v15  }
0x17f: {  	v16 =	vmul.f32 v12, v8;
	[tilespmem:s13+$0xFFFFFE30] =	vst v10  }
0x180: {  	v55 =	vmul.f32 v13, v3;
	[tilespmem:s13+$0xFFFFFE40] =	vst v52  }
0x181: {  	v56 =	vmul.f32 v13, v5;
	[tilespmem:s13+$0xFFFFFE60] =	vst v16  }
0x182: {  	v57 =	vmul.f32 v13, v4;
	[tilespmem:s13+$0xFFFFFE80] =	vst v55  }
0x183: {  	v58 =	vmul.f32 v13, v7;
	[tilespmem:s13+$0xFFFFFE90] =	vst v56  }
0x184: {  	v59 =	vmul.f32 v13, v6;
	[tilespmem:s13+$0xFFFFFEA0] =	vst v57  }
0x185: {  	v62 =	vmul.f32 v13, v8;
	v9 =	vsel vm13, $0x3F800000, v0;
	v10 =	vsel vm15, $0x3F800000, v0;
	[tilespmem:s13+$0xFFFFFEB0] =	vst v58  }
0x186: {  	s6 =	sor.u32 $0x2, s18;
	[tilespmem:s13+$0xFFFFFEC0] =	vst v59;
	v54 =	vmul.f32 v12, v9;
	v12 =	vmul.f32 v12, v10  }
0x187: {  	v60 =	vmov s6;
	[tilespmem:s13+$0xFFFFFEE0] =	vst v62  }
0x188: {  	v61 =	vmul.f32 v13, v9;
	[tilespmem:s13+$0xFFFFFE70] =	vst v12;
	v12 =	vperm.xlane v11, v60  }
0x189: {  	v13 =	vmul.f32 v13, v10;
	[tilespmem:s13+$0xFFFFFE50] =	vst v54  }
0x18a: {  	[tilespmem:s13+$0xFFFFFED0] =	vst v61;
	v63 =	vmul.f32 v12, v3  }
0x18b: {  	[tilespmem:s13+$0xFFFFFEF0] =	vst v13;
	v18 =	vmul.f32 v12, v5  }
0x18c: {  	v19 =	vmul.f32 v12, v4;
	[tilespmem:s13+$0xFFFFFF00] =	vst v63  }
0x18d: {  	v20 =	vmul.f32 v12, v7;
	[tilespmem:s13+$0xFFFFFF10] =	vst v18  }
0x18e: {  	s19 =	sor.u32 $0x3, s18;
	v21 =	vmul.f32 v12, v6;
	[tilespmem:s13+$0xFFFFFF20] =	vst v19  }
0x18f: {  	v22 =	vmov s19;
	v23 =	vmul.f32 v12, v9;
	[tilespmem:s13+$0xFFFFFF30] =	vst v20  }
0x190: {  	v13 =	vperm.xlane v11, v22;
	v24 =	vmul.f32 v12, v8;
	[tilespmem:s13+$0xFFFFFF40] =	vst v21  }
0x191: {  	v12 =	vmul.f32 v12, v10;
	[tilespmem:s13+$0xFFFFFF50] =	vst v23  }
0x192: {  	v25 =	vmul.f32 v13, v3;
	[tilespmem:s13+$0xFFFFFF60] =	vst v24  }
0x193: {  	v26 =	vmul.f32 v13, v5;
	[tilespmem:s13+$0xFFFFFF70] =	vst v12  }
0x194: {  	v27 =	vmul.f32 v13, v4;
	[tilespmem:s13+$0xFFFFFF80] =	vst v25  }
0x195: {  	v28 =	vmul.f32 v13, v7;
	[tilespmem:s13+$0xFFFFFF90] =	vst v26  }
0x196: {  	s20 =	sor.u32 $0x4, s18;
	v29 =	vmul.f32 v13, v6;
	[tilespmem:s13+$0xFFFFFFA0] =	vst v27  }
0x197: {  	v30 =	vmov s20;
	v31 =	vmul.f32 v13, v9;
	[tilespmem:s13+$0xFFFFFFB0] =	vst v28  }
0x198: {  	v32 =	vmul.f32 v13, v8;
	v12 =	vperm.xlane v11, v30;
	[tilespmem:s13+$0xFFFFFFC0] =	vst v29  }
0x199: {  	v13 =	vmul.f32 v13, v10;
	[tilespmem:s13+$0xFFFFFFD0] =	vst v31  }
0x19a: {  	[tilespmem:s13+$0xFFFFFFE0] =	vst v32;
	v33 =	vmul.f32 v12, v3  }
0x19b: {  	[tilespmem:s13+$0xFFFFFFF0] =	vst v13;
	v34 =	vmul.f32 v12, v5  }
0x19c: {  	v35 =	vmul.f32 v12, v4;
	[tilespmem:s13+$0x0] =	vst v33  }
0x19d: {  	v36 =	vmul.f32 v12, v7;
	[tilespmem:s13+$0x10] =	vst v34  }
0x19e: {  	s23 =	sor.u32 $0x5, s18;
	v37 =	vmul.f32 v12, v6;
	[tilespmem:s13+$0x20] =	vst v35  }
0x19f: {  	v38 =	vmov s23;
	v39 =	vmul.f32 v12, v9;
	[tilespmem:s13+$0x30] =	vst v36  }
0x1a0: {  	v13 =	vperm.xlane v11, v38;
	v40 =	vmul.f32 v12, v8;
	[tilespmem:s13+$0x40] =	vst v37  }
0x1a1: {  	v12 =	vmul.f32 v12, v10;
	[tilespmem:s13+$0x50] =	vst v39  }
0x1a2: {  	v41 =	vmul.f32 v13, v3;
	[tilespmem:s13+$0x60] =	vst v40  }
0x1a3: {  	v42 =	vmul.f32 v13, v5;
	[tilespmem:s13+$0x70] =	vst v12  }
0x1a4: {  	v43 =	vmul.f32 v13, v4;
	[tilespmem:s13+$0x80] =	vst v41  }
0x1a5: {  	v44 =	vmul.f32 v13, v7;
	[tilespmem:s13+$0x90] =	vst v42  }
0x1a6: {  	s24 =	sor.u32 $0x6, s18;
	v45 =	vmul.f32 v13, v6;
	[tilespmem:s13+$0xA0] =	vst v43  }
0x1a7: {  	v46 =	vmov s24;
	v47 =	vmul.f32 v13, v9;
	[tilespmem:s13+$0xB0] =	vst v44  }
0x1a8: {  	v48 =	vmul.f32 v13, v8;
	v12 =	vperm.xlane v11, v46;
	[tilespmem:s13+$0xC0] =	vst v45  }
0x1a9: {  	v13 =	vmul.f32 v13, v10;
	[tilespmem:s13+$0xD0] =	vst v47  }
0x1aa: {  	[tilespmem:s13+$0xE0] =	vst v48;
	v49 =	vmul.f32 v12, v3  }
0x1ab: {  	[tilespmem:s13+$0xF0] =	vst v13;
	v50 =	vmul.f32 v12, v5  }
0x1ac: {  	v51 =	vmul.f32 v12, v4;
	[tilespmem:s13+$0x100] =	vst v49  }
0x1ad: {  	v52 =	vmul.f32 v12, v7;
	[tilespmem:s13+$0x110] =	vst v50  }
0x1ae: {  	s25 =	sor.u32 $0x7, s18;
	v53 =	vmul.f32 v12, v6;
	[tilespmem:s13+$0x120] =	vst v51  }
0x1af: {  	v54 =	vmov s25;
	v55 =	vmul.f32 v12, v9;
	[tilespmem:s13+$0x130] =	vst v52  }
0x1b0: {  	v11 =	vperm.xlane v11, v54;
	v56 =	vmul.f32 v12, v8;
	[tilespmem:s13+$0x140] =	vst v53  }
0x1b1: {  	v12 =	vmul.f32 v12, v10;
	[tilespmem:s13+$0x150] =	vst v55  }
0x1b2: {  	v57 =	vmul.f32 v11, v3;
	[tilespmem:s13+$0x160] =	vst v56  }
0x1b3: {  	v58 =	vmul.f32 v11, v5;
	[tilespmem:s13+$0x170] =	vst v12  }
0x1b4: {  	v59 =	vmul.f32 v11, v4;
	[tilespmem:s13+$0x180] =	vst v57  }
0x1b5: {  	v60 =	vmul.f32 v11, v7;
	[tilespmem:s13+$0x190] =	vst v58  }
0x1b6: {  	v61 =	vmul.f32 v11, v6;
	[tilespmem:s13+$0x1A0] =	vst v59  }
0x1b7: {  	v62 =	vmul.f32 v11, v9;
	[tilespmem:s13+$0x1B0] =	vst v60  }
0x1b8: {  	v63 =	vmul.f32 v11, v8;
	[tilespmem:s13+$0x1C0] =	vst v61  }
0x1b9: {  	v11 =	vmul.f32 v11, v10;
	[tilespmem:s13+$0x1D0] =	vst v62  }
0x1ba: {  	s19 =	simm.s32 $0x8;
	[tilespmem:s13+$0x1E0] =	vst v63  }
0x1bb: {  	s18 =	smov.u32 s13;
	s23 =	simm.s32 $0x10;
	s0 =	sand.u32 $0x30, s19;
	[tilespmem:s13+$0x1F0] =	vst v11  }
.LBB2_22:
0x1bc: {  	p1 =	sne.s32 s23, $0x38;
	v11 =	vld.idx.msk [tilespmem:v2+s0+$0x0 ss:$0x1], $0xffff;
	_ =	sdelay $0x2  }
0x1bd: {  	s20 =	sand.u32 $0x8, s19;
	s19 =	smov.u32 s23  }
0x1be: {  	s0 =	sor.u32 $0x1, s20;
	s1 =	sor.u32 $0x2, s20  }
0x1bf: {  	v12 =	vmov s20;
	v13 =	vmov s0;
	v14 =	vmov s1;
	s0 =	sor.u32 $0x3, s20  }
0x1c0: {  	v15 =	vmov s0;
	v12 =	vperm.xlane v11, v12;
	v13 =	vperm.xlane v11, v13  }
0x1c1: {  	v14 =	vperm.xlane v11, v14;
	v15 =	vperm.xlane v11, v15  }
0x1c2: {  	v16 =	vmul.f32 v12, v3;
	v17 =	vmul.f32 v12, v5  }
0x1c3: {  	s18 =	sadd.s32 $0x1000, s18;
	v18 =	vmul.f32 v12, v4;
	v19 =	vmul.f32 v12, v7  }
0x1c4: {  	v20 =	vmul.f32 v12, v9;
	[tilespmem:s18+$0xFFFFFE00] =	vst v16;
	v16 =	vmul.f32 v12, v6  }
0x1c5: {  	[tilespmem:s18+$0xFFFFFE10] =	vst v17;
	v17 =	vmul.f32 v12, v8;
	v12 =	vmul.f32 v12, v10  }
0x1c6: {  	v21 =	vmul.f32 v13, v5;
	[tilespmem:s18+$0xFFFFFE20] =	vst v18;
	v18 =	vmul.f32 v13, v3  }
0x1c7: {  	v22 =	vmul.f32 v13, v7;
	[tilespmem:s18+$0xFFFFFE30] =	vst v19;
	v19 =	vmul.f32 v13, v4  }
0x1c8: {  	v23 =	vmul.f32 v13, v9;
	[tilespmem:s18+$0xFFFFFE40] =	vst v16;
	v16 =	vmul.f32 v13, v6  }
0x1c9: {  	[tilespmem:s18+$0xFFFFFE50] =	vst v20;
	v20 =	vmul.f32 v13, v8;
	v13 =	vmul.f32 v13, v10  }
0x1ca: {  	v24 =	vmul.f32 v14, v5;
	[tilespmem:s18+$0xFFFFFE60] =	vst v17;
	v17 =	vmul.f32 v14, v3  }
0x1cb: {  	v25 =	vmul.f32 v14, v7;
	[tilespmem:s18+$0xFFFFFE70] =	vst v12;
	v12 =	vmul.f32 v14, v4  }
0x1cc: {  	v26 =	vmul.f32 v14, v9;
	[tilespmem:s18+$0xFFFFFE80] =	vst v18;
	v18 =	vmul.f32 v14, v6  }
0x1cd: {  	[tilespmem:s18+$0xFFFFFE90] =	vst v21;
	v21 =	vmul.f32 v14, v8;
	v14 =	vmul.f32 v14, v10  }
0x1ce: {  	s0 =	sor.u32 $0x4, s20;
	v27 =	vmul.f32 v15, v5;
	[tilespmem:s18+$0xFFFFFEA0] =	vst v19;
	v19 =	vmul.f32 v15, v3  }
0x1cf: {  	v29 =	vmov s0;
	s0 =	sor.u32 $0x5, s20;
	v28 =	vmul.f32 v15, v7;
	[tilespmem:s18+$0xFFFFFEB0] =	vst v22;
	v22 =	vmul.f32 v15, v4  }
0x1d0: {  	v31 =	vmov s0;
	s0 =	sor.u32 $0x6, s20;
	v30 =	vmul.f32 v15, v9;
	[tilespmem:s18+$0xFFFFFEC0] =	vst v16;
	v16 =	vmul.f32 v15, v6  }
0x1d1: {  	v32 =	vmov s0;
	s0 =	sor.u32 $0x7, s20;
	[tilespmem:s18+$0xFFFFFED0] =	vst v23;
	v23 =	vmul.f32 v15, v8;
	v15 =	vmul.f32 v15, v10  }
0x1d2: {  	[tilespmem:s18+$0xFFFFFEE0] =	vst v20;
	v20 =	vperm.xlane v11, v29;
	v29 =	vperm.xlane v11, v31;
	v31 =	vmov s0  }
0x1d3: {  	[tilespmem:s18+$0xFFFFFEF0] =	vst v13;
	v13 =	vperm.xlane v11, v32;
	v11 =	vperm.xlane v11, v31  }
0x1d4: {  	[tilespmem:s18+$0xFFFFFF00] =	vst v17;
	v17 =	vmul.f32 v20, v3;
	v31 =	vmul.f32 v20, v5  }
0x1d5: {  	v32 =	vmul.f32 v20, v7;
	[tilespmem:s18+$0xFFFFFF10] =	vst v24;
	v24 =	vmul.f32 v20, v4  }
0x1d6: {  	v33 =	vmul.f32 v20, v9;
	[tilespmem:s18+$0xFFFFFF20] =	vst v12;
	v12 =	vmul.f32 v20, v6  }
0x1d7: {  	[tilespmem:s18+$0xFFFFFF30] =	vst v25;
	v25 =	vmul.f32 v20, v8;
	v20 =	vmul.f32 v20, v10  }
0x1d8: {  	v34 =	vmul.f32 v29, v5;
	[tilespmem:s18+$0xFFFFFF40] =	vst v18;
	v18 =	vmul.f32 v29, v3  }
0x1d9: {  	v35 =	vmul.f32 v29, v7;
	[tilespmem:s18+$0xFFFFFF50] =	vst v26;
	v26 =	vmul.f32 v29, v4  }
0x1da: {  	v36 =	vmul.f32 v29, v9;
	[tilespmem:s18+$0xFFFFFF60] =	vst v21;
	v21 =	vmul.f32 v29, v6  }
0x1db: {  	[tilespmem:s18+$0xFFFFFF70] =	vst v14;
	v14 =	vmul.f32 v29, v8;
	v29 =	vmul.f32 v29, v10  }
0x1dc: {  	v37 =	vmul.f32 v13, v5;
	[tilespmem:s18+$0xFFFFFF80] =	vst v19;
	v19 =	vmul.f32 v13, v3  }
0x1dd: {  	v38 =	vmul.f32 v13, v7;
	[tilespmem:s18+$0xFFFFFF90] =	vst v27;
	v27 =	vmul.f32 v13, v4  }
0x1de: {  	v39 =	vmul.f32 v13, v9;
	[tilespmem:s18+$0xFFFFFFA0] =	vst v22;
	v22 =	vmul.f32 v13, v6  }
0x1df: {  	[tilespmem:s18+$0xFFFFFFB0] =	vst v28;
	v28 =	vmul.f32 v13, v8;
	v13 =	vmul.f32 v13, v10  }
0x1e0: {  	v40 =	vmul.f32 v11, v5;
	[tilespmem:s18+$0xFFFFFFC0] =	vst v16;
	v16 =	vmul.f32 v11, v3  }
0x1e1: {  	v41 =	vmul.f32 v11, v7;
	[tilespmem:s18+$0xFFFFFFD0] =	vst v30;
	v30 =	vmul.f32 v11, v4  }
0x1e2: {  	v42 =	vmul.f32 v11, v9;
	[tilespmem:s18+$0xFFFFFFE0] =	vst v23;
	v23 =	vmul.f32 v11, v6  }
0x1e3: {  	[tilespmem:s18+$0xFFFFFFF0] =	vst v15;
	v15 =	vmul.f32 v11, v8;
	v11 =	vmul.f32 v11, v10  }
0x1e4: {  	[tilespmem:s18+$0x0] =	vst v17  }
0x1e5: {  	[tilespmem:s18+$0x10] =	vst v31  }
0x1e6: {  	[tilespmem:s18+$0x20] =	vst v24  }
0x1e7: {  	[tilespmem:s18+$0x30] =	vst v32  }
0x1e8: {  	[tilespmem:s18+$0x40] =	vst v12  }
0x1e9: {  	[tilespmem:s18+$0x50] =	vst v33  }
0x1ea: {  	[tilespmem:s18+$0x60] =	vst v25  }
0x1eb: {  	[tilespmem:s18+$0x70] =	vst v20  }
0x1ec: {  	[tilespmem:s18+$0x80] =	vst v18  }
0x1ed: {  	[tilespmem:s18+$0x90] =	vst v34  }
0x1ee: {  	[tilespmem:s18+$0xA0] =	vst v26  }
0x1ef: {  	[tilespmem:s18+$0xB0] =	vst v35  }
0x1f0: {  	[tilespmem:s18+$0xC0] =	vst v21  }
0x1f1: {  	[tilespmem:s18+$0xD0] =	vst v36  }
0x1f2: {  	[tilespmem:s18+$0xE0] =	vst v14  }
0x1f3: {  	[tilespmem:s18+$0xF0] =	vst v29  }
0x1f4: {  	[tilespmem:s18+$0x100] =	vst v19  }
0x1f5: {  	[tilespmem:s18+$0x110] =	vst v37  }
0x1f6: {  	[tilespmem:s18+$0x120] =	vst v27  }
0x1f7: {  	[tilespmem:s18+$0x130] =	vst v38  }
0x1f8: {  	[tilespmem:s18+$0x140] =	vst v22  }
0x1f9: {  	[tilespmem:s18+$0x150] =	vst v39  }
0x1fa: {  	[tilespmem:s18+$0x160] =	vst v28  }
0x1fb: {  	[tilespmem:s18+$0x170] =	vst v13  }
0x1fc: {  	[tilespmem:s18+$0x180] =	vst v16  }
0x1fd: {  	[tilespmem:s18+$0x190] =	vst v40  }
0x1fe: {  	[tilespmem:s18+$0x1A0] =	vst v30  }
.Ltmp9:
0x1ff: {  	[tilespmem:s18+$0x1B0] =	vst v41;
	(pc) =	sbr.rel @p1 .LBB2_22-.Ltmp9, $4  }
0x200: {  	[tilespmem:s18+$0x1C0] =	vst v23  }
0x201: {  	[tilespmem:s18+$0x1D0] =	vst v42  }
0x202: {  	[tilespmem:s18+$0x1E0] =	vst v15  }
0x203: {  	s23 =	sadd.s32 $0x8, s23;
	s0 =	sand.u32 $0x30, s19;
	[tilespmem:s18+$0x1F0] =	vst v11  }
0x204: {  	_ =	sdelay $0x3  }
0x205: {  	v11 =	vld.idx.msk [tilespmem:v2+s0+$0x0 ss:$0x1], $0xffff;
	_ =	sdelay $0x2  }
0x206: {  	s19 =	sand.u32 $0x8, s19  }
0x207: {  	v12 =	vmov s19  }
0x208: {  	v12 =	vperm.xlane v11, v12;
	_ =	sdelay $0x1  }
0x209: {  	v13 =	vmul.f32 v12, v3  }
0x20a: {  	s18 =	sadd.s32 $0x1000, s18;
	v14 =	vmul.f32 v12, v5  }
0x20b: {  	v15 =	vmul.f32 v12, v4;
	[tilespmem:s18+$0xFFFFFE00] =	vst v13  }
0x20c: {  	v52 =	vmul.f32 v12, v7;
	[tilespmem:s18+$0xFFFFFE10] =	vst v14  }
0x20d: {  	s25 =	sor.u32 $0x1, s19;
	v53 =	vmul.f32 v12, v6;
	[tilespmem:s18+$0xFFFFFE20] =	vst v15  }
0x20e: {  	v54 =	vmov s25;
	v16 =	vmul.f32 v12, v9;
	[tilespmem:s18+$0xFFFFFE30] =	vst v52  }
0x20f: {  	v55 =	vperm.xlane v11, v54;
	v56 =	vmul.f32 v12, v8;
	[tilespmem:s18+$0xFFFFFE40] =	vst v53  }
0x210: {  	v12 =	vmul.f32 v12, v10;
	[tilespmem:s18+$0xFFFFFE50] =	vst v16  }
0x211: {  	v57 =	vmul.f32 v55, v3;
	[tilespmem:s18+$0xFFFFFE60] =	vst v56  }
0x212: {  	v58 =	vmul.f32 v55, v5;
	[tilespmem:s18+$0xFFFFFE70] =	vst v12  }
0x213: {  	v59 =	vmul.f32 v55, v4;
	[tilespmem:s18+$0xFFFFFE80] =	vst v57  }
0x214: {  	v60 =	vmul.f32 v55, v7;
	[tilespmem:s18+$0xFFFFFE90] =	vst v58  }
0x215: {  	s1 =	sor.u32 $0x2, s19;
	v61 =	vmul.f32 v55, v6;
	[tilespmem:s18+$0xFFFFFEA0] =	vst v59  }
0x216: {  	v62 =	vmov s1;
	v63 =	vmul.f32 v55, v9;
	[tilespmem:s18+$0xFFFFFEB0] =	vst v60  }
0x217: {  	v18 =	vmul.f32 v55, v8;
	v12 =	vperm.xlane v11, v62;
	[tilespmem:s18+$0xFFFFFEC0] =	vst v61  }
0x218: {  	v13 =	vmul.f32 v55, v10;
	[tilespmem:s18+$0xFFFFFED0] =	vst v63  }
0x219: {  	[tilespmem:s18+$0xFFFFFEE0] =	vst v18;
	v19 =	vmul.f32 v12, v3  }
0x21a: {  	v20 =	vmul.f32 v12, v5;
	[tilespmem:s18+$0xFFFFFEF0] =	vst v13  }
0x21b: {  	v21 =	vmul.f32 v12, v4;
	[tilespmem:s18+$0xFFFFFF00] =	vst v19  }
0x21c: {  	v22 =	vmul.f32 v12, v7;
	[tilespmem:s18+$0xFFFFFF10] =	vst v20  }
0x21d: {  	s6 =	sor.u32 $0x3, s19;
	v23 =	vmul.f32 v12, v6;
	[tilespmem:s18+$0xFFFFFF20] =	vst v21  }
0x21e: {  	v24 =	vmov s6;
	v25 =	vmul.f32 v12, v9;
	[tilespmem:s18+$0xFFFFFF30] =	vst v22  }
0x21f: {  	v13 =	vperm.xlane v11, v24;
	v26 =	vmul.f32 v12, v8;
	[tilespmem:s18+$0xFFFFFF40] =	vst v23  }
0x220: {  	v12 =	vmul.f32 v12, v10;
	[tilespmem:s18+$0xFFFFFF50] =	vst v25  }
0x221: {  	v27 =	vmul.f32 v13, v3;
	[tilespmem:s18+$0xFFFFFF60] =	vst v26  }
0x222: {  	v28 =	vmul.f32 v13, v5;
	[tilespmem:s18+$0xFFFFFF70] =	vst v12  }
0x223: {  	v29 =	vmul.f32 v13, v4;
	[tilespmem:s18+$0xFFFFFF80] =	vst v27  }
0x224: {  	v30 =	vmul.f32 v13, v7;
	[tilespmem:s18+$0xFFFFFF90] =	vst v28  }
0x225: {  	s20 =	sor.u32 $0x4, s19;
	v31 =	vmul.f32 v13, v6;
	[tilespmem:s18+$0xFFFFFFA0] =	vst v29  }
0x226: {  	v32 =	vmov s20;
	v33 =	vmul.f32 v13, v9;
	[tilespmem:s18+$0xFFFFFFB0] =	vst v30  }
0x227: {  	v34 =	vmul.f32 v13, v8;
	v12 =	vperm.xlane v11, v32;
	[tilespmem:s18+$0xFFFFFFC0] =	vst v31  }
0x228: {  	v13 =	vmul.f32 v13, v10;
	[tilespmem:s18+$0xFFFFFFD0] =	vst v33  }
0x229: {  	v35 =	vmul.f32 v12, v3;
	[tilespmem:s18+$0xFFFFFFE0] =	vst v34  }
0x22a: {  	v36 =	vmul.f32 v12, v5;
	[tilespmem:s18+$0xFFFFFFF0] =	vst v13  }
0x22b: {  	v37 =	vmul.f32 v12, v4;
	[tilespmem:s18+$0x0] =	vst v35  }
0x22c: {  	v38 =	vmul.f32 v12, v7;
	[tilespmem:s18+$0x10] =	vst v36  }
0x22d: {  	s23 =	sor.u32 $0x5, s19;
	v39 =	vmul.f32 v12, v6;
	[tilespmem:s18+$0x20] =	vst v37  }
0x22e: {  	v40 =	vmov s23;
	v41 =	vmul.f32 v12, v9;
	[tilespmem:s18+$0x30] =	vst v38  }
0x22f: {  	v13 =	vperm.xlane v11, v40;
	v42 =	vmul.f32 v12, v8;
	[tilespmem:s18+$0x40] =	vst v39  }
0x230: {  	v12 =	vmul.f32 v12, v10;
	[tilespmem:s18+$0x50] =	vst v41  }
0x231: {  	v43 =	vmul.f32 v13, v3;
	[tilespmem:s18+$0x60] =	vst v42  }
0x232: {  	v44 =	vmul.f32 v13, v5;
	[tilespmem:s18+$0x70] =	vst v12  }
0x233: {  	v45 =	vmul.f32 v13, v4;
	[tilespmem:s18+$0x80] =	vst v43  }
0x234: {  	v46 =	vmul.f32 v13, v7;
	[tilespmem:s18+$0x90] =	vst v44  }
0x235: {  	s24 =	sor.u32 $0x6, s19;
	v47 =	vmul.f32 v13, v6;
	[tilespmem:s18+$0xA0] =	vst v45  }
0x236: {  	v48 =	vmov s24;
	v49 =	vmul.f32 v13, v9;
	[tilespmem:s18+$0xB0] =	vst v46  }
0x237: {  	v12 =	vperm.xlane v11, v48;
	v50 =	vmul.f32 v13, v8;
	[tilespmem:s18+$0xC0] =	vst v47  }
0x238: {  	v13 =	vmul.f32 v13, v10;
	[tilespmem:s18+$0xD0] =	vst v49  }
0x239: {  	v51 =	vmul.f32 v12, v3;
	[tilespmem:s18+$0xE0] =	vst v50  }
0x23a: {  	v52 =	vmul.f32 v12, v5;
	[tilespmem:s18+$0xF0] =	vst v13  }
0x23b: {  	v53 =	vmul.f32 v12, v4;
	[tilespmem:s18+$0x100] =	vst v51  }
0x23c: {  	v54 =	vmul.f32 v12, v7;
	[tilespmem:s18+$0x110] =	vst v52  }
0x23d: {  	s25 =	sor.u32 $0x7, s19;
	v55 =	vmul.f32 v12, v6;
	[tilespmem:s18+$0x120] =	vst v53  }
0x23e: {  	v56 =	vmov s25;
	v57 =	vmul.f32 v12, v9;
	[tilespmem:s18+$0x130] =	vst v54  }
0x23f: {  	v11 =	vperm.xlane v11, v56;
	v58 =	vmul.f32 v12, v8;
	[tilespmem:s18+$0x140] =	vst v55  }
0x240: {  	v12 =	vmul.f32 v12, v10;
	[tilespmem:s18+$0x150] =	vst v57  }
0x241: {  	v3 =	vmul.f32 v11, v3;
	[tilespmem:s18+$0x160] =	vst v58  }
0x242: {  	v59 =	vmul.f32 v11, v5;
	[tilespmem:s18+$0x170] =	vst v12  }
0x243: {  	v60 =	vmul.f32 v11, v4;
	[tilespmem:s18+$0x180] =	vst v3  }
0x244: {  	s17 =	sadd.s32 $0x1, s17;
	v61 =	vmul.f32 v11, v6;
	[tilespmem:s18+$0x190] =	vst v59  }
0x245: {  	p1 =	sne.s32 s17, $0x4;
	v62 =	vmul.f32 v11, v9;
	[tilespmem:s18+$0x1A0] =	vst v60  }
.Ltmp10:
0x246: {  	v3 =	vmul.f32 v11, v7;
	[tilespmem:s18+$0x1C0] =	vst v61;
	(pc) =	sbr.rel @p1 .LBB2_21-.Ltmp10, $4  }
0x247: {  	v63 =	vmul.f32 v11, v10;
	[tilespmem:s18+$0x1D0] =	vst v62  }
0x248: {  	[tilespmem:s18+$0x1B0] =	vst v3;
	v3 =	vmul.f32 v11, v8  }
0x249: {  	[tilespmem:s18+$0x1F0] =	vst v63  }
0x24a: {  	s13 =	sadd.s32 $0x400, s13;
	[tilespmem:s18+$0x1E0] =	vst v3  }
0x24b: {  	s0 =	sshll.u32 s5, $0x12  }
0x24c: {  	s0 =	sor.u32 s4, s0  }
0x24d: {  	s1 =	sadd.s32 s2, s0  }
0x24e: {  	[hbm4b:s1+s3] =	stream.linear.scatter [tilespmem:s7], [sflag:$0x1], $0x1000, $0x38;
	[tilespmem:$0x17E80] =	vst v63  }
0x24f: {  	s13 =	sadd.s32 s0, s14  }
0x250: {  	[hbm4b:s13+s3] =	stream.linear.scatter [tilespmem:s21], [sflag:$0x1], $0x1000, $0x38;
	[tilespmem:$0x17E80] =	vst v63  }
0x251: {  	s17 =	sadd.s32 s0, s15  }
0x252: {  	[hbm4b:s17+s3] =	stream.linear.scatter [tilespmem:s22], [sflag:$0x1], $0x1000, $0x38;
	[tilespmem:$0x17E80] =	vst v63  }
0x253: {  	s18 =	sadd.s32 s0, s16  }
0x254: {  	[hbm4b:s18+s3] =	stream.linear.scatter [tilespmem:s31], [sflag:$0x1], $0x1000, $0x38;
	[tilespmem:$0x17E80] =	vst v63  }
0x255: {  	s12 =	sor.u32 $0x1, s12;
	s19 =	sadd.s32 s0, s26  }
0x256: {  	[hbm4b:s19+s3] =	stream.linear.scatter [tilespmem:s8], [sflag:$0x1], $0x1000, $0x38;
	[tilespmem:$0x17E80] =	vst v63  }
0x257: {  	s24 =	sshll.u32 s12, $0x6;
	s20 =	sadd.s32 s0, s28  }
0x258: {  	[hbm4b:s20+s3] =	stream.linear.scatter [tilespmem:s9], [sflag:$0x1], $0x1000, $0x38;
	[tilespmem:$0x17E80] =	vst v63  }
0x259: {  	s23 =	sadd.s32 s0, s29;
	s1 =	sand.u32 $0x3FFFFFC0, s24  }
0x25a: {  	[hbm4b:s23+s3] =	stream.linear.scatter [tilespmem:s10], [sflag:$0x1], $0x1000, $0x38;
	[tilespmem:$0x17E80] =	vst v63  }
0x25b: {  	s0 =	sadd.s32 s0, s30;
	s25 =	sadd.s32 $0x200, s1  }
0x25c: {  	[hbm4b:s0+s3] =	stream.linear.scatter [tilespmem:s11], [sflag:$0x1], $0x1000, $0x38;
	[tilespmem:$0x17E80] =	vst v63  }
0x25d: {  	v2 =	vmov s25;
	s0 =	simm.s32 @!p0 $0x2  }
0x25e: {  	_ =	swait.ge @!p0 [sflag:s0], $0x8000  }
0x25f: {  	s13 =	simm.s32 $0x0;
	[sflag:s0] =	ssyncset.done @!p0 $0x0  }
0x260: {  	v1 =	vmov s12;
	s17 =	simm.s32 $0x10080;
	s18 =	simm.s32 $0x0;
	[sflag:s0] =	ssyncadd.s32 @!p0 $0xFFFF8000  }
.LBB2_25:
0x261: {  	s0 =	sshll.u32 s18, $0x7  }
0x262: {  	s0 =	sand.u32 $0x3FFFFF80, s0  }
0x263: {  	s1 =	sand.u32 $0xC0, s13;
	v3 =	vld [tilespmem:s0+$0x0]  }
0x264: {  	s1 =	sshrl.u32 s1, $0x2;
	v4 =	vld [tilespmem:s0+$0x10]  }
0x265: {  	v11 =	vld.idx.msk [tilespmem:v2+s1+$0x0 ss:$0x1], $0xffff  }
0x266: {  	v5 =	vld [tilespmem:s0+$0x20]  }
0x267: {  	v6 =	vld [tilespmem:s0+$0x30]  }
0x268: {  	s19 =	sand.u32 $0x8, s13;
	v7 =	vld [tilespmem:s0+$0x40]  }
0x269: {  	s25 =	sor.u32 $0x1, s19;
	v8 =	vld [tilespmem:s0+$0x50]  }
0x26a: {  	v9 =	vmov s19;
	v10 =	vld [tilespmem:s0+$0x60];
	v53 =	vmov s25  }
0x26b: {  	v13 =	vld [tilespmem:s0+$0x70];
	vm0 =	vlt.s32 v1, v3;
	v12 =	vperm.xlane v11, v9;
	vm10 =	vlt.s32 v1, v4  }
0x26c: {  	vm1 =	vlt.s32 v1, v5;
	vm11 =	vlt.s32 v1, v6;
	v3 =	vsel vm0, $0x3F800000, v0  }
0x26d: {  	vm12 =	vlt.s32 v1, v7;
	v5 =	vsel vm10, $0x3F800000, v0;
	v9 =	vmul.f32 v12, v3  }
0x26e: {  	vm13 =	vlt.s32 v1, v8;
	v4 =	vsel vm1, $0x3F800000, v0;
	v14 =	vmul.f32 v12, v5  }
0x26f: {  	vm14 =	vlt.s32 v1, v10;
	v7 =	vsel vm11, $0x3F800000, v0;
	v15 =	vmul.f32 v12, v4;
	[tilespmem:s17+$0xFFFFFE00] =	vst v9  }
0x270: {  	vm15 =	vlt.s32 v1, v13;
	v6 =	vsel vm12, $0x3F800000, v0;
	v10 =	vmul.f32 v12, v7;
	[tilespmem:s17+$0xFFFFFE10] =	vst v14  }
0x271: {  	v13 =	vperm.xlane v11, v53;
	v8 =	vsel vm14, $0x3F800000, v0;
	v52 =	vmul.f32 v12, v6;
	[tilespmem:s17+$0xFFFFFE20] =	vst v15  }
0x272: {  	v16 =	vmul.f32 v12, v8;
	[tilespmem:s17+$0xFFFFFE30] =	vst v10  }
0x273: {  	v55 =	vmul.f32 v13, v3;
	[tilespmem:s17+$0xFFFFFE40] =	vst v52  }
0x274: {  	v56 =	vmul.f32 v13, v5;
	[tilespmem:s17+$0xFFFFFE60] =	vst v16  }
0x275: {  	v57 =	vmul.f32 v13, v4;
	[tilespmem:s17+$0xFFFFFE80] =	vst v55  }
0x276: {  	v58 =	vmul.f32 v13, v7;
	[tilespmem:s17+$0xFFFFFE90] =	vst v56  }
0x277: {  	v59 =	vmul.f32 v13, v6;
	[tilespmem:s17+$0xFFFFFEA0] =	vst v57  }
0x278: {  	v62 =	vmul.f32 v13, v8;
	v9 =	vsel vm13, $0x3F800000, v0;
	v10 =	vsel vm15, $0x3F800000, v0;
	[tilespmem:s17+$0xFFFFFEB0] =	vst v58  }
0x279: {  	s1 =	sor.u32 $0x2, s19;
	[tilespmem:s17+$0xFFFFFEC0] =	vst v59;
	v54 =	vmul.f32 v12, v9;
	v12 =	vmul.f32 v12, v10  }
0x27a: {  	v60 =	vmov s1;
	[tilespmem:s17+$0xFFFFFEE0] =	vst v62  }
0x27b: {  	v61 =	vmul.f32 v13, v9;
	[tilespmem:s17+$0xFFFFFE70] =	vst v12;
	v12 =	vperm.xlane v11, v60  }
0x27c: {  	v13 =	vmul.f32 v13, v10;
	[tilespmem:s17+$0xFFFFFE50] =	vst v54  }
0x27d: {  	[tilespmem:s17+$0xFFFFFED0] =	vst v61;
	v63 =	vmul.f32 v12, v3  }
0x27e: {  	[tilespmem:s17+$0xFFFFFEF0] =	vst v13;
	v18 =	vmul.f32 v12, v5  }
0x27f: {  	v19 =	vmul.f32 v12, v4;
	[tilespmem:s17+$0xFFFFFF00] =	vst v63  }
0x280: {  	v20 =	vmul.f32 v12, v7;
	[tilespmem:s17+$0xFFFFFF10] =	vst v18  }
0x281: {  	s6 =	sor.u32 $0x3, s19;
	v21 =	vmul.f32 v12, v6;
	[tilespmem:s17+$0xFFFFFF20] =	vst v19  }
0x282: {  	v22 =	vmov s6;
	v23 =	vmul.f32 v12, v9;
	[tilespmem:s17+$0xFFFFFF30] =	vst v20  }
0x283: {  	v13 =	vperm.xlane v11, v22;
	v24 =	vmul.f32 v12, v8;
	[tilespmem:s17+$0xFFFFFF40] =	vst v21  }
0x284: {  	v12 =	vmul.f32 v12, v10;
	[tilespmem:s17+$0xFFFFFF50] =	vst v23  }
0x285: {  	v25 =	vmul.f32 v13, v3;
	[tilespmem:s17+$0xFFFFFF60] =	vst v24  }
0x286: {  	v26 =	vmul.f32 v13, v5;
	[tilespmem:s17+$0xFFFFFF70] =	vst v12  }
0x287: {  	v27 =	vmul.f32 v13, v4;
	[tilespmem:s17+$0xFFFFFF80] =	vst v25  }
0x288: {  	v28 =	vmul.f32 v13, v7;
	[tilespmem:s17+$0xFFFFFF90] =	vst v26  }
0x289: {  	s20 =	sor.u32 $0x4, s19;
	v29 =	vmul.f32 v13, v6;
	[tilespmem:s17+$0xFFFFFFA0] =	vst v27  }
0x28a: {  	v30 =	vmov s20;
	v31 =	vmul.f32 v13, v9;
	[tilespmem:s17+$0xFFFFFFB0] =	vst v28  }
0x28b: {  	v32 =	vmul.f32 v13, v8;
	v12 =	vperm.xlane v11, v30;
	[tilespmem:s17+$0xFFFFFFC0] =	vst v29  }
0x28c: {  	v13 =	vmul.f32 v13, v10;
	[tilespmem:s17+$0xFFFFFFD0] =	vst v31  }
0x28d: {  	[tilespmem:s17+$0xFFFFFFE0] =	vst v32;
	v33 =	vmul.f32 v12, v3  }
0x28e: {  	[tilespmem:s17+$0xFFFFFFF0] =	vst v13;
	v34 =	vmul.f32 v12, v5  }
0x28f: {  	v35 =	vmul.f32 v12, v4;
	[tilespmem:s17+$0x0] =	vst v33  }
0x290: {  	v36 =	vmul.f32 v12, v7;
	[tilespmem:s17+$0x10] =	vst v34  }
0x291: {  	s23 =	sor.u32 $0x5, s19;
	v37 =	vmul.f32 v12, v6;
	[tilespmem:s17+$0x20] =	vst v35  }
0x292: {  	v38 =	vmov s23;
	v39 =	vmul.f32 v12, v9;
	[tilespmem:s17+$0x30] =	vst v36  }
0x293: {  	v13 =	vperm.xlane v11, v38;
	v40 =	vmul.f32 v12, v8;
	[tilespmem:s17+$0x40] =	vst v37  }
0x294: {  	v12 =	vmul.f32 v12, v10;
	[tilespmem:s17+$0x50] =	vst v39  }
0x295: {  	v41 =	vmul.f32 v13, v3;
	[tilespmem:s17+$0x60] =	vst v40  }
0x296: {  	v42 =	vmul.f32 v13, v5;
	[tilespmem:s17+$0x70] =	vst v12  }
0x297: {  	v43 =	vmul.f32 v13, v4;
	[tilespmem:s17+$0x80] =	vst v41  }
0x298: {  	v44 =	vmul.f32 v13, v7;
	[tilespmem:s17+$0x90] =	vst v42  }
0x299: {  	s24 =	sor.u32 $0x6, s19;
	v45 =	vmul.f32 v13, v6;
	[tilespmem:s17+$0xA0] =	vst v43  }
0x29a: {  	v46 =	vmov s24;
	v47 =	vmul.f32 v13, v9;
	[tilespmem:s17+$0xB0] =	vst v44  }
0x29b: {  	v48 =	vmul.f32 v13, v8;
	v12 =	vperm.xlane v11, v46;
	[tilespmem:s17+$0xC0] =	vst v45  }
0x29c: {  	v13 =	vmul.f32 v13, v10;
	[tilespmem:s17+$0xD0] =	vst v47  }
0x29d: {  	[tilespmem:s17+$0xE0] =	vst v48;
	v49 =	vmul.f32 v12, v3  }
0x29e: {  	[tilespmem:s17+$0xF0] =	vst v13;
	v50 =	vmul.f32 v12, v5  }
0x29f: {  	v51 =	vmul.f32 v12, v4;
	[tilespmem:s17+$0x100] =	vst v49  }
0x2a0: {  	v52 =	vmul.f32 v12, v7;
	[tilespmem:s17+$0x110] =	vst v50  }
0x2a1: {  	s25 =	sor.u32 $0x7, s19;
	v53 =	vmul.f32 v12, v6;
	[tilespmem:s17+$0x120] =	vst v51  }
0x2a2: {  	v54 =	vmov s25;
	v55 =	vmul.f32 v12, v9;
	[tilespmem:s17+$0x130] =	vst v52  }
0x2a3: {  	v11 =	vperm.xlane v11, v54;
	v56 =	vmul.f32 v12, v8;
	[tilespmem:s17+$0x140] =	vst v53  }
0x2a4: {  	v12 =	vmul.f32 v12, v10;
	[tilespmem:s17+$0x150] =	vst v55  }
0x2a5: {  	v57 =	vmul.f32 v11, v3;
	[tilespmem:s17+$0x160] =	vst v56  }
0x2a6: {  	v58 =	vmul.f32 v11, v5;
	[tilespmem:s17+$0x170] =	vst v12  }
0x2a7: {  	v59 =	vmul.f32 v11, v4;
	[tilespmem:s17+$0x180] =	vst v57  }
0x2a8: {  	v60 =	vmul.f32 v11, v7;
	[tilespmem:s17+$0x190] =	vst v58  }
0x2a9: {  	v61 =	vmul.f32 v11, v6;
	[tilespmem:s17+$0x1A0] =	vst v59  }
0x2aa: {  	v62 =	vmul.f32 v11, v9;
	[tilespmem:s17+$0x1B0] =	vst v60  }
0x2ab: {  	v63 =	vmul.f32 v11, v8;
	[tilespmem:s17+$0x1C0] =	vst v61  }
0x2ac: {  	s24 =	simm.s32 $0x20;
	s23 =	simm.s32 $0x8;
	v11 =	vmul.f32 v11, v10;
	[tilespmem:s17+$0x1D0] =	vst v62  }
0x2ad: {  	s19 =	smov.u32 s17;
	s0 =	sand.u32 $0xC0, s24;
	s25 =	simm.s32 $0x10;
	[tilespmem:s17+$0x1E0] =	vst v63  }
.LBB2_26:
0x2ae: {  	p0 =	sne.s32 s25, $0x38;
	s0 =	sshrl.u32 s0, $0x2;
	[tilespmem:s19+$0x1F0] =	vst v11  }
0x2af: {  	v11 =	vld.idx.msk [tilespmem:v2+s0+$0x0 ss:$0x1], $0xffff;
	_ =	sdelay $0x2  }
0x2b0: {  	s20 =	sand.u32 $0x8, s23;
	s23 =	smov.u32 s25  }
0x2b1: {  	s0 =	sor.u32 $0x1, s20;
	s1 =	sor.u32 $0x2, s20  }
0x2b2: {  	v12 =	vmov s20;
	v13 =	vmov s0;
	v14 =	vmov s1;
	s0 =	sor.u32 $0x3, s20  }
0x2b3: {  	v15 =	vmov s0;
	v12 =	vperm.xlane v11, v12;
	v13 =	vperm.xlane v11, v13  }
0x2b4: {  	v14 =	vperm.xlane v11, v14;
	v15 =	vperm.xlane v11, v15  }
0x2b5: {  	v16 =	vmul.f32 v12, v3;
	v17 =	vmul.f32 v12, v5  }
0x2b6: {  	s19 =	sadd.s32 $0x1000, s19;
	v18 =	vmul.f32 v12, v4;
	v19 =	vmul.f32 v12, v7  }
0x2b7: {  	v20 =	vmul.f32 v12, v9;
	[tilespmem:s19+$0xFFFFFE00] =	vst v16;
	v16 =	vmul.f32 v12, v6  }
0x2b8: {  	[tilespmem:s19+$0xFFFFFE10] =	vst v17;
	v17 =	vmul.f32 v12, v8;
	v12 =	vmul.f32 v12, v10  }
0x2b9: {  	v21 =	vmul.f32 v13, v5;
	[tilespmem:s19+$0xFFFFFE20] =	vst v18;
	v18 =	vmul.f32 v13, v3  }
0x2ba: {  	v22 =	vmul.f32 v13, v7;
	[tilespmem:s19+$0xFFFFFE30] =	vst v19;
	v19 =	vmul.f32 v13, v4  }
0x2bb: {  	v23 =	vmul.f32 v13, v9;
	[tilespmem:s19+$0xFFFFFE40] =	vst v16;
	v16 =	vmul.f32 v13, v6  }
0x2bc: {  	[tilespmem:s19+$0xFFFFFE50] =	vst v20;
	v20 =	vmul.f32 v13, v8;
	v13 =	vmul.f32 v13, v10  }
0x2bd: {  	v24 =	vmul.f32 v14, v5;
	[tilespmem:s19+$0xFFFFFE60] =	vst v17;
	v17 =	vmul.f32 v14, v3  }
0x2be: {  	v25 =	vmul.f32 v14, v7;
	[tilespmem:s19+$0xFFFFFE70] =	vst v12;
	v12 =	vmul.f32 v14, v4  }
0x2bf: {  	v26 =	vmul.f32 v14, v9;
	[tilespmem:s19+$0xFFFFFE80] =	vst v18;
	v18 =	vmul.f32 v14, v6  }
0x2c0: {  	[tilespmem:s19+$0xFFFFFE90] =	vst v21;
	v21 =	vmul.f32 v14, v8;
	v14 =	vmul.f32 v14, v10  }
0x2c1: {  	s0 =	sor.u32 $0x4, s20;
	v27 =	vmul.f32 v15, v5;
	[tilespmem:s19+$0xFFFFFEA0] =	vst v19;
	v19 =	vmul.f32 v15, v3  }
0x2c2: {  	v29 =	vmov s0;
	s0 =	sor.u32 $0x5, s20;
	v28 =	vmul.f32 v15, v7;
	[tilespmem:s19+$0xFFFFFEB0] =	vst v22;
	v22 =	vmul.f32 v15, v4  }
0x2c3: {  	v31 =	vmov s0;
	s0 =	sor.u32 $0x6, s20;
	v30 =	vmul.f32 v15, v9;
	[tilespmem:s19+$0xFFFFFEC0] =	vst v16;
	v16 =	vmul.f32 v15, v6  }
0x2c4: {  	v32 =	vmov s0;
	s0 =	sor.u32 $0x7, s20;
	[tilespmem:s19+$0xFFFFFED0] =	vst v23;
	v23 =	vmul.f32 v15, v8;
	v15 =	vmul.f32 v15, v10  }
0x2c5: {  	[tilespmem:s19+$0xFFFFFEE0] =	vst v20;
	v20 =	vperm.xlane v11, v29;
	v29 =	vperm.xlane v11, v31;
	v31 =	vmov s0  }
0x2c6: {  	[tilespmem:s19+$0xFFFFFEF0] =	vst v13;
	v13 =	vperm.xlane v11, v32;
	v11 =	vperm.xlane v11, v31  }
0x2c7: {  	[tilespmem:s19+$0xFFFFFF00] =	vst v17;
	v17 =	vmul.f32 v20, v3;
	v31 =	vmul.f32 v20, v5  }
0x2c8: {  	v32 =	vmul.f32 v20, v7;
	[tilespmem:s19+$0xFFFFFF10] =	vst v24;
	v24 =	vmul.f32 v20, v4  }
0x2c9: {  	v33 =	vmul.f32 v20, v9;
	[tilespmem:s19+$0xFFFFFF20] =	vst v12;
	v12 =	vmul.f32 v20, v6  }
0x2ca: {  	[tilespmem:s19+$0xFFFFFF30] =	vst v25;
	v25 =	vmul.f32 v20, v8;
	v20 =	vmul.f32 v20, v10  }
0x2cb: {  	v34 =	vmul.f32 v29, v5;
	[tilespmem:s19+$0xFFFFFF40] =	vst v18;
	v18 =	vmul.f32 v29, v3  }
0x2cc: {  	v35 =	vmul.f32 v29, v7;
	[tilespmem:s19+$0xFFFFFF50] =	vst v26;
	v26 =	vmul.f32 v29, v4  }
0x2cd: {  	v36 =	vmul.f32 v29, v9;
	[tilespmem:s19+$0xFFFFFF60] =	vst v21;
	v21 =	vmul.f32 v29, v6  }
0x2ce: {  	[tilespmem:s19+$0xFFFFFF70] =	vst v14;
	v14 =	vmul.f32 v29, v8;
	v29 =	vmul.f32 v29, v10  }
0x2cf: {  	v37 =	vmul.f32 v13, v5;
	[tilespmem:s19+$0xFFFFFF80] =	vst v19;
	v19 =	vmul.f32 v13, v3  }
0x2d0: {  	v38 =	vmul.f32 v13, v7;
	[tilespmem:s19+$0xFFFFFF90] =	vst v27;
	v27 =	vmul.f32 v13, v4  }
0x2d1: {  	v39 =	vmul.f32 v13, v9;
	[tilespmem:s19+$0xFFFFFFA0] =	vst v22;
	v22 =	vmul.f32 v13, v6  }
0x2d2: {  	[tilespmem:s19+$0xFFFFFFB0] =	vst v28;
	v28 =	vmul.f32 v13, v8;
	v13 =	vmul.f32 v13, v10  }
0x2d3: {  	v40 =	vmul.f32 v11, v5;
	[tilespmem:s19+$0xFFFFFFC0] =	vst v16;
	v16 =	vmul.f32 v11, v3  }
0x2d4: {  	v41 =	vmul.f32 v11, v7;
	[tilespmem:s19+$0xFFFFFFD0] =	vst v30;
	v30 =	vmul.f32 v11, v4  }
0x2d5: {  	v42 =	vmul.f32 v11, v9;
	[tilespmem:s19+$0xFFFFFFE0] =	vst v23;
	v23 =	vmul.f32 v11, v6  }
0x2d6: {  	[tilespmem:s19+$0xFFFFFFF0] =	vst v15;
	v15 =	vmul.f32 v11, v8;
	v11 =	vmul.f32 v11, v10  }
0x2d7: {  	[tilespmem:s19+$0x0] =	vst v17  }
0x2d8: {  	[tilespmem:s19+$0x10] =	vst v31  }
0x2d9: {  	[tilespmem:s19+$0x20] =	vst v24  }
0x2da: {  	[tilespmem:s19+$0x30] =	vst v32  }
0x2db: {  	[tilespmem:s19+$0x40] =	vst v12  }
0x2dc: {  	[tilespmem:s19+$0x50] =	vst v33  }
0x2dd: {  	[tilespmem:s19+$0x60] =	vst v25  }
0x2de: {  	[tilespmem:s19+$0x70] =	vst v20  }
0x2df: {  	[tilespmem:s19+$0x80] =	vst v18  }
0x2e0: {  	[tilespmem:s19+$0x90] =	vst v34  }
0x2e1: {  	[tilespmem:s19+$0xA0] =	vst v26  }
0x2e2: {  	[tilespmem:s19+$0xB0] =	vst v35  }
0x2e3: {  	[tilespmem:s19+$0xC0] =	vst v21  }
0x2e4: {  	[tilespmem:s19+$0xD0] =	vst v36  }
0x2e5: {  	[tilespmem:s19+$0xE0] =	vst v14  }
0x2e6: {  	[tilespmem:s19+$0xF0] =	vst v29  }
0x2e7: {  	[tilespmem:s19+$0x100] =	vst v19  }
0x2e8: {  	[tilespmem:s19+$0x110] =	vst v37  }
0x2e9: {  	[tilespmem:s19+$0x120] =	vst v27  }
0x2ea: {  	[tilespmem:s19+$0x130] =	vst v38  }
0x2eb: {  	[tilespmem:s19+$0x140] =	vst v22  }
0x2ec: {  	[tilespmem:s19+$0x150] =	vst v39  }
0x2ed: {  	[tilespmem:s19+$0x160] =	vst v28  }
0x2ee: {  	[tilespmem:s19+$0x170] =	vst v13  }
0x2ef: {  	[tilespmem:s19+$0x180] =	vst v16  }
0x2f0: {  	[tilespmem:s19+$0x190] =	vst v40  }
.Ltmp11:
0x2f1: {  	[tilespmem:s19+$0x1A0] =	vst v30;
	(pc) =	sbr.rel @p0 .LBB2_26-.Ltmp11, $4  }
0x2f2: {  	[tilespmem:s19+$0x1B0] =	vst v41  }
0x2f3: {  	[tilespmem:s19+$0x1C0] =	vst v23  }
0x2f4: {  	s24 =	sadd.s32 $0x20, s24;
	[tilespmem:s19+$0x1D0] =	vst v42  }
0x2f5: {  	s25 =	sadd.s32 $0x8, s25;
	s0 =	sand.u32 $0xC0, s24;
	[tilespmem:s19+$0x1E0] =	vst v15  }
0x2f6: {  	_ =	sdelay $0x2  }
0x2f7: {  	s0 =	sshrl.u32 s0, $0x2;
	[tilespmem:s19+$0x1F0] =	vst v11  }
0x2f8: {  	v11 =	vld.idx.msk [tilespmem:v2+s0+$0x0 ss:$0x1], $0xffff;
	_ =	sdelay $0x2  }
0x2f9: {  	s23 =	sand.u32 $0x8, s23  }
0x2fa: {  	v12 =	vmov s23  }
0x2fb: {  	v12 =	vperm.xlane v11, v12;
	_ =	sdelay $0x1  }
0x2fc: {  	v13 =	vmul.f32 v12, v3  }
0x2fd: {  	s19 =	sadd.s32 $0x1000, s19;
	v14 =	vmul.f32 v12, v5  }
0x2fe: {  	v15 =	vmul.f32 v12, v4;
	[tilespmem:s19+$0xFFFFFE00] =	vst v13  }
0x2ff: {  	v52 =	vmul.f32 v12, v7;
	[tilespmem:s19+$0xFFFFFE10] =	vst v14  }
0x300: {  	s24 =	sor.u32 $0x1, s23;
	v53 =	vmul.f32 v12, v6;
	[tilespmem:s19+$0xFFFFFE20] =	vst v15  }
0x301: {  	v54 =	vmov s24;
	v16 =	vmul.f32 v12, v9;
	[tilespmem:s19+$0xFFFFFE30] =	vst v52  }
0x302: {  	v55 =	vperm.xlane v11, v54;
	v56 =	vmul.f32 v12, v8;
	[tilespmem:s19+$0xFFFFFE40] =	vst v53  }
0x303: {  	v12 =	vmul.f32 v12, v10;
	[tilespmem:s19+$0xFFFFFE50] =	vst v16  }
0x304: {  	v57 =	vmul.f32 v55, v3;
	[tilespmem:s19+$0xFFFFFE60] =	vst v56  }
0x305: {  	v58 =	vmul.f32 v55, v5;
	[tilespmem:s19+$0xFFFFFE70] =	vst v12  }
0x306: {  	v59 =	vmul.f32 v55, v4;
	[tilespmem:s19+$0xFFFFFE80] =	vst v57  }
0x307: {  	v60 =	vmul.f32 v55, v7;
	[tilespmem:s19+$0xFFFFFE90] =	vst v58  }
0x308: {  	s25 =	sor.u32 $0x2, s23;
	v61 =	vmul.f32 v55, v6;
	[tilespmem:s19+$0xFFFFFEA0] =	vst v59  }
0x309: {  	v62 =	vmov s25;
	v63 =	vmul.f32 v55, v9;
	[tilespmem:s19+$0xFFFFFEB0] =	vst v60  }
0x30a: {  	v18 =	vmul.f32 v55, v8;
	v12 =	vperm.xlane v11, v62;
	[tilespmem:s19+$0xFFFFFEC0] =	vst v61  }
0x30b: {  	v13 =	vmul.f32 v55, v10;
	[tilespmem:s19+$0xFFFFFED0] =	vst v63  }
0x30c: {  	[tilespmem:s19+$0xFFFFFEE0] =	vst v18;
	v19 =	vmul.f32 v12, v3  }
0x30d: {  	v20 =	vmul.f32 v12, v5;
	[tilespmem:s19+$0xFFFFFEF0] =	vst v13  }
0x30e: {  	v21 =	vmul.f32 v12, v4;
	[tilespmem:s19+$0xFFFFFF00] =	vst v19  }
0x30f: {  	v22 =	vmul.f32 v12, v7;
	[tilespmem:s19+$0xFFFFFF10] =	vst v20  }
0x310: {  	s1 =	sor.u32 $0x3, s23;
	v23 =	vmul.f32 v12, v6;
	[tilespmem:s19+$0xFFFFFF20] =	vst v21  }
0x311: {  	v24 =	vmov s1;
	v25 =	vmul.f32 v12, v9;
	[tilespmem:s19+$0xFFFFFF30] =	vst v22  }
0x312: {  	v13 =	vperm.xlane v11, v24;
	v26 =	vmul.f32 v12, v8;
	[tilespmem:s19+$0xFFFFFF40] =	vst v23  }
0x313: {  	v12 =	vmul.f32 v12, v10;
	[tilespmem:s19+$0xFFFFFF50] =	vst v25  }
0x314: {  	v27 =	vmul.f32 v13, v3;
	[tilespmem:s19+$0xFFFFFF60] =	vst v26  }
0x315: {  	v28 =	vmul.f32 v13, v5;
	[tilespmem:s19+$0xFFFFFF70] =	vst v12  }
0x316: {  	v29 =	vmul.f32 v13, v4;
	[tilespmem:s19+$0xFFFFFF80] =	vst v27  }
0x317: {  	v30 =	vmul.f32 v13, v7;
	[tilespmem:s19+$0xFFFFFF90] =	vst v28  }
0x318: {  	s6 =	sor.u32 $0x4, s23;
	v31 =	vmul.f32 v13, v6;
	[tilespmem:s19+$0xFFFFFFA0] =	vst v29  }
0x319: {  	v32 =	vmov s6;
	v33 =	vmul.f32 v13, v9;
	[tilespmem:s19+$0xFFFFFFB0] =	vst v30  }
0x31a: {  	v34 =	vmul.f32 v13, v8;
	v12 =	vperm.xlane v11, v32;
	[tilespmem:s19+$0xFFFFFFC0] =	vst v31  }
0x31b: {  	v13 =	vmul.f32 v13, v10;
	[tilespmem:s19+$0xFFFFFFD0] =	vst v33  }
0x31c: {  	v35 =	vmul.f32 v12, v3;
	[tilespmem:s19+$0xFFFFFFE0] =	vst v34  }
0x31d: {  	v36 =	vmul.f32 v12, v5;
	[tilespmem:s19+$0xFFFFFFF0] =	vst v13  }
0x31e: {  	v37 =	vmul.f32 v12, v4;
	[tilespmem:s19+$0x0] =	vst v35  }
0x31f: {  	v38 =	vmul.f32 v12, v7;
	[tilespmem:s19+$0x10] =	vst v36  }
0x320: {  	s20 =	sor.u32 $0x5, s23;
	v39 =	vmul.f32 v12, v6;
	[tilespmem:s19+$0x20] =	vst v37  }
0x321: {  	v40 =	vmov s20;
	v41 =	vmul.f32 v12, v9;
	[tilespmem:s19+$0x30] =	vst v38  }
0x322: {  	v13 =	vperm.xlane v11, v40;
	v42 =	vmul.f32 v12, v8;
	[tilespmem:s19+$0x40] =	vst v39  }
0x323: {  	v12 =	vmul.f32 v12, v10;
	[tilespmem:s19+$0x50] =	vst v41  }
0x324: {  	v43 =	vmul.f32 v13, v3;
	[tilespmem:s19+$0x60] =	vst v42  }
0x325: {  	v44 =	vmul.f32 v13, v5;
	[tilespmem:s19+$0x70] =	vst v12  }
0x326: {  	v45 =	vmul.f32 v13, v4;
	[tilespmem:s19+$0x80] =	vst v43  }
0x327: {  	v46 =	vmul.f32 v13, v7;
	[tilespmem:s19+$0x90] =	vst v44  }
0x328: {  	s24 =	sor.u32 $0x6, s23;
	v47 =	vmul.f32 v13, v6;
	[tilespmem:s19+$0xA0] =	vst v45  }
0x329: {  	v48 =	vmov s24;
	v49 =	vmul.f32 v13, v9;
	[tilespmem:s19+$0xB0] =	vst v46  }
0x32a: {  	v12 =	vperm.xlane v11, v48;
	v50 =	vmul.f32 v13, v8;
	[tilespmem:s19+$0xC0] =	vst v47  }
0x32b: {  	v13 =	vmul.f32 v13, v10;
	[tilespmem:s19+$0xD0] =	vst v49  }
0x32c: {  	v51 =	vmul.f32 v12, v3;
	[tilespmem:s19+$0xE0] =	vst v50  }
0x32d: {  	v52 =	vmul.f32 v12, v5;
	[tilespmem:s19+$0xF0] =	vst v13  }
0x32e: {  	v53 =	vmul.f32 v12, v4;
	[tilespmem:s19+$0x100] =	vst v51  }
0x32f: {  	v54 =	vmul.f32 v12, v7;
	[tilespmem:s19+$0x110] =	vst v52  }
0x330: {  	s25 =	sor.u32 $0x7, s23;
	v55 =	vmul.f32 v12, v6;
	[tilespmem:s19+$0x120] =	vst v53  }
0x331: {  	v56 =	vmov s25;
	v57 =	vmul.f32 v12, v9;
	[tilespmem:s19+$0x130] =	vst v54  }
0x332: {  	v11 =	vperm.xlane v11, v56;
	v58 =	vmul.f32 v12, v8;
	[tilespmem:s19+$0x140] =	vst v55  }
0x333: {  	v12 =	vmul.f32 v12, v10;
	[tilespmem:s19+$0x150] =	vst v57  }
0x334: {  	v3 =	vmul.f32 v11, v3;
	[tilespmem:s19+$0x160] =	vst v58  }
0x335: {  	v59 =	vmul.f32 v11, v5;
	[tilespmem:s19+$0x170] =	vst v12  }
0x336: {  	v60 =	vmul.f32 v11, v4;
	[tilespmem:s19+$0x180] =	vst v3  }
0x337: {  	s18 =	sadd.s32 $0x1, s18;
	v61 =	vmul.f32 v11, v6;
	[tilespmem:s19+$0x190] =	vst v59  }
0x338: {  	p0 =	sne.s32 s18, $0x4;
	v62 =	vmul.f32 v11, v9;
	[tilespmem:s19+$0x1A0] =	vst v60  }
.Ltmp12:
0x339: {  	v3 =	vmul.f32 v11, v7;
	[tilespmem:s19+$0x1C0] =	vst v61;
	(pc) =	sbr.rel @p0 .LBB2_25-.Ltmp12, $4  }
0x33a: {  	v63 =	vmul.f32 v11, v10;
	[tilespmem:s19+$0x1D0] =	vst v62  }
0x33b: {  	[tilespmem:s19+$0x1B0] =	vst v3;
	v3 =	vmul.f32 v11, v8  }
0x33c: {  	[tilespmem:s19+$0x1F0] =	vst v63  }
0x33d: {  	s17 =	sadd.s32 $0x400, s17;
	[tilespmem:s19+$0x1E0] =	vst v3  }
0x33e: {  	s0 =	sshll.u32 s12, $0x11  }
0x33f: {  	s0 =	sor.u32 s4, s0  }
0x340: {  	s6 =	simm.s32 $0xFE80;
	s1 =	sadd.s32 s2, s0  }
0x341: {  	[hbm4b:s1+s3] =	stream.linear.scatter [tilespmem:s6], [sflag:$0x2], $0x1000, $0x38;
	[tilespmem:$0x17E80] =	vst v63  }
0x342: {  	s23 =	simm.s32 $0x10E80;
	s20 =	sadd.s32 s0, s14  }
0x343: {  	[hbm4b:s20+s3] =	stream.linear.scatter [tilespmem:s23], [sflag:$0x2], $0x1000, $0x38;
	[tilespmem:$0x17E80] =	vst v63  }
0x344: {  	s25 =	simm.s32 $0x11E80;
	s24 =	sadd.s32 s0, s15  }
0x345: {  	[hbm4b:s24+s3] =	stream.linear.scatter [tilespmem:s25], [sflag:$0x2], $0x1000, $0x38;
	[tilespmem:$0x17E80] =	vst v63  }
0x346: {  	s13 =	simm.s32 $0x12E80;
	s12 =	sadd.s32 s0, s16  }
0x347: {  	[hbm4b:s12+s3] =	stream.linear.scatter [tilespmem:s13], [sflag:$0x2], $0x1000, $0x38;
	[tilespmem:$0x17E80] =	vst v63  }
0x348: {  	s18 =	simm.s32 $0x13E80;
	s5 =	sadd.s32 $0x1, s5;
	s17 =	sadd.s32 s0, s26  }
0x349: {  	[hbm4b:s17+s3] =	stream.linear.scatter [tilespmem:s18], [sflag:$0x2], $0x1000, $0x38;
	[tilespmem:$0x17E80] =	vst v63  }
0x34a: {  	p0 =	sne.s32 s5, $0x18;
	s19 =	sadd.s32 s0, s28;
	s20 =	simm.s32 $0x14E80  }
0x34b: {  	[hbm4b:s19+s3] =	stream.linear.scatter [tilespmem:s20], [sflag:$0x2], $0x1000, $0x38;
	[tilespmem:$0x17E80] =	vst v63  }
.Ltmp13:
0x34c: {  	_ = 	snop;
	(pc) =	sbr.rel @p0 .LBB2_20-.Ltmp13, $4  }
0x34d: {  	s23 =	sadd.s32 s0, s29;
	s24 =	simm.s32 $0x15E80  }
0x34e: {  	[hbm4b:s23+s3] =	stream.linear.scatter [tilespmem:s24], [sflag:$0x2], $0x1000, $0x38;
	[tilespmem:$0x17E80] =	vst v63  }
0x34f: {  	s0 =	sadd.s32 s0, s30;
	s25 =	simm.s32 $0x16E80  }
0x350: {  	[hbm4b:s0+s3] =	stream.linear.scatter [tilespmem:s25], [sflag:$0x2], $0x1000, $0x38;
	[tilespmem:$0x17E80] =	vst v63  }
0x351: {  	s6 =	simm.s32 $0x1  }
0x352: {  	_ =	swait.ge [sflag:s6], $0x8000  }
0x353: {  	s5 =	simm.s32 $0x0;
	[sflag:s6] =	ssyncset.done $0x0  }
0x354: {  	s12 =	simm.s32 $0x8080;
	s13 =	simm.s32 $0x0;
	[sflag:s6] =	ssyncadd.s32 $0xFFFF8000  }
.LBB2_30:
0x355: {  	s0 =	sshll.u32 s13, $0x7;
	s1 =	sand.u32 $0x30, s5  }
0x356: {  	s0 =	sand.u32 $0x3FFFFF80, s0;
	v9 =	vld [tilespmem:s1+$0xE00]  }
0x357: {  	v1 =	vld [tilespmem:s0+$0x0]  }
0x358: {  	v2 =	vld [tilespmem:s0+$0x10]  }
0x359: {  	v3 =	vld [tilespmem:s0+$0x20]  }
0x35a: {  	v4 =	vld [tilespmem:s0+$0x30]  }
0x35b: {  	v5 =	vld [tilespmem:s0+$0x40]  }
0x35c: {  	s17 =	sand.u32 $0x8, s5;
	v6 =	vld [tilespmem:s0+$0x50]  }
0x35d: {  	v7 =	vmov s17;
	v8 =	vld [tilespmem:s0+$0x60]  }
0x35e: {  	v11 =	vld [tilespmem:s0+$0x70];
	v10 =	vperm.xlane v9, v7  }
0x35f: {  	vm0 =	vgt.s32 v1, $0x30;
	vm10 =	vgt.s32 v2, $0x30;
	vm1 =	vgt.s32 v3, $0x30  }
0x360: {  	vm11 =	vgt.s32 v4, $0x30;
	vm12 =	vgt.s32 v5, $0x30;
	v1 =	vsel vm0, $0x3F800000, v0  }
0x361: {  	vm13 =	vgt.s32 v6, $0x30;
	v3 =	vsel vm10, $0x3F800000, v0;
	v7 =	vmul.f32 v10, v1  }
0x362: {  	vm14 =	vgt.s32 v8, $0x30;
	v2 =	vsel vm1, $0x3F800000, v0;
	v12 =	vmul.f32 v10, v3  }
0x363: {  	s1 =	sor.u32 $0x1, s17;
	vm15 =	vgt.s32 v11, $0x30;
	v5 =	vsel vm11, $0x3F800000, v0;
	v13 =	vmul.f32 v10, v2;
	[tilespmem:s12+$0xFFFFFE00] =	vst v7  }
0x364: {  	v11 =	vmov s1;
	v4 =	vsel vm12, $0x3F800000, v0;
	v8 =	vmul.f32 v10, v5;
	[tilespmem:s12+$0xFFFFFE10] =	vst v12  }
0x365: {  	v6 =	vsel vm14, $0x3F800000, v0;
	v11 =	vperm.xlane v9, v11;
	v24 =	vmul.f32 v10, v4;
	[tilespmem:s12+$0xFFFFFE20] =	vst v13  }
0x366: {  	v14 =	vmul.f32 v10, v6;
	[tilespmem:s12+$0xFFFFFE30] =	vst v8  }
0x367: {  	v26 =	vmul.f32 v11, v1;
	[tilespmem:s12+$0xFFFFFE40] =	vst v24  }
0x368: {  	v27 =	vmul.f32 v11, v3;
	[tilespmem:s12+$0xFFFFFE60] =	vst v14  }
0x369: {  	v28 =	vmul.f32 v11, v5;
	v7 =	vsel vm13, $0x3F800000, v0;
	v8 =	vsel vm15, $0x3F800000, v0;
	[tilespmem:s12+$0xFFFFFE80] =	vst v26  }
0x36a: {  	v25 =	vmul.f32 v10, v7;
	v10 =	vmul.f32 v10, v8;
	[tilespmem:s12+$0xFFFFFE90] =	vst v27  }
0x36b: {  	v29 =	vmul.f32 v11, v4;
	[tilespmem:s12+$0xFFFFFEB0] =	vst v28  }
0x36c: {  	[tilespmem:s12+$0xFFFFFE70] =	vst v10;
	v10 =	vmul.f32 v11, v2  }
0x36d: {  	s18 =	sor.u32 $0x2, s17;
	v31 =	vmul.f32 v11, v6;
	[tilespmem:s12+$0xFFFFFEC0] =	vst v29  }
0x36e: {  	[tilespmem:s12+$0xFFFFFEA0] =	vst v10;
	v10 =	vmov s18  }
0x36f: {  	v30 =	vmul.f32 v11, v7;
	[tilespmem:s12+$0xFFFFFEE0] =	vst v31;
	v10 =	vperm.xlane v9, v10  }
0x370: {  	[tilespmem:s12+$0xFFFFFE50] =	vst v25;
	v11 =	vmul.f32 v11, v8  }
0x371: {  	[tilespmem:s12+$0xFFFFFED0] =	vst v30;
	v32 =	vmul.f32 v10, v1  }
0x372: {  	[tilespmem:s12+$0xFFFFFEF0] =	vst v11;
	v33 =	vmul.f32 v10, v3  }
0x373: {  	v11 =	vmul.f32 v10, v2;
	[tilespmem:s12+$0xFFFFFF00] =	vst v32  }
0x374: {  	v34 =	vmul.f32 v10, v5;
	[tilespmem:s12+$0xFFFFFF10] =	vst v33  }
0x375: {  	s19 =	sor.u32 $0x3, s17;
	v35 =	vmul.f32 v10, v4;
	[tilespmem:s12+$0xFFFFFF20] =	vst v11  }
0x376: {  	v36 =	vmul.f32 v10, v7;
	v11 =	vmov s19;
	[tilespmem:s12+$0xFFFFFF30] =	vst v34  }
0x377: {  	v37 =	vmul.f32 v10, v6;
	[tilespmem:s12+$0xFFFFFF40] =	vst v35;
	v11 =	vperm.xlane v9, v11  }
0x378: {  	v10 =	vmul.f32 v10, v8;
	[tilespmem:s12+$0xFFFFFF50] =	vst v36  }
0x379: {  	[tilespmem:s12+$0xFFFFFF60] =	vst v37;
	v38 =	vmul.f32 v11, v1  }
0x37a: {  	[tilespmem:s12+$0xFFFFFF70] =	vst v10;
	v39 =	vmul.f32 v11, v3  }
0x37b: {  	v10 =	vmul.f32 v11, v2;
	[tilespmem:s12+$0xFFFFFF80] =	vst v38  }
0x37c: {  	v40 =	vmul.f32 v11, v5;
	[tilespmem:s12+$0xFFFFFF90] =	vst v39  }
0x37d: {  	s20 =	sor.u32 $0x4, s17;
	v41 =	vmul.f32 v11, v4;
	[tilespmem:s12+$0xFFFFFFA0] =	vst v10  }
0x37e: {  	v42 =	vmul.f32 v11, v7;
	v10 =	vmov s20;
	[tilespmem:s12+$0xFFFFFFB0] =	vst v40  }
0x37f: {  	v43 =	vmul.f32 v11, v6;
	[tilespmem:s12+$0xFFFFFFC0] =	vst v41;
	v10 =	vperm.xlane v9, v10  }
0x380: {  	v11 =	vmul.f32 v11, v8;
	[tilespmem:s12+$0xFFFFFFD0] =	vst v42  }
0x381: {  	[tilespmem:s12+$0xFFFFFFE0] =	vst v43;
	v44 =	vmul.f32 v10, v1  }
0x382: {  	[tilespmem:s12+$0xFFFFFFF0] =	vst v11;
	v45 =	vmul.f32 v10, v3  }
0x383: {  	v11 =	vmul.f32 v10, v2;
	[tilespmem:s12+$0x0] =	vst v44  }
0x384: {  	v46 =	vmul.f32 v10, v5;
	[tilespmem:s12+$0x10] =	vst v45  }
0x385: {  	s23 =	sor.u32 $0x5, s17;
	v47 =	vmul.f32 v10, v4;
	[tilespmem:s12+$0x20] =	vst v11  }
0x386: {  	v48 =	vmul.f32 v10, v7;
	v11 =	vmov s23;
	[tilespmem:s12+$0x30] =	vst v46  }
0x387: {  	v49 =	vmul.f32 v10, v6;
	[tilespmem:s12+$0x40] =	vst v47;
	v11 =	vperm.xlane v9, v11  }
0x388: {  	v10 =	vmul.f32 v10, v8;
	[tilespmem:s12+$0x50] =	vst v48  }
0x389: {  	[tilespmem:s12+$0x60] =	vst v49;
	v50 =	vmul.f32 v11, v1  }
0x38a: {  	[tilespmem:s12+$0x70] =	vst v10;
	v51 =	vmul.f32 v11, v3  }
0x38b: {  	v10 =	vmul.f32 v11, v2;
	[tilespmem:s12+$0x80] =	vst v50  }
0x38c: {  	v52 =	vmul.f32 v11, v5;
	[tilespmem:s12+$0x90] =	vst v51  }
0x38d: {  	s24 =	sor.u32 $0x6, s17;
	v53 =	vmul.f32 v11, v4;
	[tilespmem:s12+$0xA0] =	vst v10  }
0x38e: {  	v54 =	vmul.f32 v11, v7;
	v10 =	vmov s24;
	[tilespmem:s12+$0xB0] =	vst v52  }
0x38f: {  	v55 =	vmul.f32 v11, v6;
	[tilespmem:s12+$0xC0] =	vst v53;
	v10 =	vperm.xlane v9, v10  }
0x390: {  	v11 =	vmul.f32 v11, v8;
	[tilespmem:s12+$0xD0] =	vst v54  }
0x391: {  	[tilespmem:s12+$0xE0] =	vst v55;
	v56 =	vmul.f32 v10, v1  }
0x392: {  	[tilespmem:s12+$0xF0] =	vst v11;
	v57 =	vmul.f32 v10, v3  }
0x393: {  	v11 =	vmul.f32 v10, v2;
	[tilespmem:s12+$0x100] =	vst v56  }
0x394: {  	v58 =	vmul.f32 v10, v5;
	[tilespmem:s12+$0x110] =	vst v57  }
0x395: {  	s25 =	sor.u32 $0x7, s17;
	v59 =	vmul.f32 v10, v4;
	[tilespmem:s12+$0x120] =	vst v11  }
0x396: {  	v60 =	vmul.f32 v10, v7;
	v11 =	vmov s25;
	[tilespmem:s12+$0x130] =	vst v58  }
0x397: {  	[tilespmem:s12+$0x140] =	vst v59;
	v9 =	vperm.xlane v9, v11;
	v11 =	vmul.f32 v10, v6  }
0x398: {  	[tilespmem:s12+$0x150] =	vst v60;
	v10 =	vmul.f32 v10, v8  }
0x399: {  	v61 =	vmul.f32 v9, v1;
	[tilespmem:s12+$0x160] =	vst v11  }
0x39a: {  	v11 =	vmul.f32 v9, v3;
	[tilespmem:s12+$0x170] =	vst v10  }
0x39b: {  	v10 =	vmul.f32 v9, v2;
	[tilespmem:s12+$0x180] =	vst v61  }
0x39c: {  	v62 =	vmul.f32 v9, v5;
	[tilespmem:s12+$0x190] =	vst v11  }
0x39d: {  	v63 =	vmul.f32 v9, v6;
	[tilespmem:s12+$0x1A0] =	vst v10  }
0x39e: {  	v11 =	vmul.f32 v9, v4;
	[tilespmem:s12+$0x1B0] =	vst v62  }
0x39f: {  	v10 =	vmul.f32 v9, v7;
	[tilespmem:s12+$0x1E0] =	vst v63  }
0x3a0: {  	v9 =	vmul.f32 v9, v8;
	[tilespmem:s12+$0x1C0] =	vst v11  }
0x3a1: {  	s18 =	simm.s32 $0x8;
	[tilespmem:s12+$0x1D0] =	vst v10  }
0x3a2: {  	s17 =	smov.u32 s12;
	s0 =	sand.u32 $0x30, s18;
	s19 =	simm.s32 $0x10;
	[tilespmem:s12+$0x1F0] =	vst v9  }
.LBB2_31:
0x3a3: {  	p0 =	sne.s32 s19, $0x38;
	v9 =	vld [tilespmem:s0+$0xE00];
	_ =	sdelay $0x1  }
0x3a4: {  	s20 =	sand.u32 $0x8, s18;
	s18 =	smov.u32 s19  }
0x3a5: {  	s0 =	sor.u32 $0x1, s20;
	s1 =	sor.u32 $0x2, s20  }
0x3a6: {  	v10 =	vmov s20;
	v11 =	vmov s0;
	v12 =	vmov s1;
	s0 =	sor.u32 $0x3, s20  }
0x3a7: {  	v13 =	vmov s0;
	v10 =	vperm.xlane v9, v10;
	v11 =	vperm.xlane v9, v11  }
0x3a8: {  	v12 =	vperm.xlane v9, v12;
	v13 =	vperm.xlane v9, v13  }
0x3a9: {  	v14 =	vmul.f32 v10, v1;
	v15 =	vmul.f32 v10, v3  }
0x3aa: {  	s17 =	sadd.s32 $0x1000, s17;
	v16 =	vmul.f32 v10, v2;
	v17 =	vmul.f32 v10, v5  }
0x3ab: {  	v18 =	vmul.f32 v10, v7;
	[tilespmem:s17+$0xFFFFFE00] =	vst v14;
	v14 =	vmul.f32 v10, v4  }
0x3ac: {  	[tilespmem:s17+$0xFFFFFE10] =	vst v15;
	v15 =	vmul.f32 v10, v6;
	v10 =	vmul.f32 v10, v8  }
0x3ad: {  	v19 =	vmul.f32 v11, v3;
	[tilespmem:s17+$0xFFFFFE20] =	vst v16;
	v16 =	vmul.f32 v11, v1  }
0x3ae: {  	v20 =	vmul.f32 v11, v5;
	[tilespmem:s17+$0xFFFFFE30] =	vst v17;
	v17 =	vmul.f32 v11, v2  }
0x3af: {  	v21 =	vmul.f32 v11, v7;
	[tilespmem:s17+$0xFFFFFE40] =	vst v14;
	v14 =	vmul.f32 v11, v4  }
0x3b0: {  	[tilespmem:s17+$0xFFFFFE50] =	vst v18;
	v18 =	vmul.f32 v11, v6;
	v11 =	vmul.f32 v11, v8  }
0x3b1: {  	v22 =	vmul.f32 v12, v3;
	[tilespmem:s17+$0xFFFFFE60] =	vst v15;
	v15 =	vmul.f32 v12, v1  }
0x3b2: {  	v23 =	vmul.f32 v12, v5;
	[tilespmem:s17+$0xFFFFFE70] =	vst v10;
	v10 =	vmul.f32 v12, v2  }
0x3b3: {  	v24 =	vmul.f32 v12, v7;
	[tilespmem:s17+$0xFFFFFE80] =	vst v16;
	v16 =	vmul.f32 v12, v4  }
0x3b4: {  	[tilespmem:s17+$0xFFFFFE90] =	vst v19;
	v19 =	vmul.f32 v12, v6;
	v12 =	vmul.f32 v12, v8  }
0x3b5: {  	s0 =	sor.u32 $0x4, s20;
	v25 =	vmul.f32 v13, v3;
	[tilespmem:s17+$0xFFFFFEA0] =	vst v17;
	v17 =	vmul.f32 v13, v1  }
0x3b6: {  	v27 =	vmov s0;
	s0 =	sor.u32 $0x5, s20;
	v26 =	vmul.f32 v13, v5;
	[tilespmem:s17+$0xFFFFFEB0] =	vst v20;
	v20 =	vmul.f32 v13, v2  }
0x3b7: {  	v29 =	vmov s0;
	s0 =	sor.u32 $0x6, s20;
	v28 =	vmul.f32 v13, v7;
	[tilespmem:s17+$0xFFFFFEC0] =	vst v14;
	v14 =	vmul.f32 v13, v4  }
0x3b8: {  	v30 =	vmov s0;
	s0 =	sor.u32 $0x7, s20;
	[tilespmem:s17+$0xFFFFFED0] =	vst v21;
	v21 =	vmul.f32 v13, v6;
	v13 =	vmul.f32 v13, v8  }
0x3b9: {  	[tilespmem:s17+$0xFFFFFEE0] =	vst v18;
	v18 =	vperm.xlane v9, v27;
	v27 =	vperm.xlane v9, v29;
	v29 =	vmov s0  }
0x3ba: {  	[tilespmem:s17+$0xFFFFFEF0] =	vst v11;
	v11 =	vperm.xlane v9, v30;
	v9 =	vperm.xlane v9, v29  }
0x3bb: {  	[tilespmem:s17+$0xFFFFFF00] =	vst v15;
	v15 =	vmul.f32 v18, v1;
	v29 =	vmul.f32 v18, v3  }
0x3bc: {  	v30 =	vmul.f32 v18, v5;
	[tilespmem:s17+$0xFFFFFF10] =	vst v22;
	v22 =	vmul.f32 v18, v2  }
0x3bd: {  	v31 =	vmul.f32 v18, v7;
	[tilespmem:s17+$0xFFFFFF20] =	vst v10;
	v10 =	vmul.f32 v18, v4  }
0x3be: {  	[tilespmem:s17+$0xFFFFFF30] =	vst v23;
	v23 =	vmul.f32 v18, v6;
	v18 =	vmul.f32 v18, v8  }
0x3bf: {  	v32 =	vmul.f32 v27, v3;
	[tilespmem:s17+$0xFFFFFF40] =	vst v16;
	v16 =	vmul.f32 v27, v1  }
0x3c0: {  	v33 =	vmul.f32 v27, v5;
	[tilespmem:s17+$0xFFFFFF50] =	vst v24;
	v24 =	vmul.f32 v27, v2  }
0x3c1: {  	v34 =	vmul.f32 v27, v7;
	[tilespmem:s17+$0xFFFFFF60] =	vst v19;
	v19 =	vmul.f32 v27, v4  }
0x3c2: {  	[tilespmem:s17+$0xFFFFFF70] =	vst v12;
	v12 =	vmul.f32 v27, v6;
	v27 =	vmul.f32 v27, v8  }
0x3c3: {  	v35 =	vmul.f32 v11, v3;
	[tilespmem:s17+$0xFFFFFF80] =	vst v17;
	v17 =	vmul.f32 v11, v1  }
0x3c4: {  	v36 =	vmul.f32 v11, v5;
	[tilespmem:s17+$0xFFFFFF90] =	vst v25;
	v25 =	vmul.f32 v11, v2  }
0x3c5: {  	v37 =	vmul.f32 v11, v7;
	[tilespmem:s17+$0xFFFFFFA0] =	vst v20;
	v20 =	vmul.f32 v11, v4  }
0x3c6: {  	[tilespmem:s17+$0xFFFFFFB0] =	vst v26;
	v26 =	vmul.f32 v11, v6;
	v11 =	vmul.f32 v11, v8  }
0x3c7: {  	v38 =	vmul.f32 v9, v3;
	[tilespmem:s17+$0xFFFFFFC0] =	vst v14;
	v14 =	vmul.f32 v9, v1  }
0x3c8: {  	v39 =	vmul.f32 v9, v5;
	[tilespmem:s17+$0xFFFFFFD0] =	vst v28;
	v28 =	vmul.f32 v9, v2  }
0x3c9: {  	v40 =	vmul.f32 v9, v7;
	[tilespmem:s17+$0xFFFFFFE0] =	vst v21;
	v21 =	vmul.f32 v9, v4  }
0x3ca: {  	[tilespmem:s17+$0xFFFFFFF0] =	vst v13;
	v13 =	vmul.f32 v9, v6;
	v9 =	vmul.f32 v9, v8  }
0x3cb: {  	[tilespmem:s17+$0x0] =	vst v15  }
0x3cc: {  	[tilespmem:s17+$0x10] =	vst v29  }
0x3cd: {  	[tilespmem:s17+$0x20] =	vst v22  }
0x3ce: {  	[tilespmem:s17+$0x30] =	vst v30  }
0x3cf: {  	[tilespmem:s17+$0x40] =	vst v10  }
0x3d0: {  	[tilespmem:s17+$0x50] =	vst v31  }
0x3d1: {  	[tilespmem:s17+$0x60] =	vst v23  }
0x3d2: {  	[tilespmem:s17+$0x70] =	vst v18  }
0x3d3: {  	[tilespmem:s17+$0x80] =	vst v16  }
0x3d4: {  	[tilespmem:s17+$0x90] =	vst v32  }
0x3d5: {  	[tilespmem:s17+$0xA0] =	vst v24  }
0x3d6: {  	[tilespmem:s17+$0xB0] =	vst v33  }
0x3d7: {  	[tilespmem:s17+$0xC0] =	vst v19  }
0x3d8: {  	[tilespmem:s17+$0xD0] =	vst v34  }
0x3d9: {  	[tilespmem:s17+$0xE0] =	vst v12  }
0x3da: {  	[tilespmem:s17+$0xF0] =	vst v27  }
0x3db: {  	[tilespmem:s17+$0x100] =	vst v17  }
0x3dc: {  	[tilespmem:s17+$0x110] =	vst v35  }
0x3dd: {  	[tilespmem:s17+$0x120] =	vst v25  }
0x3de: {  	[tilespmem:s17+$0x130] =	vst v36  }
0x3df: {  	[tilespmem:s17+$0x140] =	vst v20  }
0x3e0: {  	[tilespmem:s17+$0x150] =	vst v37  }
0x3e1: {  	[tilespmem:s17+$0x160] =	vst v26  }
0x3e2: {  	[tilespmem:s17+$0x170] =	vst v11  }
0x3e3: {  	[tilespmem:s17+$0x180] =	vst v14  }
0x3e4: {  	[tilespmem:s17+$0x190] =	vst v38  }
0x3e5: {  	[tilespmem:s17+$0x1A0] =	vst v28  }
.Ltmp14:
0x3e6: {  	[tilespmem:s17+$0x1B0] =	vst v39;
	(pc) =	sbr.rel @p0 .LBB2_31-.Ltmp14, $4  }
0x3e7: {  	[tilespmem:s17+$0x1C0] =	vst v21  }
0x3e8: {  	[tilespmem:s17+$0x1D0] =	vst v40  }
0x3e9: {  	[tilespmem:s17+$0x1E0] =	vst v13  }
0x3ea: {  	s19 =	sadd.s32 $0x8, s19;
	s0 =	sand.u32 $0x30, s18;
	[tilespmem:s17+$0x1F0] =	vst v9  }
0x3eb: {  	v9 =	vld [tilespmem:s0+$0xE00];
	_ =	sdelay $0x2  }
0x3ec: {  	s18 =	sand.u32 $0x8, s18  }
0x3ed: {  	v10 =	vmov s18  }
0x3ee: {  	v10 =	vperm.xlane v9, v10;
	_ =	sdelay $0x1  }
0x3ef: {  	v11 =	vmul.f32 v10, v1  }
0x3f0: {  	s17 =	sadd.s32 $0x1000, s17;
	v12 =	vmul.f32 v10, v3  }
0x3f1: {  	v13 =	vmul.f32 v10, v2;
	[tilespmem:s17+$0xFFFFFE00] =	vst v11  }
0x3f2: {  	v59 =	vmul.f32 v10, v5;
	[tilespmem:s17+$0xFFFFFE10] =	vst v12  }
0x3f3: {  	s25 =	sor.u32 $0x1, s18;
	v60 =	vmul.f32 v10, v4;
	[tilespmem:s17+$0xFFFFFE20] =	vst v13  }
0x3f4: {  	v61 =	vmov s25;
	v14 =	vmul.f32 v10, v7;
	[tilespmem:s17+$0xFFFFFE30] =	vst v59  }
0x3f5: {  	v62 =	vperm.xlane v9, v61;
	v63 =	vmul.f32 v10, v6;
	[tilespmem:s17+$0xFFFFFE40] =	vst v60  }
0x3f6: {  	v10 =	vmul.f32 v10, v8;
	[tilespmem:s17+$0xFFFFFE50] =	vst v14  }
0x3f7: {  	v16 =	vmul.f32 v62, v1;
	[tilespmem:s17+$0xFFFFFE60] =	vst v63  }
0x3f8: {  	v17 =	vmul.f32 v62, v3;
	[tilespmem:s17+$0xFFFFFE70] =	vst v10  }
0x3f9: {  	v18 =	vmul.f32 v62, v2;
	[tilespmem:s17+$0xFFFFFE80] =	vst v16  }
0x3fa: {  	v19 =	vmul.f32 v62, v5;
	[tilespmem:s17+$0xFFFFFE90] =	vst v17  }
0x3fb: {  	s1 =	sor.u32 $0x2, s18;
	v20 =	vmul.f32 v62, v4;
	[tilespmem:s17+$0xFFFFFEA0] =	vst v18  }
0x3fc: {  	v21 =	vmov s1;
	v22 =	vmul.f32 v62, v7;
	[tilespmem:s17+$0xFFFFFEB0] =	vst v19  }
0x3fd: {  	v23 =	vmul.f32 v62, v6;
	v10 =	vperm.xlane v9, v21;
	[tilespmem:s17+$0xFFFFFEC0] =	vst v20  }
0x3fe: {  	v11 =	vmul.f32 v62, v8;
	[tilespmem:s17+$0xFFFFFED0] =	vst v22  }
0x3ff: {  	[tilespmem:s17+$0xFFFFFEE0] =	vst v23;
	v24 =	vmul.f32 v10, v1  }
0x400: {  	v25 =	vmul.f32 v10, v3;
	[tilespmem:s17+$0xFFFFFEF0] =	vst v11  }
0x401: {  	v26 =	vmul.f32 v10, v2;
	[tilespmem:s17+$0xFFFFFF00] =	vst v24  }
0x402: {  	v27 =	vmul.f32 v10, v5;
	[tilespmem:s17+$0xFFFFFF10] =	vst v25  }
0x403: {  	s19 =	sor.u32 $0x3, s18;
	v28 =	vmul.f32 v10, v4;
	[tilespmem:s17+$0xFFFFFF20] =	vst v26  }
0x404: {  	v29 =	vmov s19;
	v30 =	vmul.f32 v10, v7;
	[tilespmem:s17+$0xFFFFFF30] =	vst v27  }
0x405: {  	v11 =	vperm.xlane v9, v29;
	v31 =	vmul.f32 v10, v6;
	[tilespmem:s17+$0xFFFFFF40] =	vst v28  }
0x406: {  	v10 =	vmul.f32 v10, v8;
	[tilespmem:s17+$0xFFFFFF50] =	vst v30  }
0x407: {  	v32 =	vmul.f32 v11, v1;
	[tilespmem:s17+$0xFFFFFF60] =	vst v31  }
0x408: {  	v33 =	vmul.f32 v11, v3;
	[tilespmem:s17+$0xFFFFFF70] =	vst v10  }
0x409: {  	v34 =	vmul.f32 v11, v2;
	[tilespmem:s17+$0xFFFFFF80] =	vst v32  }
0x40a: {  	v35 =	vmul.f32 v11, v5;
	[tilespmem:s17+$0xFFFFFF90] =	vst v33  }
0x40b: {  	s20 =	sor.u32 $0x4, s18;
	v36 =	vmul.f32 v11, v4;
	[tilespmem:s17+$0xFFFFFFA0] =	vst v34  }
0x40c: {  	v37 =	vmov s20;
	v38 =	vmul.f32 v11, v7;
	[tilespmem:s17+$0xFFFFFFB0] =	vst v35  }
0x40d: {  	v39 =	vmul.f32 v11, v6;
	v10 =	vperm.xlane v9, v37;
	[tilespmem:s17+$0xFFFFFFC0] =	vst v36  }
0x40e: {  	v11 =	vmul.f32 v11, v8;
	[tilespmem:s17+$0xFFFFFFD0] =	vst v38  }
0x40f: {  	v40 =	vmul.f32 v10, v1;
	[tilespmem:s17+$0xFFFFFFE0] =	vst v39  }
0x410: {  	v41 =	vmul.f32 v10, v3;
	[tilespmem:s17+$0xFFFFFFF0] =	vst v11  }
0x411: {  	v42 =	vmul.f32 v10, v2;
	[tilespmem:s17+$0x0] =	vst v40  }
0x412: {  	v43 =	vmul.f32 v10, v5;
	[tilespmem:s17+$0x10] =	vst v41  }
0x413: {  	s23 =	sor.u32 $0x5, s18;
	v44 =	vmul.f32 v10, v4;
	[tilespmem:s17+$0x20] =	vst v42  }
0x414: {  	v45 =	vmov s23;
	v46 =	vmul.f32 v10, v7;
	[tilespmem:s17+$0x30] =	vst v43  }
0x415: {  	v11 =	vperm.xlane v9, v45;
	v47 =	vmul.f32 v10, v6;
	[tilespmem:s17+$0x40] =	vst v44  }
0x416: {  	v10 =	vmul.f32 v10, v8;
	[tilespmem:s17+$0x50] =	vst v46  }
0x417: {  	v48 =	vmul.f32 v11, v1;
	[tilespmem:s17+$0x60] =	vst v47  }
0x418: {  	v49 =	vmul.f32 v11, v3;
	[tilespmem:s17+$0x70] =	vst v10  }
0x419: {  	v50 =	vmul.f32 v11, v2;
	[tilespmem:s17+$0x80] =	vst v48  }
0x41a: {  	v51 =	vmul.f32 v11, v5;
	[tilespmem:s17+$0x90] =	vst v49  }
0x41b: {  	s24 =	sor.u32 $0x6, s18;
	v52 =	vmul.f32 v11, v4;
	[tilespmem:s17+$0xA0] =	vst v50  }
0x41c: {  	v53 =	vmov s24;
	v54 =	vmul.f32 v11, v7;
	[tilespmem:s17+$0xB0] =	vst v51  }
0x41d: {  	v10 =	vperm.xlane v9, v53;
	v55 =	vmul.f32 v11, v6;
	[tilespmem:s17+$0xC0] =	vst v52  }
0x41e: {  	v11 =	vmul.f32 v11, v8;
	[tilespmem:s17+$0xD0] =	vst v54  }
0x41f: {  	v56 =	vmul.f32 v10, v1;
	[tilespmem:s17+$0xE0] =	vst v55  }
0x420: {  	v57 =	vmul.f32 v10, v3;
	[tilespmem:s17+$0xF0] =	vst v11  }
0x421: {  	v58 =	vmul.f32 v10, v2;
	[tilespmem:s17+$0x100] =	vst v56  }
0x422: {  	v59 =	vmul.f32 v10, v5;
	[tilespmem:s17+$0x110] =	vst v57  }
0x423: {  	s25 =	sor.u32 $0x7, s18;
	v60 =	vmul.f32 v10, v4;
	[tilespmem:s17+$0x120] =	vst v58  }
0x424: {  	v61 =	vmov s25;
	v62 =	vmul.f32 v10, v7;
	[tilespmem:s17+$0x130] =	vst v59  }
0x425: {  	v9 =	vperm.xlane v9, v61;
	v63 =	vmul.f32 v10, v6;
	[tilespmem:s17+$0x140] =	vst v60  }
0x426: {  	v10 =	vmul.f32 v10, v8;
	[tilespmem:s17+$0x150] =	vst v62  }
0x427: {  	v1 =	vmul.f32 v9, v1;
	[tilespmem:s17+$0x160] =	vst v63  }
0x428: {  	v3 =	vmul.f32 v9, v3;
	[tilespmem:s17+$0x170] =	vst v10  }
0x429: {  	v2 =	vmul.f32 v9, v2;
	[tilespmem:s17+$0x180] =	vst v1  }
0x42a: {  	s13 =	sadd.s32 $0x1, s13;
	v1 =	vmul.f32 v9, v5;
	[tilespmem:s17+$0x190] =	vst v3  }
0x42b: {  	p0 =	sne.s32 s13, $0x4;
	v3 =	vmul.f32 v9, v4;
	[tilespmem:s17+$0x1A0] =	vst v2  }
.Ltmp15:
0x42c: {  	v2 =	vmul.f32 v9, v7;
	[tilespmem:s17+$0x1B0] =	vst v1;
	(pc) =	sbr.rel @p0 .LBB2_30-.Ltmp15, $4  }
0x42d: {  	v1 =	vmul.f32 v9, v6;
	[tilespmem:s17+$0x1C0] =	vst v3  }
0x42e: {  	v3 =	vmul.f32 v9, v8;
	[tilespmem:s17+$0x1D0] =	vst v2  }
0x42f: {  	[tilespmem:s17+$0x1E0] =	vst v1  }
0x430: {  	s12 =	sadd.s32 $0x400, s12;
	[tilespmem:s17+$0x1F0] =	vst v3  }
0x431: {  	s0 =	rddreg [dreg:$0xe]  }
0x432: {  	[hbm4b:s0+s3] =	stream.linear.scatter [tilespmem:s7], [sflag:$0x1], $0x1000, $0x38;
	[tilespmem:$0x17E80] =	vst v63  }
0x433: {  	s18 =	rddreg [dreg:$0xf]  }
0x434: {  	[hbm4b:s18+s3] =	stream.linear.scatter [tilespmem:s21], [sflag:$0x1], $0x1000, $0x38;
	[tilespmem:$0x17E80] =	vst v63  }
0x435: {  	s19 =	rddreg [dreg:$0x10]  }
0x436: {  	[hbm4b:s19+s3] =	stream.linear.scatter [tilespmem:s22], [sflag:$0x1], $0x1000, $0x38;
	[tilespmem:$0x17E80] =	vst v63  }
0x437: {  	s20 =	rddreg [dreg:$0x11]  }
0x438: {  	[hbm4b:s20+s3] =	stream.linear.scatter [tilespmem:s31], [sflag:$0x1], $0x1000, $0x38;
	[tilespmem:$0x17E80] =	vst v63  }
0x439: {  	s21 =	rddreg [dreg:$0x12]  }
0x43a: {  	[hbm4b:s21+s3] =	stream.linear.scatter [tilespmem:s8], [sflag:$0x1], $0x1000, $0x38;
	[tilespmem:$0x17E80] =	vst v63  }
0x43b: {  	s22 =	rddreg [dreg:$0x13]  }
0x43c: {  	[hbm4b:s22+s3] =	stream.linear.scatter [tilespmem:s9], [sflag:$0x1], $0x1000, $0x38;
	[tilespmem:$0x17E80] =	vst v63  }
0x43d: {  	s23 =	rddreg [dreg:$0x14]  }
0x43e: {  	[hbm4b:s23+s3] =	stream.linear.scatter [tilespmem:s10], [sflag:$0x1], $0x1000, $0x38;
	[tilespmem:$0x17E80] =	vst v63  }
0x43f: {  	s24 =	rddreg [dreg:$0x15]  }
0x440: {  	[hbm4b:s24+s3] =	stream.linear.scatter [tilespmem:s11], [sflag:$0x1], $0x1000, $0x38;
	[tilespmem:$0x17E80] =	vst v63  }
0x441: {  	_ =	swait.ge [sflag:s6], $0x8000  }
0x442: {  	[sflag:s6] =	ssyncset.done $0x0  }
0x443: {  	s25 =	simm.s32 $0x2;
	[sflag:s6] =	ssyncadd.s32 $0xFFFF8000  }
0x444: {  	_ =	swait.ge [sflag:s25], $0x8000  }
0x445: {  	[sflag:s25] =	ssyncset.done $0x0  }
0x446: {  	s1 =	simm.s32 $0x3;
	[sflag:s25] =	ssyncadd.s32 $0xFFFF8000  }
0x447: {  	_ =	swait.ge [sflag:s1], $0x7000  }
0x448: {  	s5 =	rddreg [dreg:$0x17]  }
0x449: {  	s31 =	rddreg [dreg:$0x16];
	s5 =	sadd.s32 $0x1, s5  }
0x44a: {  	p0 =	sne.s32 s5, s31  }
.Ltmp16:
0x44b: {  	_ = 	snop;
	(pc) =	sbr.rel @p0 .LBB2_1-.Ltmp16, $3  }
0x44c: {  	_ =	sdelay $0x1  }
0x44d: {  	[sflag:s1] =	ssyncset.done $0x0  }
0x44e: {  	[sflag:s1] =	ssyncadd.s32 $0xFFFF9000  }
0x44f: {  	_ =	sfence.sel $0x180000  }
0x450: {  	[bflag:$0x0] =	sbarrier.arrive $0xFFFF  }
0x451: {  	_ =	strace $0x90000047  }
0x452: {  	s0 =	stileid.u32;
	[bflag:$0x2] =	sbarrier.arrive $0xFFFF  }
0x453: {  	p0 =	sne.s32 s0, $0x0;
	s0 =	rddreg [dreg:$0x4]  }
0x454: {  	s0 =	sadd.s32 @!p0 $0x100000, s0  }
0x455: {  	[sflag:s0] =	ssyncadd.tile.s32 @!p0 $0x1;
	_ =	shalt  }
.Lfunc_end2:
_tile_overlayer_lowered:
.L_overlay_start_2:
0x456: {  	(tag) =	ssettag $0x2  }
0x457: {  	s0 =	rddreg [dreg:$0x0];
	s2 =	stileid.u32  }
0x458: {  	s1 =	rddreg [dreg:$0x1];
	p0 =	sne.s32 s2, $0x0  }
0x459: {  	s3 =	rddreg [dreg:$0x2];
	[bflag:$0x3] =	sbarrier.arrive $0xFFFF;
	s2 =	simm.s32 @!p0 $0x1C04  }
0x45a: {  	[timem:s3], [sflag:s2] =	dma.local @!p0 [hbm:s0], s1  }
0x45b: {  	s0 =	simm.s32 @!p0 $0x4  }
0x45c: {  	_ =	swait.ge @!p0 [sflag:s0], s1  }
0x45d: {  	s1 =	ssub.s32 @!p0 $0x0, s1;
	[sflag:s0] =	ssyncset.done @!p0 $0x0  }
0x45e: {  	[sflag:s0] =	ssyncadd.s32 @!p0 s1  }
0x45f: {  	[bflag:$0x3] =	sbarrier.arrive $0xFFFF  }
0x460: {  	_ =	shalt  }

</sc_bundles>
